<compile_context>
chip_gen: v7x
topology: tpu7x:2x2x1
jax: 0.10.2.dev20260603
libtpu: 0.0.44.dev20260713+nightly
codegen_flags: <defaults>
</compile_context>

<pallas_src>
import functools

import jax
import jax.numpy as jnp
from jax import lax
from jax.experimental import pallas as pl
from jax.experimental.pallas import tpu as pltpu
from jax.experimental.pallas import tpu_sc as plsc

NJ = 50
NI = 16384
DIM = 64
NC, NS = 2, 16
NW = NC * NS
LANES = 128
NGROUPS = NJ * (NI // LANES)
GPW = NGROUPS // NW

_mesh = plsc.VectorSubcoreMesh(core_axis_name="c", subcore_axis_name="s")


@functools.partial(
    pl.kernel,
    out_type=jax.ShapeDtypeStruct((NJ, DIM, NI), jnp.float32),
    mesh=_mesh,
    scratch_types=[
        pltpu.VMEM((2, LANES), jnp.int32),
        pltpu.VMEM((2, LANES, LANES), jnp.float32),
        pltpu.VMEM((2, LANES), jnp.int32),
        pltpu.VMEM((2, DIM, LANES), jnp.float32),
        pltpu.VMEM((2, LANES), jnp.int32),
        pltpu.SemaphoreType.DMA,
        pltpu.SemaphoreType.DMA,
        pltpu.SemaphoreType.DMA,
    ],
    compiler_params=pltpu.CompilerParams(
        use_tc_tiling_on_sc=True, needs_layout_passes=False),
)
def _emb_lookup(ids_hbm, table_hbm, out_hbm, idsv, gbuf, gidx, otile, cbase,
                gsem, osem, isem):
    wid = lax.axis_index("s") * NC + lax.axis_index("c")
    g0 = wid * GPW
    iota = lax.iota(jnp.int32, 16)

    def fire_ids(item, b):
        j = item // (NI // LANES)
        c = item % (NI // LANES)
        pltpu.async_copy(
            ids_hbm.at[j, pl.ds(c * LANES, LANES)], idsv.at[b], isem)

    def wait_ids(b):
        pltpu.make_async_copy(
            ids_hbm.at[0, pl.ds(0, LANES)], idsv.at[b], isem).wait()

    def fire_gather(b):
        for k in range(8):
            v = idsv.at[b][pl.ds(16 * k, 16)]
            gidx.at[b][pl.ds(16 * k, 16)] = lax.shift_right_logical(v, 1)
            cbase.at[b][pl.ds(16 * k, 16)] = lax.shift_left(
                lax.bitwise_and(v, 1), 6)
        pltpu.async_copy(table_hbm.at[gidx.at[b]], gbuf.at[b], gsem)

    def wait_gather(b):
        pltpu.make_async_copy(
            table_hbm.at[pl.ds(0, LANES)], gbuf.at[b], gsem).wait()

    def drain_stores(b):
        for r in range(8):
            pltpu.make_async_copy(
                otile.at[b].at[pl.ds(r * 8, 8)],
                out_hbm.at[0, pl.ds(0, 8), pl.ds(0, LANES)],
                osem).wait()

    def transpose_and_store(item, b, g):
        j = item // (NI // LANES)
        c = item % (NI // LANES)
        G = gbuf.at[b]
        cb = [cbase.at[b][pl.ds(16 * lb, 16)] for lb in range(8)]
        li = [iota + (16 * lb) for lb in range(8)]

        @pl.when(g > 0)
        def _():
            drain_stores(b)
        ot = otile.at[b]

        @plsc.parallel_loop(0, DIM, unroll=8)
        def _d(d):
            for lb in range(8):
                val = plsc.load_gather(G, [li[lb], cb[lb] + d])
                ot[d, pl.ds(16 * lb, 16)] = val

        for r in range(8):
            pltpu.async_copy(
                ot.at[pl.ds(r * 8, 8)],
                out_hbm.at[j, pl.ds(r * 8, 8), pl.ds(c * LANES, LANES)],
                osem)

    fire_ids(g0, 0)
    wait_ids(0)
    fire_gather(0)
    fire_ids(g0 + 1, 1)

    @pl.loop(0, GPW, step=2)
    def _g(g):
        item = g0 + g
        wait_gather(0)
        wait_ids(1)
        fire_gather(1)

        @pl.when(g + 2 < GPW)
        def _():
            fire_ids(item + 2, 0)
        transpose_and_store(item, 0, g)
        wait_gather(1)

        @pl.when(g + 2 < GPW)
        def _():
            wait_ids(0)
            fire_gather(0)

        @pl.when(g + 3 < GPW)
        def _():
            fire_ids(item + 3, 1)
        transpose_and_store(item + 1, 1, g)

    drain_stores(0)
    drain_stores(1)


def kernel(token_ids, W):
    ids_t = token_ids.T.astype(jnp.int32)
    table = W.reshape(500000, 128)
    out = _emb_lookup(ids_t, table)
    return out.transpose(2, 0, 1)

# --- scband reference (transcript-rebuilt; emitter-appended) ---
"""Pipeline reference for scband-embedding-1305670058524 (READ-ONLY COPY).

The authoritative reference and input builder live on the scoring server;
editing this copy changes nothing except your own understanding.
"""

import jax, jax.numpy as jnp
import numpy as np

NUM_EMBEDDINGS = 1000000
EMBEDDING_DIM = 64

def setup_inputs(seed: int = 0) -> dict:
    key = jax.random.key(seed)
    k_idx, k_w = jax.random.split(key)
    token_ids = jax.random.randint(k_idx, (16384, 50), 0, NUM_EMBEDDINGS, dtype=jnp.int64 if jax.config.jax_enable_x64 else jnp.int32)
    # trunc_normal_(mean=0, std=1, a=-3, b=3)
    W = jax.random.truncated_normal(k_w, -3.0, 3.0, (NUM_EMBEDDINGS, EMBEDDING_DIM), dtype=jnp.float32)
    return {"token_ids": token_ids, "W": W}

def reference(token_ids, W):
    # Embedding lookup: W[token_ids]
    return jnp.take(W, token_ids, axis=0)

if __name__ == "__main__":
    import jax
    _d = setup_inputs()
    print(jax.jit(kernel)(*tuple(_d.values())))

</pallas_src>

<mosaic_0001>
#map = affine_map<(d0, d1) -> (0, 0)>
#map1 = affine_map<(d0, d1) -> (0, 0, 0)>
module attributes {stable_mosaic.version = 14 : i64} {
  func.func @_emb_lookup(%arg0: i32, %arg1: i32, %arg2: memref<50x16384xi32, #tpu.memory_space<hbm>>, %arg3: memref<500000x128xf32, #tpu.memory_space<hbm>>, %arg4: memref<50x64x16384xf32, #tpu.memory_space<hbm>>, %arg5: memref<2x128xi32, #tpu.memory_space<vmem>>, %arg6: memref<2x128x128xf32, #tpu.memory_space<vmem>>, %arg7: memref<2x128xi32, #tpu.memory_space<vmem>>, %arg8: memref<2x64x128xf32, #tpu.memory_space<vmem>>, %arg9: memref<2x128xi32, #tpu.memory_space<vmem>>, %arg10: memref<!tpu.dma_semaphore, #tpu.memory_space<semaphore_mem>>, %arg11: memref<!tpu.dma_semaphore, #tpu.memory_space<semaphore_mem>>, %arg12: memref<!tpu.dma_semaphore, #tpu.memory_space<semaphore_mem>>) attributes {dimension_semantics = [#tpu.dimension_semantics<core_parallel>, #tpu.dimension_semantics<subcore_parallel>], iteration_bounds = array<i64: 2, 16>, scalar_prefetch = 0 : i64, scratch_operands = 8 : i64, tpu.core_type = #tpu.core_type<sc_vector_subcore>, window_params = [{transform_indices = #map}, {transform_indices = #map}, {transform_indices = #map1}]} {
    %mul3A = arith.constant 2 : i32
    %mul3A_0 = arith.muli %arg1, %mul3A : i32
    %add3A = arith.addi %mul3A_0, %arg0 : i32
    %mul3A_1 = arith.constant 200 : i32
    %mul3A_2 = arith.muli %add3A, %mul3A_1 : i32
    %iota3A = tpu.iota {dimensions = array<i32: 0>} : vector<16xi32>
    %jit3A = arith.constant 128 : i32
    %div3A = arith.divsi %mul3A_2, %jit3A : i32
    %sign3A = arith.constant 0 : i32
    %sign3A_3 = arith.cmpi sgt, %mul3A_2, %sign3A : i32
    %sign3A_4 = arith.extui %sign3A_3 : i1 to i32
    %sign3A_5 = arith.constant 0 : i32
    %sign3A_6 = arith.cmpi slt, %mul3A_2, %sign3A_5 : i32
    %sign3A_7 = arith.extui %sign3A_6 : i1 to i32
    %sign3A_8 = arith.subi %sign3A_4, %sign3A_7 : i32
    %sign3A_9 = arith.constant 0 : i32
    %sign3A_10 = arith.cmpi sgt, %jit3A, %sign3A_9 : i32
    %sign3A_11 = arith.extui %sign3A_10 : i1 to i32
    %sign3A_12 = arith.constant 0 : i32
    %sign3A_13 = arith.cmpi slt, %jit3A, %sign3A_12 : i32
    %sign3A_14 = arith.extui %sign3A_13 : i1 to i32
    %sign3A_15 = arith.subi %sign3A_11, %sign3A_14 : i32
    %ne3A = arith.cmpi ne, %sign3A_8, %sign3A_15 : i32
    %rem3A = arith.remsi %mul3A_2, %jit3A : i32
    %ne3A_16 = arith.constant 0 : i32
    %ne3A_17 = arith.cmpi ne, %rem3A, %ne3A_16 : i32
    %and3A = arith.andi %ne3A, %ne3A_17 : i1
    %sub3A = arith.constant 1 : i32
    %sub3A_18 = arith.subi %div3A, %sub3A : i32
    %select_n3A = arith.select %and3A, %sub3A_18, %div3A : i32
    %jit3A_19 = arith.constant 128 : i32
    %eq3A = arith.constant 0 : i32
    %eq3A_20 = arith.cmpi eq, %jit3A_19, %eq3A : i32
    %jit3A_21 = arith.constant 1 : i32
    %select_n3A_22 = arith.select %eq3A_20, %jit3A_21, %jit3A_19 : i32
    %rem3A_23 = arith.remsi %mul3A_2, %select_n3A_22 : i32
    %ne3A_24 = arith.constant 0 : i32
    %ne3A_25 = arith.cmpi ne, %rem3A_23, %ne3A_24 : i32
    %lt3A = arith.constant 0 : i32
    %lt3A_26 = arith.cmpi slt, %rem3A_23, %lt3A : i32
    %lt3A_27 = arith.constant 0 : i32
    %lt3A_28 = arith.cmpi slt, %select_n3A_22, %lt3A_27 : i32
    %ne3A_29 = arith.xori %lt3A_26, %lt3A_28 : i1
    %and3A_30 = arith.andi %ne3A_29, %ne3A_25 : i1
    %add3A_31 = arith.addi %rem3A_23, %select_n3A_22 : i32
    %select_n3A_32 = arith.select %and3A_30, %add3A_31, %rem3A_23 : i32
    %mul3A_33 = arith.constant 128 : i32
    %mul3A_34 = arith.muli %select_n3A_32, %mul3A_33 : i32
    %dma_start3A = arith.constant 0 : i32
    %dma_start3A_35 = arith.constant 0 : i32
    %dma_start3A_36 = tpu.memref_slice %arg5[%dma_start3A, %dma_start3A_35] : memref<2x128xi32, #tpu.memory_space<vmem>> -> memref<1x128xi32, #tpu.memory_space<vmem>>
    %dma_start3A_37 = tpu.memref_squeeze %dma_start3A_36 : memref<1x128xi32, #tpu.memory_space<vmem>> -> memref<128xi32, #tpu.memory_space<vmem>>
    %dma_start3A_38 = tpu.memref_slice %arg2[%select_n3A, %mul3A_34] : memref<50x16384xi32, #tpu.memory_space<hbm>> -> memref<1x128xi32, #tpu.memory_space<hbm>>
    %dma_start3A_39 = tpu.memref_squeeze %dma_start3A_38 : memref<1x128xi32, #tpu.memory_space<hbm>> -> memref<128xi32, #tpu.memory_space<hbm>>
    %dma_start3A_40 = arith.constant 0 : i32
    %dma_start3A_41 = tpu.memref_slice %arg5[%dma_start3A, %dma_start3A_40] : memref<2x128xi32, #tpu.memory_space<vmem>> -> memref<1x128xi32, #tpu.memory_space<vmem>>
    %dma_start3A_42 = tpu.memref_squeeze %dma_start3A_41 : memref<1x128xi32, #tpu.memory_space<vmem>> -> memref<128xi32, #tpu.memory_space<vmem>>
    %dma_start3A_43 = tpu.memref_slice %arg2[%select_n3A, %mul3A_34] : memref<50x16384xi32, #tpu.memory_space<hbm>> -> memref<1x128xi32, #tpu.memory_space<hbm>>
    %dma_start3A_44 = tpu.memref_squeeze %dma_start3A_43 : memref<1x128xi32, #tpu.memory_space<hbm>> -> memref<128xi32, #tpu.memory_space<hbm>>
    tpu.enqueue_dma source(%dma_start3A_44 : memref<128xi32, #tpu.memory_space<hbm>>) target(%dma_start3A_42 : memref<128xi32, #tpu.memory_space<vmem>>) target_semaphore(%arg12 : memref<!tpu.dma_semaphore, #tpu.memory_space<semaphore_mem>>)
    %dma_wait3A = arith.constant 0 : i32
    %dma_wait3A_45 = arith.constant 0 : i32
    %dma_wait3A_46 = arith.constant 0 : i32
    %dma_wait3A_47 = tpu.memref_slice %arg5[%dma_wait3A_45, %dma_wait3A_46] : memref<2x128xi32, #tpu.memory_space<vmem>> -> memref<1x128xi32, #tpu.memory_space<vmem>>
    %dma_wait3A_48 = tpu.memref_squeeze %dma_wait3A_47 : memref<1x128xi32, #tpu.memory_space<vmem>> -> memref<128xi32, #tpu.memory_space<vmem>>
    %dma_wait3A_49 = arith.constant 0 : i32
    %dma_wait3A_50 = tpu.memref_slice %arg2[%dma_wait3A, %dma_wait3A_49] : memref<50x16384xi32, #tpu.memory_space<hbm>> -> memref<1x128xi32, #tpu.memory_space<hbm>>
    %dma_wait3A_51 = tpu.memref_squeeze %dma_wait3A_50 : memref<1x128xi32, #tpu.memory_space<hbm>> -> memref<128xi32, #tpu.memory_space<hbm>>
    %dma_wait3A_52 = arith.constant 0 : i32
    %dma_wait3A_53 = tpu.memref_slice %arg5[%dma_wait3A_45, %dma_wait3A_52] : memref<2x128xi32, #tpu.memory_space<vmem>> -> memref<1x128xi32, #tpu.memory_space<vmem>>
    %dma_wait3A_54 = tpu.memref_squeeze %dma_wait3A_53 : memref<1x128xi32, #tpu.memory_space<vmem>> -> memref<128xi32, #tpu.memory_space<vmem>>
    %dma_wait3A_55 = arith.constant 0 : i32
    %dma_wait3A_56 = tpu.memref_slice %arg2[%dma_wait3A, %dma_wait3A_55] : memref<50x16384xi32, #tpu.memory_space<hbm>> -> memref<1x128xi32, #tpu.memory_space<hbm>>
    %dma_wait3A_57 = tpu.memref_squeeze %dma_wait3A_56 : memref<1x128xi32, #tpu.memory_space<hbm>> -> memref<128xi32, #tpu.memory_space<hbm>>
    tpu.wait_dma2 semaphore(%arg12 : memref<!tpu.dma_semaphore, #tpu.memory_space<semaphore_mem>>) src(%dma_wait3A_57 : memref<128xi32, #tpu.memory_space<hbm>>) dst(%dma_wait3A_54 : memref<128xi32, #tpu.memory_space<vmem>>)
    %get3A = arith.constant 0 : i32
    %get3A_58 = arith.constant 0 : i32
    %get3A_59 = tpu.memref_slice %arg5[%get3A, %get3A_58] : memref<2x128xi32, #tpu.memory_space<vmem>> -> memref<1x128xi32, #tpu.memory_space<vmem>>
    %get3A_60 = tpu.memref_squeeze %get3A_59 : memref<1x128xi32, #tpu.memory_space<vmem>> -> memref<128xi32, #tpu.memory_space<vmem>>
    %get3A_61 = arith.constant 0 : index
    %get3A_62 = tpu.vector_load %get3A_60[%get3A_61] {strides = array<i32>} : memref<128xi32, #tpu.memory_space<vmem>>, vector<16xi32>,
    %shift_right_logical3A = arith.constant 1 : i32
    %shift_right_logical3A_63 = vector.broadcast %shift_right_logical3A : i32 to vector<16xi32>
    %shift_right_logical3A_64 = arith.shrui %get3A_62, %shift_right_logical3A_63 : vector<16xi32>
    %swap3A = arith.constant 0 : i32
    %swap3A_65 = arith.constant 0 : i32
    %swap3A_66 = tpu.memref_slice %arg7[%swap3A, %swap3A_65] : memref<2x128xi32, #tpu.memory_space<vmem>> -> memref<1x128xi32, #tpu.memory_space<vmem>>
    %swap3A_67 = tpu.memref_squeeze %swap3A_66 : memref<1x128xi32, #tpu.memory_space<vmem>> -> memref<128xi32, #tpu.memory_space<vmem>>
    %swap3A_68 = arith.constant 0 : index
    %swap3A_69 = tpu.vector_load %swap3A_67[%swap3A_68] {strides = array<i32>} : memref<128xi32, #tpu.memory_space<vmem>>, vector<16xi32>,
    tpu.vector_store %swap3A_67[%swap3A_68], %shift_right_logical3A_64 {strides = array<i32>} : memref<128xi32, #tpu.memory_space<vmem>>, vector<16xi32>,
    %and3A_70 = arith.constant 1 : i32
    %and3A_71 = vector.broadcast %and3A_70 : i32 to vector<16xi32>
    %and3A_72 = arith.andi %get3A_62, %and3A_71 : vector<16xi32>
    %shift_left3A = arith.constant 6 : i32
    %shift_left3A_73 = vector.broadcast %shift_left3A : i32 to vector<16xi32>
    %shift_left3A_74 = arith.shli %and3A_72, %shift_left3A_73 : vector<16xi32>
    %swap3A_75 = arith.constant 0 : i32
    %swap3A_76 = arith.constant 0 : i32
    %swap3A_77 = tpu.memref_slice %arg9[%swap3A_75, %swap3A_76] : memref<2x128xi32, #tpu.memory_space<vmem>> -> memref<1x128xi32, #tpu.memory_space<vmem>>
    %swap3A_78 = tpu.memref_squeeze %swap3A_77 : memref<1x128xi32, #tpu.memory_space<vmem>> -> memref<128xi32, #tpu.memory_space<vmem>>
    %swap3A_79 = arith.constant 0 : index
    %swap3A_80 = tpu.vector_load %swap3A_78[%swap3A_79] {strides = array<i32>} : memref<128xi32, #tpu.memory_space<vmem>>, vector<16xi32>,
    tpu.vector_store %swap3A_78[%swap3A_79], %shift_left3A_74 {strides = array<i32>} : memref<128xi32, #tpu.memory_space<vmem>>, vector<16xi32>,
    %get3A_81 = arith.constant 0 : i32
    %get3A_82 = arith.constant 0 : i32
    %get3A_83 = tpu.memref_slice %arg5[%get3A_81, %get3A_82] : memref<2x128xi32, #tpu.memory_space<vmem>> -> memref<1x128xi32, #tpu.memory_space<vmem>>
    %get3A_84 = tpu.memref_squeeze %get3A_83 : memref<1x128xi32, #tpu.memory_space<vmem>> -> memref<128xi32, #tpu.memory_space<vmem>>
    %get3A_85 = arith.constant 16 : index
    %get3A_86 = tpu.vector_load %get3A_84[%get3A_85] {strides = array<i32>} : memref<128xi32, #tpu.memory_space<vmem>>, vector<16xi32>,
    %shift_right_logical3A_87 = arith.constant 1 : i32
    %shift_right_logical3A_88 = vector.broadcast %shift_right_logical3A_87 : i32 to vector<16xi32>
    %shift_right_logical3A_89 = arith.shrui %get3A_86, %shift_right_logical3A_88 : vector<16xi32>
    %swap3A_90 = arith.constant 0 : i32
    %swap3A_91 = arith.constant 0 : i32
    %swap3A_92 = tpu.memref_slice %arg7[%swap3A_90, %swap3A_91] : memref<2x128xi32, #tpu.memory_space<vmem>> -> memref<1x128xi32, #tpu.memory_space<vmem>>
    %swap3A_93 = tpu.memref_squeeze %swap3A_92 : memref<1x128xi32, #tpu.memory_space<vmem>> -> memref<128xi32, #tpu.memory_space<vmem>>
    %swap3A_94 = arith.constant 16 : index
    %swap3A_95 = tpu.vector_load %swap3A_93[%swap3A_94] {strides = array<i32>} : memref<128xi32, #tpu.memory_space<vmem>>, vector<16xi32>,
    tpu.vector_store %swap3A_93[%swap3A_94], %shift_right_logical3A_89 {strides = array<i32>} : memref<128xi32, #tpu.memory_space<vmem>>, vector<16xi32>,
    %and3A_96 = arith.constant 1 : i32
    %and3A_97 = vector.broadcast %and3A_96 : i32 to vector<16xi32>
    %and3A_98 = arith.andi %get3A_86, %and3A_97 : vector<16xi32>
    %shift_left3A_99 = arith.constant 6 : i32
    %shift_left3A_100 = vector.broadcast %shift_left3A_99 : i32 to vector<16xi32>
    %shift_left3A_101 = arith.shli %and3A_98, %shift_left3A_100 : vector<16xi32>
    %swap3A_102 = arith.constant 0 : i32
    %swap3A_103 = arith.constant 0 : i32
    %swap3A_104 = tpu.memref_slice %arg9[%swap3A_102, %swap3A_103] : memref<2x128xi32, #tpu.memory_space<vmem>> -> memref<1x128xi32, #tpu.memory_space<vmem>>
    %swap3A_105 = tpu.memref_squeeze %swap3A_104 : memref<1x128xi32, #tpu.memory_space<vmem>> -> memref<128xi32, #tpu.memory_space<vmem>>
    %swap3A_106 = arith.constant 16 : index
    %swap3A_107 = tpu.vector_load %swap3A_105[%swap3A_106] {strides = array<i32>} : memref<128xi32, #tpu.memory_space<vmem>>, vector<16xi32>,
    tpu.vector_store %swap3A_105[%swap3A_106], %shift_left3A_101 {strides = array<i32>} : memref<128xi32, #tpu.memory_space<vmem>>, vector<16xi32>,
    %get3A_108 = arith.constant 0 : i32
    %get3A_109 = arith.constant 0 : i32
    %get3A_110 = tpu.memref_slice %arg5[%get3A_108, %get3A_109] : memref<2x128xi32, #tpu.memory_space<vmem>> -> memref<1x128xi32, #tpu.memory_space<vmem>>
    %get3A_111 = tpu.memref_squeeze %get3A_110 : memref<1x128xi32, #tpu.memory_space<vmem>> -> memref<128xi32, #tpu.memory_space<vmem>>
    %get3A_112 = arith.constant 32 : index
    %get3A_113 = tpu.vector_load %get3A_111[%get3A_112] {strides = array<i32>} : memref<128xi32, #tpu.memory_space<vmem>>, vector<16xi32>,
    %shift_right_logical3A_114 = arith.constant 1 : i32
    %shift_right_logical3A_115 = vector.broadcast %shift_right_logical3A_114 : i32 to vector<16xi32>
    %shift_right_logical3A_116 = arith.shrui %get3A_113, %shift_right_logical3A_115 : vector<16xi32>
    %swap3A_117 = arith.constant 0 : i32
    %swap3A_118 = arith.constant 0 : i32
    %swap3A_119 = tpu.memref_slice %arg7[%swap3A_117, %swap3A_118] : memref<2x128xi32, #tpu.memory_space<vmem>> -> memref<1x128xi32, #tpu.memory_space<vmem>>
    %swap3A_120 = tpu.memref_squeeze %swap3A_119 : memref<1x128xi32, #tpu.memory_space<vmem>> -> memref<128xi32, #tpu.memory_space<vmem>>
    %swap3A_121 = arith.constant 32 : index
    %swap3A_122 = tpu.vector_load %swap3A_120[%swap3A_121] {strides = array<i32>} : memref<128xi32, #tpu.memory_space<vmem>>, vector<16xi32>,
    tpu.vector_store %swap3A_120[%swap3A_121], %shift_right_logical3A_116 {strides = array<i32>} : memref<128xi32, #tpu.memory_space<vmem>>, vector<16xi32>,
    %and3A_123 = arith.constant 1 : i32
    %and3A_124 = vector.broadcast %and3A_123 : i32 to vector<16xi32>
    %and3A_125 = arith.andi %get3A_113, %and3A_124 : vector<16xi32>
    %shift_left3A_126 = arith.constant 6 : i32
    %shift_left3A_127 = vector.broadcast %shift_left3A_126 : i32 to vector<16xi32>
    %shift_left3A_128 = arith.shli %and3A_125, %shift_left3A_127 : vector<16xi32>
    %swap3A_129 = arith.constant 0 : i32
    %swap3A_130 = arith.constant 0 : i32
    %swap3A_131 = tpu.memref_slice %arg9[%swap3A_129, %swap3A_130] : memref<2x128xi32, #tpu.memory_space<vmem>> -> memref<1x128xi32, #tpu.memory_space<vmem>>
    %swap3A_132 = tpu.memref_squeeze %swap3A_131 : memref<1x128xi32, #tpu.memory_space<vmem>> -> memref<128xi32, #tpu.memory_space<vmem>>
    %swap3A_133 = arith.constant 32 : index
    %swap3A_134 = tpu.vector_load %swap3A_132[%swap3A_133] {strides = array<i32>} : memref<128xi32, #tpu.memory_space<vmem>>, vector<16xi32>,
    tpu.vector_store %swap3A_132[%swap3A_133], %shift_left3A_128 {strides = array<i32>} : memref<128xi32, #tpu.memory_space<vmem>>, vector<16xi32>,
    %get3A_135 = arith.constant 0 : i32
    %get3A_136 = arith.constant 0 : i32
    %get3A_137 = tpu.memref_slice %arg5[%get3A_135, %get3A_136] : memref<2x128xi32, #tpu.memory_space<vmem>> -> memref<1x128xi32, #tpu.memory_space<vmem>>
    %get3A_138 = tpu.memref_squeeze %get3A_137 : memref<1x128xi32, #tpu.memory_space<vmem>> -> memref<128xi32, #tpu.memory_space<vmem>>
    %get3A_139 = arith.constant 48 : index
    %get3A_140 = tpu.vector_load %get3A_138[%get3A_139] {strides = array<i32>} : memref<128xi32, #tpu.memory_space<vmem>>, vector<16xi32>,
    %shift_right_logical3A_141 = arith.constant 1 : i32
    %shift_right_logical3A_142 = vector.broadcast %shift_right_logical3A_141 : i32 to vector<16xi32>
    %shift_right_logical3A_143 = arith.shrui %get3A_140, %shift_right_logical3A_142 : vector<16xi32>
    %swap3A_144 = arith.constant 0 : i32
    %swap3A_145 = arith.constant 0 : i32
    %swap3A_146 = tpu.memref_slice %arg7[%swap3A_144, %swap3A_145] : memref<2x128xi32, #tpu.memory_space<vmem>> -> memref<1x128xi32, #tpu.memory_space<vmem>>
    %swap3A_147 = tpu.memref_squeeze %swap3A_146 : memref<1x128xi32, #tpu.memory_space<vmem>> -> memref<128xi32, #tpu.memory_space<vmem>>
    %swap3A_148 = arith.constant 48 : index
    %swap3A_149 = tpu.vector_load %swap3A_147[%swap3A_148] {strides = array<i32>} : memref<128xi32, #tpu.memory_space<vmem>>, vector<16xi32>,
    tpu.vector_store %swap3A_147[%swap3A_148], %shift_right_logical3A_143 {strides = array<i32>} : memref<128xi32, #tpu.memory_space<vmem>>, vector<16xi32>,
    %and3A_150 = arith.constant 1 : i32
    %and3A_151 = vector.broadcast %and3A_150 : i32 to vector<16xi32>
    %and3A_152 = arith.andi %get3A_140, %and3A_151 : vector<16xi32>
    %shift_left3A_153 = arith.constant 6 : i32
    %shift_left3A_154 = vector.broadcast %shift_left3A_153 : i32 to vector<16xi32>
    %shift_left3A_155 = arith.shli %and3A_152, %shift_left3A_154 : vector<16xi32>
    %swap3A_156 = arith.constant 0 : i32
    %swap3A_157 = arith.constant 0 : i32
    %swap3A_158 = tpu.memref_slice %arg9[%swap3A_156, %swap3A_157] : memref<2x128xi32, #tpu.memory_space<vmem>> -> memref<1x128xi32, #tpu.memory_space<vmem>>
    %swap3A_159 = tpu.memref_squeeze %swap3A_158 : memref<1x128xi32, #tpu.memory_space<vmem>> -> memref<128xi32, #tpu.memory_space<vmem>>
    %swap3A_160 = arith.constant 48 : index
    %swap3A_161 = tpu.vector_load %swap3A_159[%swap3A_160] {strides = array<i32>} : memref<128xi32, #tpu.memory_space<vmem>>, vector<16xi32>,
    tpu.vector_store %swap3A_159[%swap3A_160], %shift_left3A_155 {strides = array<i32>} : memref<128xi32, #tpu.memory_space<vmem>>, vector<16xi32>,
    %get3A_162 = arith.constant 0 : i32
    %get3A_163 = arith.constant 0 : i32
    %get3A_164 = tpu.memref_slice %arg5[%get3A_162, %get3A_163] : memref<2x128xi32, #tpu.memory_space<vmem>> -> memref<1x128xi32, #tpu.memory_space<vmem>>
    %get3A_165 = tpu.memref_squeeze %get3A_164 : memref<1x128xi32, #tpu.memory_space<vmem>> -> memref<128xi32, #tpu.memory_space<vmem>>
    %get3A_166 = arith.constant 64 : index
    %get3A_167 = tpu.vector_load %get3A_165[%get3A_166] {strides = array<i32>} : memref<128xi32, #tpu.memory_space<vmem>>, vector<16xi32>,
    %shift_right_logical3A_168 = arith.constant 1 : i32
    %shift_right_logical3A_169 = vector.broadcast %shift_right_logical3A_168 : i32 to vector<16xi32>
    %shift_right_logical3A_170 = arith.shrui %get3A_167, %shift_right_logical3A_169 : vector<16xi32>
    %swap3A_171 = arith.constant 0 : i32
    %swap3A_172 = arith.constant 0 : i32
    %swap3A_173 = tpu.memref_slice %arg7[%swap3A_171, %swap3A_172] : memref<2x128xi32, #tpu.memory_space<vmem>> -> memref<1x128xi32, #tpu.memory_space<vmem>>
    %swap3A_174 = tpu.memref_squeeze %swap3A_173 : memref<1x128xi32, #tpu.memory_space<vmem>> -> memref<128xi32, #tpu.memory_space<vmem>>
    %swap3A_175 = arith.constant 64 : index
    %swap3A_176 = tpu.vector_load %swap3A_174[%swap3A_175] {strides = array<i32>} : memref<128xi32, #tpu.memory_space<vmem>>, vector<16xi32>,
    tpu.vector_store %swap3A_174[%swap3A_175], %shift_right_logical3A_170 {strides = array<i32>} : memref<128xi32, #tpu.memory_space<vmem>>, vector<16xi32>,
    %and3A_177 = arith.constant 1 : i32
    %and3A_178 = vector.broadcast %and3A_177 : i32 to vector<16xi32>
    %and3A_179 = arith.andi %get3A_167, %and3A_178 : vector<16xi32>
    %shift_left3A_180 = arith.constant 6 : i32
    %shift_left3A_181 = vector.broadcast %shift_left3A_180 : i32 to vector<16xi32>
    %shift_left3A_182 = arith.shli %and3A_179, %shift_left3A_181 : vector<16xi32>
    %swap3A_183 = arith.constant 0 : i32
    %swap3A_184 = arith.constant 0 : i32
    %swap3A_185 = tpu.memref_slice %arg9[%swap3A_183, %swap3A_184] : memref<2x128xi32, #tpu.memory_space<vmem>> -> memref<1x128xi32, #tpu.memory_space<vmem>>
    %swap3A_186 = tpu.memref_squeeze %swap3A_185 : memref<1x128xi32, #tpu.memory_space<vmem>> -> memref<128xi32, #tpu.memory_space<vmem>>
    %swap3A_187 = arith.constant 64 : index
    %swap3A_188 = tpu.vector_load %swap3A_186[%swap3A_187] {strides = array<i32>} : memref<128xi32, #tpu.memory_space<vmem>>, vector<16xi32>,
    tpu.vector_store %swap3A_186[%swap3A_187], %shift_left3A_182 {strides = array<i32>} : memref<128xi32, #tpu.memory_space<vmem>>, vector<16xi32>,
    %get3A_189 = arith.constant 0 : i32
    %get3A_190 = arith.constant 0 : i32
    %get3A_191 = tpu.memref_slice %arg5[%get3A_189, %get3A_190] : memref<2x128xi32, #tpu.memory_space<vmem>> -> memref<1x128xi32, #tpu.memory_space<vmem>>
    %get3A_192 = tpu.memref_squeeze %get3A_191 : memref<1x128xi32, #tpu.memory_space<vmem>> -> memref<128xi32, #tpu.memory_space<vmem>>
    %get3A_193 = arith.constant 80 : index
    %get3A_194 = tpu.vector_load %get3A_192[%get3A_193] {strides = array<i32>} : memref<128xi32, #tpu.memory_space<vmem>>, vector<16xi32>,
    %shift_right_logical3A_195 = arith.constant 1 : i32
    %shift_right_logical3A_196 = vector.broadcast %shift_right_logical3A_195 : i32 to vector<16xi32>
    %shift_right_logical3A_197 = arith.shrui %get3A_194, %shift_right_logical3A_196 : vector<16xi32>
    %swap3A_198 = arith.constant 0 : i32
    %swap3A_199 = arith.constant 0 : i32
    %swap3A_200 = tpu.memref_slice %arg7[%swap3A_198, %swap3A_199] : memref<2x128xi32, #tpu.memory_space<vmem>> -> memref<1x128xi32, #tpu.memory_space<vmem>>
    %swap3A_201 = tpu.memref_squeeze %swap3A_200 : memref<1x128xi32, #tpu.memory_space<vmem>> -> memref<128xi32, #tpu.memory_space<vmem>>
    %swap3A_202 = arith.constant 80 : index
    %swap3A_203 = tpu.vector_load %swap3A_201[%swap3A_202] {strides = array<i32>} : memref<128xi32, #tpu.memory_space<vmem>>, vector<16xi32>,
    tpu.vector_store %swap3A_201[%swap3A_202], %shift_right_logical3A_197 {strides = array<i32>} : memref<128xi32, #tpu.memory_space<vmem>>, vector<16xi32>,
    %and3A_204 = arith.constant 1 : i32
    %and3A_205 = vector.broadcast %and3A_204 : i32 to vector<16xi32>
    %and3A_206 = arith.andi %get3A_194, %and3A_205 : vector<16xi32>
    %shift_left3A_207 = arith.constant 6 : i32
    %shift_left3A_208 = vector.broadcast %shift_left3A_207 : i32 to vector<16xi32>
    %shift_left3A_209 = arith.shli %and3A_206, %shift_left3A_208 : vector<16xi32>
    %swap3A_210 = arith.constant 0 : i32
    %swap3A_211 = arith.constant 0 : i32
    %swap3A_212 = tpu.memref_slice %arg9[%swap3A_210, %swap3A_211] : memref<2x128xi32, #tpu.memory_space<vmem>> -> memref<1x128xi32, #tpu.memory_space<vmem>>
    %swap3A_213 = tpu.memref_squeeze %swap3A_212 : memref<1x128xi32, #tpu.memory_space<vmem>> -> memref<128xi32, #tpu.memory_space<vmem>>
    %swap3A_214 = arith.constant 80 : index
    %swap3A_215 = tpu.vector_load %swap3A_213[%swap3A_214] {strides = array<i32>} : memref<128xi32, #tpu.memory_space<vmem>>, vector<16xi32>,
    tpu.vector_store %swap3A_213[%swap3A_214], %shift_left3A_209 {strides = array<i32>} : memref<128xi32, #tpu.memory_space<vmem>>, vector<16xi32>,
    %get3A_216 = arith.constant 0 : i32
    %get3A_217 = arith.constant 0 : i32
    %get3A_218 = tpu.memref_slice %arg5[%get3A_216, %get3A_217] : memref<2x128xi32, #tpu.memory_space<vmem>> -> memref<1x128xi32, #tpu.memory_space<vmem>>
    %get3A_219 = tpu.memref_squeeze %get3A_218 : memref<1x128xi32, #tpu.memory_space<vmem>> -> memref<128xi32, #tpu.memory_space<vmem>>
    %get3A_220 = arith.constant 96 : index
    %get3A_221 = tpu.vector_load %get3A_219[%get3A_220] {strides = array<i32>} : memref<128xi32, #tpu.memory_space<vmem>>, vector<16xi32>,
    %shift_right_logical3A_222 = arith.constant 1 : i32
    %shift_right_logical3A_223 = vector.broadcast %shift_right_logical3A_222 : i32 to vector<16xi32>
    %shift_right_logical3A_224 = arith.shrui %get3A_221, %shift_right_logical3A_223 : vector<16xi32>
    %swap3A_225 = arith.constant 0 : i32
    %swap3A_226 = arith.constant 0 : i32
    %swap3A_227 = tpu.memref_slice %arg7[%swap3A_225, %swap3A_226] : memref<2x128xi32, #tpu.memory_space<vmem>> -> memref<1x128xi32, #tpu.memory_space<vmem>>
    %swap3A_228 = tpu.memref_squeeze %swap3A_227 : memref<1x128xi32, #tpu.memory_space<vmem>> -> memref<128xi32, #tpu.memory_space<vmem>>
    %swap3A_229 = arith.constant 96 : index
    %swap3A_230 = tpu.vector_load %swap3A_228[%swap3A_229] {strides = array<i32>} : memref<128xi32, #tpu.memory_space<vmem>>, vector<16xi32>,
    tpu.vector_store %swap3A_228[%swap3A_229], %shift_right_logical3A_224 {strides = array<i32>} : memref<128xi32, #tpu.memory_space<vmem>>, vector<16xi32>,
    %and3A_231 = arith.constant 1 : i32
    %and3A_232 = vector.broadcast %and3A_231 : i32 to vector<16xi32>
    %and3A_233 = arith.andi %get3A_221, %and3A_232 : vector<16xi32>
    %shift_left3A_234 = arith.constant 6 : i32
    %shift_left3A_235 = vector.broadcast %shift_left3A_234 : i32 to vector<16xi32>
    %shift_left3A_236 = arith.shli %and3A_233, %shift_left3A_235 : vector<16xi32>
    %swap3A_237 = arith.constant 0 : i32
    %swap3A_238 = arith.constant 0 : i32
    %swap3A_239 = tpu.memref_slice %arg9[%swap3A_237, %swap3A_238] : memref<2x128xi32, #tpu.memory_space<vmem>> -> memref<1x128xi32, #tpu.memory_space<vmem>>
    %swap3A_240 = tpu.memref_squeeze %swap3A_239 : memref<1x128xi32, #tpu.memory_space<vmem>> -> memref<128xi32, #tpu.memory_space<vmem>>
    %swap3A_241 = arith.constant 96 : index
    %swap3A_242 = tpu.vector_load %swap3A_240[%swap3A_241] {strides = array<i32>} : memref<128xi32, #tpu.memory_space<vmem>>, vector<16xi32>,
    tpu.vector_store %swap3A_240[%swap3A_241], %shift_left3A_236 {strides = array<i32>} : memref<128xi32, #tpu.memory_space<vmem>>, vector<16xi32>,
    %get3A_243 = arith.constant 0 : i32
    %get3A_244 = arith.constant 0 : i32
    %get3A_245 = tpu.memref_slice %arg5[%get3A_243, %get3A_244] : memref<2x128xi32, #tpu.memory_space<vmem>> -> memref<1x128xi32, #tpu.memory_space<vmem>>
    %get3A_246 = tpu.memref_squeeze %get3A_245 : memref<1x128xi32, #tpu.memory_space<vmem>> -> memref<128xi32, #tpu.memory_space<vmem>>
    %get3A_247 = arith.constant 112 : index
    %get3A_248 = tpu.vector_load %get3A_246[%get3A_247] {strides = array<i32>} : memref<128xi32, #tpu.memory_space<vmem>>, vector<16xi32>,
    %shift_right_logical3A_249 = arith.constant 1 : i32
    %shift_right_logical3A_250 = vector.broadcast %shift_right_logical3A_249 : i32 to vector<16xi32>
    %shift_right_logical3A_251 = arith.shrui %get3A_248, %shift_right_logical3A_250 : vector<16xi32>
    %swap3A_252 = arith.constant 0 : i32
    %swap3A_253 = arith.constant 0 : i32
    %swap3A_254 = tpu.memref_slice %arg7[%swap3A_252, %swap3A_253] : memref<2x128xi32, #tpu.memory_space<vmem>> -> memref<1x128xi32, #tpu.memory_space<vmem>>
    %swap3A_255 = tpu.memref_squeeze %swap3A_254 : memref<1x128xi32, #tpu.memory_space<vmem>> -> memref<128xi32, #tpu.memory_space<vmem>>
    %swap3A_256 = arith.constant 112 : index
    %swap3A_257 = tpu.vector_load %swap3A_255[%swap3A_256] {strides = array<i32>} : memref<128xi32, #tpu.memory_space<vmem>>, vector<16xi32>,
    tpu.vector_store %swap3A_255[%swap3A_256], %shift_right_logical3A_251 {strides = array<i32>} : memref<128xi32, #tpu.memory_space<vmem>>, vector<16xi32>,
    %and3A_258 = arith.constant 1 : i32
    %and3A_259 = vector.broadcast %and3A_258 : i32 to vector<16xi32>
    %and3A_260 = arith.andi %get3A_248, %and3A_259 : vector<16xi32>
    %shift_left3A_261 = arith.constant 6 : i32
    %shift_left3A_262 = vector.broadcast %shift_left3A_261 : i32 to vector<16xi32>
    %shift_left3A_263 = arith.shli %and3A_260, %shift_left3A_262 : vector<16xi32>
    %swap3A_264 = arith.constant 0 : i32
    %swap3A_265 = arith.constant 0 : i32
    %swap3A_266 = tpu.memref_slice %arg9[%swap3A_264, %swap3A_265] : memref<2x128xi32, #tpu.memory_space<vmem>> -> memref<1x128xi32, #tpu.memory_space<vmem>>
    %swap3A_267 = tpu.memref_squeeze %swap3A_266 : memref<1x128xi32, #tpu.memory_space<vmem>> -> memref<128xi32, #tpu.memory_space<vmem>>
    %swap3A_268 = arith.constant 112 : index
    %swap3A_269 = tpu.vector_load %swap3A_267[%swap3A_268] {strides = array<i32>} : memref<128xi32, #tpu.memory_space<vmem>>, vector<16xi32>,
    tpu.vector_store %swap3A_267[%swap3A_268], %shift_left3A_263 {strides = array<i32>} : memref<128xi32, #tpu.memory_space<vmem>>, vector<16xi32>,
    %dma_start3A_270 = arith.constant 0 : i32
    %dma_start3A_271 = arith.constant 0 : i32
    %dma_start3A_272 = arith.constant 0 : i32
    %dma_start3A_273 = arith.constant 0 : i32
    %dma_start3A_274 = tpu.memref_slice %arg6[%dma_start3A_271, %dma_start3A_272, %dma_start3A_273] : memref<2x128x128xf32, #tpu.memory_space<vmem>> -> memref<1x128x128xf32, #tpu.memory_space<vmem>>
    %dma_start3A_275 = tpu.memref_squeeze %dma_start3A_274 : memref<1x128x128xf32, #tpu.memory_space<vmem>> -> memref<128x128xf32, #tpu.memory_space<vmem>>
    %dma_start3A_276 = arith.constant 0 : i32
    %dma_start3A_277 = tpu.memref_slice %arg7[%dma_start3A_270, %dma_start3A_276] : memref<2x128xi32, #tpu.memory_space<vmem>> -> memref<1x128xi32, #tpu.memory_space<vmem>>
    %dma_start3A_278 = tpu.memref_squeeze %dma_start3A_277 : memref<1x128xi32, #tpu.memory_space<vmem>> -> memref<128xi32, #tpu.memory_space<vmem>>
    %dma_start3A_279 = arith.constant 0 : i32
    %dma_start3A_280 = arith.constant 0 : i32
    %dma_start3A_281 = tpu.memref_slice %arg3[%dma_start3A_279, %dma_start3A_280] : memref<500000x128xf32, #tpu.memory_space<hbm>> -> memref<500000x128xf32, #tpu.memory_space<hbm>>
    tpu.enqueue_indirect_dma source(%dma_start3A_281 : memref<500000x128xf32, #tpu.memory_space<hbm>>) target(%dma_start3A_275 : memref<128x128xf32, #tpu.memory_space<vmem>>) offsets(%dma_start3A_278 : memref<128xi32, #tpu.memory_space<vmem>>) semaphore(%arg10 : memref<!tpu.dma_semaphore, #tpu.memory_space<semaphore_mem>>)
    %add3A_282 = arith.constant 1 : i32
    %add3A_283 = arith.addi %mul3A_2, %add3A_282 : i32
    %jit3A_284 = arith.constant 128 : i32
    %div3A_285 = arith.divsi %add3A_283, %jit3A_284 : i32
    %sign3A_286 = arith.constant 0 : i32
    %sign3A_287 = arith.cmpi sgt, %add3A_283, %sign3A_286 : i32
    %sign3A_288 = arith.extui %sign3A_287 : i1 to i32
    %sign3A_289 = arith.constant 0 : i32
    %sign3A_290 = arith.cmpi slt, %add3A_283, %sign3A_289 : i32
    %sign3A_291 = arith.extui %sign3A_290 : i1 to i32
    %sign3A_292 = arith.subi %sign3A_288, %sign3A_291 : i32
    %sign3A_293 = arith.constant 0 : i32
    %sign3A_294 = arith.cmpi sgt, %jit3A_284, %sign3A_293 : i32
    %sign3A_295 = arith.extui %sign3A_294 : i1 to i32
    %sign3A_296 = arith.constant 0 : i32
    %sign3A_297 = arith.cmpi slt, %jit3A_284, %sign3A_296 : i32
    %sign3A_298 = arith.extui %sign3A_297 : i1 to i32
    %sign3A_299 = arith.subi %sign3A_295, %sign3A_298 : i32
    %ne3A_300 = arith.cmpi ne, %sign3A_292, %sign3A_299 : i32
    %rem3A_301 = arith.remsi %add3A_283, %jit3A_284 : i32
    %ne3A_302 = arith.constant 0 : i32
    %ne3A_303 = arith.cmpi ne, %rem3A_301, %ne3A_302 : i32
    %and3A_304 = arith.andi %ne3A_300, %ne3A_303 : i1
    %sub3A_305 = arith.constant 1 : i32
    %sub3A_306 = arith.subi %div3A_285, %sub3A_305 : i32
    %select_n3A_307 = arith.select %and3A_304, %sub3A_306, %div3A_285 : i32
    %jit3A_308 = arith.constant 128 : i32
    %eq3A_309 = arith.constant 0 : i32
    %eq3A_310 = arith.cmpi eq, %jit3A_308, %eq3A_309 : i32
    %jit3A_311 = arith.constant 1 : i32
    %select_n3A_312 = arith.select %eq3A_310, %jit3A_311, %jit3A_308 : i32
    %rem3A_313 = arith.remsi %add3A_283, %select_n3A_312 : i32
    %ne3A_314 = arith.constant 0 : i32
    %ne3A_315 = arith.cmpi ne, %rem3A_313, %ne3A_314 : i32
    %lt3A_316 = arith.constant 0 : i32
    %lt3A_317 = arith.cmpi slt, %rem3A_313, %lt3A_316 : i32
    %lt3A_318 = arith.constant 0 : i32
    %lt3A_319 = arith.cmpi slt, %select_n3A_312, %lt3A_318 : i32
    %ne3A_320 = arith.xori %lt3A_317, %lt3A_319 : i1
    %and3A_321 = arith.andi %ne3A_320, %ne3A_315 : i1
    %add3A_322 = arith.addi %rem3A_313, %select_n3A_312 : i32
    %select_n3A_323 = arith.select %and3A_321, %add3A_322, %rem3A_313 : i32
    %mul3A_324 = arith.constant 128 : i32
    %mul3A_325 = arith.muli %select_n3A_323, %mul3A_324 : i32
    %dma_start3A_326 = arith.constant 1 : i32
    %dma_start3A_327 = arith.constant 0 : i32
    %dma_start3A_328 = tpu.memref_slice %arg5[%dma_start3A_326, %dma_start3A_327] : memref<2x128xi32, #tpu.memory_space<vmem>> -> memref<1x128xi32, #tpu.memory_space<vmem>>
    %dma_start3A_329 = tpu.memref_squeeze %dma_start3A_328 : memref<1x128xi32, #tpu.memory_space<vmem>> -> memref<128xi32, #tpu.memory_space<vmem>>
    %dma_start3A_330 = tpu.memref_slice %arg2[%select_n3A_307, %mul3A_325] : memref<50x16384xi32, #tpu.memory_space<hbm>> -> memref<1x128xi32, #tpu.memory_space<hbm>>
    %dma_start3A_331 = tpu.memref_squeeze %dma_start3A_330 : memref<1x128xi32, #tpu.memory_space<hbm>> -> memref<128xi32, #tpu.memory_space<hbm>>
    %dma_start3A_332 = arith.constant 0 : i32
    %dma_start3A_333 = tpu.memref_slice %arg5[%dma_start3A_326, %dma_start3A_332] : memref<2x128xi32, #tpu.memory_space<vmem>> -> memref<1x128xi32, #tpu.memory_space<vmem>>
    %dma_start3A_334 = tpu.memref_squeeze %dma_start3A_333 : memref<1x128xi32, #tpu.memory_space<vmem>> -> memref<128xi32, #tpu.memory_space<vmem>>
    %dma_start3A_335 = tpu.memref_slice %arg2[%select_n3A_307, %mul3A_325] : memref<50x16384xi32, #tpu.memory_space<hbm>> -> memref<1x128xi32, #tpu.memory_space<hbm>>
    %dma_start3A_336 = tpu.memref_squeeze %dma_start3A_335 : memref<1x128xi32, #tpu.memory_space<hbm>> -> memref<128xi32, #tpu.memory_space<hbm>>
    tpu.enqueue_dma source(%dma_start3A_336 : memref<128xi32, #tpu.memory_space<hbm>>) target(%dma_start3A_334 : memref<128xi32, #tpu.memory_space<vmem>>) target_semaphore(%arg12 : memref<!tpu.dma_semaphore, #tpu.memory_space<semaphore_mem>>)
    %scan3A = arith.constant 0 : i32
    %scan3A_337 = arith.constant 100 : i32
    %scan3A_338 = arith.addi %scan3A, %scan3A_337 : i32
    %scan3A_339 = arith.constant 1 : i32
    scf.for %scan3A_725 = %scan3A to %scan3A_338 step %scan3A_339  : i32 {
      %mul3A_726 = arith.constant 2 : i32
      %mul3A_727 = arith.muli %scan3A_725, %mul3A_726 : i32
      %add3A_728 = arith.constant 0 : i32
      %add3A_729 = arith.addi %add3A_728, %mul3A_727 : i32
      %add3A_730 = arith.addi %mul3A_2, %add3A_729 : i32
      %dma_wait3A_731 = arith.constant 0 : i32
      %dma_wait3A_732 = arith.constant 0 : i32
      %dma_wait3A_733 = arith.constant 0 : i32
      %dma_wait3A_734 = tpu.memref_slice %arg6[%dma_wait3A_731, %dma_wait3A_732, %dma_wait3A_733] : memref<2x128x128xf32, #tpu.memory_space<vmem>> -> memref<1x128x128xf32, #tpu.memory_space<vmem>>
      %dma_wait3A_735 = tpu.memref_squeeze %dma_wait3A_734 : memref<1x128x128xf32, #tpu.memory_space<vmem>> -> memref<128x128xf32, #tpu.memory_space<vmem>>
      %dma_wait3A_736 = arith.constant 0 : i32
      %dma_wait3A_737 = arith.constant 0 : i32
      %dma_wait3A_738 = tpu.memref_slice %arg3[%dma_wait3A_736, %dma_wait3A_737] : memref<500000x128xf32, #tpu.memory_space<hbm>> -> memref<128x128xf32, #tpu.memory_space<hbm>>
      %dma_wait3A_739 = arith.constant 0 : i32
      %dma_wait3A_740 = arith.constant 0 : i32
      %dma_wait3A_741 = tpu.memref_slice %arg6[%dma_wait3A_731, %dma_wait3A_739, %dma_wait3A_740] : memref<2x128x128xf32, #tpu.memory_space<vmem>> -> memref<1x128x128xf32, #tpu.memory_space<vmem>>
      %dma_wait3A_742 = tpu.memref_squeeze %dma_wait3A_741 : memref<1x128x128xf32, #tpu.memory_space<vmem>> -> memref<128x128xf32, #tpu.memory_space<vmem>>
      %dma_wait3A_743 = arith.constant 0 : i32
      %dma_wait3A_744 = arith.constant 0 : i32
      %dma_wait3A_745 = tpu.memref_slice %arg3[%dma_wait3A_743, %dma_wait3A_744] : memref<500000x128xf32, #tpu.memory_space<hbm>> -> memref<128x128xf32, #tpu.memory_space<hbm>>
      tpu.wait_dma2 semaphore(%arg10 : memref<!tpu.dma_semaphore, #tpu.memory_space<semaphore_mem>>) src(%dma_wait3A_745 : memref<128x128xf32, #tpu.memory_space<hbm>>) dst(%dma_wait3A_742 : memref<128x128xf32, #tpu.memory_space<vmem>>)
      %dma_wait3A_746 = arith.constant 0 : i32
      %dma_wait3A_747 = arith.constant 1 : i32
      %dma_wait3A_748 = arith.constant 0 : i32
      %dma_wait3A_749 = tpu.memref_slice %arg5[%dma_wait3A_747, %dma_wait3A_748] : memref<2x128xi32, #tpu.memory_space<vmem>> -> memref<1x128xi32, #tpu.memory_space<vmem>>
      %dma_wait3A_750 = tpu.memref_squeeze %dma_wait3A_749 : memref<1x128xi32, #tpu.memory_space<vmem>> -> memref<128xi32, #tpu.memory_space<vmem>>
      %dma_wait3A_751 = arith.constant 0 : i32
      %dma_wait3A_752 = tpu.memref_slice %arg2[%dma_wait3A_746, %dma_wait3A_751] : memref<50x16384xi32, #tpu.memory_space<hbm>> -> memref<1x128xi32, #tpu.memory_space<hbm>>
      %dma_wait3A_753 = tpu.memref_squeeze %dma_wait3A_752 : memref<1x128xi32, #tpu.memory_space<hbm>> -> memref<128xi32, #tpu.memory_space<hbm>>
      %dma_wait3A_754 = arith.constant 0 : i32
      %dma_wait3A_755 = tpu.memref_slice %arg5[%dma_wait3A_747, %dma_wait3A_754] : memref<2x128xi32, #tpu.memory_space<vmem>> -> memref<1x128xi32, #tpu.memory_space<vmem>>
      %dma_wait3A_756 = tpu.memref_squeeze %dma_wait3A_755 : memref<1x128xi32, #tpu.memory_space<vmem>> -> memref<128xi32, #tpu.memory_space<vmem>>
      %dma_wait3A_757 = arith.constant 0 : i32
      %dma_wait3A_758 = tpu.memref_slice %arg2[%dma_wait3A_746, %dma_wait3A_757] : memref<50x16384xi32, #tpu.memory_space<hbm>> -> memref<1x128xi32, #tpu.memory_space<hbm>>
      %dma_wait3A_759 = tpu.memref_squeeze %dma_wait3A_758 : memref<1x128xi32, #tpu.memory_space<hbm>> -> memref<128xi32, #tpu.memory_space<hbm>>
      tpu.wait_dma2 semaphore(%arg12 : memref<!tpu.dma_semaphore, #tpu.memory_space<semaphore_mem>>) src(%dma_wait3A_759 : memref<128xi32, #tpu.memory_space<hbm>>) dst(%dma_wait3A_756 : memref<128xi32, #tpu.memory_space<vmem>>)
      %get3A_760 = arith.constant 1 : i32
      %get3A_761 = arith.constant 0 : i32
      %get3A_762 = tpu.memref_slice %arg5[%get3A_760, %get3A_761] : memref<2x128xi32, #tpu.memory_space<vmem>> -> memref<1x128xi32, #tpu.memory_space<vmem>>
      %get3A_763 = tpu.memref_squeeze %get3A_762 : memref<1x128xi32, #tpu.memory_space<vmem>> -> memref<128xi32, #tpu.memory_space<vmem>>
      %get3A_764 = arith.constant 0 : index
      %get3A_765 = tpu.vector_load %get3A_763[%get3A_764] {strides = array<i32>} : memref<128xi32, #tpu.memory_space<vmem>>, vector<16xi32>,
      %shift_right_logical3A_766 = arith.constant 1 : i32
      %shift_right_logical3A_767 = vector.broadcast %shift_right_logical3A_766 : i32 to vector<16xi32>
      %shift_right_logical3A_768 = arith.shrui %get3A_765, %shift_right_logical3A_767 : vector<16xi32>
      %swap3A_769 = arith.constant 1 : i32
      %swap3A_770 = arith.constant 0 : i32
      %swap3A_771 = tpu.memref_slice %arg7[%swap3A_769, %swap3A_770] : memref<2x128xi32, #tpu.memory_space<vmem>> -> memref<1x128xi32, #tpu.memory_space<vmem>>
      %swap3A_772 = tpu.memref_squeeze %swap3A_771 : memref<1x128xi32, #tpu.memory_space<vmem>> -> memref<128xi32, #tpu.memory_space<vmem>>
      %swap3A_773 = arith.constant 0 : index
      %swap3A_774 = tpu.vector_load %swap3A_772[%swap3A_773] {strides = array<i32>} : memref<128xi32, #tpu.memory_space<vmem>>, vector<16xi32>,
      tpu.vector_store %swap3A_772[%swap3A_773], %shift_right_logical3A_768 {strides = array<i32>} : memref<128xi32, #tpu.memory_space<vmem>>, vector<16xi32>,
      %and3A_775 = arith.constant 1 : i32
      %and3A_776 = vector.broadcast %and3A_775 : i32 to vector<16xi32>
      %and3A_777 = arith.andi %get3A_765, %and3A_776 : vector<16xi32>
      %shift_left3A_778 = arith.constant 6 : i32
      %shift_left3A_779 = vector.broadcast %shift_left3A_778 : i32 to vector<16xi32>
      %shift_left3A_780 = arith.shli %and3A_777, %shift_left3A_779 : vector<16xi32>
      %swap3A_781 = arith.constant 1 : i32
      %swap3A_782 = arith.constant 0 : i32
      %swap3A_783 = tpu.memref_slice %arg9[%swap3A_781, %swap3A_782] : memref<2x128xi32, #tpu.memory_space<vmem>> -> memref<1x128xi32, #tpu.memory_space<vmem>>
      %swap3A_784 = tpu.memref_squeeze %swap3A_783 : memref<1x128xi32, #tpu.memory_space<vmem>> -> memref<128xi32, #tpu.memory_space<vmem>>
      %swap3A_785 = arith.constant 0 : index
      %swap3A_786 = tpu.vector_load %swap3A_784[%swap3A_785] {strides = array<i32>} : memref<128xi32, #tpu.memory_space<vmem>>, vector<16xi32>,
      tpu.vector_store %swap3A_784[%swap3A_785], %shift_left3A_780 {strides = array<i32>} : memref<128xi32, #tpu.memory_space<vmem>>, vector<16xi32>,
      %get3A_787 = arith.constant 1 : i32
      %get3A_788 = arith.constant 0 : i32
      %get3A_789 = tpu.memref_slice %arg5[%get3A_787, %get3A_788] : memref<2x128xi32, #tpu.memory_space<vmem>> -> memref<1x128xi32, #tpu.memory_space<vmem>>
      %get3A_790 = tpu.memref_squeeze %get3A_789 : memref<1x128xi32, #tpu.memory_space<vmem>> -> memref<128xi32, #tpu.memory_space<vmem>>
      %get3A_791 = arith.constant 16 : index
      %get3A_792 = tpu.vector_load %get3A_790[%get3A_791] {strides = array<i32>} : memref<128xi32, #tpu.memory_space<vmem>>, vector<16xi32>,
      %shift_right_logical3A_793 = arith.constant 1 : i32
      %shift_right_logical3A_794 = vector.broadcast %shift_right_logical3A_793 : i32 to vector<16xi32>
      %shift_right_logical3A_795 = arith.shrui %get3A_792, %shift_right_logical3A_794 : vector<16xi32>
      %swap3A_796 = arith.constant 1 : i32
      %swap3A_797 = arith.constant 0 : i32
      %swap3A_798 = tpu.memref_slice %arg7[%swap3A_796, %swap3A_797] : memref<2x128xi32, #tpu.memory_space<vmem>> -> memref<1x128xi32, #tpu.memory_space<vmem>>
      %swap3A_799 = tpu.memref_squeeze %swap3A_798 : memref<1x128xi32, #tpu.memory_space<vmem>> -> memref<128xi32, #tpu.memory_space<vmem>>
      %swap3A_800 = arith.constant 16 : index
      %swap3A_801 = tpu.vector_load %swap3A_799[%swap3A_800] {strides = array<i32>} : memref<128xi32, #tpu.memory_space<vmem>>, vector<16xi32>,
      tpu.vector_store %swap3A_799[%swap3A_800], %shift_right_logical3A_795 {strides = array<i32>} : memref<128xi32, #tpu.memory_space<vmem>>, vector<16xi32>,
      %and3A_802 = arith.constant 1 : i32
      %and3A_803 = vector.broadcast %and3A_802 : i32 to vector<16xi32>
      %and3A_804 = arith.andi %get3A_792, %and3A_803 : vector<16xi32>
      %shift_left3A_805 = arith.constant 6 : i32
      %shift_left3A_806 = vector.broadcast %shift_left3A_805 : i32 to vector<16xi32>
      %shift_left3A_807 = arith.shli %and3A_804, %shift_left3A_806 : vector<16xi32>
      %swap3A_808 = arith.constant 1 : i32
      %swap3A_809 = arith.constant 0 : i32
      %swap3A_810 = tpu.memref_slice %arg9[%swap3A_808, %swap3A_809] : memref<2x128xi32, #tpu.memory_space<vmem>> -> memref<1x128xi32, #tpu.memory_space<vmem>>
      %swap3A_811 = tpu.memref_squeeze %swap3A_810 : memref<1x128xi32, #tpu.memory_space<vmem>> -> memref<128xi32, #tpu.memory_space<vmem>>
      %swap3A_812 = arith.constant 16 : index
      %swap3A_813 = tpu.vector_load %swap3A_811[%swap3A_812] {strides = array<i32>} : memref<128xi32, #tpu.memory_space<vmem>>, vector<16xi32>,
      tpu.vector_store %swap3A_811[%swap3A_812], %shift_left3A_807 {strides = array<i32>} : memref<128xi32, #tpu.memory_space<vmem>>, vector<16xi32>,
      %get3A_814 = arith.constant 1 : i32
      %get3A_815 = arith.constant 0 : i32
      %get3A_816 = tpu.memref_slice %arg5[%get3A_814, %get3A_815] : memref<2x128xi32, #tpu.memory_space<vmem>> -> memref<1x128xi32, #tpu.memory_space<vmem>>
      %get3A_817 = tpu.memref_squeeze %get3A_816 : memref<1x128xi32, #tpu.memory_space<vmem>> -> memref<128xi32, #tpu.memory_space<vmem>>
      %get3A_818 = arith.constant 32 : index
      %get3A_819 = tpu.vector_load %get3A_817[%get3A_818] {strides = array<i32>} : memref<128xi32, #tpu.memory_space<vmem>>, vector<16xi32>,
      %shift_right_logical3A_820 = arith.constant 1 : i32
      %shift_right_logical3A_821 = vector.broadcast %shift_right_logical3A_820 : i32 to vector<16xi32>
      %shift_right_logical3A_822 = arith.shrui %get3A_819, %shift_right_logical3A_821 : vector<16xi32>
      %swap3A_823 = arith.constant 1 : i32
      %swap3A_824 = arith.constant 0 : i32
      %swap3A_825 = tpu.memref_slice %arg7[%swap3A_823, %swap3A_824] : memref<2x128xi32, #tpu.memory_space<vmem>> -> memref<1x128xi32, #tpu.memory_space<vmem>>
      %swap3A_826 = tpu.memref_squeeze %swap3A_825 : memref<1x128xi32, #tpu.memory_space<vmem>> -> memref<128xi32, #tpu.memory_space<vmem>>
      %swap3A_827 = arith.constant 32 : index
      %swap3A_828 = tpu.vector_load %swap3A_826[%swap3A_827] {strides = array<i32>} : memref<128xi32, #tpu.memory_space<vmem>>, vector<16xi32>,
      tpu.vector_store %swap3A_826[%swap3A_827], %shift_right_logical3A_822 {strides = array<i32>} : memref<128xi32, #tpu.memory_space<vmem>>, vector<16xi32>,
      %and3A_829 = arith.constant 1 : i32
      %and3A_830 = vector.broadcast %and3A_829 : i32 to vector<16xi32>
      %and3A_831 = arith.andi %get3A_819, %and3A_830 : vector<16xi32>
      %shift_left3A_832 = arith.constant 6 : i32
      %shift_left3A_833 = vector.broadcast %shift_left3A_832 : i32 to vector<16xi32>
      %shift_left3A_834 = arith.shli %and3A_831, %shift_left3A_833 : vector<16xi32>
      %swap3A_835 = arith.constant 1 : i32
      %swap3A_836 = arith.constant 0 : i32
      %swap3A_837 = tpu.memref_slice %arg9[%swap3A_835, %swap3A_836] : memref<2x128xi32, #tpu.memory_space<vmem>> -> memref<1x128xi32, #tpu.memory_space<vmem>>
      %swap3A_838 = tpu.memref_squeeze %swap3A_837 : memref<1x128xi32, #tpu.memory_space<vmem>> -> memref<128xi32, #tpu.memory_space<vmem>>
      %swap3A_839 = arith.constant 32 : index
      %swap3A_840 = tpu.vector_load %swap3A_838[%swap3A_839] {strides = array<i32>} : memref<128xi32, #tpu.memory_space<vmem>>, vector<16xi32>,
      tpu.vector_store %swap3A_838[%swap3A_839], %shift_left3A_834 {strides = array<i32>} : memref<128xi32, #tpu.memory_space<vmem>>, vector<16xi32>,
      %get3A_841 = arith.constant 1 : i32
      %get3A_842 = arith.constant 0 : i32
      %get3A_843 = tpu.memref_slice %arg5[%get3A_841, %get3A_842] : memref<2x128xi32, #tpu.memory_space<vmem>> -> memref<1x128xi32, #tpu.memory_space<vmem>>
      %get3A_844 = tpu.memref_squeeze %get3A_843 : memref<1x128xi32, #tpu.memory_space<vmem>> -> memref<128xi32, #tpu.memory_space<vmem>>
      %get3A_845 = arith.constant 48 : index
      %get3A_846 = tpu.vector_load %get3A_844[%get3A_845] {strides = array<i32>} : memref<128xi32, #tpu.memory_space<vmem>>, vector<16xi32>,
      %shift_right_logical3A_847 = arith.constant 1 : i32
      %shift_right_logical3A_848 = vector.broadcast %shift_right_logical3A_847 : i32 to vector<16xi32>
      %shift_right_logical3A_849 = arith.shrui %get3A_846, %shift_right_logical3A_848 : vector<16xi32>
      %swap3A_850 = arith.constant 1 : i32
      %swap3A_851 = arith.constant 0 : i32
      %swap3A_852 = tpu.memref_slice %arg7[%swap3A_850, %swap3A_851] : memref<2x128xi32, #tpu.memory_space<vmem>> -> memref<1x128xi32, #tpu.memory_space<vmem>>
      %swap3A_853 = tpu.memref_squeeze %swap3A_852 : memref<1x128xi32, #tpu.memory_space<vmem>> -> memref<128xi32, #tpu.memory_space<vmem>>
      %swap3A_854 = arith.constant 48 : index
      %swap3A_855 = tpu.vector_load %swap3A_853[%swap3A_854] {strides = array<i32>} : memref<128xi32, #tpu.memory_space<vmem>>, vector<16xi32>,
      tpu.vector_store %swap3A_853[%swap3A_854], %shift_right_logical3A_849 {strides = array<i32>} : memref<128xi32, #tpu.memory_space<vmem>>, vector<16xi32>,
      %and3A_856 = arith.constant 1 : i32
      %and3A_857 = vector.broadcast %and3A_856 : i32 to vector<16xi32>
      %and3A_858 = arith.andi %get3A_846, %and3A_857 : vector<16xi32>
      %shift_left3A_859 = arith.constant 6 : i32
      %shift_left3A_860 = vector.broadcast %shift_left3A_859 : i32 to vector<16xi32>
      %shift_left3A_861 = arith.shli %and3A_858, %shift_left3A_860 : vector<16xi32>
      %swap3A_862 = arith.constant 1 : i32
      %swap3A_863 = arith.constant 0 : i32
      %swap3A_864 = tpu.memref_slice %arg9[%swap3A_862, %swap3A_863] : memref<2x128xi32, #tpu.memory_space<vmem>> -> memref<1x128xi32, #tpu.memory_space<vmem>>
      %swap3A_865 = tpu.memref_squeeze %swap3A_864 : memref<1x128xi32, #tpu.memory_space<vmem>> -> memref<128xi32, #tpu.memory_space<vmem>>
      %swap3A_866 = arith.constant 48 : index
      %swap3A_867 = tpu.vector_load %swap3A_865[%swap3A_866] {strides = array<i32>} : memref<128xi32, #tpu.memory_space<vmem>>, vector<16xi32>,
      tpu.vector_store %swap3A_865[%swap3A_866], %shift_left3A_861 {strides = array<i32>} : memref<128xi32, #tpu.memory_space<vmem>>, vector<16xi32>,
      %get3A_868 = arith.constant 1 : i32
      %get3A_869 = arith.constant 0 : i32
      %get3A_870 = tpu.memref_slice %arg5[%get3A_868, %get3A_869] : memref<2x128xi32, #tpu.memory_space<vmem>> -> memref<1x128xi32, #tpu.memory_space<vmem>>
      %get3A_871 = tpu.memref_squeeze %get3A_870 : memref<1x128xi32, #tpu.memory_space<vmem>> -> memref<128xi32, #tpu.memory_space<vmem>>
      %get3A_872 = arith.constant 64 : index
      %get3A_873 = tpu.vector_load %get3A_871[%get3A_872] {strides = array<i32>} : memref<128xi32, #tpu.memory_space<vmem>>, vector<16xi32>,
      %shift_right_logical3A_874 = arith.constant 1 : i32
      %shift_right_logical3A_875 = vector.broadcast %shift_right_logical3A_874 : i32 to vector<16xi32>
      %shift_right_logical3A_876 = arith.shrui %get3A_873, %shift_right_logical3A_875 : vector<16xi32>
      %swap3A_877 = arith.constant 1 : i32
      %swap3A_878 = arith.constant 0 : i32
      %swap3A_879 = tpu.memref_slice %arg7[%swap3A_877, %swap3A_878] : memref<2x128xi32, #tpu.memory_space<vmem>> -> memref<1x128xi32, #tpu.memory_space<vmem>>
      %swap3A_880 = tpu.memref_squeeze %swap3A_879 : memref<1x128xi32, #tpu.memory_space<vmem>> -> memref<128xi32, #tpu.memory_space<vmem>>
      %swap3A_881 = arith.constant 64 : index
      %swap3A_882 = tpu.vector_load %swap3A_880[%swap3A_881] {strides = array<i32>} : memref<128xi32, #tpu.memory_space<vmem>>, vector<16xi32>,
      tpu.vector_store %swap3A_880[%swap3A_881], %shift_right_logical3A_876 {strides = array<i32>} : memref<128xi32, #tpu.memory_space<vmem>>, vector<16xi32>,
      %and3A_883 = arith.constant 1 : i32
      %and3A_884 = vector.broadcast %and3A_883 : i32 to vector<16xi32>
      %and3A_885 = arith.andi %get3A_873, %and3A_884 : vector<16xi32>
      %shift_left3A_886 = arith.constant 6 : i32
      %shift_left3A_887 = vector.broadcast %shift_left3A_886 : i32 to vector<16xi32>
      %shift_left3A_888 = arith.shli %and3A_885, %shift_left3A_887 : vector<16xi32>
      %swap3A_889 = arith.constant 1 : i32
      %swap3A_890 = arith.constant 0 : i32
      %swap3A_891 = tpu.memref_slice %arg9[%swap3A_889, %swap3A_890] : memref<2x128xi32, #tpu.memory_space<vmem>> -> memref<1x128xi32, #tpu.memory_space<vmem>>
      %swap3A_892 = tpu.memref_squeeze %swap3A_891 : memref<1x128xi32, #tpu.memory_space<vmem>> -> memref<128xi32, #tpu.memory_space<vmem>>
      %swap3A_893 = arith.constant 64 : index
      %swap3A_894 = tpu.vector_load %swap3A_892[%swap3A_893] {strides = array<i32>} : memref<128xi32, #tpu.memory_space<vmem>>, vector<16xi32>,
      tpu.vector_store %swap3A_892[%swap3A_893], %shift_left3A_888 {strides = array<i32>} : memref<128xi32, #tpu.memory_space<vmem>>, vector<16xi32>,
      %get3A_895 = arith.constant 1 : i32
      %get3A_896 = arith.constant 0 : i32
      %get3A_897 = tpu.memref_slice %arg5[%get3A_895, %get3A_896] : memref<2x128xi32, #tpu.memory_space<vmem>> -> memref<1x128xi32, #tpu.memory_space<vmem>>
      %get3A_898 = tpu.memref_squeeze %get3A_897 : memref<1x128xi32, #tpu.memory_space<vmem>> -> memref<128xi32, #tpu.memory_space<vmem>>
      %get3A_899 = arith.constant 80 : index
      %get3A_900 = tpu.vector_load %get3A_898[%get3A_899] {strides = array<i32>} : memref<128xi32, #tpu.memory_space<vmem>>, vector<16xi32>,
      %shift_right_logical3A_901 = arith.constant 1 : i32
      %shift_right_logical3A_902 = vector.broadcast %shift_right_logical3A_901 : i32 to vector<16xi32>
      %shift_right_logical3A_903 = arith.shrui %get3A_900, %shift_right_logical3A_902 : vector<16xi32>
      %swap3A_904 = arith.constant 1 : i32
      %swap3A_905 = arith.constant 0 : i32
      %swap3A_906 = tpu.memref_slice %arg7[%swap3A_904, %swap3A_905] : memref<2x128xi32, #tpu.memory_space<vmem>> -> memref<1x128xi32, #tpu.memory_space<vmem>>
      %swap3A_907 = tpu.memref_squeeze %swap3A_906 : memref<1x128xi32, #tpu.memory_space<vmem>> -> memref<128xi32, #tpu.memory_space<vmem>>
      %swap3A_908 = arith.constant 80 : index
      %swap3A_909 = tpu.vector_load %swap3A_907[%swap3A_908] {strides = array<i32>} : memref<128xi32, #tpu.memory_space<vmem>>, vector<16xi32>,
      tpu.vector_store %swap3A_907[%swap3A_908], %shift_right_logical3A_903 {strides = array<i32>} : memref<128xi32, #tpu.memory_space<vmem>>, vector<16xi32>,
      %and3A_910 = arith.constant 1 : i32
      %and3A_911 = vector.broadcast %and3A_910 : i32 to vector<16xi32>
      %and3A_912 = arith.andi %get3A_900, %and3A_911 : vector<16xi32>
      %shift_left3A_913 = arith.constant 6 : i32
      %shift_left3A_914 = vector.broadcast %shift_left3A_913 : i32 to vector<16xi32>
      %shift_left3A_915 = arith.shli %and3A_912, %shift_left3A_914 : vector<16xi32>
      %swap3A_916 = arith.constant 1 : i32
      %swap3A_917 = arith.constant 0 : i32
      %swap3A_918 = tpu.memref_slice %arg9[%swap3A_916, %swap3A_917] : memref<2x128xi32, #tpu.memory_space<vmem>> -> memref<1x128xi32, #tpu.memory_space<vmem>>
      %swap3A_919 = tpu.memref_squeeze %swap3A_918 : memref<1x128xi32, #tpu.memory_space<vmem>> -> memref<128xi32, #tpu.memory_space<vmem>>
      %swap3A_920 = arith.constant 80 : index
      %swap3A_921 = tpu.vector_load %swap3A_919[%swap3A_920] {strides = array<i32>} : memref<128xi32, #tpu.memory_space<vmem>>, vector<16xi32>,
      tpu.vector_store %swap3A_919[%swap3A_920], %shift_left3A_915 {strides = array<i32>} : memref<128xi32, #tpu.memory_space<vmem>>, vector<16xi32>,
      %get3A_922 = arith.constant 1 : i32
      %get3A_923 = arith.constant 0 : i32
      %get3A_924 = tpu.memref_slice %arg5[%get3A_922, %get3A_923] : memref<2x128xi32, #tpu.memory_space<vmem>> -> memref<1x128xi32, #tpu.memory_space<vmem>>
      %get3A_925 = tpu.memref_squeeze %get3A_924 : memref<1x128xi32, #tpu.memory_space<vmem>> -> memref<128xi32, #tpu.memory_space<vmem>>
      %get3A_926 = arith.constant 96 : index
      %get3A_927 = tpu.vector_load %get3A_925[%get3A_926] {strides = array<i32>} : memref<128xi32, #tpu.memory_space<vmem>>, vector<16xi32>,
      %shift_right_logical3A_928 = arith.constant 1 : i32
      %shift_right_logical3A_929 = vector.broadcast %shift_right_logical3A_928 : i32 to vector<16xi32>
      %shift_right_logical3A_930 = arith.shrui %get3A_927, %shift_right_logical3A_929 : vector<16xi32>
      %swap3A_931 = arith.constant 1 : i32
      %swap3A_932 = arith.constant 0 : i32
      %swap3A_933 = tpu.memref_slice %arg7[%swap3A_931, %swap3A_932] : memref<2x128xi32, #tpu.memory_space<vmem>> -> memref<1x128xi32, #tpu.memory_space<vmem>>
      %swap3A_934 = tpu.memref_squeeze %swap3A_933 : memref<1x128xi32, #tpu.memory_space<vmem>> -> memref<128xi32, #tpu.memory_space<vmem>>
      %swap3A_935 = arith.constant 96 : index
      %swap3A_936 = tpu.vector_load %swap3A_934[%swap3A_935] {strides = array<i32>} : memref<128xi32, #tpu.memory_space<vmem>>, vector<16xi32>,
      tpu.vector_store %swap3A_934[%swap3A_935], %shift_right_logical3A_930 {strides = array<i32>} : memref<128xi32, #tpu.memory_space<vmem>>, vector<16xi32>,
      %and3A_937 = arith.constant 1 : i32
      %and3A_938 = vector.broadcast %and3A_937 : i32 to vector<16xi32>
      %and3A_939 = arith.andi %get3A_927, %and3A_938 : vector<16xi32>
      %shift_left3A_940 = arith.constant 6 : i32
      %shift_left3A_941 = vector.broadcast %shift_left3A_940 : i32 to vector<16xi32>
      %shift_left3A_942 = arith.shli %and3A_939, %shift_left3A_941 : vector<16xi32>
      %swap3A_943 = arith.constant 1 : i32
      %swap3A_944 = arith.constant 0 : i32
      %swap3A_945 = tpu.memref_slice %arg9[%swap3A_943, %swap3A_944] : memref<2x128xi32, #tpu.memory_space<vmem>> -> memref<1x128xi32, #tpu.memory_space<vmem>>
      %swap3A_946 = tpu.memref_squeeze %swap3A_945 : memref<1x128xi32, #tpu.memory_space<vmem>> -> memref<128xi32, #tpu.memory_space<vmem>>
      %swap3A_947 = arith.constant 96 : index
      %swap3A_948 = tpu.vector_load %swap3A_946[%swap3A_947] {strides = array<i32>} : memref<128xi32, #tpu.memory_space<vmem>>, vector<16xi32>,
      tpu.vector_store %swap3A_946[%swap3A_947], %shift_left3A_942 {strides = array<i32>} : memref<128xi32, #tpu.memory_space<vmem>>, vector<16xi32>,
      %get3A_949 = arith.constant 1 : i32
      %get3A_950 = arith.constant 0 : i32
      %get3A_951 = tpu.memref_slice %arg5[%get3A_949, %get3A_950] : memref<2x128xi32, #tpu.memory_space<vmem>> -> memref<1x128xi32, #tpu.memory_space<vmem>>
      %get3A_952 = tpu.memref_squeeze %get3A_951 : memref<1x128xi32, #tpu.memory_space<vmem>> -> memref<128xi32, #tpu.memory_space<vmem>>
      %get3A_953 = arith.constant 112 : index
      %get3A_954 = tpu.vector_load %get3A_952[%get3A_953] {strides = array<i32>} : memref<128xi32, #tpu.memory_space<vmem>>, vector<16xi32>,
      %shift_right_logical3A_955 = arith.constant 1 : i32
      %shift_right_logical3A_956 = vector.broadcast %shift_right_logical3A_955 : i32 to vector<16xi32>
      %shift_right_logical3A_957 = arith.shrui %get3A_954, %shift_right_logical3A_956 : vector<16xi32>
      %swap3A_958 = arith.constant 1 : i32
      %swap3A_959 = arith.constant 0 : i32
      %swap3A_960 = tpu.memref_slice %arg7[%swap3A_958, %swap3A_959] : memref<2x128xi32, #tpu.memory_space<vmem>> -> memref<1x128xi32, #tpu.memory_space<vmem>>
      %swap3A_961 = tpu.memref_squeeze %swap3A_960 : memref<1x128xi32, #tpu.memory_space<vmem>> -> memref<128xi32, #tpu.memory_space<vmem>>
      %swap3A_962 = arith.constant 112 : index
      %swap3A_963 = tpu.vector_load %swap3A_961[%swap3A_962] {strides = array<i32>} : memref<128xi32, #tpu.memory_space<vmem>>, vector<16xi32>,
      tpu.vector_store %swap3A_961[%swap3A_962], %shift_right_logical3A_957 {strides = array<i32>} : memref<128xi32, #tpu.memory_space<vmem>>, vector<16xi32>,
      %and3A_964 = arith.constant 1 : i32
      %and3A_965 = vector.broadcast %and3A_964 : i32 to vector<16xi32>
      %and3A_966 = arith.andi %get3A_954, %and3A_965 : vector<16xi32>
      %shift_left3A_967 = arith.constant 6 : i32
      %shift_left3A_968 = vector.broadcast %shift_left3A_967 : i32 to vector<16xi32>
      %shift_left3A_969 = arith.shli %and3A_966, %shift_left3A_968 : vector<16xi32>
      %swap3A_970 = arith.constant 1 : i32
      %swap3A_971 = arith.constant 0 : i32
      %swap3A_972 = tpu.memref_slice %arg9[%swap3A_970, %swap3A_971] : memref<2x128xi32, #tpu.memory_space<vmem>> -> memref<1x128xi32, #tpu.memory_space<vmem>>
      %swap3A_973 = tpu.memref_squeeze %swap3A_972 : memref<1x128xi32, #tpu.memory_space<vmem>> -> memref<128xi32, #tpu.memory_space<vmem>>
      %swap3A_974 = arith.constant 112 : index
      %swap3A_975 = tpu.vector_load %swap3A_973[%swap3A_974] {strides = array<i32>} : memref<128xi32, #tpu.memory_space<vmem>>, vector<16xi32>,
      tpu.vector_store %swap3A_973[%swap3A_974], %shift_left3A_969 {strides = array<i32>} : memref<128xi32, #tpu.memory_space<vmem>>, vector<16xi32>,
      %dma_start3A_976 = arith.constant 1 : i32
      %dma_start3A_977 = arith.constant 1 : i32
      %dma_start3A_978 = arith.constant 0 : i32
      %dma_start3A_979 = arith.constant 0 : i32
      %dma_start3A_980 = tpu.memref_slice %arg6[%dma_start3A_977, %dma_start3A_978, %dma_start3A_979] : memref<2x128x128xf32, #tpu.memory_space<vmem>> -> memref<1x128x128xf32, #tpu.memory_space<vmem>>
      %dma_start3A_981 = tpu.memref_squeeze %dma_start3A_980 : memref<1x128x128xf32, #tpu.memory_space<vmem>> -> memref<128x128xf32, #tpu.memory_space<vmem>>
      %dma_start3A_982 = arith.constant 0 : i32
      %dma_start3A_983 = tpu.memref_slice %arg7[%dma_start3A_976, %dma_start3A_982] : memref<2x128xi32, #tpu.memory_space<vmem>> -> memref<1x128xi32, #tpu.memory_space<vmem>>
      %dma_start3A_984 = tpu.memref_squeeze %dma_start3A_983 : memref<1x128xi32, #tpu.memory_space<vmem>> -> memref<128xi32, #tpu.memory_space<vmem>>
      %dma_start3A_985 = arith.constant 0 : i32
      %dma_start3A_986 = arith.constant 0 : i32
      %dma_start3A_987 = tpu.memref_slice %arg3[%dma_start3A_985, %dma_start3A_986] : memref<500000x128xf32, #tpu.memory_space<hbm>> -> memref<500000x128xf32, #tpu.memory_space<hbm>>
      tpu.enqueue_indirect_dma source(%dma_start3A_987 : memref<500000x128xf32, #tpu.memory_space<hbm>>) target(%dma_start3A_981 : memref<128x128xf32, #tpu.memory_space<vmem>>) offsets(%dma_start3A_984 : memref<128xi32, #tpu.memory_space<vmem>>) semaphore(%arg10 : memref<!tpu.dma_semaphore, #tpu.memory_space<semaphore_mem>>)
      %add3A_988 = arith.constant 2 : i32
      %add3A_989 = arith.addi %add3A_729, %add3A_988 : i32
      %lt3A_990 = arith.constant 200 : i32
      %lt3A_991 = arith.cmpi slt, %add3A_989, %lt3A_990 : i32
      %convert_element_type3A = arith.extui %lt3A_991 : i1 to i32
      %cond3A = arith.constant 0 : i32
      %cond3A_992 = arith.cmpi ne, %convert_element_type3A, %cond3A : i32
      scf.if %cond3A_992 {
        %add3A_1634 = arith.constant 2 : i32
        %add3A_1635 = arith.addi %add3A_730, %add3A_1634 : i32
        %jit3A_1636 = arith.constant 128 : i32
        %div3A_1637 = arith.divsi %add3A_1635, %jit3A_1636 : i32
        %sign3A_1638 = arith.constant 0 : i32
        %sign3A_1639 = arith.cmpi sgt, %add3A_1635, %sign3A_1638 : i32
        %sign3A_1640 = arith.extui %sign3A_1639 : i1 to i32
        %sign3A_1641 = arith.constant 0 : i32
        %sign3A_1642 = arith.cmpi slt, %add3A_1635, %sign3A_1641 : i32
        %sign3A_1643 = arith.extui %sign3A_1642 : i1 to i32
        %sign3A_1644 = arith.subi %sign3A_1640, %sign3A_1643 : i32
        %sign3A_1645 = arith.constant 0 : i32
        %sign3A_1646 = arith.cmpi sgt, %jit3A_1636, %sign3A_1645 : i32
        %sign3A_1647 = arith.extui %sign3A_1646 : i1 to i32
        %sign3A_1648 = arith.constant 0 : i32
        %sign3A_1649 = arith.cmpi slt, %jit3A_1636, %sign3A_1648 : i32
        %sign3A_1650 = arith.extui %sign3A_1649 : i1 to i32
        %sign3A_1651 = arith.subi %sign3A_1647, %sign3A_1650 : i32
        %ne3A_1652 = arith.cmpi ne, %sign3A_1644, %sign3A_1651 : i32
        %rem3A_1653 = arith.remsi %add3A_1635, %jit3A_1636 : i32
        %ne3A_1654 = arith.constant 0 : i32
        %ne3A_1655 = arith.cmpi ne, %rem3A_1653, %ne3A_1654 : i32
        %and3A_1656 = arith.andi %ne3A_1652, %ne3A_1655 : i1
        %sub3A_1657 = arith.constant 1 : i32
        %sub3A_1658 = arith.subi %div3A_1637, %sub3A_1657 : i32
        %select_n3A_1659 = arith.select %and3A_1656, %sub3A_1658, %div3A_1637 : i32
        %jit3A_1660 = arith.constant 128 : i32
        %eq3A_1661 = arith.constant 0 : i32
        %eq3A_1662 = arith.cmpi eq, %jit3A_1660, %eq3A_1661 : i32
        %jit3A_1663 = arith.constant 1 : i32
        %select_n3A_1664 = arith.select %eq3A_1662, %jit3A_1663, %jit3A_1660 : i32
        %rem3A_1665 = arith.remsi %add3A_1635, %select_n3A_1664 : i32
        %ne3A_1666 = arith.constant 0 : i32
        %ne3A_1667 = arith.cmpi ne, %rem3A_1665, %ne3A_1666 : i32
        %lt3A_1668 = arith.constant 0 : i32
        %lt3A_1669 = arith.cmpi slt, %rem3A_1665, %lt3A_1668 : i32
        %lt3A_1670 = arith.constant 0 : i32
        %lt3A_1671 = arith.cmpi slt, %select_n3A_1664, %lt3A_1670 : i32
        %ne3A_1672 = arith.xori %lt3A_1669, %lt3A_1671 : i1
        %and3A_1673 = arith.andi %ne3A_1672, %ne3A_1667 : i1
        %add3A_1674 = arith.addi %rem3A_1665, %select_n3A_1664 : i32
        %select_n3A_1675 = arith.select %and3A_1673, %add3A_1674, %rem3A_1665 : i32
        %mul3A_1676 = arith.constant 128 : i32
        %mul3A_1677 = arith.muli %select_n3A_1675, %mul3A_1676 : i32
        %dma_start3A_1678 = arith.constant 0 : i32
        %dma_start3A_1679 = arith.constant 0 : i32
        %dma_start3A_1680 = tpu.memref_slice %arg5[%dma_start3A_1678, %dma_start3A_1679] : memref<2x128xi32, #tpu.memory_space<vmem>> -> memref<1x128xi32, #tpu.memory_space<vmem>>
        %dma_start3A_1681 = tpu.memref_squeeze %dma_start3A_1680 : memref<1x128xi32, #tpu.memory_space<vmem>> -> memref<128xi32, #tpu.memory_space<vmem>>
        %dma_start3A_1682 = tpu.memref_slice %arg2[%select_n3A_1659, %mul3A_1677] : memref<50x16384xi32, #tpu.memory_space<hbm>> -> memref<1x128xi32, #tpu.memory_space<hbm>>
        %dma_start3A_1683 = tpu.memref_squeeze %dma_start3A_1682 : memref<1x128xi32, #tpu.memory_space<hbm>> -> memref<128xi32, #tpu.memory_space<hbm>>
        %dma_start3A_1684 = arith.constant 0 : i32
        %dma_start3A_1685 = tpu.memref_slice %arg5[%dma_start3A_1678, %dma_start3A_1684] : memref<2x128xi32, #tpu.memory_space<vmem>> -> memref<1x128xi32, #tpu.memory_space<vmem>>
        %dma_start3A_1686 = tpu.memref_squeeze %dma_start3A_1685 : memref<1x128xi32, #tpu.memory_space<vmem>> -> memref<128xi32, #tpu.memory_space<vmem>>
        %dma_start3A_1687 = tpu.memref_slice %arg2[%select_n3A_1659, %mul3A_1677] : memref<50x16384xi32, #tpu.memory_space<hbm>> -> memref<1x128xi32, #tpu.memory_space<hbm>>
        %dma_start3A_1688 = tpu.memref_squeeze %dma_start3A_1687 : memref<1x128xi32, #tpu.memory_space<hbm>> -> memref<128xi32, #tpu.memory_space<hbm>>
        tpu.enqueue_dma source(%dma_start3A_1688 : memref<128xi32, #tpu.memory_space<hbm>>) target(%dma_start3A_1686 : memref<128xi32, #tpu.memory_space<vmem>>) target_semaphore(%arg12 : memref<!tpu.dma_semaphore, #tpu.memory_space<semaphore_mem>>)
      } else {
      }
      %jit3A_993 = arith.constant 128 : i32
      %div3A_994 = arith.divsi %add3A_730, %jit3A_993 : i32
      %sign3A_995 = arith.constant 0 : i32
      %sign3A_996 = arith.cmpi sgt, %add3A_730, %sign3A_995 : i32
      %sign3A_997 = arith.extui %sign3A_996 : i1 to i32
      %sign3A_998 = arith.constant 0 : i32
      %sign3A_999 = arith.cmpi slt, %add3A_730, %sign3A_998 : i32
      %sign3A_1000 = arith.extui %sign3A_999 : i1 to i32
      %sign3A_1001 = arith.subi %sign3A_997, %sign3A_1000 : i32
      %sign3A_1002 = arith.constant 0 : i32
      %sign3A_1003 = arith.cmpi sgt, %jit3A_993, %sign3A_1002 : i32
      %sign3A_1004 = arith.extui %sign3A_1003 : i1 to i32
      %sign3A_1005 = arith.constant 0 : i32
      %sign3A_1006 = arith.cmpi slt, %jit3A_993, %sign3A_1005 : i32
      %sign3A_1007 = arith.extui %sign3A_1006 : i1 to i32
      %sign3A_1008 = arith.subi %sign3A_1004, %sign3A_1007 : i32
      %ne3A_1009 = arith.cmpi ne, %sign3A_1001, %sign3A_1008 : i32
      %rem3A_1010 = arith.remsi %add3A_730, %jit3A_993 : i32
      %ne3A_1011 = arith.constant 0 : i32
      %ne3A_1012 = arith.cmpi ne, %rem3A_1010, %ne3A_1011 : i32
      %and3A_1013 = arith.andi %ne3A_1009, %ne3A_1012 : i1
      %sub3A_1014 = arith.constant 1 : i32
      %sub3A_1015 = arith.subi %div3A_994, %sub3A_1014 : i32
      %select_n3A_1016 = arith.select %and3A_1013, %sub3A_1015, %div3A_994 : i32
      %jit3A_1017 = arith.constant 128 : i32
      %eq3A_1018 = arith.constant 0 : i32
      %eq3A_1019 = arith.cmpi eq, %jit3A_1017, %eq3A_1018 : i32
      %jit3A_1020 = arith.constant 1 : i32
      %select_n3A_1021 = arith.select %eq3A_1019, %jit3A_1020, %jit3A_1017 : i32
      %rem3A_1022 = arith.remsi %add3A_730, %select_n3A_1021 : i32
      %ne3A_1023 = arith.constant 0 : i32
      %ne3A_1024 = arith.cmpi ne, %rem3A_1022, %ne3A_1023 : i32
      %lt3A_1025 = arith.constant 0 : i32
      %lt3A_1026 = arith.cmpi slt, %rem3A_1022, %lt3A_1025 : i32
      %lt3A_1027 = arith.constant 0 : i32
      %lt3A_1028 = arith.cmpi slt, %select_n3A_1021, %lt3A_1027 : i32
      %ne3A_1029 = arith.xori %lt3A_1026, %lt3A_1028 : i1
      %and3A_1030 = arith.andi %ne3A_1029, %ne3A_1024 : i1
      %add3A_1031 = arith.addi %rem3A_1022, %select_n3A_1021 : i32
      %select_n3A_1032 = arith.select %and3A_1030, %add3A_1031, %rem3A_1022 : i32
      %get3A_1033 = arith.constant 0 : i32
      %get3A_1034 = arith.constant 0 : i32
      %get3A_1035 = tpu.memref_slice %arg9[%get3A_1033, %get3A_1034] : memref<2x128xi32, #tpu.memory_space<vmem>> -> memref<1x128xi32, #tpu.memory_space<vmem>>
      %get3A_1036 = tpu.memref_squeeze %get3A_1035 : memref<1x128xi32, #tpu.memory_space<vmem>> -> memref<128xi32, #tpu.memory_space<vmem>>
      %get3A_1037 = arith.constant 0 : index
      %get3A_1038 = tpu.vector_load %get3A_1036[%get3A_1037] {strides = array<i32>} : memref<128xi32, #tpu.memory_space<vmem>>, vector<16xi32>,
      %get3A_1039 = arith.constant 0 : i32
      %get3A_1040 = arith.constant 0 : i32
      %get3A_1041 = tpu.memref_slice %arg9[%get3A_1039, %get3A_1040] : memref<2x128xi32, #tpu.memory_space<vmem>> -> memref<1x128xi32, #tpu.memory_space<vmem>>
      %get3A_1042 = tpu.memref_squeeze %get3A_1041 : memref<1x128xi32, #tpu.memory_space<vmem>> -> memref<128xi32, #tpu.memory_space<vmem>>
      %get3A_1043 = arith.constant 16 : index
      %get3A_1044 = tpu.vector_load %get3A_1042[%get3A_1043] {strides = array<i32>} : memref<128xi32, #tpu.memory_space<vmem>>, vector<16xi32>,
      %get3A_1045 = arith.constant 0 : i32
      %get3A_1046 = arith.constant 0 : i32
      %get3A_1047 = tpu.memref_slice %arg9[%get3A_1045, %get3A_1046] : memref<2x128xi32, #tpu.memory_space<vmem>> -> memref<1x128xi32, #tpu.memory_space<vmem>>
      %get3A_1048 = tpu.memref_squeeze %get3A_1047 : memref<1x128xi32, #tpu.memory_space<vmem>> -> memref<128xi32, #tpu.memory_space<vmem>>
      %get3A_1049 = arith.constant 32 : index
      %get3A_1050 = tpu.vector_load %get3A_1048[%get3A_1049] {strides = array<i32>} : memref<128xi32, #tpu.memory_space<vmem>>, vector<16xi32>,
      %get3A_1051 = arith.constant 0 : i32
      %get3A_1052 = arith.constant 0 : i32
      %get3A_1053 = tpu.memref_slice %arg9[%get3A_1051, %get3A_1052] : memref<2x128xi32, #tpu.memory_space<vmem>> -> memref<1x128xi32, #tpu.memory_space<vmem>>
      %get3A_1054 = tpu.memref_squeeze %get3A_1053 : memref<1x128xi32, #tpu.memory_space<vmem>> -> memref<128xi32, #tpu.memory_space<vmem>>
      %get3A_1055 = arith.constant 48 : index
      %get3A_1056 = tpu.vector_load %get3A_1054[%get3A_1055] {strides = array<i32>} : memref<128xi32, #tpu.memory_space<vmem>>, vector<16xi32>,
      %get3A_1057 = arith.constant 0 : i32
      %get3A_1058 = arith.constant 0 : i32
      %get3A_1059 = tpu.memref_slice %arg9[%get3A_1057, %get3A_1058] : memref<2x128xi32, #tpu.memory_space<vmem>> -> memref<1x128xi32, #tpu.memory_space<vmem>>
      %get3A_1060 = tpu.memref_squeeze %get3A_1059 : memref<1x128xi32, #tpu.memory_space<vmem>> -> memref<128xi32, #tpu.memory_space<vmem>>
      %get3A_1061 = arith.constant 64 : index
      %get3A_1062 = tpu.vector_load %get3A_1060[%get3A_1061] {strides = array<i32>} : memref<128xi32, #tpu.memory_space<vmem>>, vector<16xi32>,
      %get3A_1063 = arith.constant 0 : i32
      %get3A_1064 = arith.constant 0 : i32
      %get3A_1065 = tpu.memref_slice %arg9[%get3A_1063, %get3A_1064] : memref<2x128xi32, #tpu.memory_space<vmem>> -> memref<1x128xi32, #tpu.memory_space<vmem>>
      %get3A_1066 = tpu.memref_squeeze %get3A_1065 : memref<1x128xi32, #tpu.memory_space<vmem>> -> memref<128xi32, #tpu.memory_space<vmem>>
      %get3A_1067 = arith.constant 80 : index
      %get3A_1068 = tpu.vector_load %get3A_1066[%get3A_1067] {strides = array<i32>} : memref<128xi32, #tpu.memory_space<vmem>>, vector<16xi32>,
      %get3A_1069 = arith.constant 0 : i32
      %get3A_1070 = arith.constant 0 : i32
      %get3A_1071 = tpu.memref_slice %arg9[%get3A_1069, %get3A_1070] : memref<2x128xi32, #tpu.memory_space<vmem>> -> memref<1x128xi32, #tpu.memory_space<vmem>>
      %get3A_1072 = tpu.memref_squeeze %get3A_1071 : memref<1x128xi32, #tpu.memory_space<vmem>> -> memref<128xi32, #tpu.memory_space<vmem>>
      %get3A_1073 = arith.constant 96 : index
      %get3A_1074 = tpu.vector_load %get3A_1072[%get3A_1073] {strides = array<i32>} : memref<128xi32, #tpu.memory_space<vmem>>, vector<16xi32>,
      %get3A_1075 = arith.constant 0 : i32
      %get3A_1076 = arith.constant 0 : i32
      %get3A_1077 = tpu.memref_slice %arg9[%get3A_1075, %get3A_1076] : memref<2x128xi32, #tpu.memory_space<vmem>> -> memref<1x128xi32, #tpu.memory_space<vmem>>
      %get3A_1078 = tpu.memref_squeeze %get3A_1077 : memref<1x128xi32, #tpu.memory_space<vmem>> -> memref<128xi32, #tpu.memory_space<vmem>>
      %get3A_1079 = arith.constant 112 : index
      %get3A_1080 = tpu.vector_load %get3A_1078[%get3A_1079] {strides = array<i32>} : memref<128xi32, #tpu.memory_space<vmem>>, vector<16xi32>,
      %add3A_1081 = arith.constant 0 : i32
      %add3A_1082 = vector.broadcast %add3A_1081 : i32 to vector<16xi32>
      %add3A_1083 = arith.addi %iota3A, %add3A_1082 : vector<16xi32>
      %add3A_1084 = arith.constant 16 : i32
      %add3A_1085 = vector.broadcast %add3A_1084 : i32 to vector<16xi32>
      %add3A_1086 = arith.addi %iota3A, %add3A_1085 : vector<16xi32>
      %add3A_1087 = arith.constant 32 : i32
      %add3A_1088 = vector.broadcast %add3A_1087 : i32 to vector<16xi32>
      %add3A_1089 = arith.addi %iota3A, %add3A_1088 : vector<16xi32>
      %add3A_1090 = arith.constant 48 : i32
      %add3A_1091 = vector.broadcast %add3A_1090 : i32 to vector<16xi32>
      %add3A_1092 = arith.addi %iota3A, %add3A_1091 : vector<16xi32>
      %add3A_1093 = arith.constant 64 : i32
      %add3A_1094 = vector.broadcast %add3A_1093 : i32 to vector<16xi32>
      %add3A_1095 = arith.addi %iota3A, %add3A_1094 : vector<16xi32>
      %add3A_1096 = arith.constant 80 : i32
      %add3A_1097 = vector.broadcast %add3A_1096 : i32 to vector<16xi32>
      %add3A_1098 = arith.addi %iota3A, %add3A_1097 : vector<16xi32>
      %add3A_1099 = arith.constant 96 : i32
      %add3A_1100 = vector.broadcast %add3A_1099 : i32 to vector<16xi32>
      %add3A_1101 = arith.addi %iota3A, %add3A_1100 : vector<16xi32>
      %add3A_1102 = arith.constant 112 : i32
      %add3A_1103 = vector.broadcast %add3A_1102 : i32 to vector<16xi32>
      %add3A_1104 = arith.addi %iota3A, %add3A_1103 : vector<16xi32>
      %gt3A = arith.constant 0 : i32
      %gt3A_1105 = arith.cmpi sgt, %add3A_729, %gt3A : i32
      %convert_element_type3A_1106 = arith.extui %gt3A_1105 : i1 to i32
      %cond3A_1107 = arith.constant 0 : i32
      %cond3A_1108 = arith.cmpi ne, %convert_element_type3A_1106, %cond3A_1107 : i32
      scf.if %cond3A_1108 {
        %dma_wait3A_1634 = arith.constant 0 : i32
        %dma_wait3A_1635 = arith.constant 0 : i32
        %dma_wait3A_1636 = arith.constant 0 : i32
        %dma_wait3A_1637 = arith.constant 0 : i32
        %dma_wait3A_1638 = tpu.memref_slice %arg8[%dma_wait3A_1634, %dma_wait3A_1636, %dma_wait3A_1637] : memref<2x64x128xf32, #tpu.memory_space<vmem>> -> memref<1x64x128xf32, #tpu.memory_space<vmem>>
        %dma_wait3A_1639 = tpu.memref_squeeze %dma_wait3A_1638 : memref<1x64x128xf32, #tpu.memory_space<vmem>> -> memref<64x128xf32, #tpu.memory_space<vmem>>
        %dma_wait3A_1640 = arith.constant 0 : i32
        %dma_wait3A_1641 = arith.constant 0 : i32
        %dma_wait3A_1642 = tpu.memref_slice %dma_wait3A_1639[%dma_wait3A_1640, %dma_wait3A_1641] : memref<64x128xf32, #tpu.memory_space<vmem>> -> memref<8x128xf32, #tpu.memory_space<vmem>>
        %dma_wait3A_1643 = arith.constant 0 : i32
        %dma_wait3A_1644 = arith.constant 0 : i32
        %dma_wait3A_1645 = tpu.memref_slice %arg4[%dma_wait3A_1635, %dma_wait3A_1643, %dma_wait3A_1644] : memref<50x64x16384xf32, #tpu.memory_space<hbm>> -> memref<1x8x128xf32, #tpu.memory_space<hbm>>
        %dma_wait3A_1646 = tpu.memref_squeeze %dma_wait3A_1645 : memref<1x8x128xf32, #tpu.memory_space<hbm>> -> memref<8x128xf32, #tpu.memory_space<hbm>>
        %dma_wait3A_1647 = arith.constant 0 : i32
        %dma_wait3A_1648 = arith.constant 0 : i32
        %dma_wait3A_1649 = tpu.memref_slice %arg4[%dma_wait3A_1635, %dma_wait3A_1647, %dma_wait3A_1648] : memref<50x64x16384xf32, #tpu.memory_space<hbm>> -> memref<1x8x128xf32, #tpu.memory_space<hbm>>
        %dma_wait3A_1650 = tpu.memref_squeeze %dma_wait3A_1649 : memref<1x8x128xf32, #tpu.memory_space<hbm>> -> memref<8x128xf32, #tpu.memory_space<hbm>>
        %dma_wait3A_1651 = arith.constant 0 : i32
        %dma_wait3A_1652 = arith.constant 0 : i32
        %dma_wait3A_1653 = tpu.memref_slice %arg8[%dma_wait3A_1634, %dma_wait3A_1651, %dma_wait3A_1652] : memref<2x64x128xf32, #tpu.memory_space<vmem>> -> memref<1x64x128xf32, #tpu.memory_space<vmem>>
        %dma_wait3A_1654 = tpu.memref_squeeze %dma_wait3A_1653 : memref<1x64x128xf32, #tpu.memory_space<vmem>> -> memref<64x128xf32, #tpu.memory_space<vmem>>
        %dma_wait3A_1655 = arith.constant 0 : i32
        %dma_wait3A_1656 = arith.constant 0 : i32
        %dma_wait3A_1657 = tpu.memref_slice %dma_wait3A_1654[%dma_wait3A_1655, %dma_wait3A_1656] : memref<64x128xf32, #tpu.memory_space<vmem>> -> memref<8x128xf32, #tpu.memory_space<vmem>>
        tpu.wait_dma2 semaphore(%arg11 : memref<!tpu.dma_semaphore, #tpu.memory_space<semaphore_mem>>) src(%dma_wait3A_1657 : memref<8x128xf32, #tpu.memory_space<vmem>>) dst(%dma_wait3A_1650 : memref<8x128xf32, #tpu.memory_space<hbm>>)
        %dma_wait3A_1658 = arith.constant 0 : i32
        %dma_wait3A_1659 = arith.constant 0 : i32
        %dma_wait3A_1660 = arith.constant 0 : i32
        %dma_wait3A_1661 = arith.constant 0 : i32
        %dma_wait3A_1662 = tpu.memref_slice %arg8[%dma_wait3A_1658, %dma_wait3A_1660, %dma_wait3A_1661] : memref<2x64x128xf32, #tpu.memory_space<vmem>> -> memref<1x64x128xf32, #tpu.memory_space<vmem>>
        %dma_wait3A_1663 = tpu.memref_squeeze %dma_wait3A_1662 : memref<1x64x128xf32, #tpu.memory_space<vmem>> -> memref<64x128xf32, #tpu.memory_space<vmem>>
        %dma_wait3A_1664 = arith.constant 8 : i32
        %dma_wait3A_1665 = arith.constant 0 : i32
        %dma_wait3A_1666 = tpu.memref_slice %dma_wait3A_1663[%dma_wait3A_1664, %dma_wait3A_1665] : memref<64x128xf32, #tpu.memory_space<vmem>> -> memref<8x128xf32, #tpu.memory_space<vmem>>
        %dma_wait3A_1667 = arith.constant 0 : i32
        %dma_wait3A_1668 = arith.constant 0 : i32
        %dma_wait3A_1669 = tpu.memref_slice %arg4[%dma_wait3A_1659, %dma_wait3A_1667, %dma_wait3A_1668] : memref<50x64x16384xf32, #tpu.memory_space<hbm>> -> memref<1x8x128xf32, #tpu.memory_space<hbm>>
        %dma_wait3A_1670 = tpu.memref_squeeze %dma_wait3A_1669 : memref<1x8x128xf32, #tpu.memory_space<hbm>> -> memref<8x128xf32, #tpu.memory_space<hbm>>
        %dma_wait3A_1671 = arith.constant 0 : i32
        %dma_wait3A_1672 = arith.constant 0 : i32
        %dma_wait3A_1673 = tpu.memref_slice %arg4[%dma_wait3A_1659, %dma_wait3A_1671, %dma_wait3A_1672] : memref<50x64x16384xf32, #tpu.memory_space<hbm>> -> memref<1x8x128xf32, #tpu.memory_space<hbm>>
        %dma_wait3A_1674 = tpu.memref_squeeze %dma_wait3A_1673 : memref<1x8x128xf32, #tpu.memory_space<hbm>> -> memref<8x128xf32, #tpu.memory_space<hbm>>
        %dma_wait3A_1675 = arith.constant 0 : i32
        %dma_wait3A_1676 = arith.constant 0 : i32
        %dma_wait3A_1677 = tpu.memref_slice %arg8[%dma_wait3A_1658, %dma_wait3A_1675, %dma_wait3A_1676] : memref<2x64x128xf32, #tpu.memory_space<vmem>> -> memref<1x64x128xf32, #tpu.memory_space<vmem>>
        %dma_wait3A_1678 = tpu.memref_squeeze %dma_wait3A_1677 : memref<1x64x128xf32, #tpu.memory_space<vmem>> -> memref<64x128xf32, #tpu.memory_space<vmem>>
        %dma_wait3A_1679 = arith.constant 8 : i32
        %dma_wait3A_1680 = arith.constant 0 : i32
        %dma_wait3A_1681 = tpu.memref_slice %dma_wait3A_1678[%dma_wait3A_1679, %dma_wait3A_1680] : memref<64x128xf32, #tpu.memory_space<vmem>> -> memref<8x128xf32, #tpu.memory_space<vmem>>
        tpu.wait_dma2 semaphore(%arg11 : memref<!tpu.dma_semaphore, #tpu.memory_space<semaphore_mem>>) src(%dma_wait3A_1681 : memref<8x128xf32, #tpu.memory_space<vmem>>) dst(%dma_wait3A_1674 : memref<8x128xf32, #tpu.memory_space<hbm>>)
        %dma_wait3A_1682 = arith.constant 0 : i32
        %dma_wait3A_1683 = arith.constant 0 : i32
        %dma_wait3A_1684 = arith.constant 0 : i32
        %dma_wait3A_1685 = arith.constant 0 : i32
        %dma_wait3A_1686 = tpu.memref_slice %arg8[%dma_wait3A_1682, %dma_wait3A_1684, %dma_wait3A_1685] : memref<2x64x128xf32, #tpu.memory_space<vmem>> -> memref<1x64x128xf32, #tpu.memory_space<vmem>>
        %dma_wait3A_1687 = tpu.memref_squeeze %dma_wait3A_1686 : memref<1x64x128xf32, #tpu.memory_space<vmem>> -> memref<64x128xf32, #tpu.memory_space<vmem>>
        %dma_wait3A_1688 = arith.constant 16 : i32
        %dma_wait3A_1689 = arith.constant 0 : i32
        %dma_wait3A_1690 = tpu.memref_slice %dma_wait3A_1687[%dma_wait3A_1688, %dma_wait3A_1689] : memref<64x128xf32, #tpu.memory_space<vmem>> -> memref<8x128xf32, #tpu.memory_space<vmem>>
        %dma_wait3A_1691 = arith.constant 0 : i32
        %dma_wait3A_1692 = arith.constant 0 : i32
        %dma_wait3A_1693 = tpu.memref_slice %arg4[%dma_wait3A_1683, %dma_wait3A_1691, %dma_wait3A_1692] : memref<50x64x16384xf32, #tpu.memory_space<hbm>> -> memref<1x8x128xf32, #tpu.memory_space<hbm>>
        %dma_wait3A_1694 = tpu.memref_squeeze %dma_wait3A_1693 : memref<1x8x128xf32, #tpu.memory_space<hbm>> -> memref<8x128xf32, #tpu.memory_space<hbm>>
        %dma_wait3A_1695 = arith.constant 0 : i32
        %dma_wait3A_1696 = arith.constant 0 : i32
        %dma_wait3A_1697 = tpu.memref_slice %arg4[%dma_wait3A_1683, %dma_wait3A_1695, %dma_wait3A_1696] : memref<50x64x16384xf32, #tpu.memory_space<hbm>> -> memref<1x8x128xf32, #tpu.memory_space<hbm>>
        %dma_wait3A_1698 = tpu.memref_squeeze %dma_wait3A_1697 : memref<1x8x128xf32, #tpu.memory_space<hbm>> -> memref<8x128xf32, #tpu.memory_space<hbm>>
        %dma_wait3A_1699 = arith.constant 0 : i32
        %dma_wait3A_1700 = arith.constant 0 : i32
        %dma_wait3A_1701 = tpu.memref_slice %arg8[%dma_wait3A_1682, %dma_wait3A_1699, %dma_wait3A_1700] : memref<2x64x128xf32, #tpu.memory_space<vmem>> -> memref<1x64x128xf32, #tpu.memory_space<vmem>>
        %dma_wait3A_1702 = tpu.memref_squeeze %dma_wait3A_1701 : memref<1x64x128xf32, #tpu.memory_space<vmem>> -> memref<64x128xf32, #tpu.memory_space<vmem>>
        %dma_wait3A_1703 = arith.constant 16 : i32
        %dma_wait3A_1704 = arith.constant 0 : i32
        %dma_wait3A_1705 = tpu.memref_slice %dma_wait3A_1702[%dma_wait3A_1703, %dma_wait3A_1704] : memref<64x128xf32, #tpu.memory_space<vmem>> -> memref<8x128xf32, #tpu.memory_space<vmem>>
        tpu.wait_dma2 semaphore(%arg11 : memref<!tpu.dma_semaphore, #tpu.memory_space<semaphore_mem>>) src(%dma_wait3A_1705 : memref<8x128xf32, #tpu.memory_space<vmem>>) dst(%dma_wait3A_1698 : memref<8x128xf32, #tpu.memory_space<hbm>>)
        %dma_wait3A_1706 = arith.constant 0 : i32
        %dma_wait3A_1707 = arith.constant 0 : i32
        %dma_wait3A_1708 = arith.constant 0 : i32
        %dma_wait3A_1709 = arith.constant 0 : i32
        %dma_wait3A_1710 = tpu.memref_slice %arg8[%dma_wait3A_1706, %dma_wait3A_1708, %dma_wait3A_1709] : memref<2x64x128xf32, #tpu.memory_space<vmem>> -> memref<1x64x128xf32, #tpu.memory_space<vmem>>
        %dma_wait3A_1711 = tpu.memref_squeeze %dma_wait3A_1710 : memref<1x64x128xf32, #tpu.memory_space<vmem>> -> memref<64x128xf32, #tpu.memory_space<vmem>>
        %dma_wait3A_1712 = arith.constant 24 : i32
        %dma_wait3A_1713 = arith.constant 0 : i32
        %dma_wait3A_1714 = tpu.memref_slice %dma_wait3A_1711[%dma_wait3A_1712, %dma_wait3A_1713] : memref<64x128xf32, #tpu.memory_space<vmem>> -> memref<8x128xf32, #tpu.memory_space<vmem>>
        %dma_wait3A_1715 = arith.constant 0 : i32
        %dma_wait3A_1716 = arith.constant 0 : i32
        %dma_wait3A_1717 = tpu.memref_slice %arg4[%dma_wait3A_1707, %dma_wait3A_1715, %dma_wait3A_1716] : memref<50x64x16384xf32, #tpu.memory_space<hbm>> -> memref<1x8x128xf32, #tpu.memory_space<hbm>>
        %dma_wait3A_1718 = tpu.memref_squeeze %dma_wait3A_1717 : memref<1x8x128xf32, #tpu.memory_space<hbm>> -> memref<8x128xf32, #tpu.memory_space<hbm>>
        %dma_wait3A_1719 = arith.constant 0 : i32
        %dma_wait3A_1720 = arith.constant 0 : i32
        %dma_wait3A_1721 = tpu.memref_slice %arg4[%dma_wait3A_1707, %dma_wait3A_1719, %dma_wait3A_1720] : memref<50x64x16384xf32, #tpu.memory_space<hbm>> -> memref<1x8x128xf32, #tpu.memory_space<hbm>>
        %dma_wait3A_1722 = tpu.memref_squeeze %dma_wait3A_1721 : memref<1x8x128xf32, #tpu.memory_space<hbm>> -> memref<8x128xf32, #tpu.memory_space<hbm>>
        %dma_wait3A_1723 = arith.constant 0 : i32
        %dma_wait3A_1724 = arith.constant 0 : i32
        %dma_wait3A_1725 = tpu.memref_slice %arg8[%dma_wait3A_1706, %dma_wait3A_1723, %dma_wait3A_1724] : memref<2x64x128xf32, #tpu.memory_space<vmem>> -> memref<1x64x128xf32, #tpu.memory_space<vmem>>
        %dma_wait3A_1726 = tpu.memref_squeeze %dma_wait3A_1725 : memref<1x64x128xf32, #tpu.memory_space<vmem>> -> memref<64x128xf32, #tpu.memory_space<vmem>>
        %dma_wait3A_1727 = arith.constant 24 : i32
        %dma_wait3A_1728 = arith.constant 0 : i32
        %dma_wait3A_1729 = tpu.memref_slice %dma_wait3A_1726[%dma_wait3A_1727, %dma_wait3A_1728] : memref<64x128xf32, #tpu.memory_space<vmem>> -> memref<8x128xf32, #tpu.memory_space<vmem>>
        tpu.wait_dma2 semaphore(%arg11 : memref<!tpu.dma_semaphore, #tpu.memory_space<semaphore_mem>>) src(%dma_wait3A_1729 : memref<8x128xf32, #tpu.memory_space<vmem>>) dst(%dma_wait3A_1722 : memref<8x128xf32, #tpu.memory_space<hbm>>)
        %dma_wait3A_1730 = arith.constant 0 : i32
        %dma_wait3A_1731 = arith.constant 0 : i32
        %dma_wait3A_1732 = arith.constant 0 : i32
        %dma_wait3A_1733 = arith.constant 0 : i32
        %dma_wait3A_1734 = tpu.memref_slice %arg8[%dma_wait3A_1730, %dma_wait3A_1732, %dma_wait3A_1733] : memref<2x64x128xf32, #tpu.memory_space<vmem>> -> memref<1x64x128xf32, #tpu.memory_space<vmem>>
        %dma_wait3A_1735 = tpu.memref_squeeze %dma_wait3A_1734 : memref<1x64x128xf32, #tpu.memory_space<vmem>> -> memref<64x128xf32, #tpu.memory_space<vmem>>
        %dma_wait3A_1736 = arith.constant 32 : i32
        %dma_wait3A_1737 = arith.constant 0 : i32
        %dma_wait3A_1738 = tpu.memref_slice %dma_wait3A_1735[%dma_wait3A_1736, %dma_wait3A_1737] : memref<64x128xf32, #tpu.memory_space<vmem>> -> memref<8x128xf32, #tpu.memory_space<vmem>>
        %dma_wait3A_1739 = arith.constant 0 : i32
        %dma_wait3A_1740 = arith.constant 0 : i32
        %dma_wait3A_1741 = tpu.memref_slice %arg4[%dma_wait3A_1731, %dma_wait3A_1739, %dma_wait3A_1740] : memref<50x64x16384xf32, #tpu.memory_space<hbm>> -> memref<1x8x128xf32, #tpu.memory_space<hbm>>
        %dma_wait3A_1742 = tpu.memref_squeeze %dma_wait3A_1741 : memref<1x8x128xf32, #tpu.memory_space<hbm>> -> memref<8x128xf32, #tpu.memory_space<hbm>>
        %dma_wait3A_1743 = arith.constant 0 : i32
        %dma_wait3A_1744 = arith.constant 0 : i32
        %dma_wait3A_1745 = tpu.memref_slice %arg4[%dma_wait3A_1731, %dma_wait3A_1743, %dma_wait3A_1744] : memref<50x64x16384xf32, #tpu.memory_space<hbm>> -> memref<1x8x128xf32, #tpu.memory_space<hbm>>
        %dma_wait3A_1746 = tpu.memref_squeeze %dma_wait3A_1745 : memref<1x8x128xf32, #tpu.memory_space<hbm>> -> memref<8x128xf32, #tpu.memory_space<hbm>>
        %dma_wait3A_1747 = arith.constant 0 : i32
        %dma_wait3A_1748 = arith.constant 0 : i32
        %dma_wait3A_1749 = tpu.memref_slice %arg8[%dma_wait3A_1730, %dma_wait3A_1747, %dma_wait3A_1748] : memref<2x64x128xf32, #tpu.memory_space<vmem>> -> memref<1x64x128xf32, #tpu.memory_space<vmem>>
        %dma_wait3A_1750 = tpu.memref_squeeze %dma_wait3A_1749 : memref<1x64x128xf32, #tpu.memory_space<vmem>> -> memref<64x128xf32, #tpu.memory_space<vmem>>
        %dma_wait3A_1751 = arith.constant 32 : i32
        %dma_wait3A_1752 = arith.constant 0 : i32
        %dma_wait3A_1753 = tpu.memref_slice %dma_wait3A_1750[%dma_wait3A_1751, %dma_wait3A_1752] : memref<64x128xf32, #tpu.memory_space<vmem>> -> memref<8x128xf32, #tpu.memory_space<vmem>>
        tpu.wait_dma2 semaphore(%arg11 : memref<!tpu.dma_semaphore, #tpu.memory_space<semaphore_mem>>) src(%dma_wait3A_1753 : memref<8x128xf32, #tpu.memory_space<vmem>>) dst(%dma_wait3A_1746 : memref<8x128xf32, #tpu.memory_space<hbm>>)
        %dma_wait3A_1754 = arith.constant 0 : i32
        %dma_wait3A_1755 = arith.constant 0 : i32
        %dma_wait3A_1756 = arith.constant 0 : i32
        %dma_wait3A_1757 = arith.constant 0 : i32
        %dma_wait3A_1758 = tpu.memref_slice %arg8[%dma_wait3A_1754, %dma_wait3A_1756, %dma_wait3A_1757] : memref<2x64x128xf32, #tpu.memory_space<vmem>> -> memref<1x64x128xf32, #tpu.memory_space<vmem>>
        %dma_wait3A_1759 = tpu.memref_squeeze %dma_wait3A_1758 : memref<1x64x128xf32, #tpu.memory_space<vmem>> -> memref<64x128xf32, #tpu.memory_space<vmem>>
        %dma_wait3A_1760 = arith.constant 40 : i32
        %dma_wait3A_1761 = arith.constant 0 : i32
        %dma_wait3A_1762 = tpu.memref_slice %dma_wait3A_1759[%dma_wait3A_1760, %dma_wait3A_1761] : memref<64x128xf32, #tpu.memory_space<vmem>> -> memref<8x128xf32, #tpu.memory_space<vmem>>
        %dma_wait3A_1763 = arith.constant 0 : i32
        %dma_wait3A_1764 = arith.constant 0 : i32
        %dma_wait3A_1765 = tpu.memref_slice %arg4[%dma_wait3A_1755, %dma_wait3A_1763, %dma_wait3A_1764] : memref<50x64x16384xf32, #tpu.memory_space<hbm>> -> memref<1x8x128xf32, #tpu.memory_space<hbm>>
        %dma_wait3A_1766 = tpu.memref_squeeze %dma_wait3A_1765 : memref<1x8x128xf32, #tpu.memory_space<hbm>> -> memref<8x128xf32, #tpu.memory_space<hbm>>
        %dma_wait3A_1767 = arith.constant 0 : i32
        %dma_wait3A_1768 = arith.constant 0 : i32
        %dma_wait3A_1769 = tpu.memref_slice %arg4[%dma_wait3A_1755, %dma_wait3A_1767, %dma_wait3A_1768] : memref<50x64x16384xf32, #tpu.memory_space<hbm>> -> memref<1x8x128xf32, #tpu.memory_space<hbm>>
        %dma_wait3A_1770 = tpu.memref_squeeze %dma_wait3A_1769 : memref<1x8x128xf32, #tpu.memory_space<hbm>> -> memref<8x128xf32, #tpu.memory_space<hbm>>
        %dma_wait3A_1771 = arith.constant 0 : i32
        %dma_wait3A_1772 = arith.constant 0 : i32
        %dma_wait3A_1773 = tpu.memref_slice %arg8[%dma_wait3A_1754, %dma_wait3A_1771, %dma_wait3A_1772] : memref<2x64x128xf32, #tpu.memory_space<vmem>> -> memref<1x64x128xf32, #tpu.memory_space<vmem>>
        %dma_wait3A_1774 = tpu.memref_squeeze %dma_wait3A_1773 : memref<1x64x128xf32, #tpu.memory_space<vmem>> -> memref<64x128xf32, #tpu.memory_space<vmem>>
        %dma_wait3A_1775 = arith.constant 40 : i32
        %dma_wait3A_1776 = arith.constant 0 : i32
        %dma_wait3A_1777 = tpu.memref_slice %dma_wait3A_1774[%dma_wait3A_1775, %dma_wait3A_1776] : memref<64x128xf32, #tpu.memory_space<vmem>> -> memref<8x128xf32, #tpu.memory_space<vmem>>
        tpu.wait_dma2 semaphore(%arg11 : memref<!tpu.dma_semaphore, #tpu.memory_space<semaphore_mem>>) src(%dma_wait3A_1777 : memref<8x128xf32, #tpu.memory_space<vmem>>) dst(%dma_wait3A_1770 : memref<8x128xf32, #tpu.memory_space<hbm>>)
        %dma_wait3A_1778 = arith.constant 0 : i32
        %dma_wait3A_1779 = arith.constant 0 : i32
        %dma_wait3A_1780 = arith.constant 0 : i32
        %dma_wait3A_1781 = arith.constant 0 : i32
        %dma_wait3A_1782 = tpu.memref_slice %arg8[%dma_wait3A_1778, %dma_wait3A_1780, %dma_wait3A_1781] : memref<2x64x128xf32, #tpu.memory_space<vmem>> -> memref<1x64x128xf32, #tpu.memory_space<vmem>>
        %dma_wait3A_1783 = tpu.memref_squeeze %dma_wait3A_1782 : memref<1x64x128xf32, #tpu.memory_space<vmem>> -> memref<64x128xf32, #tpu.memory_space<vmem>>
        %dma_wait3A_1784 = arith.constant 48 : i32
        %dma_wait3A_1785 = arith.constant 0 : i32
        %dma_wait3A_1786 = tpu.memref_slice %dma_wait3A_1783[%dma_wait3A_1784, %dma_wait3A_1785] : memref<64x128xf32, #tpu.memory_space<vmem>> -> memref<8x128xf32, #tpu.memory_space<vmem>>
        %dma_wait3A_1787 = arith.constant 0 : i32
        %dma_wait3A_1788 = arith.constant 0 : i32
        %dma_wait3A_1789 = tpu.memref_slice %arg4[%dma_wait3A_1779, %dma_wait3A_1787, %dma_wait3A_1788] : memref<50x64x16384xf32, #tpu.memory_space<hbm>> -> memref<1x8x128xf32, #tpu.memory_space<hbm>>
        %dma_wait3A_1790 = tpu.memref_squeeze %dma_wait3A_1789 : memref<1x8x128xf32, #tpu.memory_space<hbm>> -> memref<8x128xf32, #tpu.memory_space<hbm>>
        %dma_wait3A_1791 = arith.constant 0 : i32
        %dma_wait3A_1792 = arith.constant 0 : i32
        %dma_wait3A_1793 = tpu.memref_slice %arg4[%dma_wait3A_1779, %dma_wait3A_1791, %dma_wait3A_1792] : memref<50x64x16384xf32, #tpu.memory_space<hbm>> -> memref<1x8x128xf32, #tpu.memory_space<hbm>>
        %dma_wait3A_1794 = tpu.memref_squeeze %dma_wait3A_1793 : memref<1x8x128xf32, #tpu.memory_space<hbm>> -> memref<8x128xf32, #tpu.memory_space<hbm>>
        %dma_wait3A_1795 = arith.constant 0 : i32
        %dma_wait3A_1796 = arith.constant 0 : i32
        %dma_wait3A_1797 = tpu.memref_slice %arg8[%dma_wait3A_1778, %dma_wait3A_1795, %dma_wait3A_1796] : memref<2x64x128xf32, #tpu.memory_space<vmem>> -> memref<1x64x128xf32, #tpu.memory_space<vmem>>
        %dma_wait3A_1798 = tpu.memref_squeeze %dma_wait3A_1797 : memref<1x64x128xf32, #tpu.memory_space<vmem>> -> memref<64x128xf32, #tpu.memory_space<vmem>>
        %dma_wait3A_1799 = arith.constant 48 : i32
        %dma_wait3A_1800 = arith.constant 0 : i32
        %dma_wait3A_1801 = tpu.memref_slice %dma_wait3A_1798[%dma_wait3A_1799, %dma_wait3A_1800] : memref<64x128xf32, #tpu.memory_space<vmem>> -> memref<8x128xf32, #tpu.memory_space<vmem>>
        tpu.wait_dma2 semaphore(%arg11 : memref<!tpu.dma_semaphore, #tpu.memory_space<semaphore_mem>>) src(%dma_wait3A_1801 : memref<8x128xf32, #tpu.memory_space<vmem>>) dst(%dma_wait3A_1794 : memref<8x128xf32, #tpu.memory_space<hbm>>)
        %dma_wait3A_1802 = arith.constant 0 : i32
        %dma_wait3A_1803 = arith.constant 0 : i32
        %dma_wait3A_1804 = arith.constant 0 : i32
        %dma_wait3A_1805 = arith.constant 0 : i32
        %dma_wait3A_1806 = tpu.memref_slice %arg8[%dma_wait3A_1802, %dma_wait3A_1804, %dma_wait3A_1805] : memref<2x64x128xf32, #tpu.memory_space<vmem>> -> memref<1x64x128xf32, #tpu.memory_space<vmem>>
        %dma_wait3A_1807 = tpu.memref_squeeze %dma_wait3A_1806 : memref<1x64x128xf32, #tpu.memory_space<vmem>> -> memref<64x128xf32, #tpu.memory_space<vmem>>
        %dma_wait3A_1808 = arith.constant 56 : i32
        %dma_wait3A_1809 = arith.constant 0 : i32
        %dma_wait3A_1810 = tpu.memref_slice %dma_wait3A_1807[%dma_wait3A_1808, %dma_wait3A_1809] : memref<64x128xf32, #tpu.memory_space<vmem>> -> memref<8x128xf32, #tpu.memory_space<vmem>>
        %dma_wait3A_1811 = arith.constant 0 : i32
        %dma_wait3A_1812 = arith.constant 0 : i32
        %dma_wait3A_1813 = tpu.memref_slice %arg4[%dma_wait3A_1803, %dma_wait3A_1811, %dma_wait3A_1812] : memref<50x64x16384xf32, #tpu.memory_space<hbm>> -> memref<1x8x128xf32, #tpu.memory_space<hbm>>
        %dma_wait3A_1814 = tpu.memref_squeeze %dma_wait3A_1813 : memref<1x8x128xf32, #tpu.memory_space<hbm>> -> memref<8x128xf32, #tpu.memory_space<hbm>>
        %dma_wait3A_1815 = arith.constant 0 : i32
        %dma_wait3A_1816 = arith.constant 0 : i32
        %dma_wait3A_1817 = tpu.memref_slice %arg4[%dma_wait3A_1803, %dma_wait3A_1815, %dma_wait3A_1816] : memref<50x64x16384xf32, #tpu.memory_space<hbm>> -> memref<1x8x128xf32, #tpu.memory_space<hbm>>
        %dma_wait3A_1818 = tpu.memref_squeeze %dma_wait3A_1817 : memref<1x8x128xf32, #tpu.memory_space<hbm>> -> memref<8x128xf32, #tpu.memory_space<hbm>>
        %dma_wait3A_1819 = arith.constant 0 : i32
        %dma_wait3A_1820 = arith.constant 0 : i32
        %dma_wait3A_1821 = tpu.memref_slice %arg8[%dma_wait3A_1802, %dma_wait3A_1819, %dma_wait3A_1820] : memref<2x64x128xf32, #tpu.memory_space<vmem>> -> memref<1x64x128xf32, #tpu.memory_space<vmem>>
        %dma_wait3A_1822 = tpu.memref_squeeze %dma_wait3A_1821 : memref<1x64x128xf32, #tpu.memory_space<vmem>> -> memref<64x128xf32, #tpu.memory_space<vmem>>
        %dma_wait3A_1823 = arith.constant 56 : i32
        %dma_wait3A_1824 = arith.constant 0 : i32
        %dma_wait3A_1825 = tpu.memref_slice %dma_wait3A_1822[%dma_wait3A_1823, %dma_wait3A_1824] : memref<64x128xf32, #tpu.memory_space<vmem>> -> memref<8x128xf32, #tpu.memory_space<vmem>>
        tpu.wait_dma2 semaphore(%arg11 : memref<!tpu.dma_semaphore, #tpu.memory_space<semaphore_mem>>) src(%dma_wait3A_1825 : memref<8x128xf32, #tpu.memory_space<vmem>>) dst(%dma_wait3A_1818 : memref<8x128xf32, #tpu.memory_space<hbm>>)
      } else {
      }
      %parallel_loop3A = arith.constant 0 : i32
      %parallel_loop3A_1109 = arith.constant 64 : i32
      %parallel_loop3A_1110 = arith.constant 1 : i32
      %parallel_loop3A_1111 = arith.constant 0 : i32
      %parallel_loop3A_1112 = arith.constant 0 : i32
      scf.for %parallel_loop3A_1634 = %parallel_loop3A to %parallel_loop3A_1109 step %parallel_loop3A_1110  : i32 {
        %parallel_loop3A_1635 = vector.broadcast %parallel_loop3A_1634 : i32 to vector<16xi32>
        %parallel_loop3A_1636 = arith.addi %get3A_1038, %parallel_loop3A_1635 : vector<16xi32>
        %parallel_loop3A_1637 = arith.constant 0 : i32
        %parallel_loop3A_1638 = arith.constant 0 : i32
        %parallel_loop3A_1639 = tpu.memref_slice %arg6[%parallel_loop3A_1111, %parallel_loop3A_1637, %parallel_loop3A_1638] : memref<2x128x128xf32, #tpu.memory_space<vmem>> -> memref<1x128x128xf32, #tpu.memory_space<vmem>>
        %parallel_loop3A_1640 = tpu.memref_squeeze %parallel_loop3A_1639 : memref<1x128x128xf32, #tpu.memory_space<vmem>> -> memref<128x128xf32, #tpu.memory_space<vmem>>
        %parallel_loop3A_1641 = tpu.vector_load_idx %parallel_loop3A_1640[%add3A_1083, %parallel_loop3A_1636] : memref<128x128xf32, #tpu.memory_space<vmem>>[vector<16xi32>, vector<16xi32>], vector<16xf32>,
        %parallel_loop3A_1642 = arith.constant 0 : i32
        %parallel_loop3A_1643 = arith.constant 0 : i32
        %parallel_loop3A_1644 = tpu.memref_slice %arg8[%parallel_loop3A_1112, %parallel_loop3A_1642, %parallel_loop3A_1643] : memref<2x64x128xf32, #tpu.memory_space<vmem>> -> memref<1x64x128xf32, #tpu.memory_space<vmem>>
        %parallel_loop3A_1645 = tpu.memref_squeeze %parallel_loop3A_1644 : memref<1x64x128xf32, #tpu.memory_space<vmem>> -> memref<64x128xf32, #tpu.memory_space<vmem>>
        %parallel_loop3A_1646 = arith.index_cast %parallel_loop3A_1634 : i32 to index
        %parallel_loop3A_1647 = arith.constant 0 : index
        %parallel_loop3A_1648 = tpu.vector_load %parallel_loop3A_1645[%parallel_loop3A_1646, %parallel_loop3A_1647] {strides = array<i32>} : memref<64x128xf32, #tpu.memory_space<vmem>>, vector<16xf32>,
        tpu.vector_store %parallel_loop3A_1645[%parallel_loop3A_1646, %parallel_loop3A_1647], %parallel_loop3A_1641 {strides = array<i32>} : memref<64x128xf32, #tpu.memory_space<vmem>>, vector<16xf32>,
        %parallel_loop3A_1649 = vector.broadcast %parallel_loop3A_1634 : i32 to vector<16xi32>
        %parallel_loop3A_1650 = arith.addi %get3A_1044, %parallel_loop3A_1649 : vector<16xi32>
        %parallel_loop3A_1651 = arith.constant 0 : i32
        %parallel_loop3A_1652 = arith.constant 0 : i32
        %parallel_loop3A_1653 = tpu.memref_slice %arg6[%parallel_loop3A_1111, %parallel_loop3A_1651, %parallel_loop3A_1652] : memref<2x128x128xf32, #tpu.memory_space<vmem>> -> memref<1x128x128xf32, #tpu.memory_space<vmem>>
        %parallel_loop3A_1654 = tpu.memref_squeeze %parallel_loop3A_1653 : memref<1x128x128xf32, #tpu.memory_space<vmem>> -> memref<128x128xf32, #tpu.memory_space<vmem>>
        %parallel_loop3A_1655 = tpu.vector_load_idx %parallel_loop3A_1654[%add3A_1086, %parallel_loop3A_1650] : memref<128x128xf32, #tpu.memory_space<vmem>>[vector<16xi32>, vector<16xi32>], vector<16xf32>,
        %parallel_loop3A_1656 = arith.constant 0 : i32
        %parallel_loop3A_1657 = arith.constant 0 : i32
        %parallel_loop3A_1658 = tpu.memref_slice %arg8[%parallel_loop3A_1112, %parallel_loop3A_1656, %parallel_loop3A_1657] : memref<2x64x128xf32, #tpu.memory_space<vmem>> -> memref<1x64x128xf32, #tpu.memory_space<vmem>>
        %parallel_loop3A_1659 = tpu.memref_squeeze %parallel_loop3A_1658 : memref<1x64x128xf32, #tpu.memory_space<vmem>> -> memref<64x128xf32, #tpu.memory_space<vmem>>
        %parallel_loop3A_1660 = arith.index_cast %parallel_loop3A_1634 : i32 to index
        %parallel_loop3A_1661 = arith.constant 16 : index
        %parallel_loop3A_1662 = tpu.vector_load %parallel_loop3A_1659[%parallel_loop3A_1660, %parallel_loop3A_1661] {strides = array<i32>} : memref<64x128xf32, #tpu.memory_space<vmem>>, vector<16xf32>,
        tpu.vector_store %parallel_loop3A_1659[%parallel_loop3A_1660, %parallel_loop3A_1661], %parallel_loop3A_1655 {strides = array<i32>} : memref<64x128xf32, #tpu.memory_space<vmem>>, vector<16xf32>,
        %parallel_loop3A_1663 = vector.broadcast %parallel_loop3A_1634 : i32 to vector<16xi32>
        %parallel_loop3A_1664 = arith.addi %get3A_1050, %parallel_loop3A_1663 : vector<16xi32>
        %parallel_loop3A_1665 = arith.constant 0 : i32
        %parallel_loop3A_1666 = arith.constant 0 : i32
        %parallel_loop3A_1667 = tpu.memref_slice %arg6[%parallel_loop3A_1111, %parallel_loop3A_1665, %parallel_loop3A_1666] : memref<2x128x128xf32, #tpu.memory_space<vmem>> -> memref<1x128x128xf32, #tpu.memory_space<vmem>>
        %parallel_loop3A_1668 = tpu.memref_squeeze %parallel_loop3A_1667 : memref<1x128x128xf32, #tpu.memory_space<vmem>> -> memref<128x128xf32, #tpu.memory_space<vmem>>
        %parallel_loop3A_1669 = tpu.vector_load_idx %parallel_loop3A_1668[%add3A_1089, %parallel_loop3A_1664] : memref<128x128xf32, #tpu.memory_space<vmem>>[vector<16xi32>, vector<16xi32>], vector<16xf32>,
        %parallel_loop3A_1670 = arith.constant 0 : i32
        %parallel_loop3A_1671 = arith.constant 0 : i32
        %parallel_loop3A_1672 = tpu.memref_slice %arg8[%parallel_loop3A_1112, %parallel_loop3A_1670, %parallel_loop3A_1671] : memref<2x64x128xf32, #tpu.memory_space<vmem>> -> memref<1x64x128xf32, #tpu.memory_space<vmem>>
        %parallel_loop3A_1673 = tpu.memref_squeeze %parallel_loop3A_1672 : memref<1x64x128xf32, #tpu.memory_space<vmem>> -> memref<64x128xf32, #tpu.memory_space<vmem>>
        %parallel_loop3A_1674 = arith.index_cast %parallel_loop3A_1634 : i32 to index
        %parallel_loop3A_1675 = arith.constant 32 : index
        %parallel_loop3A_1676 = tpu.vector_load %parallel_loop3A_1673[%parallel_loop3A_1674, %parallel_loop3A_1675] {strides = array<i32>} : memref<64x128xf32, #tpu.memory_space<vmem>>, vector<16xf32>,
        tpu.vector_store %parallel_loop3A_1673[%parallel_loop3A_1674, %parallel_loop3A_1675], %parallel_loop3A_1669 {strides = array<i32>} : memref<64x128xf32, #tpu.memory_space<vmem>>, vector<16xf32>,
        %parallel_loop3A_1677 = vector.broadcast %parallel_loop3A_1634 : i32 to vector<16xi32>
        %parallel_loop3A_1678 = arith.addi %get3A_1056, %parallel_loop3A_1677 : vector<16xi32>
        %parallel_loop3A_1679 = arith.constant 0 : i32
        %parallel_loop3A_1680 = arith.constant 0 : i32
        %parallel_loop3A_1681 = tpu.memref_slice %arg6[%parallel_loop3A_1111, %parallel_loop3A_1679, %parallel_loop3A_1680] : memref<2x128x128xf32, #tpu.memory_space<vmem>> -> memref<1x128x128xf32, #tpu.memory_space<vmem>>
        %parallel_loop3A_1682 = tpu.memref_squeeze %parallel_loop3A_1681 : memref<1x128x128xf32, #tpu.memory_space<vmem>> -> memref<128x128xf32, #tpu.memory_space<vmem>>
        %parallel_loop3A_1683 = tpu.vector_load_idx %parallel_loop3A_1682[%add3A_1092, %parallel_loop3A_1678] : memref<128x128xf32, #tpu.memory_space<vmem>>[vector<16xi32>, vector<16xi32>], vector<16xf32>,
        %parallel_loop3A_1684 = arith.constant 0 : i32
        %parallel_loop3A_1685 = arith.constant 0 : i32
        %parallel_loop3A_1686 = tpu.memref_slice %arg8[%parallel_loop3A_1112, %parallel_loop3A_1684, %parallel_loop3A_1685] : memref<2x64x128xf32, #tpu.memory_space<vmem>> -> memref<1x64x128xf32, #tpu.memory_space<vmem>>
        %parallel_loop3A_1687 = tpu.memref_squeeze %parallel_loop3A_1686 : memref<1x64x128xf32, #tpu.memory_space<vmem>> -> memref<64x128xf32, #tpu.memory_space<vmem>>
        %parallel_loop3A_1688 = arith.index_cast %parallel_loop3A_1634 : i32 to index
        %parallel_loop3A_1689 = arith.constant 48 : index
        %parallel_loop3A_1690 = tpu.vector_load %parallel_loop3A_1687[%parallel_loop3A_1688, %parallel_loop3A_1689] {strides = array<i32>} : memref<64x128xf32, #tpu.memory_space<vmem>>, vector<16xf32>,
        tpu.vector_store %parallel_loop3A_1687[%parallel_loop3A_1688, %parallel_loop3A_1689], %parallel_loop3A_1683 {strides = array<i32>} : memref<64x128xf32, #tpu.memory_space<vmem>>, vector<16xf32>,
        %parallel_loop3A_1691 = vector.broadcast %parallel_loop3A_1634 : i32 to vector<16xi32>
        %parallel_loop3A_1692 = arith.addi %get3A_1062, %parallel_loop3A_1691 : vector<16xi32>
        %parallel_loop3A_1693 = arith.constant 0 : i32
        %parallel_loop3A_1694 = arith.constant 0 : i32
        %parallel_loop3A_1695 = tpu.memref_slice %arg6[%parallel_loop3A_1111, %parallel_loop3A_1693, %parallel_loop3A_1694] : memref<2x128x128xf32, #tpu.memory_space<vmem>> -> memref<1x128x128xf32, #tpu.memory_space<vmem>>
        %parallel_loop3A_1696 = tpu.memref_squeeze %parallel_loop3A_1695 : memref<1x128x128xf32, #tpu.memory_space<vmem>> -> memref<128x128xf32, #tpu.memory_space<vmem>>
        %parallel_loop3A_1697 = tpu.vector_load_idx %parallel_loop3A_1696[%add3A_1095, %parallel_loop3A_1692] : memref<128x128xf32, #tpu.memory_space<vmem>>[vector<16xi32>, vector<16xi32>], vector<16xf32>,
        %parallel_loop3A_1698 = arith.constant 0 : i32
        %parallel_loop3A_1699 = arith.constant 0 : i32
        %parallel_loop3A_1700 = tpu.memref_slice %arg8[%parallel_loop3A_1112, %parallel_loop3A_1698, %parallel_loop3A_1699] : memref<2x64x128xf32, #tpu.memory_space<vmem>> -> memref<1x64x128xf32, #tpu.memory_space<vmem>>
        %parallel_loop3A_1701 = tpu.memref_squeeze %parallel_loop3A_1700 : memref<1x64x128xf32, #tpu.memory_space<vmem>> -> memref<64x128xf32, #tpu.memory_space<vmem>>
        %parallel_loop3A_1702 = arith.index_cast %parallel_loop3A_1634 : i32 to index
        %parallel_loop3A_1703 = arith.constant 64 : index
        %parallel_loop3A_1704 = tpu.vector_load %parallel_loop3A_1701[%parallel_loop3A_1702, %parallel_loop3A_1703] {strides = array<i32>} : memref<64x128xf32, #tpu.memory_space<vmem>>, vector<16xf32>,
        tpu.vector_store %parallel_loop3A_1701[%parallel_loop3A_1702, %parallel_loop3A_1703], %parallel_loop3A_1697 {strides = array<i32>} : memref<64x128xf32, #tpu.memory_space<vmem>>, vector<16xf32>,
        %parallel_loop3A_1705 = vector.broadcast %parallel_loop3A_1634 : i32 to vector<16xi32>
        %parallel_loop3A_1706 = arith.addi %get3A_1068, %parallel_loop3A_1705 : vector<16xi32>
        %parallel_loop3A_1707 = arith.constant 0 : i32
        %parallel_loop3A_1708 = arith.constant 0 : i32
        %parallel_loop3A_1709 = tpu.memref_slice %arg6[%parallel_loop3A_1111, %parallel_loop3A_1707, %parallel_loop3A_1708] : memref<2x128x128xf32, #tpu.memory_space<vmem>> -> memref<1x128x128xf32, #tpu.memory_space<vmem>>
        %parallel_loop3A_1710 = tpu.memref_squeeze %parallel_loop3A_1709 : memref<1x128x128xf32, #tpu.memory_space<vmem>> -> memref<128x128xf32, #tpu.memory_space<vmem>>
        %parallel_loop3A_1711 = tpu.vector_load_idx %parallel_loop3A_1710[%add3A_1098, %parallel_loop3A_1706] : memref<128x128xf32, #tpu.memory_space<vmem>>[vector<16xi32>, vector<16xi32>], vector<16xf32>,
        %parallel_loop3A_1712 = arith.constant 0 : i32
        %parallel_loop3A_1713 = arith.constant 0 : i32
        %parallel_loop3A_1714 = tpu.memref_slice %arg8[%parallel_loop3A_1112, %parallel_loop3A_1712, %parallel_loop3A_1713] : memref<2x64x128xf32, #tpu.memory_space<vmem>> -> memref<1x64x128xf32, #tpu.memory_space<vmem>>
        %parallel_loop3A_1715 = tpu.memref_squeeze %parallel_loop3A_1714 : memref<1x64x128xf32, #tpu.memory_space<vmem>> -> memref<64x128xf32, #tpu.memory_space<vmem>>
        %parallel_loop3A_1716 = arith.index_cast %parallel_loop3A_1634 : i32 to index
        %parallel_loop3A_1717 = arith.constant 80 : index
        %parallel_loop3A_1718 = tpu.vector_load %parallel_loop3A_1715[%parallel_loop3A_1716, %parallel_loop3A_1717] {strides = array<i32>} : memref<64x128xf32, #tpu.memory_space<vmem>>, vector<16xf32>,
        tpu.vector_store %parallel_loop3A_1715[%parallel_loop3A_1716, %parallel_loop3A_1717], %parallel_loop3A_1711 {strides = array<i32>} : memref<64x128xf32, #tpu.memory_space<vmem>>, vector<16xf32>,
        %parallel_loop3A_1719 = vector.broadcast %parallel_loop3A_1634 : i32 to vector<16xi32>
        %parallel_loop3A_1720 = arith.addi %get3A_1074, %parallel_loop3A_1719 : vector<16xi32>
        %parallel_loop3A_1721 = arith.constant 0 : i32
        %parallel_loop3A_1722 = arith.constant 0 : i32
        %parallel_loop3A_1723 = tpu.memref_slice %arg6[%parallel_loop3A_1111, %parallel_loop3A_1721, %parallel_loop3A_1722] : memref<2x128x128xf32, #tpu.memory_space<vmem>> -> memref<1x128x128xf32, #tpu.memory_space<vmem>>
        %parallel_loop3A_1724 = tpu.memref_squeeze %parallel_loop3A_1723 : memref<1x128x128xf32, #tpu.memory_space<vmem>> -> memref<128x128xf32, #tpu.memory_space<vmem>>
        %parallel_loop3A_1725 = tpu.vector_load_idx %parallel_loop3A_1724[%add3A_1101, %parallel_loop3A_1720] : memref<128x128xf32, #tpu.memory_space<vmem>>[vector<16xi32>, vector<16xi32>], vector<16xf32>,
        %parallel_loop3A_1726 = arith.constant 0 : i32
        %parallel_loop3A_1727 = arith.constant 0 : i32
        %parallel_loop3A_1728 = tpu.memref_slice %arg8[%parallel_loop3A_1112, %parallel_loop3A_1726, %parallel_loop3A_1727] : memref<2x64x128xf32, #tpu.memory_space<vmem>> -> memref<1x64x128xf32, #tpu.memory_space<vmem>>
        %parallel_loop3A_1729 = tpu.memref_squeeze %parallel_loop3A_1728 : memref<1x64x128xf32, #tpu.memory_space<vmem>> -> memref<64x128xf32, #tpu.memory_space<vmem>>
        %parallel_loop3A_1730 = arith.index_cast %parallel_loop3A_1634 : i32 to index
        %parallel_loop3A_1731 = arith.constant 96 : index
        %parallel_loop3A_1732 = tpu.vector_load %parallel_loop3A_1729[%parallel_loop3A_1730, %parallel_loop3A_1731] {strides = array<i32>} : memref<64x128xf32, #tpu.memory_space<vmem>>, vector<16xf32>,
        tpu.vector_store %parallel_loop3A_1729[%parallel_loop3A_1730, %parallel_loop3A_1731], %parallel_loop3A_1725 {strides = array<i32>} : memref<64x128xf32, #tpu.memory_space<vmem>>, vector<16xf32>,
        %parallel_loop3A_1733 = vector.broadcast %parallel_loop3A_1634 : i32 to vector<16xi32>
        %parallel_loop3A_1734 = arith.addi %get3A_1080, %parallel_loop3A_1733 : vector<16xi32>
        %parallel_loop3A_1735 = arith.constant 0 : i32
        %parallel_loop3A_1736 = arith.constant 0 : i32
        %parallel_loop3A_1737 = tpu.memref_slice %arg6[%parallel_loop3A_1111, %parallel_loop3A_1735, %parallel_loop3A_1736] : memref<2x128x128xf32, #tpu.memory_space<vmem>> -> memref<1x128x128xf32, #tpu.memory_space<vmem>>
        %parallel_loop3A_1738 = tpu.memref_squeeze %parallel_loop3A_1737 : memref<1x128x128xf32, #tpu.memory_space<vmem>> -> memref<128x128xf32, #tpu.memory_space<vmem>>
        %parallel_loop3A_1739 = tpu.vector_load_idx %parallel_loop3A_1738[%add3A_1104, %parallel_loop3A_1734] : memref<128x128xf32, #tpu.memory_space<vmem>>[vector<16xi32>, vector<16xi32>], vector<16xf32>,
        %parallel_loop3A_1740 = arith.constant 0 : i32
        %parallel_loop3A_1741 = arith.constant 0 : i32
        %parallel_loop3A_1742 = tpu.memref_slice %arg8[%parallel_loop3A_1112, %parallel_loop3A_1740, %parallel_loop3A_1741] : memref<2x64x128xf32, #tpu.memory_space<vmem>> -> memref<1x64x128xf32, #tpu.memory_space<vmem>>
        %parallel_loop3A_1743 = tpu.memref_squeeze %parallel_loop3A_1742 : memref<1x64x128xf32, #tpu.memory_space<vmem>> -> memref<64x128xf32, #tpu.memory_space<vmem>>
        %parallel_loop3A_1744 = arith.index_cast %parallel_loop3A_1634 : i32 to index
        %parallel_loop3A_1745 = arith.constant 112 : index
        %parallel_loop3A_1746 = tpu.vector_load %parallel_loop3A_1743[%parallel_loop3A_1744, %parallel_loop3A_1745] {strides = array<i32>} : memref<64x128xf32, #tpu.memory_space<vmem>>, vector<16xf32>,
        tpu.vector_store %parallel_loop3A_1743[%parallel_loop3A_1744, %parallel_loop3A_1745], %parallel_loop3A_1739 {strides = array<i32>} : memref<64x128xf32, #tpu.memory_space<vmem>>, vector<16xf32>,
      } {sc.loop_unroll_factor = 8 : i64, sc.parallel_access}
      %mul3A_1113 = arith.constant 128 : i32
      %mul3A_1114 = arith.muli %select_n3A_1032, %mul3A_1113 : i32
      %dma_start3A_1115 = arith.constant 0 : i32
      %dma_start3A_1116 = arith.constant 0 : i32
      %dma_start3A_1117 = arith.constant 0 : i32
      %dma_start3A_1118 = tpu.memref_slice %arg8[%dma_start3A_1115, %dma_start3A_1116, %dma_start3A_1117] : memref<2x64x128xf32, #tpu.memory_space<vmem>> -> memref<1x64x128xf32, #tpu.memory_space<vmem>>
      %dma_start3A_1119 = tpu.memref_squeeze %dma_start3A_1118 : memref<1x64x128xf32, #tpu.memory_space<vmem>> -> memref<64x128xf32, #tpu.memory_space<vmem>>
      %dma_start3A_1120 = arith.constant 0 : i32
      %dma_start3A_1121 = arith.constant 0 : i32
      %dma_start3A_1122 = tpu.memref_slice %dma_start3A_1119[%dma_start3A_1120, %dma_start3A_1121] : memref<64x128xf32, #tpu.memory_space<vmem>> -> memref<8x128xf32, #tpu.memory_space<vmem>>
      %dma_start3A_1123 = arith.constant 0 : i32
      %dma_start3A_1124 = tpu.memref_slice %arg4[%select_n3A_1016, %dma_start3A_1123, %mul3A_1114] : memref<50x64x16384xf32, #tpu.memory_space<hbm>> -> memref<1x8x128xf32, #tpu.memory_space<hbm>>
      %dma_start3A_1125 = tpu.memref_squeeze %dma_start3A_1124 : memref<1x8x128xf32, #tpu.memory_space<hbm>> -> memref<8x128xf32, #tpu.memory_space<hbm>>
      %dma_start3A_1126 = arith.constant 0 : i32
      %dma_start3A_1127 = tpu.memref_slice %arg4[%select_n3A_1016, %dma_start3A_1126, %mul3A_1114] : memref<50x64x16384xf32, #tpu.memory_space<hbm>> -> memref<1x8x128xf32, #tpu.memory_space<hbm>>
      %dma_start3A_1128 = tpu.memref_squeeze %dma_start3A_1127 : memref<1x8x128xf32, #tpu.memory_space<hbm>> -> memref<8x128xf32, #tpu.memory_space<hbm>>
      %dma_start3A_1129 = arith.constant 0 : i32
      %dma_start3A_1130 = arith.constant 0 : i32
      %dma_start3A_1131 = tpu.memref_slice %arg8[%dma_start3A_1115, %dma_start3A_1129, %dma_start3A_1130] : memref<2x64x128xf32, #tpu.memory_space<vmem>> -> memref<1x64x128xf32, #tpu.memory_space<vmem>>
      %dma_start3A_1132 = tpu.memref_squeeze %dma_start3A_1131 : memref<1x64x128xf32, #tpu.memory_space<vmem>> -> memref<64x128xf32, #tpu.memory_space<vmem>>
      %dma_start3A_1133 = arith.constant 0 : i32
      %dma_start3A_1134 = arith.constant 0 : i32
      %dma_start3A_1135 = tpu.memref_slice %dma_start3A_1132[%dma_start3A_1133, %dma_start3A_1134] : memref<64x128xf32, #tpu.memory_space<vmem>> -> memref<8x128xf32, #tpu.memory_space<vmem>>
      tpu.enqueue_dma source(%dma_start3A_1135 : memref<8x128xf32, #tpu.memory_space<vmem>>) target(%dma_start3A_1128 : memref<8x128xf32, #tpu.memory_space<hbm>>) target_semaphore(%arg11 : memref<!tpu.dma_semaphore, #tpu.memory_space<semaphore_mem>>)
      %mul3A_1136 = arith.constant 128 : i32
      %mul3A_1137 = arith.muli %select_n3A_1032, %mul3A_1136 : i32
      %dma_start3A_1138 = arith.constant 0 : i32
      %dma_start3A_1139 = arith.constant 0 : i32
      %dma_start3A_1140 = arith.constant 0 : i32
      %dma_start3A_1141 = tpu.memref_slice %arg8[%dma_start3A_1138, %dma_start3A_1139, %dma_start3A_1140] : memref<2x64x128xf32, #tpu.memory_space<vmem>> -> memref<1x64x128xf32, #tpu.memory_space<vmem>>
      %dma_start3A_1142 = tpu.memref_squeeze %dma_start3A_1141 : memref<1x64x128xf32, #tpu.memory_space<vmem>> -> memref<64x128xf32, #tpu.memory_space<vmem>>
      %dma_start3A_1143 = arith.constant 8 : i32
      %dma_start3A_1144 = arith.constant 0 : i32
      %dma_start3A_1145 = tpu.memref_slice %dma_start3A_1142[%dma_start3A_1143, %dma_start3A_1144] : memref<64x128xf32, #tpu.memory_space<vmem>> -> memref<8x128xf32, #tpu.memory_space<vmem>>
      %dma_start3A_1146 = arith.constant 8 : i32
      %dma_start3A_1147 = tpu.memref_slice %arg4[%select_n3A_1016, %dma_start3A_1146, %mul3A_1137] : memref<50x64x16384xf32, #tpu.memory_space<hbm>> -> memref<1x8x128xf32, #tpu.memory_space<hbm>>
      %dma_start3A_1148 = tpu.memref_squeeze %dma_start3A_1147 : memref<1x8x128xf32, #tpu.memory_space<hbm>> -> memref<8x128xf32, #tpu.memory_space<hbm>>
      %dma_start3A_1149 = arith.constant 8 : i32
      %dma_start3A_1150 = tpu.memref_slice %arg4[%select_n3A_1016, %dma_start3A_1149, %mul3A_1137] : memref<50x64x16384xf32, #tpu.memory_space<hbm>> -> memref<1x8x128xf32, #tpu.memory_space<hbm>>
      %dma_start3A_1151 = tpu.memref_squeeze %dma_start3A_1150 : memref<1x8x128xf32, #tpu.memory_space<hbm>> -> memref<8x128xf32, #tpu.memory_space<hbm>>
      %dma_start3A_1152 = arith.constant 0 : i32
      %dma_start3A_1153 = arith.constant 0 : i32
      %dma_start3A_1154 = tpu.memref_slice %arg8[%dma_start3A_1138, %dma_start3A_1152, %dma_start3A_1153] : memref<2x64x128xf32, #tpu.memory_space<vmem>> -> memref<1x64x128xf32, #tpu.memory_space<vmem>>
      %dma_start3A_1155 = tpu.memref_squeeze %dma_start3A_1154 : memref<1x64x128xf32, #tpu.memory_space<vmem>> -> memref<64x128xf32, #tpu.memory_space<vmem>>
      %dma_start3A_1156 = arith.constant 8 : i32
      %dma_start3A_1157 = arith.constant 0 : i32
      %dma_start3A_1158 = tpu.memref_slice %dma_start3A_1155[%dma_start3A_1156, %dma_start3A_1157] : memref<64x128xf32, #tpu.memory_space<vmem>> -> memref<8x128xf32, #tpu.memory_space<vmem>>
      tpu.enqueue_dma source(%dma_start3A_1158 : memref<8x128xf32, #tpu.memory_space<vmem>>) target(%dma_start3A_1151 : memref<8x128xf32, #tpu.memory_space<hbm>>) target_semaphore(%arg11 : memref<!tpu.dma_semaphore, #tpu.memory_space<semaphore_mem>>)
      %mul3A_1159 = arith.constant 128 : i32
      %mul3A_1160 = arith.muli %select_n3A_1032, %mul3A_1159 : i32
      %dma_start3A_1161 = arith.constant 0 : i32
      %dma_start3A_1162 = arith.constant 0 : i32
      %dma_start3A_1163 = arith.constant 0 : i32
      %dma_start3A_1164 = tpu.memref_slice %arg8[%dma_start3A_1161, %dma_start3A_1162, %dma_start3A_1163] : memref<2x64x128xf32, #tpu.memory_space<vmem>> -> memref<1x64x128xf32, #tpu.memory_space<vmem>>
      %dma_start3A_1165 = tpu.memref_squeeze %dma_start3A_1164 : memref<1x64x128xf32, #tpu.memory_space<vmem>> -> memref<64x128xf32, #tpu.memory_space<vmem>>
      %dma_start3A_1166 = arith.constant 16 : i32
      %dma_start3A_1167 = arith.constant 0 : i32
      %dma_start3A_1168 = tpu.memref_slice %dma_start3A_1165[%dma_start3A_1166, %dma_start3A_1167] : memref<64x128xf32, #tpu.memory_space<vmem>> -> memref<8x128xf32, #tpu.memory_space<vmem>>
      %dma_start3A_1169 = arith.constant 16 : i32
      %dma_start3A_1170 = tpu.memref_slice %arg4[%select_n3A_1016, %dma_start3A_1169, %mul3A_1160] : memref<50x64x16384xf32, #tpu.memory_space<hbm>> -> memref<1x8x128xf32, #tpu.memory_space<hbm>>
      %dma_start3A_1171 = tpu.memref_squeeze %dma_start3A_1170 : memref<1x8x128xf32, #tpu.memory_space<hbm>> -> memref<8x128xf32, #tpu.memory_space<hbm>>
      %dma_start3A_1172 = arith.constant 16 : i32
      %dma_start3A_1173 = tpu.memref_slice %arg4[%select_n3A_1016, %dma_start3A_1172, %mul3A_1160] : memref<50x64x16384xf32, #tpu.memory_space<hbm>> -> memref<1x8x128xf32, #tpu.memory_space<hbm>>
      %dma_start3A_1174 = tpu.memref_squeeze %dma_start3A_1173 : memref<1x8x128xf32, #tpu.memory_space<hbm>> -> memref<8x128xf32, #tpu.memory_space<hbm>>
      %dma_start3A_1175 = arith.constant 0 : i32
      %dma_start3A_1176 = arith.constant 0 : i32
      %dma_start3A_1177 = tpu.memref_slice %arg8[%dma_start3A_1161, %dma_start3A_1175, %dma_start3A_1176] : memref<2x64x128xf32, #tpu.memory_space<vmem>> -> memref<1x64x128xf32, #tpu.memory_space<vmem>>
      %dma_start3A_1178 = tpu.memref_squeeze %dma_start3A_1177 : memref<1x64x128xf32, #tpu.memory_space<vmem>> -> memref<64x128xf32, #tpu.memory_space<vmem>>
      %dma_start3A_1179 = arith.constant 16 : i32
      %dma_start3A_1180 = arith.constant 0 : i32
      %dma_start3A_1181 = tpu.memref_slice %dma_start3A_1178[%dma_start3A_1179, %dma_start3A_1180] : memref<64x128xf32, #tpu.memory_space<vmem>> -> memref<8x128xf32, #tpu.memory_space<vmem>>
      tpu.enqueue_dma source(%dma_start3A_1181 : memref<8x128xf32, #tpu.memory_space<vmem>>) target(%dma_start3A_1174 : memref<8x128xf32, #tpu.memory_space<hbm>>) target_semaphore(%arg11 : memref<!tpu.dma_semaphore, #tpu.memory_space<semaphore_mem>>)
      %mul3A_1182 = arith.constant 128 : i32
      %mul3A_1183 = arith.muli %select_n3A_1032, %mul3A_1182 : i32
      %dma_start3A_1184 = arith.constant 0 : i32
      %dma_start3A_1185 = arith.constant 0 : i32
      %dma_start3A_1186 = arith.constant 0 : i32
      %dma_start3A_1187 = tpu.memref_slice %arg8[%dma_start3A_1184, %dma_start3A_1185, %dma_start3A_1186] : memref<2x64x128xf32, #tpu.memory_space<vmem>> -> memref<1x64x128xf32, #tpu.memory_space<vmem>>
      %dma_start3A_1188 = tpu.memref_squeeze %dma_start3A_1187 : memref<1x64x128xf32, #tpu.memory_space<vmem>> -> memref<64x128xf32, #tpu.memory_space<vmem>>
      %dma_start3A_1189 = arith.constant 24 : i32
      %dma_start3A_1190 = arith.constant 0 : i32
      %dma_start3A_1191 = tpu.memref_slice %dma_start3A_1188[%dma_start3A_1189, %dma_start3A_1190] : memref<64x128xf32, #tpu.memory_space<vmem>> -> memref<8x128xf32, #tpu.memory_space<vmem>>
      %dma_start3A_1192 = arith.constant 24 : i32
      %dma_start3A_1193 = tpu.memref_slice %arg4[%select_n3A_1016, %dma_start3A_1192, %mul3A_1183] : memref<50x64x16384xf32, #tpu.memory_space<hbm>> -> memref<1x8x128xf32, #tpu.memory_space<hbm>>
      %dma_start3A_1194 = tpu.memref_squeeze %dma_start3A_1193 : memref<1x8x128xf32, #tpu.memory_space<hbm>> -> memref<8x128xf32, #tpu.memory_space<hbm>>
      %dma_start3A_1195 = arith.constant 24 : i32
      %dma_start3A_1196 = tpu.memref_slice %arg4[%select_n3A_1016, %dma_start3A_1195, %mul3A_1183] : memref<50x64x16384xf32, #tpu.memory_space<hbm>> -> memref<1x8x128xf32, #tpu.memory_space<hbm>>
      %dma_start3A_1197 = tpu.memref_squeeze %dma_start3A_1196 : memref<1x8x128xf32, #tpu.memory_space<hbm>> -> memref<8x128xf32, #tpu.memory_space<hbm>>
      %dma_start3A_1198 = arith.constant 0 : i32
      %dma_start3A_1199 = arith.constant 0 : i32
      %dma_start3A_1200 = tpu.memref_slice %arg8[%dma_start3A_1184, %dma_start3A_1198, %dma_start3A_1199] : memref<2x64x128xf32, #tpu.memory_space<vmem>> -> memref<1x64x128xf32, #tpu.memory_space<vmem>>
      %dma_start3A_1201 = tpu.memref_squeeze %dma_start3A_1200 : memref<1x64x128xf32, #tpu.memory_space<vmem>> -> memref<64x128xf32, #tpu.memory_space<vmem>>
      %dma_start3A_1202 = arith.constant 24 : i32
      %dma_start3A_1203 = arith.constant 0 : i32
      %dma_start3A_1204 = tpu.memref_slice %dma_start3A_1201[%dma_start3A_1202, %dma_start3A_1203] : memref<64x128xf32, #tpu.memory_space<vmem>> -> memref<8x128xf32, #tpu.memory_space<vmem>>
      tpu.enqueue_dma source(%dma_start3A_1204 : memref<8x128xf32, #tpu.memory_space<vmem>>) target(%dma_start3A_1197 : memref<8x128xf32, #tpu.memory_space<hbm>>) target_semaphore(%arg11 : memref<!tpu.dma_semaphore, #tpu.memory_space<semaphore_mem>>)
      %mul3A_1205 = arith.constant 128 : i32
      %mul3A_1206 = arith.muli %select_n3A_1032, %mul3A_1205 : i32
      %dma_start3A_1207 = arith.constant 0 : i32
      %dma_start3A_1208 = arith.constant 0 : i32
      %dma_start3A_1209 = arith.constant 0 : i32
      %dma_start3A_1210 = tpu.memref_slice %arg8[%dma_start3A_1207, %dma_start3A_1208, %dma_start3A_1209] : memref<2x64x128xf32, #tpu.memory_space<vmem>> -> memref<1x64x128xf32, #tpu.memory_space<vmem>>
      %dma_start3A_1211 = tpu.memref_squeeze %dma_start3A_1210 : memref<1x64x128xf32, #tpu.memory_space<vmem>> -> memref<64x128xf32, #tpu.memory_space<vmem>>
      %dma_start3A_1212 = arith.constant 32 : i32
      %dma_start3A_1213 = arith.constant 0 : i32
      %dma_start3A_1214 = tpu.memref_slice %dma_start3A_1211[%dma_start3A_1212, %dma_start3A_1213] : memref<64x128xf32, #tpu.memory_space<vmem>> -> memref<8x128xf32, #tpu.memory_space<vmem>>
      %dma_start3A_1215 = arith.constant 32 : i32
      %dma_start3A_1216 = tpu.memref_slice %arg4[%select_n3A_1016, %dma_start3A_1215, %mul3A_1206] : memref<50x64x16384xf32, #tpu.memory_space<hbm>> -> memref<1x8x128xf32, #tpu.memory_space<hbm>>
      %dma_start3A_1217 = tpu.memref_squeeze %dma_start3A_1216 : memref<1x8x128xf32, #tpu.memory_space<hbm>> -> memref<8x128xf32, #tpu.memory_space<hbm>>
      %dma_start3A_1218 = arith.constant 32 : i32
      %dma_start3A_1219 = tpu.memref_slice %arg4[%select_n3A_1016, %dma_start3A_1218, %mul3A_1206] : memref<50x64x16384xf32, #tpu.memory_space<hbm>> -> memref<1x8x128xf32, #tpu.memory_space<hbm>>
      %dma_start3A_1220 = tpu.memref_squeeze %dma_start3A_1219 : memref<1x8x128xf32, #tpu.memory_space<hbm>> -> memref<8x128xf32, #tpu.memory_space<hbm>>
      %dma_start3A_1221 = arith.constant 0 : i32
      %dma_start3A_1222 = arith.constant 0 : i32
      %dma_start3A_1223 = tpu.memref_slice %arg8[%dma_start3A_1207, %dma_start3A_1221, %dma_start3A_1222] : memref<2x64x128xf32, #tpu.memory_space<vmem>> -> memref<1x64x128xf32, #tpu.memory_space<vmem>>
      %dma_start3A_1224 = tpu.memref_squeeze %dma_start3A_1223 : memref<1x64x128xf32, #tpu.memory_space<vmem>> -> memref<64x128xf32, #tpu.memory_space<vmem>>
      %dma_start3A_1225 = arith.constant 32 : i32
      %dma_start3A_1226 = arith.constant 0 : i32
      %dma_start3A_1227 = tpu.memref_slice %dma_start3A_1224[%dma_start3A_1225, %dma_start3A_1226] : memref<64x128xf32, #tpu.memory_space<vmem>> -> memref<8x128xf32, #tpu.memory_space<vmem>>
      tpu.enqueue_dma source(%dma_start3A_1227 : memref<8x128xf32, #tpu.memory_space<vmem>>) target(%dma_start3A_1220 : memref<8x128xf32, #tpu.memory_space<hbm>>) target_semaphore(%arg11 : memref<!tpu.dma_semaphore, #tpu.memory_space<semaphore_mem>>)
      %mul3A_1228 = arith.constant 128 : i32
      %mul3A_1229 = arith.muli %select_n3A_1032, %mul3A_1228 : i32
      %dma_start3A_1230 = arith.constant 0 : i32
      %dma_start3A_1231 = arith.constant 0 : i32
      %dma_start3A_1232 = arith.constant 0 : i32
      %dma_start3A_1233 = tpu.memref_slice %arg8[%dma_start3A_1230, %dma_start3A_1231, %dma_start3A_1232] : memref<2x64x128xf32, #tpu.memory_space<vmem>> -> memref<1x64x128xf32, #tpu.memory_space<vmem>>
      %dma_start3A_1234 = tpu.memref_squeeze %dma_start3A_1233 : memref<1x64x128xf32, #tpu.memory_space<vmem>> -> memref<64x128xf32, #tpu.memory_space<vmem>>
      %dma_start3A_1235 = arith.constant 40 : i32
      %dma_start3A_1236 = arith.constant 0 : i32
      %dma_start3A_1237 = tpu.memref_slice %dma_start3A_1234[%dma_start3A_1235, %dma_start3A_1236] : memref<64x128xf32, #tpu.memory_space<vmem>> -> memref<8x128xf32, #tpu.memory_space<vmem>>
      %dma_start3A_1238 = arith.constant 40 : i32
      %dma_start3A_1239 = tpu.memref_slice %arg4[%select_n3A_1016, %dma_start3A_1238, %mul3A_1229] : memref<50x64x16384xf32, #tpu.memory_space<hbm>> -> memref<1x8x128xf32, #tpu.memory_space<hbm>>
      %dma_start3A_1240 = tpu.memref_squeeze %dma_start3A_1239 : memref<1x8x128xf32, #tpu.memory_space<hbm>> -> memref<8x128xf32, #tpu.memory_space<hbm>>
      %dma_start3A_1241 = arith.constant 40 : i32
      %dma_start3A_1242 = tpu.memref_slice %arg4[%select_n3A_1016, %dma_start3A_1241, %mul3A_1229] : memref<50x64x16384xf32, #tpu.memory_space<hbm>> -> memref<1x8x128xf32, #tpu.memory_space<hbm>>
      %dma_start3A_1243 = tpu.memref_squeeze %dma_start3A_1242 : memref<1x8x128xf32, #tpu.memory_space<hbm>> -> memref<8x128xf32, #tpu.memory_space<hbm>>
      %dma_start3A_1244 = arith.constant 0 : i32
      %dma_start3A_1245 = arith.constant 0 : i32
      %dma_start3A_1246 = tpu.memref_slice %arg8[%dma_start3A_1230, %dma_start3A_1244, %dma_start3A_1245] : memref<2x64x128xf32, #tpu.memory_space<vmem>> -> memref<1x64x128xf32, #tpu.memory_space<vmem>>
      %dma_start3A_1247 = tpu.memref_squeeze %dma_start3A_1246 : memref<1x64x128xf32, #tpu.memory_space<vmem>> -> memref<64x128xf32, #tpu.memory_space<vmem>>
      %dma_start3A_1248 = arith.constant 40 : i32
      %dma_start3A_1249 = arith.constant 0 : i32
      %dma_start3A_1250 = tpu.memref_slice %dma_start3A_1247[%dma_start3A_1248, %dma_start3A_1249] : memref<64x128xf32, #tpu.memory_space<vmem>> -> memref<8x128xf32, #tpu.memory_space<vmem>>
      tpu.enqueue_dma source(%dma_start3A_1250 : memref<8x128xf32, #tpu.memory_space<vmem>>) target(%dma_start3A_1243 : memref<8x128xf32, #tpu.memory_space<hbm>>) target_semaphore(%arg11 : memref<!tpu.dma_semaphore, #tpu.memory_space<semaphore_mem>>)
      %mul3A_1251 = arith.constant 128 : i32
      %mul3A_1252 = arith.muli %select_n3A_1032, %mul3A_1251 : i32
      %dma_start3A_1253 = arith.constant 0 : i32
      %dma_start3A_1254 = arith.constant 0 : i32
      %dma_start3A_1255 = arith.constant 0 : i32
      %dma_start3A_1256 = tpu.memref_slice %arg8[%dma_start3A_1253, %dma_start3A_1254, %dma_start3A_1255] : memref<2x64x128xf32, #tpu.memory_space<vmem>> -> memref<1x64x128xf32, #tpu.memory_space<vmem>>
      %dma_start3A_1257 = tpu.memref_squeeze %dma_start3A_1256 : memref<1x64x128xf32, #tpu.memory_space<vmem>> -> memref<64x128xf32, #tpu.memory_space<vmem>>
      %dma_start3A_1258 = arith.constant 48 : i32
      %dma_start3A_1259 = arith.constant 0 : i32
      %dma_start3A_1260 = tpu.memref_slice %dma_start3A_1257[%dma_start3A_1258, %dma_start3A_1259] : memref<64x128xf32, #tpu.memory_space<vmem>> -> memref<8x128xf32, #tpu.memory_space<vmem>>
      %dma_start3A_1261 = arith.constant 48 : i32
      %dma_start3A_1262 = tpu.memref_slice %arg4[%select_n3A_1016, %dma_start3A_1261, %mul3A_1252] : memref<50x64x16384xf32, #tpu.memory_space<hbm>> -> memref<1x8x128xf32, #tpu.memory_space<hbm>>
      %dma_start3A_1263 = tpu.memref_squeeze %dma_start3A_1262 : memref<1x8x128xf32, #tpu.memory_space<hbm>> -> memref<8x128xf32, #tpu.memory_space<hbm>>
      %dma_start3A_1264 = arith.constant 48 : i32
      %dma_start3A_1265 = tpu.memref_slice %arg4[%select_n3A_1016, %dma_start3A_1264, %mul3A_1252] : memref<50x64x16384xf32, #tpu.memory_space<hbm>> -> memref<1x8x128xf32, #tpu.memory_space<hbm>>
      %dma_start3A_1266 = tpu.memref_squeeze %dma_start3A_1265 : memref<1x8x128xf32, #tpu.memory_space<hbm>> -> memref<8x128xf32, #tpu.memory_space<hbm>>
      %dma_start3A_1267 = arith.constant 0 : i32
      %dma_start3A_1268 = arith.constant 0 : i32
      %dma_start3A_1269 = tpu.memref_slice %arg8[%dma_start3A_1253, %dma_start3A_1267, %dma_start3A_1268] : memref<2x64x128xf32, #tpu.memory_space<vmem>> -> memref<1x64x128xf32, #tpu.memory_space<vmem>>
      %dma_start3A_1270 = tpu.memref_squeeze %dma_start3A_1269 : memref<1x64x128xf32, #tpu.memory_space<vmem>> -> memref<64x128xf32, #tpu.memory_space<vmem>>
      %dma_start3A_1271 = arith.constant 48 : i32
      %dma_start3A_1272 = arith.constant 0 : i32
      %dma_start3A_1273 = tpu.memref_slice %dma_start3A_1270[%dma_start3A_1271, %dma_start3A_1272] : memref<64x128xf32, #tpu.memory_space<vmem>> -> memref<8x128xf32, #tpu.memory_space<vmem>>
      tpu.enqueue_dma source(%dma_start3A_1273 : memref<8x128xf32, #tpu.memory_space<vmem>>) target(%dma_start3A_1266 : memref<8x128xf32, #tpu.memory_space<hbm>>) target_semaphore(%arg11 : memref<!tpu.dma_semaphore, #tpu.memory_space<semaphore_mem>>)
      %mul3A_1274 = arith.constant 128 : i32
      %mul3A_1275 = arith.muli %select_n3A_1032, %mul3A_1274 : i32
      %dma_start3A_1276 = arith.constant 0 : i32
      %dma_start3A_1277 = arith.constant 0 : i32
      %dma_start3A_1278 = arith.constant 0 : i32
      %dma_start3A_1279 = tpu.memref_slice %arg8[%dma_start3A_1276, %dma_start3A_1277, %dma_start3A_1278] : memref<2x64x128xf32, #tpu.memory_space<vmem>> -> memref<1x64x128xf32, #tpu.memory_space<vmem>>
      %dma_start3A_1280 = tpu.memref_squeeze %dma_start3A_1279 : memref<1x64x128xf32, #tpu.memory_space<vmem>> -> memref<64x128xf32, #tpu.memory_space<vmem>>
      %dma_start3A_1281 = arith.constant 56 : i32
      %dma_start3A_1282 = arith.constant 0 : i32
      %dma_start3A_1283 = tpu.memref_slice %dma_start3A_1280[%dma_start3A_1281, %dma_start3A_1282] : memref<64x128xf32, #tpu.memory_space<vmem>> -> memref<8x128xf32, #tpu.memory_space<vmem>>
      %dma_start3A_1284 = arith.constant 56 : i32
      %dma_start3A_1285 = tpu.memref_slice %arg4[%select_n3A_1016, %dma_start3A_1284, %mul3A_1275] : memref<50x64x16384xf32, #tpu.memory_space<hbm>> -> memref<1x8x128xf32, #tpu.memory_space<hbm>>
      %dma_start3A_1286 = tpu.memref_squeeze %dma_start3A_1285 : memref<1x8x128xf32, #tpu.memory_space<hbm>> -> memref<8x128xf32, #tpu.memory_space<hbm>>
      %dma_start3A_1287 = arith.constant 56 : i32
      %dma_start3A_1288 = tpu.memref_slice %arg4[%select_n3A_1016, %dma_start3A_1287, %mul3A_1275] : memref<50x64x16384xf32, #tpu.memory_space<hbm>> -> memref<1x8x128xf32, #tpu.memory_space<hbm>>
      %dma_start3A_1289 = tpu.memref_squeeze %dma_start3A_1288 : memref<1x8x128xf32, #tpu.memory_space<hbm>> -> memref<8x128xf32, #tpu.memory_space<hbm>>
      %dma_start3A_1290 = arith.constant 0 : i32
      %dma_start3A_1291 = arith.constant 0 : i32
      %dma_start3A_1292 = tpu.memref_slice %arg8[%dma_start3A_1276, %dma_start3A_1290, %dma_start3A_1291] : memref<2x64x128xf32, #tpu.memory_space<vmem>> -> memref<1x64x128xf32, #tpu.memory_space<vmem>>
      %dma_start3A_1293 = tpu.memref_squeeze %dma_start3A_1292 : memref<1x64x128xf32, #tpu.memory_space<vmem>> -> memref<64x128xf32, #tpu.memory_space<vmem>>
      %dma_start3A_1294 = arith.constant 56 : i32
      %dma_start3A_1295 = arith.constant 0 : i32
      %dma_start3A_1296 = tpu.memref_slice %dma_start3A_1293[%dma_start3A_1294, %dma_start3A_1295] : memref<64x128xf32, #tpu.memory_space<vmem>> -> memref<8x128xf32, #tpu.memory_space<vmem>>
      tpu.enqueue_dma source(%dma_start3A_1296 : memref<8x128xf32, #tpu.memory_space<vmem>>) target(%dma_start3A_1289 : memref<8x128xf32, #tpu.memory_space<hbm>>) target_semaphore(%arg11 : memref<!tpu.dma_semaphore, #tpu.memory_space<semaphore_mem>>)
      %dma_wait3A_1297 = arith.constant 1 : i32
      %dma_wait3A_1298 = arith.constant 0 : i32
      %dma_wait3A_1299 = arith.constant 0 : i32
      %dma_wait3A_1300 = tpu.memref_slice %arg6[%dma_wait3A_1297, %dma_wait3A_1298, %dma_wait3A_1299] : memref<2x128x128xf32, #tpu.memory_space<vmem>> -> memref<1x128x128xf32, #tpu.memory_space<vmem>>
      %dma_wait3A_1301 = tpu.memref_squeeze %dma_wait3A_1300 : memref<1x128x128xf32, #tpu.memory_space<vmem>> -> memref<128x128xf32, #tpu.memory_space<vmem>>
      %dma_wait3A_1302 = arith.constant 0 : i32
      %dma_wait3A_1303 = arith.constant 0 : i32
      %dma_wait3A_1304 = tpu.memref_slice %arg3[%dma_wait3A_1302, %dma_wait3A_1303] : memref<500000x128xf32, #tpu.memory_space<hbm>> -> memref<128x128xf32, #tpu.memory_space<hbm>>
      %dma_wait3A_1305 = arith.constant 0 : i32
      %dma_wait3A_1306 = arith.constant 0 : i32
      %dma_wait3A_1307 = tpu.memref_slice %arg6[%dma_wait3A_1297, %dma_wait3A_1305, %dma_wait3A_1306] : memref<2x128x128xf32, #tpu.memory_space<vmem>> -> memref<1x128x128xf32, #tpu.memory_space<vmem>>
      %dma_wait3A_1308 = tpu.memref_squeeze %dma_wait3A_1307 : memref<1x128x128xf32, #tpu.memory_space<vmem>> -> memref<128x128xf32, #tpu.memory_space<vmem>>
      %dma_wait3A_1309 = arith.constant 0 : i32
      %dma_wait3A_1310 = arith.constant 0 : i32
      %dma_wait3A_1311 = tpu.memref_slice %arg3[%dma_wait3A_1309, %dma_wait3A_1310] : memref<500000x128xf32, #tpu.memory_space<hbm>> -> memref<128x128xf32, #tpu.memory_space<hbm>>
      tpu.wait_dma2 semaphore(%arg10 : memref<!tpu.dma_semaphore, #tpu.memory_space<semaphore_mem>>) src(%dma_wait3A_1311 : memref<128x128xf32, #tpu.memory_space<hbm>>) dst(%dma_wait3A_1308 : memref<128x128xf32, #tpu.memory_space<vmem>>)
      %add3A_1312 = arith.constant 2 : i32
      %add3A_1313 = arith.addi %add3A_729, %add3A_1312 : i32
      %lt3A_1314 = arith.constant 200 : i32
      %lt3A_1315 = arith.cmpi slt, %add3A_1313, %lt3A_1314 : i32
      %convert_element_type3A_1316 = arith.extui %lt3A_1315 : i1 to i32
      %cond3A_1317 = arith.constant 0 : i32
      %cond3A_1318 = arith.cmpi ne, %convert_element_type3A_1316, %cond3A_1317 : i32
      scf.if %cond3A_1318 {
        %dma_wait3A_1634 = arith.constant 0 : i32
        %dma_wait3A_1635 = arith.constant 0 : i32
        %dma_wait3A_1636 = arith.constant 0 : i32
        %dma_wait3A_1637 = tpu.memref_slice %arg5[%dma_wait3A_1635, %dma_wait3A_1636] : memref<2x128xi32, #tpu.memory_space<vmem>> -> memref<1x128xi32, #tpu.memory_space<vmem>>
        %dma_wait3A_1638 = tpu.memref_squeeze %dma_wait3A_1637 : memref<1x128xi32, #tpu.memory_space<vmem>> -> memref<128xi32, #tpu.memory_space<vmem>>
        %dma_wait3A_1639 = arith.constant 0 : i32
        %dma_wait3A_1640 = tpu.memref_slice %arg2[%dma_wait3A_1634, %dma_wait3A_1639] : memref<50x16384xi32, #tpu.memory_space<hbm>> -> memref<1x128xi32, #tpu.memory_space<hbm>>
        %dma_wait3A_1641 = tpu.memref_squeeze %dma_wait3A_1640 : memref<1x128xi32, #tpu.memory_space<hbm>> -> memref<128xi32, #tpu.memory_space<hbm>>
        %dma_wait3A_1642 = arith.constant 0 : i32
        %dma_wait3A_1643 = tpu.memref_slice %arg5[%dma_wait3A_1635, %dma_wait3A_1642] : memref<2x128xi32, #tpu.memory_space<vmem>> -> memref<1x128xi32, #tpu.memory_space<vmem>>
        %dma_wait3A_1644 = tpu.memref_squeeze %dma_wait3A_1643 : memref<1x128xi32, #tpu.memory_space<vmem>> -> memref<128xi32, #tpu.memory_space<vmem>>
        %dma_wait3A_1645 = arith.constant 0 : i32
        %dma_wait3A_1646 = tpu.memref_slice %arg2[%dma_wait3A_1634, %dma_wait3A_1645] : memref<50x16384xi32, #tpu.memory_space<hbm>> -> memref<1x128xi32, #tpu.memory_space<hbm>>
        %dma_wait3A_1647 = tpu.memref_squeeze %dma_wait3A_1646 : memref<1x128xi32, #tpu.memory_space<hbm>> -> memref<128xi32, #tpu.memory_space<hbm>>
        tpu.wait_dma2 semaphore(%arg12 : memref<!tpu.dma_semaphore, #tpu.memory_space<semaphore_mem>>) src(%dma_wait3A_1647 : memref<128xi32, #tpu.memory_space<hbm>>) dst(%dma_wait3A_1644 : memref<128xi32, #tpu.memory_space<vmem>>)
        %get3A_1648 = arith.constant 0 : i32
        %get3A_1649 = arith.constant 0 : i32
        %get3A_1650 = tpu.memref_slice %arg5[%get3A_1648, %get3A_1649] : memref<2x128xi32, #tpu.memory_space<vmem>> -> memref<1x128xi32, #tpu.memory_space<vmem>>
        %get3A_1651 = tpu.memref_squeeze %get3A_1650 : memref<1x128xi32, #tpu.memory_space<vmem>> -> memref<128xi32, #tpu.memory_space<vmem>>
        %get3A_1652 = arith.constant 0 : index
        %get3A_1653 = tpu.vector_load %get3A_1651[%get3A_1652] {strides = array<i32>} : memref<128xi32, #tpu.memory_space<vmem>>, vector<16xi32>,
        %shift_right_logical3A_1654 = arith.constant 1 : i32
        %shift_right_logical3A_1655 = vector.broadcast %shift_right_logical3A_1654 : i32 to vector<16xi32>
        %shift_right_logical3A_1656 = arith.shrui %get3A_1653, %shift_right_logical3A_1655 : vector<16xi32>
        %swap3A_1657 = arith.constant 0 : i32
        %swap3A_1658 = arith.constant 0 : i32
        %swap3A_1659 = tpu.memref_slice %arg7[%swap3A_1657, %swap3A_1658] : memref<2x128xi32, #tpu.memory_space<vmem>> -> memref<1x128xi32, #tpu.memory_space<vmem>>
        %swap3A_1660 = tpu.memref_squeeze %swap3A_1659 : memref<1x128xi32, #tpu.memory_space<vmem>> -> memref<128xi32, #tpu.memory_space<vmem>>
        %swap3A_1661 = arith.constant 0 : index
        %swap3A_1662 = tpu.vector_load %swap3A_1660[%swap3A_1661] {strides = array<i32>} : memref<128xi32, #tpu.memory_space<vmem>>, vector<16xi32>,
        tpu.vector_store %swap3A_1660[%swap3A_1661], %shift_right_logical3A_1656 {strides = array<i32>} : memref<128xi32, #tpu.memory_space<vmem>>, vector<16xi32>,
        %and3A_1663 = arith.constant 1 : i32
        %and3A_1664 = vector.broadcast %and3A_1663 : i32 to vector<16xi32>
        %and3A_1665 = arith.andi %get3A_1653, %and3A_1664 : vector<16xi32>
        %shift_left3A_1666 = arith.constant 6 : i32
        %shift_left3A_1667 = vector.broadcast %shift_left3A_1666 : i32 to vector<16xi32>
        %shift_left3A_1668 = arith.shli %and3A_1665, %shift_left3A_1667 : vector<16xi32>
        %swap3A_1669 = arith.constant 0 : i32
        %swap3A_1670 = arith.constant 0 : i32
        %swap3A_1671 = tpu.memref_slice %arg9[%swap3A_1669, %swap3A_1670] : memref<2x128xi32, #tpu.memory_space<vmem>> -> memref<1x128xi32, #tpu.memory_space<vmem>>
        %swap3A_1672 = tpu.memref_squeeze %swap3A_1671 : memref<1x128xi32, #tpu.memory_space<vmem>> -> memref<128xi32, #tpu.memory_space<vmem>>
        %swap3A_1673 = arith.constant 0 : index
        %swap3A_1674 = tpu.vector_load %swap3A_1672[%swap3A_1673] {strides = array<i32>} : memref<128xi32, #tpu.memory_space<vmem>>, vector<16xi32>,
        tpu.vector_store %swap3A_1672[%swap3A_1673], %shift_left3A_1668 {strides = array<i32>} : memref<128xi32, #tpu.memory_space<vmem>>, vector<16xi32>,
        %get3A_1675 = arith.constant 0 : i32
        %get3A_1676 = arith.constant 0 : i32
        %get3A_1677 = tpu.memref_slice %arg5[%get3A_1675, %get3A_1676] : memref<2x128xi32, #tpu.memory_space<vmem>> -> memref<1x128xi32, #tpu.memory_space<vmem>>
        %get3A_1678 = tpu.memref_squeeze %get3A_1677 : memref<1x128xi32, #tpu.memory_space<vmem>> -> memref<128xi32, #tpu.memory_space<vmem>>
        %get3A_1679 = arith.constant 16 : index
        %get3A_1680 = tpu.vector_load %get3A_1678[%get3A_1679] {strides = array<i32>} : memref<128xi32, #tpu.memory_space<vmem>>, vector<16xi32>,
        %shift_right_logical3A_1681 = arith.constant 1 : i32
        %shift_right_logical3A_1682 = vector.broadcast %shift_right_logical3A_1681 : i32 to vector<16xi32>
        %shift_right_logical3A_1683 = arith.shrui %get3A_1680, %shift_right_logical3A_1682 : vector<16xi32>
        %swap3A_1684 = arith.constant 0 : i32
        %swap3A_1685 = arith.constant 0 : i32
        %swap3A_1686 = tpu.memref_slice %arg7[%swap3A_1684, %swap3A_1685] : memref<2x128xi32, #tpu.memory_space<vmem>> -> memref<1x128xi32, #tpu.memory_space<vmem>>
        %swap3A_1687 = tpu.memref_squeeze %swap3A_1686 : memref<1x128xi32, #tpu.memory_space<vmem>> -> memref<128xi32, #tpu.memory_space<vmem>>
        %swap3A_1688 = arith.constant 16 : index
        %swap3A_1689 = tpu.vector_load %swap3A_1687[%swap3A_1688] {strides = array<i32>} : memref<128xi32, #tpu.memory_space<vmem>>, vector<16xi32>,
        tpu.vector_store %swap3A_1687[%swap3A_1688], %shift_right_logical3A_1683 {strides = array<i32>} : memref<128xi32, #tpu.memory_space<vmem>>, vector<16xi32>,
        %and3A_1690 = arith.constant 1 : i32
        %and3A_1691 = vector.broadcast %and3A_1690 : i32 to vector<16xi32>
        %and3A_1692 = arith.andi %get3A_1680, %and3A_1691 : vector<16xi32>
        %shift_left3A_1693 = arith.constant 6 : i32
        %shift_left3A_1694 = vector.broadcast %shift_left3A_1693 : i32 to vector<16xi32>
        %shift_left3A_1695 = arith.shli %and3A_1692, %shift_left3A_1694 : vector<16xi32>
        %swap3A_1696 = arith.constant 0 : i32
        %swap3A_1697 = arith.constant 0 : i32
        %swap3A_1698 = tpu.memref_slice %arg9[%swap3A_1696, %swap3A_1697] : memref<2x128xi32, #tpu.memory_space<vmem>> -> memref<1x128xi32, #tpu.memory_space<vmem>>
        %swap3A_1699 = tpu.memref_squeeze %swap3A_1698 : memref<1x128xi32, #tpu.memory_space<vmem>> -> memref<128xi32, #tpu.memory_space<vmem>>
        %swap3A_1700 = arith.constant 16 : index
        %swap3A_1701 = tpu.vector_load %swap3A_1699[%swap3A_1700] {strides = array<i32>} : memref<128xi32, #tpu.memory_space<vmem>>, vector<16xi32>,
        tpu.vector_store %swap3A_1699[%swap3A_1700], %shift_left3A_1695 {strides = array<i32>} : memref<128xi32, #tpu.memory_space<vmem>>, vector<16xi32>,
        %get3A_1702 = arith.constant 0 : i32
        %get3A_1703 = arith.constant 0 : i32
        %get3A_1704 = tpu.memref_slice %arg5[%get3A_1702, %get3A_1703] : memref<2x128xi32, #tpu.memory_space<vmem>> -> memref<1x128xi32, #tpu.memory_space<vmem>>
        %get3A_1705 = tpu.memref_squeeze %get3A_1704 : memref<1x128xi32, #tpu.memory_space<vmem>> -> memref<128xi32, #tpu.memory_space<vmem>>
        %get3A_1706 = arith.constant 32 : index
        %get3A_1707 = tpu.vector_load %get3A_1705[%get3A_1706] {strides = array<i32>} : memref<128xi32, #tpu.memory_space<vmem>>, vector<16xi32>,
        %shift_right_logical3A_1708 = arith.constant 1 : i32
        %shift_right_logical3A_1709 = vector.broadcast %shift_right_logical3A_1708 : i32 to vector<16xi32>
        %shift_right_logical3A_1710 = arith.shrui %get3A_1707, %shift_right_logical3A_1709 : vector<16xi32>
        %swap3A_1711 = arith.constant 0 : i32
        %swap3A_1712 = arith.constant 0 : i32
        %swap3A_1713 = tpu.memref_slice %arg7[%swap3A_1711, %swap3A_1712] : memref<2x128xi32, #tpu.memory_space<vmem>> -> memref<1x128xi32, #tpu.memory_space<vmem>>
        %swap3A_1714 = tpu.memref_squeeze %swap3A_1713 : memref<1x128xi32, #tpu.memory_space<vmem>> -> memref<128xi32, #tpu.memory_space<vmem>>
        %swap3A_1715 = arith.constant 32 : index
        %swap3A_1716 = tpu.vector_load %swap3A_1714[%swap3A_1715] {strides = array<i32>} : memref<128xi32, #tpu.memory_space<vmem>>, vector<16xi32>,
        tpu.vector_store %swap3A_1714[%swap3A_1715], %shift_right_logical3A_1710 {strides = array<i32>} : memref<128xi32, #tpu.memory_space<vmem>>, vector<16xi32>,
        %and3A_1717 = arith.constant 1 : i32
        %and3A_1718 = vector.broadcast %and3A_1717 : i32 to vector<16xi32>
        %and3A_1719 = arith.andi %get3A_1707, %and3A_1718 : vector<16xi32>
        %shift_left3A_1720 = arith.constant 6 : i32
        %shift_left3A_1721 = vector.broadcast %shift_left3A_1720 : i32 to vector<16xi32>
        %shift_left3A_1722 = arith.shli %and3A_1719, %shift_left3A_1721 : vector<16xi32>
        %swap3A_1723 = arith.constant 0 : i32
        %swap3A_1724 = arith.constant 0 : i32
        %swap3A_1725 = tpu.memref_slice %arg9[%swap3A_1723, %swap3A_1724] : memref<2x128xi32, #tpu.memory_space<vmem>> -> memref<1x128xi32, #tpu.memory_space<vmem>>
        %swap3A_1726 = tpu.memref_squeeze %swap3A_1725 : memref<1x128xi32, #tpu.memory_space<vmem>> -> memref<128xi32, #tpu.memory_space<vmem>>
        %swap3A_1727 = arith.constant 32 : index
        %swap3A_1728 = tpu.vector_load %swap3A_1726[%swap3A_1727] {strides = array<i32>} : memref<128xi32, #tpu.memory_space<vmem>>, vector<16xi32>,
        tpu.vector_store %swap3A_1726[%swap3A_1727], %shift_left3A_1722 {strides = array<i32>} : memref<128xi32, #tpu.memory_space<vmem>>, vector<16xi32>,
        %get3A_1729 = arith.constant 0 : i32
        %get3A_1730 = arith.constant 0 : i32
        %get3A_1731 = tpu.memref_slice %arg5[%get3A_1729, %get3A_1730] : memref<2x128xi32, #tpu.memory_space<vmem>> -> memref<1x128xi32, #tpu.memory_space<vmem>>
        %get3A_1732 = tpu.memref_squeeze %get3A_1731 : memref<1x128xi32, #tpu.memory_space<vmem>> -> memref<128xi32, #tpu.memory_space<vmem>>
        %get3A_1733 = arith.constant 48 : index
        %get3A_1734 = tpu.vector_load %get3A_1732[%get3A_1733] {strides = array<i32>} : memref<128xi32, #tpu.memory_space<vmem>>, vector<16xi32>,
        %shift_right_logical3A_1735 = arith.constant 1 : i32
        %shift_right_logical3A_1736 = vector.broadcast %shift_right_logical3A_1735 : i32 to vector<16xi32>
        %shift_right_logical3A_1737 = arith.shrui %get3A_1734, %shift_right_logical3A_1736 : vector<16xi32>
        %swap3A_1738 = arith.constant 0 : i32
        %swap3A_1739 = arith.constant 0 : i32
        %swap3A_1740 = tpu.memref_slice %arg7[%swap3A_1738, %swap3A_1739] : memref<2x128xi32, #tpu.memory_space<vmem>> -> memref<1x128xi32, #tpu.memory_space<vmem>>
        %swap3A_1741 = tpu.memref_squeeze %swap3A_1740 : memref<1x128xi32, #tpu.memory_space<vmem>> -> memref<128xi32, #tpu.memory_space<vmem>>
        %swap3A_1742 = arith.constant 48 : index
        %swap3A_1743 = tpu.vector_load %swap3A_1741[%swap3A_1742] {strides = array<i32>} : memref<128xi32, #tpu.memory_space<vmem>>, vector<16xi32>,
        tpu.vector_store %swap3A_1741[%swap3A_1742], %shift_right_logical3A_1737 {strides = array<i32>} : memref<128xi32, #tpu.memory_space<vmem>>, vector<16xi32>,
        %and3A_1744 = arith.constant 1 : i32
        %and3A_1745 = vector.broadcast %and3A_1744 : i32 to vector<16xi32>
        %and3A_1746 = arith.andi %get3A_1734, %and3A_1745 : vector<16xi32>
        %shift_left3A_1747 = arith.constant 6 : i32
        %shift_left3A_1748 = vector.broadcast %shift_left3A_1747 : i32 to vector<16xi32>
        %shift_left3A_1749 = arith.shli %and3A_1746, %shift_left3A_1748 : vector<16xi32>
        %swap3A_1750 = arith.constant 0 : i32
        %swap3A_1751 = arith.constant 0 : i32
        %swap3A_1752 = tpu.memref_slice %arg9[%swap3A_1750, %swap3A_1751] : memref<2x128xi32, #tpu.memory_space<vmem>> -> memref<1x128xi32, #tpu.memory_space<vmem>>
        %swap3A_1753 = tpu.memref_squeeze %swap3A_1752 : memref<1x128xi32, #tpu.memory_space<vmem>> -> memref<128xi32, #tpu.memory_space<vmem>>
        %swap3A_1754 = arith.constant 48 : index
        %swap3A_1755 = tpu.vector_load %swap3A_1753[%swap3A_1754] {strides = array<i32>} : memref<128xi32, #tpu.memory_space<vmem>>, vector<16xi32>,
        tpu.vector_store %swap3A_1753[%swap3A_1754], %shift_left3A_1749 {strides = array<i32>} : memref<128xi32, #tpu.memory_space<vmem>>, vector<16xi32>,
        %get3A_1756 = arith.constant 0 : i32
        %get3A_1757 = arith.constant 0 : i32
        %get3A_1758 = tpu.memref_slice %arg5[%get3A_1756, %get3A_1757] : memref<2x128xi32, #tpu.memory_space<vmem>> -> memref<1x128xi32, #tpu.memory_space<vmem>>
        %get3A_1759 = tpu.memref_squeeze %get3A_1758 : memref<1x128xi32, #tpu.memory_space<vmem>> -> memref<128xi32, #tpu.memory_space<vmem>>
        %get3A_1760 = arith.constant 64 : index
        %get3A_1761 = tpu.vector_load %get3A_1759[%get3A_1760] {strides = array<i32>} : memref<128xi32, #tpu.memory_space<vmem>>, vector<16xi32>,
        %shift_right_logical3A_1762 = arith.constant 1 : i32
        %shift_right_logical3A_1763 = vector.broadcast %shift_right_logical3A_1762 : i32 to vector<16xi32>
        %shift_right_logical3A_1764 = arith.shrui %get3A_1761, %shift_right_logical3A_1763 : vector<16xi32>
        %swap3A_1765 = arith.constant 0 : i32
        %swap3A_1766 = arith.constant 0 : i32
        %swap3A_1767 = tpu.memref_slice %arg7[%swap3A_1765, %swap3A_1766] : memref<2x128xi32, #tpu.memory_space<vmem>> -> memref<1x128xi32, #tpu.memory_space<vmem>>
        %swap3A_1768 = tpu.memref_squeeze %swap3A_1767 : memref<1x128xi32, #tpu.memory_space<vmem>> -> memref<128xi32, #tpu.memory_space<vmem>>
        %swap3A_1769 = arith.constant 64 : index
        %swap3A_1770 = tpu.vector_load %swap3A_1768[%swap3A_1769] {strides = array<i32>} : memref<128xi32, #tpu.memory_space<vmem>>, vector<16xi32>,
        tpu.vector_store %swap3A_1768[%swap3A_1769], %shift_right_logical3A_1764 {strides = array<i32>} : memref<128xi32, #tpu.memory_space<vmem>>, vector<16xi32>,
        %and3A_1771 = arith.constant 1 : i32
        %and3A_1772 = vector.broadcast %and3A_1771 : i32 to vector<16xi32>
        %and3A_1773 = arith.andi %get3A_1761, %and3A_1772 : vector<16xi32>
        %shift_left3A_1774 = arith.constant 6 : i32
        %shift_left3A_1775 = vector.broadcast %shift_left3A_1774 : i32 to vector<16xi32>
        %shift_left3A_1776 = arith.shli %and3A_1773, %shift_left3A_1775 : vector<16xi32>
        %swap3A_1777 = arith.constant 0 : i32
        %swap3A_1778 = arith.constant 0 : i32
        %swap3A_1779 = tpu.memref_slice %arg9[%swap3A_1777, %swap3A_1778] : memref<2x128xi32, #tpu.memory_space<vmem>> -> memref<1x128xi32, #tpu.memory_space<vmem>>
        %swap3A_1780 = tpu.memref_squeeze %swap3A_1779 : memref<1x128xi32, #tpu.memory_space<vmem>> -> memref<128xi32, #tpu.memory_space<vmem>>
        %swap3A_1781 = arith.constant 64 : index
        %swap3A_1782 = tpu.vector_load %swap3A_1780[%swap3A_1781] {strides = array<i32>} : memref<128xi32, #tpu.memory_space<vmem>>, vector<16xi32>,
        tpu.vector_store %swap3A_1780[%swap3A_1781], %shift_left3A_1776 {strides = array<i32>} : memref<128xi32, #tpu.memory_space<vmem>>, vector<16xi32>,
        %get3A_1783 = arith.constant 0 : i32
        %get3A_1784 = arith.constant 0 : i32
        %get3A_1785 = tpu.memref_slice %arg5[%get3A_1783, %get3A_1784] : memref<2x128xi32, #tpu.memory_space<vmem>> -> memref<1x128xi32, #tpu.memory_space<vmem>>
        %get3A_1786 = tpu.memref_squeeze %get3A_1785 : memref<1x128xi32, #tpu.memory_space<vmem>> -> memref<128xi32, #tpu.memory_space<vmem>>
        %get3A_1787 = arith.constant 80 : index
        %get3A_1788 = tpu.vector_load %get3A_1786[%get3A_1787] {strides = array<i32>} : memref<128xi32, #tpu.memory_space<vmem>>, vector<16xi32>,
        %shift_right_logical3A_1789 = arith.constant 1 : i32
        %shift_right_logical3A_1790 = vector.broadcast %shift_right_logical3A_1789 : i32 to vector<16xi32>
        %shift_right_logical3A_1791 = arith.shrui %get3A_1788, %shift_right_logical3A_1790 : vector<16xi32>
        %swap3A_1792 = arith.constant 0 : i32
        %swap3A_1793 = arith.constant 0 : i32
        %swap3A_1794 = tpu.memref_slice %arg7[%swap3A_1792, %swap3A_1793] : memref<2x128xi32, #tpu.memory_space<vmem>> -> memref<1x128xi32, #tpu.memory_space<vmem>>
        %swap3A_1795 = tpu.memref_squeeze %swap3A_1794 : memref<1x128xi32, #tpu.memory_space<vmem>> -> memref<128xi32, #tpu.memory_space<vmem>>
        %swap3A_1796 = arith.constant 80 : index
        %swap3A_1797 = tpu.vector_load %swap3A_1795[%swap3A_1796] {strides = array<i32>} : memref<128xi32, #tpu.memory_space<vmem>>, vector<16xi32>,
        tpu.vector_store %swap3A_1795[%swap3A_1796], %shift_right_logical3A_1791 {strides = array<i32>} : memref<128xi32, #tpu.memory_space<vmem>>, vector<16xi32>,
        %and3A_1798 = arith.constant 1 : i32
        %and3A_1799 = vector.broadcast %and3A_1798 : i32 to vector<16xi32>
        %and3A_1800 = arith.andi %get3A_1788, %and3A_1799 : vector<16xi32>
        %shift_left3A_1801 = arith.constant 6 : i32
        %shift_left3A_1802 = vector.broadcast %shift_left3A_1801 : i32 to vector<16xi32>
        %shift_left3A_1803 = arith.shli %and3A_1800, %shift_left3A_1802 : vector<16xi32>
        %swap3A_1804 = arith.constant 0 : i32
        %swap3A_1805 = arith.constant 0 : i32
        %swap3A_1806 = tpu.memref_slice %arg9[%swap3A_1804, %swap3A_1805] : memref<2x128xi32, #tpu.memory_space<vmem>> -> memref<1x128xi32, #tpu.memory_space<vmem>>
        %swap3A_1807 = tpu.memref_squeeze %swap3A_1806 : memref<1x128xi32, #tpu.memory_space<vmem>> -> memref<128xi32, #tpu.memory_space<vmem>>
        %swap3A_1808 = arith.constant 80 : index
        %swap3A_1809 = tpu.vector_load %swap3A_1807[%swap3A_1808] {strides = array<i32>} : memref<128xi32, #tpu.memory_space<vmem>>, vector<16xi32>,
        tpu.vector_store %swap3A_1807[%swap3A_1808], %shift_left3A_1803 {strides = array<i32>} : memref<128xi32, #tpu.memory_space<vmem>>, vector<16xi32>,
        %get3A_1810 = arith.constant 0 : i32
        %get3A_1811 = arith.constant 0 : i32
        %get3A_1812 = tpu.memref_slice %arg5[%get3A_1810, %get3A_1811] : memref<2x128xi32, #tpu.memory_space<vmem>> -> memref<1x128xi32, #tpu.memory_space<vmem>>
        %get3A_1813 = tpu.memref_squeeze %get3A_1812 : memref<1x128xi32, #tpu.memory_space<vmem>> -> memref<128xi32, #tpu.memory_space<vmem>>
        %get3A_1814 = arith.constant 96 : index
        %get3A_1815 = tpu.vector_load %get3A_1813[%get3A_1814] {strides = array<i32>} : memref<128xi32, #tpu.memory_space<vmem>>, vector<16xi32>,
        %shift_right_logical3A_1816 = arith.constant 1 : i32
        %shift_right_logical3A_1817 = vector.broadcast %shift_right_logical3A_1816 : i32 to vector<16xi32>
        %shift_right_logical3A_1818 = arith.shrui %get3A_1815, %shift_right_logical3A_1817 : vector<16xi32>
        %swap3A_1819 = arith.constant 0 : i32
        %swap3A_1820 = arith.constant 0 : i32
        %swap3A_1821 = tpu.memref_slice %arg7[%swap3A_1819, %swap3A_1820] : memref<2x128xi32, #tpu.memory_space<vmem>> -> memref<1x128xi32, #tpu.memory_space<vmem>>
        %swap3A_1822 = tpu.memref_squeeze %swap3A_1821 : memref<1x128xi32, #tpu.memory_space<vmem>> -> memref<128xi32, #tpu.memory_space<vmem>>
        %swap3A_1823 = arith.constant 96 : index
        %swap3A_1824 = tpu.vector_load %swap3A_1822[%swap3A_1823] {strides = array<i32>} : memref<128xi32, #tpu.memory_space<vmem>>, vector<16xi32>,
        tpu.vector_store %swap3A_1822[%swap3A_1823], %shift_right_logical3A_1818 {strides = array<i32>} : memref<128xi32, #tpu.memory_space<vmem>>, vector<16xi32>,
        %and3A_1825 = arith.constant 1 : i32
        %and3A_1826 = vector.broadcast %and3A_1825 : i32 to vector<16xi32>
        %and3A_1827 = arith.andi %get3A_1815, %and3A_1826 : vector<16xi32>
        %shift_left3A_1828 = arith.constant 6 : i32
        %shift_left3A_1829 = vector.broadcast %shift_left3A_1828 : i32 to vector<16xi32>
        %shift_left3A_1830 = arith.shli %and3A_1827, %shift_left3A_1829 : vector<16xi32>
        %swap3A_1831 = arith.constant 0 : i32
        %swap3A_1832 = arith.constant 0 : i32
        %swap3A_1833 = tpu.memref_slice %arg9[%swap3A_1831, %swap3A_1832] : memref<2x128xi32, #tpu.memory_space<vmem>> -> memref<1x128xi32, #tpu.memory_space<vmem>>
        %swap3A_1834 = tpu.memref_squeeze %swap3A_1833 : memref<1x128xi32, #tpu.memory_space<vmem>> -> memref<128xi32, #tpu.memory_space<vmem>>
        %swap3A_1835 = arith.constant 96 : index
        %swap3A_1836 = tpu.vector_load %swap3A_1834[%swap3A_1835] {strides = array<i32>} : memref<128xi32, #tpu.memory_space<vmem>>, vector<16xi32>,
        tpu.vector_store %swap3A_1834[%swap3A_1835], %shift_left3A_1830 {strides = array<i32>} : memref<128xi32, #tpu.memory_space<vmem>>, vector<16xi32>,
        %get3A_1837 = arith.constant 0 : i32
        %get3A_1838 = arith.constant 0 : i32
        %get3A_1839 = tpu.memref_slice %arg5[%get3A_1837, %get3A_1838] : memref<2x128xi32, #tpu.memory_space<vmem>> -> memref<1x128xi32, #tpu.memory_space<vmem>>
        %get3A_1840 = tpu.memref_squeeze %get3A_1839 : memref<1x128xi32, #tpu.memory_space<vmem>> -> memref<128xi32, #tpu.memory_space<vmem>>
        %get3A_1841 = arith.constant 112 : index
        %get3A_1842 = tpu.vector_load %get3A_1840[%get3A_1841] {strides = array<i32>} : memref<128xi32, #tpu.memory_space<vmem>>, vector<16xi32>,
        %shift_right_logical3A_1843 = arith.constant 1 : i32
        %shift_right_logical3A_1844 = vector.broadcast %shift_right_logical3A_1843 : i32 to vector<16xi32>
        %shift_right_logical3A_1845 = arith.shrui %get3A_1842, %shift_right_logical3A_1844 : vector<16xi32>
        %swap3A_1846 = arith.constant 0 : i32
        %swap3A_1847 = arith.constant 0 : i32
        %swap3A_1848 = tpu.memref_slice %arg7[%swap3A_1846, %swap3A_1847] : memref<2x128xi32, #tpu.memory_space<vmem>> -> memref<1x128xi32, #tpu.memory_space<vmem>>
        %swap3A_1849 = tpu.memref_squeeze %swap3A_1848 : memref<1x128xi32, #tpu.memory_space<vmem>> -> memref<128xi32, #tpu.memory_space<vmem>>
        %swap3A_1850 = arith.constant 112 : index
        %swap3A_1851 = tpu.vector_load %swap3A_1849[%swap3A_1850] {strides = array<i32>} : memref<128xi32, #tpu.memory_space<vmem>>, vector<16xi32>,
        tpu.vector_store %swap3A_1849[%swap3A_1850], %shift_right_logical3A_1845 {strides = array<i32>} : memref<128xi32, #tpu.memory_space<vmem>>, vector<16xi32>,
        %and3A_1852 = arith.constant 1 : i32
        %and3A_1853 = vector.broadcast %and3A_1852 : i32 to vector<16xi32>
        %and3A_1854 = arith.andi %get3A_1842, %and3A_1853 : vector<16xi32>
        %shift_left3A_1855 = arith.constant 6 : i32
        %shift_left3A_1856 = vector.broadcast %shift_left3A_1855 : i32 to vector<16xi32>
        %shift_left3A_1857 = arith.shli %and3A_1854, %shift_left3A_1856 : vector<16xi32>
        %swap3A_1858 = arith.constant 0 : i32
        %swap3A_1859 = arith.constant 0 : i32
        %swap3A_1860 = tpu.memref_slice %arg9[%swap3A_1858, %swap3A_1859] : memref<2x128xi32, #tpu.memory_space<vmem>> -> memref<1x128xi32, #tpu.memory_space<vmem>>
        %swap3A_1861 = tpu.memref_squeeze %swap3A_1860 : memref<1x128xi32, #tpu.memory_space<vmem>> -> memref<128xi32, #tpu.memory_space<vmem>>
        %swap3A_1862 = arith.constant 112 : index
        %swap3A_1863 = tpu.vector_load %swap3A_1861[%swap3A_1862] {strides = array<i32>} : memref<128xi32, #tpu.memory_space<vmem>>, vector<16xi32>,
        tpu.vector_store %swap3A_1861[%swap3A_1862], %shift_left3A_1857 {strides = array<i32>} : memref<128xi32, #tpu.memory_space<vmem>>, vector<16xi32>,
        %dma_start3A_1864 = arith.constant 0 : i32
        %dma_start3A_1865 = arith.constant 0 : i32
        %dma_start3A_1866 = arith.constant 0 : i32
        %dma_start3A_1867 = arith.constant 0 : i32
        %dma_start3A_1868 = tpu.memref_slice %arg6[%dma_start3A_1865, %dma_start3A_1866, %dma_start3A_1867] : memref<2x128x128xf32, #tpu.memory_space<vmem>> -> memref<1x128x128xf32, #tpu.memory_space<vmem>>
        %dma_start3A_1869 = tpu.memref_squeeze %dma_start3A_1868 : memref<1x128x128xf32, #tpu.memory_space<vmem>> -> memref<128x128xf32, #tpu.memory_space<vmem>>
        %dma_start3A_1870 = arith.constant 0 : i32
        %dma_start3A_1871 = tpu.memref_slice %arg7[%dma_start3A_1864, %dma_start3A_1870] : memref<2x128xi32, #tpu.memory_space<vmem>> -> memref<1x128xi32, #tpu.memory_space<vmem>>
        %dma_start3A_1872 = tpu.memref_squeeze %dma_start3A_1871 : memref<1x128xi32, #tpu.memory_space<vmem>> -> memref<128xi32, #tpu.memory_space<vmem>>
        %dma_start3A_1873 = arith.constant 0 : i32
        %dma_start3A_1874 = arith.constant 0 : i32
        %dma_start3A_1875 = tpu.memref_slice %arg3[%dma_start3A_1873, %dma_start3A_1874] : memref<500000x128xf32, #tpu.memory_space<hbm>> -> memref<500000x128xf32, #tpu.memory_space<hbm>>
        tpu.enqueue_indirect_dma source(%dma_start3A_1875 : memref<500000x128xf32, #tpu.memory_space<hbm>>) target(%dma_start3A_1869 : memref<128x128xf32, #tpu.memory_space<vmem>>) offsets(%dma_start3A_1872 : memref<128xi32, #tpu.memory_space<vmem>>) semaphore(%arg10 : memref<!tpu.dma_semaphore, #tpu.memory_space<semaphore_mem>>)
      } else {
      }
      %add3A_1319 = arith.constant 3 : i32
      %add3A_1320 = arith.addi %add3A_729, %add3A_1319 : i32
      %lt3A_1321 = arith.constant 200 : i32
      %lt3A_1322 = arith.cmpi slt, %add3A_1320, %lt3A_1321 : i32
      %convert_element_type3A_1323 = arith.extui %lt3A_1322 : i1 to i32
      %cond3A_1324 = arith.constant 0 : i32
      %cond3A_1325 = arith.cmpi ne, %convert_element_type3A_1323, %cond3A_1324 : i32
      scf.if %cond3A_1325 {
        %add3A_1634 = arith.constant 3 : i32
        %add3A_1635 = arith.addi %add3A_730, %add3A_1634 : i32
        %jit3A_1636 = arith.constant 128 : i32
        %div3A_1637 = arith.divsi %add3A_1635, %jit3A_1636 : i32
        %sign3A_1638 = arith.constant 0 : i32
        %sign3A_1639 = arith.cmpi sgt, %add3A_1635, %sign3A_1638 : i32
        %sign3A_1640 = arith.extui %sign3A_1639 : i1 to i32
        %sign3A_1641 = arith.constant 0 : i32
        %sign3A_1642 = arith.cmpi slt, %add3A_1635, %sign3A_1641 : i32
        %sign3A_1643 = arith.extui %sign3A_1642 : i1 to i32
        %sign3A_1644 = arith.subi %sign3A_1640, %sign3A_1643 : i32
        %sign3A_1645 = arith.constant 0 : i32
        %sign3A_1646 = arith.cmpi sgt, %jit3A_1636, %sign3A_1645 : i32
        %sign3A_1647 = arith.extui %sign3A_1646 : i1 to i32
        %sign3A_1648 = arith.constant 0 : i32
        %sign3A_1649 = arith.cmpi slt, %jit3A_1636, %sign3A_1648 : i32
        %sign3A_1650 = arith.extui %sign3A_1649 : i1 to i32
        %sign3A_1651 = arith.subi %sign3A_1647, %sign3A_1650 : i32
        %ne3A_1652 = arith.cmpi ne, %sign3A_1644, %sign3A_1651 : i32
        %rem3A_1653 = arith.remsi %add3A_1635, %jit3A_1636 : i32
        %ne3A_1654 = arith.constant 0 : i32
        %ne3A_1655 = arith.cmpi ne, %rem3A_1653, %ne3A_1654 : i32
        %and3A_1656 = arith.andi %ne3A_1652, %ne3A_1655 : i1
        %sub3A_1657 = arith.constant 1 : i32
        %sub3A_1658 = arith.subi %div3A_1637, %sub3A_1657 : i32
        %select_n3A_1659 = arith.select %and3A_1656, %sub3A_1658, %div3A_1637 : i32
        %jit3A_1660 = arith.constant 128 : i32
        %eq3A_1661 = arith.constant 0 : i32
        %eq3A_1662 = arith.cmpi eq, %jit3A_1660, %eq3A_1661 : i32
        %jit3A_1663 = arith.constant 1 : i32
        %select_n3A_1664 = arith.select %eq3A_1662, %jit3A_1663, %jit3A_1660 : i32
        %rem3A_1665 = arith.remsi %add3A_1635, %select_n3A_1664 : i32
        %ne3A_1666 = arith.constant 0 : i32
        %ne3A_1667 = arith.cmpi ne, %rem3A_1665, %ne3A_1666 : i32
        %lt3A_1668 = arith.constant 0 : i32
        %lt3A_1669 = arith.cmpi slt, %rem3A_1665, %lt3A_1668 : i32
        %lt3A_1670 = arith.constant 0 : i32
        %lt3A_1671 = arith.cmpi slt, %select_n3A_1664, %lt3A_1670 : i32
        %ne3A_1672 = arith.xori %lt3A_1669, %lt3A_1671 : i1
        %and3A_1673 = arith.andi %ne3A_1672, %ne3A_1667 : i1
        %add3A_1674 = arith.addi %rem3A_1665, %select_n3A_1664 : i32
        %select_n3A_1675 = arith.select %and3A_1673, %add3A_1674, %rem3A_1665 : i32
        %mul3A_1676 = arith.constant 128 : i32
        %mul3A_1677 = arith.muli %select_n3A_1675, %mul3A_1676 : i32
        %dma_start3A_1678 = arith.constant 1 : i32
        %dma_start3A_1679 = arith.constant 0 : i32
        %dma_start3A_1680 = tpu.memref_slice %arg5[%dma_start3A_1678, %dma_start3A_1679] : memref<2x128xi32, #tpu.memory_space<vmem>> -> memref<1x128xi32, #tpu.memory_space<vmem>>
        %dma_start3A_1681 = tpu.memref_squeeze %dma_start3A_1680 : memref<1x128xi32, #tpu.memory_space<vmem>> -> memref<128xi32, #tpu.memory_space<vmem>>
        %dma_start3A_1682 = tpu.memref_slice %arg2[%select_n3A_1659, %mul3A_1677] : memref<50x16384xi32, #tpu.memory_space<hbm>> -> memref<1x128xi32, #tpu.memory_space<hbm>>
        %dma_start3A_1683 = tpu.memref_squeeze %dma_start3A_1682 : memref<1x128xi32, #tpu.memory_space<hbm>> -> memref<128xi32, #tpu.memory_space<hbm>>
        %dma_start3A_1684 = arith.constant 0 : i32
        %dma_start3A_1685 = tpu.memref_slice %arg5[%dma_start3A_1678, %dma_start3A_1684] : memref<2x128xi32, #tpu.memory_space<vmem>> -> memref<1x128xi32, #tpu.memory_space<vmem>>
        %dma_start3A_1686 = tpu.memref_squeeze %dma_start3A_1685 : memref<1x128xi32, #tpu.memory_space<vmem>> -> memref<128xi32, #tpu.memory_space<vmem>>
        %dma_start3A_1687 = tpu.memref_slice %arg2[%select_n3A_1659, %mul3A_1677] : memref<50x16384xi32, #tpu.memory_space<hbm>> -> memref<1x128xi32, #tpu.memory_space<hbm>>
        %dma_start3A_1688 = tpu.memref_squeeze %dma_start3A_1687 : memref<1x128xi32, #tpu.memory_space<hbm>> -> memref<128xi32, #tpu.memory_space<hbm>>
        tpu.enqueue_dma source(%dma_start3A_1688 : memref<128xi32, #tpu.memory_space<hbm>>) target(%dma_start3A_1686 : memref<128xi32, #tpu.memory_space<vmem>>) target_semaphore(%arg12 : memref<!tpu.dma_semaphore, #tpu.memory_space<semaphore_mem>>)
      } else {
      }
      %add3A_1326 = arith.constant 1 : i32
      %add3A_1327 = arith.addi %add3A_730, %add3A_1326 : i32
      %jit3A_1328 = arith.constant 128 : i32
      %div3A_1329 = arith.divsi %add3A_1327, %jit3A_1328 : i32
      %sign3A_1330 = arith.constant 0 : i32
      %sign3A_1331 = arith.cmpi sgt, %add3A_1327, %sign3A_1330 : i32
      %sign3A_1332 = arith.extui %sign3A_1331 : i1 to i32
      %sign3A_1333 = arith.constant 0 : i32
      %sign3A_1334 = arith.cmpi slt, %add3A_1327, %sign3A_1333 : i32
      %sign3A_1335 = arith.extui %sign3A_1334 : i1 to i32
      %sign3A_1336 = arith.subi %sign3A_1332, %sign3A_1335 : i32
      %sign3A_1337 = arith.constant 0 : i32
      %sign3A_1338 = arith.cmpi sgt, %jit3A_1328, %sign3A_1337 : i32
      %sign3A_1339 = arith.extui %sign3A_1338 : i1 to i32
      %sign3A_1340 = arith.constant 0 : i32
      %sign3A_1341 = arith.cmpi slt, %jit3A_1328, %sign3A_1340 : i32
      %sign3A_1342 = arith.extui %sign3A_1341 : i1 to i32
      %sign3A_1343 = arith.subi %sign3A_1339, %sign3A_1342 : i32
      %ne3A_1344 = arith.cmpi ne, %sign3A_1336, %sign3A_1343 : i32
      %rem3A_1345 = arith.remsi %add3A_1327, %jit3A_1328 : i32
      %ne3A_1346 = arith.constant 0 : i32
      %ne3A_1347 = arith.cmpi ne, %rem3A_1345, %ne3A_1346 : i32
      %and3A_1348 = arith.andi %ne3A_1344, %ne3A_1347 : i1
      %sub3A_1349 = arith.constant 1 : i32
      %sub3A_1350 = arith.subi %div3A_1329, %sub3A_1349 : i32
      %select_n3A_1351 = arith.select %and3A_1348, %sub3A_1350, %div3A_1329 : i32
      %jit3A_1352 = arith.constant 128 : i32
      %eq3A_1353 = arith.constant 0 : i32
      %eq3A_1354 = arith.cmpi eq, %jit3A_1352, %eq3A_1353 : i32
      %jit3A_1355 = arith.constant 1 : i32
      %select_n3A_1356 = arith.select %eq3A_1354, %jit3A_1355, %jit3A_1352 : i32
      %rem3A_1357 = arith.remsi %add3A_1327, %select_n3A_1356 : i32
      %ne3A_1358 = arith.constant 0 : i32
      %ne3A_1359 = arith.cmpi ne, %rem3A_1357, %ne3A_1358 : i32
      %lt3A_1360 = arith.constant 0 : i32
      %lt3A_1361 = arith.cmpi slt, %rem3A_1357, %lt3A_1360 : i32
      %lt3A_1362 = arith.constant 0 : i32
      %lt3A_1363 = arith.cmpi slt, %select_n3A_1356, %lt3A_1362 : i32
      %ne3A_1364 = arith.xori %lt3A_1361, %lt3A_1363 : i1
      %and3A_1365 = arith.andi %ne3A_1364, %ne3A_1359 : i1
      %add3A_1366 = arith.addi %rem3A_1357, %select_n3A_1356 : i32
      %select_n3A_1367 = arith.select %and3A_1365, %add3A_1366, %rem3A_1357 : i32
      %get3A_1368 = arith.constant 1 : i32
      %get3A_1369 = arith.constant 0 : i32
      %get3A_1370 = tpu.memref_slice %arg9[%get3A_1368, %get3A_1369] : memref<2x128xi32, #tpu.memory_space<vmem>> -> memref<1x128xi32, #tpu.memory_space<vmem>>
      %get3A_1371 = tpu.memref_squeeze %get3A_1370 : memref<1x128xi32, #tpu.memory_space<vmem>> -> memref<128xi32, #tpu.memory_space<vmem>>
      %get3A_1372 = arith.constant 0 : index
      %get3A_1373 = tpu.vector_load %get3A_1371[%get3A_1372] {strides = array<i32>} : memref<128xi32, #tpu.memory_space<vmem>>, vector<16xi32>,
      %get3A_1374 = arith.constant 1 : i32
      %get3A_1375 = arith.constant 0 : i32
      %get3A_1376 = tpu.memref_slice %arg9[%get3A_1374, %get3A_1375] : memref<2x128xi32, #tpu.memory_space<vmem>> -> memref<1x128xi32, #tpu.memory_space<vmem>>
      %get3A_1377 = tpu.memref_squeeze %get3A_1376 : memref<1x128xi32, #tpu.memory_space<vmem>> -> memref<128xi32, #tpu.memory_space<vmem>>
      %get3A_1378 = arith.constant 16 : index
      %get3A_1379 = tpu.vector_load %get3A_1377[%get3A_1378] {strides = array<i32>} : memref<128xi32, #tpu.memory_space<vmem>>, vector<16xi32>,
      %get3A_1380 = arith.constant 1 : i32
      %get3A_1381 = arith.constant 0 : i32
      %get3A_1382 = tpu.memref_slice %arg9[%get3A_1380, %get3A_1381] : memref<2x128xi32, #tpu.memory_space<vmem>> -> memref<1x128xi32, #tpu.memory_space<vmem>>
      %get3A_1383 = tpu.memref_squeeze %get3A_1382 : memref<1x128xi32, #tpu.memory_space<vmem>> -> memref<128xi32, #tpu.memory_space<vmem>>
      %get3A_1384 = arith.constant 32 : index
      %get3A_1385 = tpu.vector_load %get3A_1383[%get3A_1384] {strides = array<i32>} : memref<128xi32, #tpu.memory_space<vmem>>, vector<16xi32>,
      %get3A_1386 = arith.constant 1 : i32
      %get3A_1387 = arith.constant 0 : i32
      %get3A_1388 = tpu.memref_slice %arg9[%get3A_1386, %get3A_1387] : memref<2x128xi32, #tpu.memory_space<vmem>> -> memref<1x128xi32, #tpu.memory_space<vmem>>
      %get3A_1389 = tpu.memref_squeeze %get3A_1388 : memref<1x128xi32, #tpu.memory_space<vmem>> -> memref<128xi32, #tpu.memory_space<vmem>>
      %get3A_1390 = arith.constant 48 : index
      %get3A_1391 = tpu.vector_load %get3A_1389[%get3A_1390] {strides = array<i32>} : memref<128xi32, #tpu.memory_space<vmem>>, vector<16xi32>,
      %get3A_1392 = arith.constant 1 : i32
      %get3A_1393 = arith.constant 0 : i32
      %get3A_1394 = tpu.memref_slice %arg9[%get3A_1392, %get3A_1393] : memref<2x128xi32, #tpu.memory_space<vmem>> -> memref<1x128xi32, #tpu.memory_space<vmem>>
      %get3A_1395 = tpu.memref_squeeze %get3A_1394 : memref<1x128xi32, #tpu.memory_space<vmem>> -> memref<128xi32, #tpu.memory_space<vmem>>
      %get3A_1396 = arith.constant 64 : index
      %get3A_1397 = tpu.vector_load %get3A_1395[%get3A_1396] {strides = array<i32>} : memref<128xi32, #tpu.memory_space<vmem>>, vector<16xi32>,
      %get3A_1398 = arith.constant 1 : i32
      %get3A_1399 = arith.constant 0 : i32
      %get3A_1400 = tpu.memref_slice %arg9[%get3A_1398, %get3A_1399] : memref<2x128xi32, #tpu.memory_space<vmem>> -> memref<1x128xi32, #tpu.memory_space<vmem>>
      %get3A_1401 = tpu.memref_squeeze %get3A_1400 : memref<1x128xi32, #tpu.memory_space<vmem>> -> memref<128xi32, #tpu.memory_space<vmem>>
      %get3A_1402 = arith.constant 80 : index
      %get3A_1403 = tpu.vector_load %get3A_1401[%get3A_1402] {strides = array<i32>} : memref<128xi32, #tpu.memory_space<vmem>>, vector<16xi32>,
      %get3A_1404 = arith.constant 1 : i32
      %get3A_1405 = arith.constant 0 : i32
      %get3A_1406 = tpu.memref_slice %arg9[%get3A_1404, %get3A_1405] : memref<2x128xi32, #tpu.memory_space<vmem>> -> memref<1x128xi32, #tpu.memory_space<vmem>>
      %get3A_1407 = tpu.memref_squeeze %get3A_1406 : memref<1x128xi32, #tpu.memory_space<vmem>> -> memref<128xi32, #tpu.memory_space<vmem>>
      %get3A_1408 = arith.constant 96 : index
      %get3A_1409 = tpu.vector_load %get3A_1407[%get3A_1408] {strides = array<i32>} : memref<128xi32, #tpu.memory_space<vmem>>, vector<16xi32>,
      %get3A_1410 = arith.constant 1 : i32
      %get3A_1411 = arith.constant 0 : i32
      %get3A_1412 = tpu.memref_slice %arg9[%get3A_1410, %get3A_1411] : memref<2x128xi32, #tpu.memory_space<vmem>> -> memref<1x128xi32, #tpu.memory_space<vmem>>
      %get3A_1413 = tpu.memref_squeeze %get3A_1412 : memref<1x128xi32, #tpu.memory_space<vmem>> -> memref<128xi32, #tpu.memory_space<vmem>>
      %get3A_1414 = arith.constant 112 : index
      %get3A_1415 = tpu.vector_load %get3A_1413[%get3A_1414] {strides = array<i32>} : memref<128xi32, #tpu.memory_space<vmem>>, vector<16xi32>,
      %add3A_1416 = arith.constant 0 : i32
      %add3A_1417 = vector.broadcast %add3A_1416 : i32 to vector<16xi32>
      %add3A_1418 = arith.addi %iota3A, %add3A_1417 : vector<16xi32>
      %add3A_1419 = arith.constant 16 : i32
      %add3A_1420 = vector.broadcast %add3A_1419 : i32 to vector<16xi32>
      %add3A_1421 = arith.addi %iota3A, %add3A_1420 : vector<16xi32>
      %add3A_1422 = arith.constant 32 : i32
      %add3A_1423 = vector.broadcast %add3A_1422 : i32 to vector<16xi32>
      %add3A_1424 = arith.addi %iota3A, %add3A_1423 : vector<16xi32>
      %add3A_1425 = arith.constant 48 : i32
      %add3A_1426 = vector.broadcast %add3A_1425 : i32 to vector<16xi32>
      %add3A_1427 = arith.addi %iota3A, %add3A_1426 : vector<16xi32>
      %add3A_1428 = arith.constant 64 : i32
      %add3A_1429 = vector.broadcast %add3A_1428 : i32 to vector<16xi32>
      %add3A_1430 = arith.addi %iota3A, %add3A_1429 : vector<16xi32>
      %add3A_1431 = arith.constant 80 : i32
      %add3A_1432 = vector.broadcast %add3A_1431 : i32 to vector<16xi32>
      %add3A_1433 = arith.addi %iota3A, %add3A_1432 : vector<16xi32>
      %add3A_1434 = arith.constant 96 : i32
      %add3A_1435 = vector.broadcast %add3A_1434 : i32 to vector<16xi32>
      %add3A_1436 = arith.addi %iota3A, %add3A_1435 : vector<16xi32>
      %add3A_1437 = arith.constant 112 : i32
      %add3A_1438 = vector.broadcast %add3A_1437 : i32 to vector<16xi32>
      %add3A_1439 = arith.addi %iota3A, %add3A_1438 : vector<16xi32>
      %gt3A_1440 = arith.constant 0 : i32
      %gt3A_1441 = arith.cmpi sgt, %add3A_729, %gt3A_1440 : i32
      %convert_element_type3A_1442 = arith.extui %gt3A_1441 : i1 to i32
      %cond3A_1443 = arith.constant 0 : i32
      %cond3A_1444 = arith.cmpi ne, %convert_element_type3A_1442, %cond3A_1443 : i32
      scf.if %cond3A_1444 {
        %dma_wait3A_1634 = arith.constant 1 : i32
        %dma_wait3A_1635 = arith.constant 0 : i32
        %dma_wait3A_1636 = arith.constant 0 : i32
        %dma_wait3A_1637 = arith.constant 0 : i32
        %dma_wait3A_1638 = tpu.memref_slice %arg8[%dma_wait3A_1634, %dma_wait3A_1636, %dma_wait3A_1637] : memref<2x64x128xf32, #tpu.memory_space<vmem>> -> memref<1x64x128xf32, #tpu.memory_space<vmem>>
        %dma_wait3A_1639 = tpu.memref_squeeze %dma_wait3A_1638 : memref<1x64x128xf32, #tpu.memory_space<vmem>> -> memref<64x128xf32, #tpu.memory_space<vmem>>
        %dma_wait3A_1640 = arith.constant 0 : i32
        %dma_wait3A_1641 = arith.constant 0 : i32
        %dma_wait3A_1642 = tpu.memref_slice %dma_wait3A_1639[%dma_wait3A_1640, %dma_wait3A_1641] : memref<64x128xf32, #tpu.memory_space<vmem>> -> memref<8x128xf32, #tpu.memory_space<vmem>>
        %dma_wait3A_1643 = arith.constant 0 : i32
        %dma_wait3A_1644 = arith.constant 0 : i32
        %dma_wait3A_1645 = tpu.memref_slice %arg4[%dma_wait3A_1635, %dma_wait3A_1643, %dma_wait3A_1644] : memref<50x64x16384xf32, #tpu.memory_space<hbm>> -> memref<1x8x128xf32, #tpu.memory_space<hbm>>
        %dma_wait3A_1646 = tpu.memref_squeeze %dma_wait3A_1645 : memref<1x8x128xf32, #tpu.memory_space<hbm>> -> memref<8x128xf32, #tpu.memory_space<hbm>>
        %dma_wait3A_1647 = arith.constant 0 : i32
        %dma_wait3A_1648 = arith.constant 0 : i32
        %dma_wait3A_1649 = tpu.memref_slice %arg4[%dma_wait3A_1635, %dma_wait3A_1647, %dma_wait3A_1648] : memref<50x64x16384xf32, #tpu.memory_space<hbm>> -> memref<1x8x128xf32, #tpu.memory_space<hbm>>
        %dma_wait3A_1650 = tpu.memref_squeeze %dma_wait3A_1649 : memref<1x8x128xf32, #tpu.memory_space<hbm>> -> memref<8x128xf32, #tpu.memory_space<hbm>>
        %dma_wait3A_1651 = arith.constant 0 : i32
        %dma_wait3A_1652 = arith.constant 0 : i32
        %dma_wait3A_1653 = tpu.memref_slice %arg8[%dma_wait3A_1634, %dma_wait3A_1651, %dma_wait3A_1652] : memref<2x64x128xf32, #tpu.memory_space<vmem>> -> memref<1x64x128xf32, #tpu.memory_space<vmem>>
        %dma_wait3A_1654 = tpu.memref_squeeze %dma_wait3A_1653 : memref<1x64x128xf32, #tpu.memory_space<vmem>> -> memref<64x128xf32, #tpu.memory_space<vmem>>
        %dma_wait3A_1655 = arith.constant 0 : i32
        %dma_wait3A_1656 = arith.constant 0 : i32
        %dma_wait3A_1657 = tpu.memref_slice %dma_wait3A_1654[%dma_wait3A_1655, %dma_wait3A_1656] : memref<64x128xf32, #tpu.memory_space<vmem>> -> memref<8x128xf32, #tpu.memory_space<vmem>>
        tpu.wait_dma2 semaphore(%arg11 : memref<!tpu.dma_semaphore, #tpu.memory_space<semaphore_mem>>) src(%dma_wait3A_1657 : memref<8x128xf32, #tpu.memory_space<vmem>>) dst(%dma_wait3A_1650 : memref<8x128xf32, #tpu.memory_space<hbm>>)
        %dma_wait3A_1658 = arith.constant 1 : i32
        %dma_wait3A_1659 = arith.constant 0 : i32
        %dma_wait3A_1660 = arith.constant 0 : i32
        %dma_wait3A_1661 = arith.constant 0 : i32
        %dma_wait3A_1662 = tpu.memref_slice %arg8[%dma_wait3A_1658, %dma_wait3A_1660, %dma_wait3A_1661] : memref<2x64x128xf32, #tpu.memory_space<vmem>> -> memref<1x64x128xf32, #tpu.memory_space<vmem>>
        %dma_wait3A_1663 = tpu.memref_squeeze %dma_wait3A_1662 : memref<1x64x128xf32, #tpu.memory_space<vmem>> -> memref<64x128xf32, #tpu.memory_space<vmem>>
        %dma_wait3A_1664 = arith.constant 8 : i32
        %dma_wait3A_1665 = arith.constant 0 : i32
        %dma_wait3A_1666 = tpu.memref_slice %dma_wait3A_1663[%dma_wait3A_1664, %dma_wait3A_1665] : memref<64x128xf32, #tpu.memory_space<vmem>> -> memref<8x128xf32, #tpu.memory_space<vmem>>
        %dma_wait3A_1667 = arith.constant 0 : i32
        %dma_wait3A_1668 = arith.constant 0 : i32
        %dma_wait3A_1669 = tpu.memref_slice %arg4[%dma_wait3A_1659, %dma_wait3A_1667, %dma_wait3A_1668] : memref<50x64x16384xf32, #tpu.memory_space<hbm>> -> memref<1x8x128xf32, #tpu.memory_space<hbm>>
        %dma_wait3A_1670 = tpu.memref_squeeze %dma_wait3A_1669 : memref<1x8x128xf32, #tpu.memory_space<hbm>> -> memref<8x128xf32, #tpu.memory_space<hbm>>
        %dma_wait3A_1671 = arith.constant 0 : i32
        %dma_wait3A_1672 = arith.constant 0 : i32
        %dma_wait3A_1673 = tpu.memref_slice %arg4[%dma_wait3A_1659, %dma_wait3A_1671, %dma_wait3A_1672] : memref<50x64x16384xf32, #tpu.memory_space<hbm>> -> memref<1x8x128xf32, #tpu.memory_space<hbm>>
        %dma_wait3A_1674 = tpu.memref_squeeze %dma_wait3A_1673 : memref<1x8x128xf32, #tpu.memory_space<hbm>> -> memref<8x128xf32, #tpu.memory_space<hbm>>
        %dma_wait3A_1675 = arith.constant 0 : i32
        %dma_wait3A_1676 = arith.constant 0 : i32
        %dma_wait3A_1677 = tpu.memref_slice %arg8[%dma_wait3A_1658, %dma_wait3A_1675, %dma_wait3A_1676] : memref<2x64x128xf32, #tpu.memory_space<vmem>> -> memref<1x64x128xf32, #tpu.memory_space<vmem>>
        %dma_wait3A_1678 = tpu.memref_squeeze %dma_wait3A_1677 : memref<1x64x128xf32, #tpu.memory_space<vmem>> -> memref<64x128xf32, #tpu.memory_space<vmem>>
        %dma_wait3A_1679 = arith.constant 8 : i32
        %dma_wait3A_1680 = arith.constant 0 : i32
        %dma_wait3A_1681 = tpu.memref_slice %dma_wait3A_1678[%dma_wait3A_1679, %dma_wait3A_1680] : memref<64x128xf32, #tpu.memory_space<vmem>> -> memref<8x128xf32, #tpu.memory_space<vmem>>
        tpu.wait_dma2 semaphore(%arg11 : memref<!tpu.dma_semaphore, #tpu.memory_space<semaphore_mem>>) src(%dma_wait3A_1681 : memref<8x128xf32, #tpu.memory_space<vmem>>) dst(%dma_wait3A_1674 : memref<8x128xf32, #tpu.memory_space<hbm>>)
        %dma_wait3A_1682 = arith.constant 1 : i32
        %dma_wait3A_1683 = arith.constant 0 : i32
        %dma_wait3A_1684 = arith.constant 0 : i32
        %dma_wait3A_1685 = arith.constant 0 : i32
        %dma_wait3A_1686 = tpu.memref_slice %arg8[%dma_wait3A_1682, %dma_wait3A_1684, %dma_wait3A_1685] : memref<2x64x128xf32, #tpu.memory_space<vmem>> -> memref<1x64x128xf32, #tpu.memory_space<vmem>>
        %dma_wait3A_1687 = tpu.memref_squeeze %dma_wait3A_1686 : memref<1x64x128xf32, #tpu.memory_space<vmem>> -> memref<64x128xf32, #tpu.memory_space<vmem>>
        %dma_wait3A_1688 = arith.constant 16 : i32
        %dma_wait3A_1689 = arith.constant 0 : i32
        %dma_wait3A_1690 = tpu.memref_slice %dma_wait3A_1687[%dma_wait3A_1688, %dma_wait3A_1689] : memref<64x128xf32, #tpu.memory_space<vmem>> -> memref<8x128xf32, #tpu.memory_space<vmem>>
        %dma_wait3A_1691 = arith.constant 0 : i32
        %dma_wait3A_1692 = arith.constant 0 : i32
        %dma_wait3A_1693 = tpu.memref_slice %arg4[%dma_wait3A_1683, %dma_wait3A_1691, %dma_wait3A_1692] : memref<50x64x16384xf32, #tpu.memory_space<hbm>> -> memref<1x8x128xf32, #tpu.memory_space<hbm>>
        %dma_wait3A_1694 = tpu.memref_squeeze %dma_wait3A_1693 : memref<1x8x128xf32, #tpu.memory_space<hbm>> -> memref<8x128xf32, #tpu.memory_space<hbm>>
        %dma_wait3A_1695 = arith.constant 0 : i32
        %dma_wait3A_1696 = arith.constant 0 : i32
        %dma_wait3A_1697 = tpu.memref_slice %arg4[%dma_wait3A_1683, %dma_wait3A_1695, %dma_wait3A_1696] : memref<50x64x16384xf32, #tpu.memory_space<hbm>> -> memref<1x8x128xf32, #tpu.memory_space<hbm>>
        %dma_wait3A_1698 = tpu.memref_squeeze %dma_wait3A_1697 : memref<1x8x128xf32, #tpu.memory_space<hbm>> -> memref<8x128xf32, #tpu.memory_space<hbm>>
        %dma_wait3A_1699 = arith.constant 0 : i32
        %dma_wait3A_1700 = arith.constant 0 : i32
        %dma_wait3A_1701 = tpu.memref_slice %arg8[%dma_wait3A_1682, %dma_wait3A_1699, %dma_wait3A_1700] : memref<2x64x128xf32, #tpu.memory_space<vmem>> -> memref<1x64x128xf32, #tpu.memory_space<vmem>>
        %dma_wait3A_1702 = tpu.memref_squeeze %dma_wait3A_1701 : memref<1x64x128xf32, #tpu.memory_space<vmem>> -> memref<64x128xf32, #tpu.memory_space<vmem>>
        %dma_wait3A_1703 = arith.constant 16 : i32
        %dma_wait3A_1704 = arith.constant 0 : i32
        %dma_wait3A_1705 = tpu.memref_slice %dma_wait3A_1702[%dma_wait3A_1703, %dma_wait3A_1704] : memref<64x128xf32, #tpu.memory_space<vmem>> -> memref<8x128xf32, #tpu.memory_space<vmem>>
        tpu.wait_dma2 semaphore(%arg11 : memref<!tpu.dma_semaphore, #tpu.memory_space<semaphore_mem>>) src(%dma_wait3A_1705 : memref<8x128xf32, #tpu.memory_space<vmem>>) dst(%dma_wait3A_1698 : memref<8x128xf32, #tpu.memory_space<hbm>>)
        %dma_wait3A_1706 = arith.constant 1 : i32
        %dma_wait3A_1707 = arith.constant 0 : i32
        %dma_wait3A_1708 = arith.constant 0 : i32
        %dma_wait3A_1709 = arith.constant 0 : i32
        %dma_wait3A_1710 = tpu.memref_slice %arg8[%dma_wait3A_1706, %dma_wait3A_1708, %dma_wait3A_1709] : memref<2x64x128xf32, #tpu.memory_space<vmem>> -> memref<1x64x128xf32, #tpu.memory_space<vmem>>
        %dma_wait3A_1711 = tpu.memref_squeeze %dma_wait3A_1710 : memref<1x64x128xf32, #tpu.memory_space<vmem>> -> memref<64x128xf32, #tpu.memory_space<vmem>>
        %dma_wait3A_1712 = arith.constant 24 : i32
        %dma_wait3A_1713 = arith.constant 0 : i32
        %dma_wait3A_1714 = tpu.memref_slice %dma_wait3A_1711[%dma_wait3A_1712, %dma_wait3A_1713] : memref<64x128xf32, #tpu.memory_space<vmem>> -> memref<8x128xf32, #tpu.memory_space<vmem>>
        %dma_wait3A_1715 = arith.constant 0 : i32
        %dma_wait3A_1716 = arith.constant 0 : i32
        %dma_wait3A_1717 = tpu.memref_slice %arg4[%dma_wait3A_1707, %dma_wait3A_1715, %dma_wait3A_1716] : memref<50x64x16384xf32, #tpu.memory_space<hbm>> -> memref<1x8x128xf32, #tpu.memory_space<hbm>>
        %dma_wait3A_1718 = tpu.memref_squeeze %dma_wait3A_1717 : memref<1x8x128xf32, #tpu.memory_space<hbm>> -> memref<8x128xf32, #tpu.memory_space<hbm>>
        %dma_wait3A_1719 = arith.constant 0 : i32
        %dma_wait3A_1720 = arith.constant 0 : i32
        %dma_wait3A_1721 = tpu.memref_slice %arg4[%dma_wait3A_1707, %dma_wait3A_1719, %dma_wait3A_1720] : memref<50x64x16384xf32, #tpu.memory_space<hbm>> -> memref<1x8x128xf32, #tpu.memory_space<hbm>>
        %dma_wait3A_1722 = tpu.memref_squeeze %dma_wait3A_1721 : memref<1x8x128xf32, #tpu.memory_space<hbm>> -> memref<8x128xf32, #tpu.memory_space<hbm>>
        %dma_wait3A_1723 = arith.constant 0 : i32
        %dma_wait3A_1724 = arith.constant 0 : i32
        %dma_wait3A_1725 = tpu.memref_slice %arg8[%dma_wait3A_1706, %dma_wait3A_1723, %dma_wait3A_1724] : memref<2x64x128xf32, #tpu.memory_space<vmem>> -> memref<1x64x128xf32, #tpu.memory_space<vmem>>
        %dma_wait3A_1726 = tpu.memref_squeeze %dma_wait3A_1725 : memref<1x64x128xf32, #tpu.memory_space<vmem>> -> memref<64x128xf32, #tpu.memory_space<vmem>>
        %dma_wait3A_1727 = arith.constant 24 : i32
        %dma_wait3A_1728 = arith.constant 0 : i32
        %dma_wait3A_1729 = tpu.memref_slice %dma_wait3A_1726[%dma_wait3A_1727, %dma_wait3A_1728] : memref<64x128xf32, #tpu.memory_space<vmem>> -> memref<8x128xf32, #tpu.memory_space<vmem>>
        tpu.wait_dma2 semaphore(%arg11 : memref<!tpu.dma_semaphore, #tpu.memory_space<semaphore_mem>>) src(%dma_wait3A_1729 : memref<8x128xf32, #tpu.memory_space<vmem>>) dst(%dma_wait3A_1722 : memref<8x128xf32, #tpu.memory_space<hbm>>)
        %dma_wait3A_1730 = arith.constant 1 : i32
        %dma_wait3A_1731 = arith.constant 0 : i32
        %dma_wait3A_1732 = arith.constant 0 : i32
        %dma_wait3A_1733 = arith.constant 0 : i32
        %dma_wait3A_1734 = tpu.memref_slice %arg8[%dma_wait3A_1730, %dma_wait3A_1732, %dma_wait3A_1733] : memref<2x64x128xf32, #tpu.memory_space<vmem>> -> memref<1x64x128xf32, #tpu.memory_space<vmem>>
        %dma_wait3A_1735 = tpu.memref_squeeze %dma_wait3A_1734 : memref<1x64x128xf32, #tpu.memory_space<vmem>> -> memref<64x128xf32, #tpu.memory_space<vmem>>
        %dma_wait3A_1736 = arith.constant 32 : i32
        %dma_wait3A_1737 = arith.constant 0 : i32
        %dma_wait3A_1738 = tpu.memref_slice %dma_wait3A_1735[%dma_wait3A_1736, %dma_wait3A_1737] : memref<64x128xf32, #tpu.memory_space<vmem>> -> memref<8x128xf32, #tpu.memory_space<vmem>>
        %dma_wait3A_1739 = arith.constant 0 : i32
        %dma_wait3A_1740 = arith.constant 0 : i32
        %dma_wait3A_1741 = tpu.memref_slice %arg4[%dma_wait3A_1731, %dma_wait3A_1739, %dma_wait3A_1740] : memref<50x64x16384xf32, #tpu.memory_space<hbm>> -> memref<1x8x128xf32, #tpu.memory_space<hbm>>
        %dma_wait3A_1742 = tpu.memref_squeeze %dma_wait3A_1741 : memref<1x8x128xf32, #tpu.memory_space<hbm>> -> memref<8x128xf32, #tpu.memory_space<hbm>>
        %dma_wait3A_1743 = arith.constant 0 : i32
        %dma_wait3A_1744 = arith.constant 0 : i32
        %dma_wait3A_1745 = tpu.memref_slice %arg4[%dma_wait3A_1731, %dma_wait3A_1743, %dma_wait3A_1744] : memref<50x64x16384xf32, #tpu.memory_space<hbm>> -> memref<1x8x128xf32, #tpu.memory_space<hbm>>
        %dma_wait3A_1746 = tpu.memref_squeeze %dma_wait3A_1745 : memref<1x8x128xf32, #tpu.memory_space<hbm>> -> memref<8x128xf32, #tpu.memory_space<hbm>>
        %dma_wait3A_1747 = arith.constant 0 : i32
        %dma_wait3A_1748 = arith.constant 0 : i32
        %dma_wait3A_1749 = tpu.memref_slice %arg8[%dma_wait3A_1730, %dma_wait3A_1747, %dma_wait3A_1748] : memref<2x64x128xf32, #tpu.memory_space<vmem>> -> memref<1x64x128xf32, #tpu.memory_space<vmem>>
        %dma_wait3A_1750 = tpu.memref_squeeze %dma_wait3A_1749 : memref<1x64x128xf32, #tpu.memory_space<vmem>> -> memref<64x128xf32, #tpu.memory_space<vmem>>
        %dma_wait3A_1751 = arith.constant 32 : i32
        %dma_wait3A_1752 = arith.constant 0 : i32
        %dma_wait3A_1753 = tpu.memref_slice %dma_wait3A_1750[%dma_wait3A_1751, %dma_wait3A_1752] : memref<64x128xf32, #tpu.memory_space<vmem>> -> memref<8x128xf32, #tpu.memory_space<vmem>>
        tpu.wait_dma2 semaphore(%arg11 : memref<!tpu.dma_semaphore, #tpu.memory_space<semaphore_mem>>) src(%dma_wait3A_1753 : memref<8x128xf32, #tpu.memory_space<vmem>>) dst(%dma_wait3A_1746 : memref<8x128xf32, #tpu.memory_space<hbm>>)
        %dma_wait3A_1754 = arith.constant 1 : i32
        %dma_wait3A_1755 = arith.constant 0 : i32
        %dma_wait3A_1756 = arith.constant 0 : i32
        %dma_wait3A_1757 = arith.constant 0 : i32
        %dma_wait3A_1758 = tpu.memref_slice %arg8[%dma_wait3A_1754, %dma_wait3A_1756, %dma_wait3A_1757] : memref<2x64x128xf32, #tpu.memory_space<vmem>> -> memref<1x64x128xf32, #tpu.memory_space<vmem>>
        %dma_wait3A_1759 = tpu.memref_squeeze %dma_wait3A_1758 : memref<1x64x128xf32, #tpu.memory_space<vmem>> -> memref<64x128xf32, #tpu.memory_space<vmem>>
        %dma_wait3A_1760 = arith.constant 40 : i32
        %dma_wait3A_1761 = arith.constant 0 : i32
        %dma_wait3A_1762 = tpu.memref_slice %dma_wait3A_1759[%dma_wait3A_1760, %dma_wait3A_1761] : memref<64x128xf32, #tpu.memory_space<vmem>> -> memref<8x128xf32, #tpu.memory_space<vmem>>
        %dma_wait3A_1763 = arith.constant 0 : i32
        %dma_wait3A_1764 = arith.constant 0 : i32
        %dma_wait3A_1765 = tpu.memref_slice %arg4[%dma_wait3A_1755, %dma_wait3A_1763, %dma_wait3A_1764] : memref<50x64x16384xf32, #tpu.memory_space<hbm>> -> memref<1x8x128xf32, #tpu.memory_space<hbm>>
        %dma_wait3A_1766 = tpu.memref_squeeze %dma_wait3A_1765 : memref<1x8x128xf32, #tpu.memory_space<hbm>> -> memref<8x128xf32, #tpu.memory_space<hbm>>
        %dma_wait3A_1767 = arith.constant 0 : i32
        %dma_wait3A_1768 = arith.constant 0 : i32
        %dma_wait3A_1769 = tpu.memref_slice %arg4[%dma_wait3A_1755, %dma_wait3A_1767, %dma_wait3A_1768] : memref<50x64x16384xf32, #tpu.memory_space<hbm>> -> memref<1x8x128xf32, #tpu.memory_space<hbm>>
        %dma_wait3A_1770 = tpu.memref_squeeze %dma_wait3A_1769 : memref<1x8x128xf32, #tpu.memory_space<hbm>> -> memref<8x128xf32, #tpu.memory_space<hbm>>
        %dma_wait3A_1771 = arith.constant 0 : i32
        %dma_wait3A_1772 = arith.constant 0 : i32
        %dma_wait3A_1773 = tpu.memref_slice %arg8[%dma_wait3A_1754, %dma_wait3A_1771, %dma_wait3A_1772] : memref<2x64x128xf32, #tpu.memory_space<vmem>> -> memref<1x64x128xf32, #tpu.memory_space<vmem>>
        %dma_wait3A_1774 = tpu.memref_squeeze %dma_wait3A_1773 : memref<1x64x128xf32, #tpu.memory_space<vmem>> -> memref<64x128xf32, #tpu.memory_space<vmem>>
        %dma_wait3A_1775 = arith.constant 40 : i32
        %dma_wait3A_1776 = arith.constant 0 : i32
        %dma_wait3A_1777 = tpu.memref_slice %dma_wait3A_1774[%dma_wait3A_1775, %dma_wait3A_1776] : memref<64x128xf32, #tpu.memory_space<vmem>> -> memref<8x128xf32, #tpu.memory_space<vmem>>
        tpu.wait_dma2 semaphore(%arg11 : memref<!tpu.dma_semaphore, #tpu.memory_space<semaphore_mem>>) src(%dma_wait3A_1777 : memref<8x128xf32, #tpu.memory_space<vmem>>) dst(%dma_wait3A_1770 : memref<8x128xf32, #tpu.memory_space<hbm>>)
        %dma_wait3A_1778 = arith.constant 1 : i32
        %dma_wait3A_1779 = arith.constant 0 : i32
        %dma_wait3A_1780 = arith.constant 0 : i32
        %dma_wait3A_1781 = arith.constant 0 : i32
        %dma_wait3A_1782 = tpu.memref_slice %arg8[%dma_wait3A_1778, %dma_wait3A_1780, %dma_wait3A_1781] : memref<2x64x128xf32, #tpu.memory_space<vmem>> -> memref<1x64x128xf32, #tpu.memory_space<vmem>>
        %dma_wait3A_1783 = tpu.memref_squeeze %dma_wait3A_1782 : memref<1x64x128xf32, #tpu.memory_space<vmem>> -> memref<64x128xf32, #tpu.memory_space<vmem>>
        %dma_wait3A_1784 = arith.constant 48 : i32
        %dma_wait3A_1785 = arith.constant 0 : i32
        %dma_wait3A_1786 = tpu.memref_slice %dma_wait3A_1783[%dma_wait3A_1784, %dma_wait3A_1785] : memref<64x128xf32, #tpu.memory_space<vmem>> -> memref<8x128xf32, #tpu.memory_space<vmem>>
        %dma_wait3A_1787 = arith.constant 0 : i32
        %dma_wait3A_1788 = arith.constant 0 : i32
        %dma_wait3A_1789 = tpu.memref_slice %arg4[%dma_wait3A_1779, %dma_wait3A_1787, %dma_wait3A_1788] : memref<50x64x16384xf32, #tpu.memory_space<hbm>> -> memref<1x8x128xf32, #tpu.memory_space<hbm>>
        %dma_wait3A_1790 = tpu.memref_squeeze %dma_wait3A_1789 : memref<1x8x128xf32, #tpu.memory_space<hbm>> -> memref<8x128xf32, #tpu.memory_space<hbm>>
        %dma_wait3A_1791 = arith.constant 0 : i32
        %dma_wait3A_1792 = arith.constant 0 : i32
        %dma_wait3A_1793 = tpu.memref_slice %arg4[%dma_wait3A_1779, %dma_wait3A_1791, %dma_wait3A_1792] : memref<50x64x16384xf32, #tpu.memory_space<hbm>> -> memref<1x8x128xf32, #tpu.memory_space<hbm>>
        %dma_wait3A_1794 = tpu.memref_squeeze %dma_wait3A_1793 : memref<1x8x128xf32, #tpu.memory_space<hbm>> -> memref<8x128xf32, #tpu.memory_space<hbm>>
        %dma_wait3A_1795 = arith.constant 0 : i32
        %dma_wait3A_1796 = arith.constant 0 : i32
        %dma_wait3A_1797 = tpu.memref_slice %arg8[%dma_wait3A_1778, %dma_wait3A_1795, %dma_wait3A_1796] : memref<2x64x128xf32, #tpu.memory_space<vmem>> -> memref<1x64x128xf32, #tpu.memory_space<vmem>>
        %dma_wait3A_1798 = tpu.memref_squeeze %dma_wait3A_1797 : memref<1x64x128xf32, #tpu.memory_space<vmem>> -> memref<64x128xf32, #tpu.memory_space<vmem>>
        %dma_wait3A_1799 = arith.constant 48 : i32
        %dma_wait3A_1800 = arith.constant 0 : i32
        %dma_wait3A_1801 = tpu.memref_slice %dma_wait3A_1798[%dma_wait3A_1799, %dma_wait3A_1800] : memref<64x128xf32, #tpu.memory_space<vmem>> -> memref<8x128xf32, #tpu.memory_space<vmem>>
        tpu.wait_dma2 semaphore(%arg11 : memref<!tpu.dma_semaphore, #tpu.memory_space<semaphore_mem>>) src(%dma_wait3A_1801 : memref<8x128xf32, #tpu.memory_space<vmem>>) dst(%dma_wait3A_1794 : memref<8x128xf32, #tpu.memory_space<hbm>>)
        %dma_wait3A_1802 = arith.constant 1 : i32
        %dma_wait3A_1803 = arith.constant 0 : i32
        %dma_wait3A_1804 = arith.constant 0 : i32
        %dma_wait3A_1805 = arith.constant 0 : i32
        %dma_wait3A_1806 = tpu.memref_slice %arg8[%dma_wait3A_1802, %dma_wait3A_1804, %dma_wait3A_1805] : memref<2x64x128xf32, #tpu.memory_space<vmem>> -> memref<1x64x128xf32, #tpu.memory_space<vmem>>
        %dma_wait3A_1807 = tpu.memref_squeeze %dma_wait3A_1806 : memref<1x64x128xf32, #tpu.memory_space<vmem>> -> memref<64x128xf32, #tpu.memory_space<vmem>>
        %dma_wait3A_1808 = arith.constant 56 : i32
        %dma_wait3A_1809 = arith.constant 0 : i32
        %dma_wait3A_1810 = tpu.memref_slice %dma_wait3A_1807[%dma_wait3A_1808, %dma_wait3A_1809] : memref<64x128xf32, #tpu.memory_space<vmem>> -> memref<8x128xf32, #tpu.memory_space<vmem>>
        %dma_wait3A_1811 = arith.constant 0 : i32
        %dma_wait3A_1812 = arith.constant 0 : i32
        %dma_wait3A_1813 = tpu.memref_slice %arg4[%dma_wait3A_1803, %dma_wait3A_1811, %dma_wait3A_1812] : memref<50x64x16384xf32, #tpu.memory_space<hbm>> -> memref<1x8x128xf32, #tpu.memory_space<hbm>>
        %dma_wait3A_1814 = tpu.memref_squeeze %dma_wait3A_1813 : memref<1x8x128xf32, #tpu.memory_space<hbm>> -> memref<8x128xf32, #tpu.memory_space<hbm>>
        %dma_wait3A_1815 = arith.constant 0 : i32
        %dma_wait3A_1816 = arith.constant 0 : i32
        %dma_wait3A_1817 = tpu.memref_slice %arg4[%dma_wait3A_1803, %dma_wait3A_1815, %dma_wait3A_1816] : memref<50x64x16384xf32, #tpu.memory_space<hbm>> -> memref<1x8x128xf32, #tpu.memory_space<hbm>>
        %dma_wait3A_1818 = tpu.memref_squeeze %dma_wait3A_1817 : memref<1x8x128xf32, #tpu.memory_space<hbm>> -> memref<8x128xf32, #tpu.memory_space<hbm>>
        %dma_wait3A_1819 = arith.constant 0 : i32
        %dma_wait3A_1820 = arith.constant 0 : i32
        %dma_wait3A_1821 = tpu.memref_slice %arg8[%dma_wait3A_1802, %dma_wait3A_1819, %dma_wait3A_1820] : memref<2x64x128xf32, #tpu.memory_space<vmem>> -> memref<1x64x128xf32, #tpu.memory_space<vmem>>
        %dma_wait3A_1822 = tpu.memref_squeeze %dma_wait3A_1821 : memref<1x64x128xf32, #tpu.memory_space<vmem>> -> memref<64x128xf32, #tpu.memory_space<vmem>>
        %dma_wait3A_1823 = arith.constant 56 : i32
        %dma_wait3A_1824 = arith.constant 0 : i32
        %dma_wait3A_1825 = tpu.memref_slice %dma_wait3A_1822[%dma_wait3A_1823, %dma_wait3A_1824] : memref<64x128xf32, #tpu.memory_space<vmem>> -> memref<8x128xf32, #tpu.memory_space<vmem>>
        tpu.wait_dma2 semaphore(%arg11 : memref<!tpu.dma_semaphore, #tpu.memory_space<semaphore_mem>>) src(%dma_wait3A_1825 : memref<8x128xf32, #tpu.memory_space<vmem>>) dst(%dma_wait3A_1818 : memref<8x128xf32, #tpu.memory_space<hbm>>)
      } else {
      }
      %parallel_loop3A_1445 = arith.constant 0 : i32
      %parallel_loop3A_1446 = arith.constant 64 : i32
      %parallel_loop3A_1447 = arith.constant 1 : i32
      %parallel_loop3A_1448 = arith.constant 1 : i32
      %parallel_loop3A_1449 = arith.constant 1 : i32
      scf.for %parallel_loop3A_1634 = %parallel_loop3A_1445 to %parallel_loop3A_1446 step %parallel_loop3A_1447  : i32 {
        %parallel_loop3A_1635 = vector.broadcast %parallel_loop3A_1634 : i32 to vector<16xi32>
        %parallel_loop3A_1636 = arith.addi %get3A_1373, %parallel_loop3A_1635 : vector<16xi32>
        %parallel_loop3A_1637 = arith.constant 0 : i32
        %parallel_loop3A_1638 = arith.constant 0 : i32
        %parallel_loop3A_1639 = tpu.memref_slice %arg6[%parallel_loop3A_1448, %parallel_loop3A_1637, %parallel_loop3A_1638] : memref<2x128x128xf32, #tpu.memory_space<vmem>> -> memref<1x128x128xf32, #tpu.memory_space<vmem>>
        %parallel_loop3A_1640 = tpu.memref_squeeze %parallel_loop3A_1639 : memref<1x128x128xf32, #tpu.memory_space<vmem>> -> memref<128x128xf32, #tpu.memory_space<vmem>>
        %parallel_loop3A_1641 = tpu.vector_load_idx %parallel_loop3A_1640[%add3A_1418, %parallel_loop3A_1636] : memref<128x128xf32, #tpu.memory_space<vmem>>[vector<16xi32>, vector<16xi32>], vector<16xf32>,
        %parallel_loop3A_1642 = arith.constant 0 : i32
        %parallel_loop3A_1643 = arith.constant 0 : i32
        %parallel_loop3A_1644 = tpu.memref_slice %arg8[%parallel_loop3A_1449, %parallel_loop3A_1642, %parallel_loop3A_1643] : memref<2x64x128xf32, #tpu.memory_space<vmem>> -> memref<1x64x128xf32, #tpu.memory_space<vmem>>
        %parallel_loop3A_1645 = tpu.memref_squeeze %parallel_loop3A_1644 : memref<1x64x128xf32, #tpu.memory_space<vmem>> -> memref<64x128xf32, #tpu.memory_space<vmem>>
        %parallel_loop3A_1646 = arith.index_cast %parallel_loop3A_1634 : i32 to index
        %parallel_loop3A_1647 = arith.constant 0 : index
        %parallel_loop3A_1648 = tpu.vector_load %parallel_loop3A_1645[%parallel_loop3A_1646, %parallel_loop3A_1647] {strides = array<i32>} : memref<64x128xf32, #tpu.memory_space<vmem>>, vector<16xf32>,
        tpu.vector_store %parallel_loop3A_1645[%parallel_loop3A_1646, %parallel_loop3A_1647], %parallel_loop3A_1641 {strides = array<i32>} : memref<64x128xf32, #tpu.memory_space<vmem>>, vector<16xf32>,
        %parallel_loop3A_1649 = vector.broadcast %parallel_loop3A_1634 : i32 to vector<16xi32>
        %parallel_loop3A_1650 = arith.addi %get3A_1379, %parallel_loop3A_1649 : vector<16xi32>
        %parallel_loop3A_1651 = arith.constant 0 : i32
        %parallel_loop3A_1652 = arith.constant 0 : i32
        %parallel_loop3A_1653 = tpu.memref_slice %arg6[%parallel_loop3A_1448, %parallel_loop3A_1651, %parallel_loop3A_1652] : memref<2x128x128xf32, #tpu.memory_space<vmem>> -> memref<1x128x128xf32, #tpu.memory_space<vmem>>
        %parallel_loop3A_1654 = tpu.memref_squeeze %parallel_loop3A_1653 : memref<1x128x128xf32, #tpu.memory_space<vmem>> -> memref<128x128xf32, #tpu.memory_space<vmem>>
        %parallel_loop3A_1655 = tpu.vector_load_idx %parallel_loop3A_1654[%add3A_1421, %parallel_loop3A_1650] : memref<128x128xf32, #tpu.memory_space<vmem>>[vector<16xi32>, vector<16xi32>], vector<16xf32>,
        %parallel_loop3A_1656 = arith.constant 0 : i32
        %parallel_loop3A_1657 = arith.constant 0 : i32
        %parallel_loop3A_1658 = tpu.memref_slice %arg8[%parallel_loop3A_1449, %parallel_loop3A_1656, %parallel_loop3A_1657] : memref<2x64x128xf32, #tpu.memory_space<vmem>> -> memref<1x64x128xf32, #tpu.memory_space<vmem>>
        %parallel_loop3A_1659 = tpu.memref_squeeze %parallel_loop3A_1658 : memref<1x64x128xf32, #tpu.memory_space<vmem>> -> memref<64x128xf32, #tpu.memory_space<vmem>>
        %parallel_loop3A_1660 = arith.index_cast %parallel_loop3A_1634 : i32 to index
        %parallel_loop3A_1661 = arith.constant 16 : index
        %parallel_loop3A_1662 = tpu.vector_load %parallel_loop3A_1659[%parallel_loop3A_1660, %parallel_loop3A_1661] {strides = array<i32>} : memref<64x128xf32, #tpu.memory_space<vmem>>, vector<16xf32>,
        tpu.vector_store %parallel_loop3A_1659[%parallel_loop3A_1660, %parallel_loop3A_1661], %parallel_loop3A_1655 {strides = array<i32>} : memref<64x128xf32, #tpu.memory_space<vmem>>, vector<16xf32>,
        %parallel_loop3A_1663 = vector.broadcast %parallel_loop3A_1634 : i32 to vector<16xi32>
        %parallel_loop3A_1664 = arith.addi %get3A_1385, %parallel_loop3A_1663 : vector<16xi32>
        %parallel_loop3A_1665 = arith.constant 0 : i32
        %parallel_loop3A_1666 = arith.constant 0 : i32
        %parallel_loop3A_1667 = tpu.memref_slice %arg6[%parallel_loop3A_1448, %parallel_loop3A_1665, %parallel_loop3A_1666] : memref<2x128x128xf32, #tpu.memory_space<vmem>> -> memref<1x128x128xf32, #tpu.memory_space<vmem>>
        %parallel_loop3A_1668 = tpu.memref_squeeze %parallel_loop3A_1667 : memref<1x128x128xf32, #tpu.memory_space<vmem>> -> memref<128x128xf32, #tpu.memory_space<vmem>>
        %parallel_loop3A_1669 = tpu.vector_load_idx %parallel_loop3A_1668[%add3A_1424, %parallel_loop3A_1664] : memref<128x128xf32, #tpu.memory_space<vmem>>[vector<16xi32>, vector<16xi32>], vector<16xf32>,
        %parallel_loop3A_1670 = arith.constant 0 : i32
        %parallel_loop3A_1671 = arith.constant 0 : i32
        %parallel_loop3A_1672 = tpu.memref_slice %arg8[%parallel_loop3A_1449, %parallel_loop3A_1670, %parallel_loop3A_1671] : memref<2x64x128xf32, #tpu.memory_space<vmem>> -> memref<1x64x128xf32, #tpu.memory_space<vmem>>
        %parallel_loop3A_1673 = tpu.memref_squeeze %parallel_loop3A_1672 : memref<1x64x128xf32, #tpu.memory_space<vmem>> -> memref<64x128xf32, #tpu.memory_space<vmem>>
        %parallel_loop3A_1674 = arith.index_cast %parallel_loop3A_1634 : i32 to index
        %parallel_loop3A_1675 = arith.constant 32 : index
        %parallel_loop3A_1676 = tpu.vector_load %parallel_loop3A_1673[%parallel_loop3A_1674, %parallel_loop3A_1675] {strides = array<i32>} : memref<64x128xf32, #tpu.memory_space<vmem>>, vector<16xf32>,
        tpu.vector_store %parallel_loop3A_1673[%parallel_loop3A_1674, %parallel_loop3A_1675], %parallel_loop3A_1669 {strides = array<i32>} : memref<64x128xf32, #tpu.memory_space<vmem>>, vector<16xf32>,
        %parallel_loop3A_1677 = vector.broadcast %parallel_loop3A_1634 : i32 to vector<16xi32>
        %parallel_loop3A_1678 = arith.addi %get3A_1391, %parallel_loop3A_1677 : vector<16xi32>
        %parallel_loop3A_1679 = arith.constant 0 : i32
        %parallel_loop3A_1680 = arith.constant 0 : i32
        %parallel_loop3A_1681 = tpu.memref_slice %arg6[%parallel_loop3A_1448, %parallel_loop3A_1679, %parallel_loop3A_1680] : memref<2x128x128xf32, #tpu.memory_space<vmem>> -> memref<1x128x128xf32, #tpu.memory_space<vmem>>
        %parallel_loop3A_1682 = tpu.memref_squeeze %parallel_loop3A_1681 : memref<1x128x128xf32, #tpu.memory_space<vmem>> -> memref<128x128xf32, #tpu.memory_space<vmem>>
        %parallel_loop3A_1683 = tpu.vector_load_idx %parallel_loop3A_1682[%add3A_1427, %parallel_loop3A_1678] : memref<128x128xf32, #tpu.memory_space<vmem>>[vector<16xi32>, vector<16xi32>], vector<16xf32>,
        %parallel_loop3A_1684 = arith.constant 0 : i32
        %parallel_loop3A_1685 = arith.constant 0 : i32
        %parallel_loop3A_1686 = tpu.memref_slice %arg8[%parallel_loop3A_1449, %parallel_loop3A_1684, %parallel_loop3A_1685] : memref<2x64x128xf32, #tpu.memory_space<vmem>> -> memref<1x64x128xf32, #tpu.memory_space<vmem>>
        %parallel_loop3A_1687 = tpu.memref_squeeze %parallel_loop3A_1686 : memref<1x64x128xf32, #tpu.memory_space<vmem>> -> memref<64x128xf32, #tpu.memory_space<vmem>>
        %parallel_loop3A_1688 = arith.index_cast %parallel_loop3A_1634 : i32 to index
        %parallel_loop3A_1689 = arith.constant 48 : index
        %parallel_loop3A_1690 = tpu.vector_load %parallel_loop3A_1687[%parallel_loop3A_1688, %parallel_loop3A_1689] {strides = array<i32>} : memref<64x128xf32, #tpu.memory_space<vmem>>, vector<16xf32>,
        tpu.vector_store %parallel_loop3A_1687[%parallel_loop3A_1688, %parallel_loop3A_1689], %parallel_loop3A_1683 {strides = array<i32>} : memref<64x128xf32, #tpu.memory_space<vmem>>, vector<16xf32>,
        %parallel_loop3A_1691 = vector.broadcast %parallel_loop3A_1634 : i32 to vector<16xi32>
        %parallel_loop3A_1692 = arith.addi %get3A_1397, %parallel_loop3A_1691 : vector<16xi32>
        %parallel_loop3A_1693 = arith.constant 0 : i32
        %parallel_loop3A_1694 = arith.constant 0 : i32
        %parallel_loop3A_1695 = tpu.memref_slice %arg6[%parallel_loop3A_1448, %parallel_loop3A_1693, %parallel_loop3A_1694] : memref<2x128x128xf32, #tpu.memory_space<vmem>> -> memref<1x128x128xf32, #tpu.memory_space<vmem>>
        %parallel_loop3A_1696 = tpu.memref_squeeze %parallel_loop3A_1695 : memref<1x128x128xf32, #tpu.memory_space<vmem>> -> memref<128x128xf32, #tpu.memory_space<vmem>>
        %parallel_loop3A_1697 = tpu.vector_load_idx %parallel_loop3A_1696[%add3A_1430, %parallel_loop3A_1692] : memref<128x128xf32, #tpu.memory_space<vmem>>[vector<16xi32>, vector<16xi32>], vector<16xf32>,
        %parallel_loop3A_1698 = arith.constant 0 : i32
        %parallel_loop3A_1699 = arith.constant 0 : i32
        %parallel_loop3A_1700 = tpu.memref_slice %arg8[%parallel_loop3A_1449, %parallel_loop3A_1698, %parallel_loop3A_1699] : memref<2x64x128xf32, #tpu.memory_space<vmem>> -> memref<1x64x128xf32, #tpu.memory_space<vmem>>
        %parallel_loop3A_1701 = tpu.memref_squeeze %parallel_loop3A_1700 : memref<1x64x128xf32, #tpu.memory_space<vmem>> -> memref<64x128xf32, #tpu.memory_space<vmem>>
        %parallel_loop3A_1702 = arith.index_cast %parallel_loop3A_1634 : i32 to index
        %parallel_loop3A_1703 = arith.constant 64 : index
        %parallel_loop3A_1704 = tpu.vector_load %parallel_loop3A_1701[%parallel_loop3A_1702, %parallel_loop3A_1703] {strides = array<i32>} : memref<64x128xf32, #tpu.memory_space<vmem>>, vector<16xf32>,
        tpu.vector_store %parallel_loop3A_1701[%parallel_loop3A_1702, %parallel_loop3A_1703], %parallel_loop3A_1697 {strides = array<i32>} : memref<64x128xf32, #tpu.memory_space<vmem>>, vector<16xf32>,
        %parallel_loop3A_1705 = vector.broadcast %parallel_loop3A_1634 : i32 to vector<16xi32>
        %parallel_loop3A_1706 = arith.addi %get3A_1403, %parallel_loop3A_1705 : vector<16xi32>
        %parallel_loop3A_1707 = arith.constant 0 : i32
        %parallel_loop3A_1708 = arith.constant 0 : i32
        %parallel_loop3A_1709 = tpu.memref_slice %arg6[%parallel_loop3A_1448, %parallel_loop3A_1707, %parallel_loop3A_1708] : memref<2x128x128xf32, #tpu.memory_space<vmem>> -> memref<1x128x128xf32, #tpu.memory_space<vmem>>
        %parallel_loop3A_1710 = tpu.memref_squeeze %parallel_loop3A_1709 : memref<1x128x128xf32, #tpu.memory_space<vmem>> -> memref<128x128xf32, #tpu.memory_space<vmem>>
        %parallel_loop3A_1711 = tpu.vector_load_idx %parallel_loop3A_1710[%add3A_1433, %parallel_loop3A_1706] : memref<128x128xf32, #tpu.memory_space<vmem>>[vector<16xi32>, vector<16xi32>], vector<16xf32>,
        %parallel_loop3A_1712 = arith.constant 0 : i32
        %parallel_loop3A_1713 = arith.constant 0 : i32
        %parallel_loop3A_1714 = tpu.memref_slice %arg8[%parallel_loop3A_1449, %parallel_loop3A_1712, %parallel_loop3A_1713] : memref<2x64x128xf32, #tpu.memory_space<vmem>> -> memref<1x64x128xf32, #tpu.memory_space<vmem>>
        %parallel_loop3A_1715 = tpu.memref_squeeze %parallel_loop3A_1714 : memref<1x64x128xf32, #tpu.memory_space<vmem>> -> memref<64x128xf32, #tpu.memory_space<vmem>>
        %parallel_loop3A_1716 = arith.index_cast %parallel_loop3A_1634 : i32 to index
        %parallel_loop3A_1717 = arith.constant 80 : index
        %parallel_loop3A_1718 = tpu.vector_load %parallel_loop3A_1715[%parallel_loop3A_1716, %parallel_loop3A_1717] {strides = array<i32>} : memref<64x128xf32, #tpu.memory_space<vmem>>, vector<16xf32>,
        tpu.vector_store %parallel_loop3A_1715[%parallel_loop3A_1716, %parallel_loop3A_1717], %parallel_loop3A_1711 {strides = array<i32>} : memref<64x128xf32, #tpu.memory_space<vmem>>, vector<16xf32>,
        %parallel_loop3A_1719 = vector.broadcast %parallel_loop3A_1634 : i32 to vector<16xi32>
        %parallel_loop3A_1720 = arith.addi %get3A_1409, %parallel_loop3A_1719 : vector<16xi32>
        %parallel_loop3A_1721 = arith.constant 0 : i32
        %parallel_loop3A_1722 = arith.constant 0 : i32
        %parallel_loop3A_1723 = tpu.memref_slice %arg6[%parallel_loop3A_1448, %parallel_loop3A_1721, %parallel_loop3A_1722] : memref<2x128x128xf32, #tpu.memory_space<vmem>> -> memref<1x128x128xf32, #tpu.memory_space<vmem>>
        %parallel_loop3A_1724 = tpu.memref_squeeze %parallel_loop3A_1723 : memref<1x128x128xf32, #tpu.memory_space<vmem>> -> memref<128x128xf32, #tpu.memory_space<vmem>>
        %parallel_loop3A_1725 = tpu.vector_load_idx %parallel_loop3A_1724[%add3A_1436, %parallel_loop3A_1720] : memref<128x128xf32, #tpu.memory_space<vmem>>[vector<16xi32>, vector<16xi32>], vector<16xf32>,
        %parallel_loop3A_1726 = arith.constant 0 : i32
        %parallel_loop3A_1727 = arith.constant 0 : i32
        %parallel_loop3A_1728 = tpu.memref_slice %arg8[%parallel_loop3A_1449, %parallel_loop3A_1726, %parallel_loop3A_1727] : memref<2x64x128xf32, #tpu.memory_space<vmem>> -> memref<1x64x128xf32, #tpu.memory_space<vmem>>
        %parallel_loop3A_1729 = tpu.memref_squeeze %parallel_loop3A_1728 : memref<1x64x128xf32, #tpu.memory_space<vmem>> -> memref<64x128xf32, #tpu.memory_space<vmem>>
        %parallel_loop3A_1730 = arith.index_cast %parallel_loop3A_1634 : i32 to index
        %parallel_loop3A_1731 = arith.constant 96 : index
        %parallel_loop3A_1732 = tpu.vector_load %parallel_loop3A_1729[%parallel_loop3A_1730, %parallel_loop3A_1731] {strides = array<i32>} : memref<64x128xf32, #tpu.memory_space<vmem>>, vector<16xf32>,
        tpu.vector_store %parallel_loop3A_1729[%parallel_loop3A_1730, %parallel_loop3A_1731], %parallel_loop3A_1725 {strides = array<i32>} : memref<64x128xf32, #tpu.memory_space<vmem>>, vector<16xf32>,
        %parallel_loop3A_1733 = vector.broadcast %parallel_loop3A_1634 : i32 to vector<16xi32>
        %parallel_loop3A_1734 = arith.addi %get3A_1415, %parallel_loop3A_1733 : vector<16xi32>
        %parallel_loop3A_1735 = arith.constant 0 : i32
        %parallel_loop3A_1736 = arith.constant 0 : i32
        %parallel_loop3A_1737 = tpu.memref_slice %arg6[%parallel_loop3A_1448, %parallel_loop3A_1735, %parallel_loop3A_1736] : memref<2x128x128xf32, #tpu.memory_space<vmem>> -> memref<1x128x128xf32, #tpu.memory_space<vmem>>
        %parallel_loop3A_1738 = tpu.memref_squeeze %parallel_loop3A_1737 : memref<1x128x128xf32, #tpu.memory_space<vmem>> -> memref<128x128xf32, #tpu.memory_space<vmem>>
        %parallel_loop3A_1739 = tpu.vector_load_idx %parallel_loop3A_1738[%add3A_1439, %parallel_loop3A_1734] : memref<128x128xf32, #tpu.memory_space<vmem>>[vector<16xi32>, vector<16xi32>], vector<16xf32>,
        %parallel_loop3A_1740 = arith.constant 0 : i32
        %parallel_loop3A_1741 = arith.constant 0 : i32
        %parallel_loop3A_1742 = tpu.memref_slice %arg8[%parallel_loop3A_1449, %parallel_loop3A_1740, %parallel_loop3A_1741] : memref<2x64x128xf32, #tpu.memory_space<vmem>> -> memref<1x64x128xf32, #tpu.memory_space<vmem>>
        %parallel_loop3A_1743 = tpu.memref_squeeze %parallel_loop3A_1742 : memref<1x64x128xf32, #tpu.memory_space<vmem>> -> memref<64x128xf32, #tpu.memory_space<vmem>>
        %parallel_loop3A_1744 = arith.index_cast %parallel_loop3A_1634 : i32 to index
        %parallel_loop3A_1745 = arith.constant 112 : index
        %parallel_loop3A_1746 = tpu.vector_load %parallel_loop3A_1743[%parallel_loop3A_1744, %parallel_loop3A_1745] {strides = array<i32>} : memref<64x128xf32, #tpu.memory_space<vmem>>, vector<16xf32>,
        tpu.vector_store %parallel_loop3A_1743[%parallel_loop3A_1744, %parallel_loop3A_1745], %parallel_loop3A_1739 {strides = array<i32>} : memref<64x128xf32, #tpu.memory_space<vmem>>, vector<16xf32>,
      } {sc.loop_unroll_factor = 8 : i64, sc.parallel_access}
      %mul3A_1450 = arith.constant 128 : i32
      %mul3A_1451 = arith.muli %select_n3A_1367, %mul3A_1450 : i32
      %dma_start3A_1452 = arith.constant 1 : i32
      %dma_start3A_1453 = arith.constant 0 : i32
      %dma_start3A_1454 = arith.constant 0 : i32
      %dma_start3A_1455 = tpu.memref_slice %arg8[%dma_start3A_1452, %dma_start3A_1453, %dma_start3A_1454] : memref<2x64x128xf32, #tpu.memory_space<vmem>> -> memref<1x64x128xf32, #tpu.memory_space<vmem>>
      %dma_start3A_1456 = tpu.memref_squeeze %dma_start3A_1455 : memref<1x64x128xf32, #tpu.memory_space<vmem>> -> memref<64x128xf32, #tpu.memory_space<vmem>>
      %dma_start3A_1457 = arith.constant 0 : i32
      %dma_start3A_1458 = arith.constant 0 : i32
      %dma_start3A_1459 = tpu.memref_slice %dma_start3A_1456[%dma_start3A_1457, %dma_start3A_1458] : memref<64x128xf32, #tpu.memory_space<vmem>> -> memref<8x128xf32, #tpu.memory_space<vmem>>
      %dma_start3A_1460 = arith.constant 0 : i32
      %dma_start3A_1461 = tpu.memref_slice %arg4[%select_n3A_1351, %dma_start3A_1460, %mul3A_1451] : memref<50x64x16384xf32, #tpu.memory_space<hbm>> -> memref<1x8x128xf32, #tpu.memory_space<hbm>>
      %dma_start3A_1462 = tpu.memref_squeeze %dma_start3A_1461 : memref<1x8x128xf32, #tpu.memory_space<hbm>> -> memref<8x128xf32, #tpu.memory_space<hbm>>
      %dma_start3A_1463 = arith.constant 0 : i32
      %dma_start3A_1464 = tpu.memref_slice %arg4[%select_n3A_1351, %dma_start3A_1463, %mul3A_1451] : memref<50x64x16384xf32, #tpu.memory_space<hbm>> -> memref<1x8x128xf32, #tpu.memory_space<hbm>>
      %dma_start3A_1465 = tpu.memref_squeeze %dma_start3A_1464 : memref<1x8x128xf32, #tpu.memory_space<hbm>> -> memref<8x128xf32, #tpu.memory_space<hbm>>
      %dma_start3A_1466 = arith.constant 0 : i32
      %dma_start3A_1467 = arith.constant 0 : i32
      %dma_start3A_1468 = tpu.memref_slice %arg8[%dma_start3A_1452, %dma_start3A_1466, %dma_start3A_1467] : memref<2x64x128xf32, #tpu.memory_space<vmem>> -> memref<1x64x128xf32, #tpu.memory_space<vmem>>
      %dma_start3A_1469 = tpu.memref_squeeze %dma_start3A_1468 : memref<1x64x128xf32, #tpu.memory_space<vmem>> -> memref<64x128xf32, #tpu.memory_space<vmem>>
      %dma_start3A_1470 = arith.constant 0 : i32
      %dma_start3A_1471 = arith.constant 0 : i32
      %dma_start3A_1472 = tpu.memref_slice %dma_start3A_1469[%dma_start3A_1470, %dma_start3A_1471] : memref<64x128xf32, #tpu.memory_space<vmem>> -> memref<8x128xf32, #tpu.memory_space<vmem>>
      tpu.enqueue_dma source(%dma_start3A_1472 : memref<8x128xf32, #tpu.memory_space<vmem>>) target(%dma_start3A_1465 : memref<8x128xf32, #tpu.memory_space<hbm>>) target_semaphore(%arg11 : memref<!tpu.dma_semaphore, #tpu.memory_space<semaphore_mem>>)
      %mul3A_1473 = arith.constant 128 : i32
      %mul3A_1474 = arith.muli %select_n3A_1367, %mul3A_1473 : i32
      %dma_start3A_1475 = arith.constant 1 : i32
      %dma_start3A_1476 = arith.constant 0 : i32
      %dma_start3A_1477 = arith.constant 0 : i32
      %dma_start3A_1478 = tpu.memref_slice %arg8[%dma_start3A_1475, %dma_start3A_1476, %dma_start3A_1477] : memref<2x64x128xf32, #tpu.memory_space<vmem>> -> memref<1x64x128xf32, #tpu.memory_space<vmem>>
      %dma_start3A_1479 = tpu.memref_squeeze %dma_start3A_1478 : memref<1x64x128xf32, #tpu.memory_space<vmem>> -> memref<64x128xf32, #tpu.memory_space<vmem>>
      %dma_start3A_1480 = arith.constant 8 : i32
      %dma_start3A_1481 = arith.constant 0 : i32
      %dma_start3A_1482 = tpu.memref_slice %dma_start3A_1479[%dma_start3A_1480, %dma_start3A_1481] : memref<64x128xf32, #tpu.memory_space<vmem>> -> memref<8x128xf32, #tpu.memory_space<vmem>>
      %dma_start3A_1483 = arith.constant 8 : i32
      %dma_start3A_1484 = tpu.memref_slice %arg4[%select_n3A_1351, %dma_start3A_1483, %mul3A_1474] : memref<50x64x16384xf32, #tpu.memory_space<hbm>> -> memref<1x8x128xf32, #tpu.memory_space<hbm>>
      %dma_start3A_1485 = tpu.memref_squeeze %dma_start3A_1484 : memref<1x8x128xf32, #tpu.memory_space<hbm>> -> memref<8x128xf32, #tpu.memory_space<hbm>>
      %dma_start3A_1486 = arith.constant 8 : i32
      %dma_start3A_1487 = tpu.memref_slice %arg4[%select_n3A_1351, %dma_start3A_1486, %mul3A_1474] : memref<50x64x16384xf32, #tpu.memory_space<hbm>> -> memref<1x8x128xf32, #tpu.memory_space<hbm>>
      %dma_start3A_1488 = tpu.memref_squeeze %dma_start3A_1487 : memref<1x8x128xf32, #tpu.memory_space<hbm>> -> memref<8x128xf32, #tpu.memory_space<hbm>>
      %dma_start3A_1489 = arith.constant 0 : i32
      %dma_start3A_1490 = arith.constant 0 : i32
      %dma_start3A_1491 = tpu.memref_slice %arg8[%dma_start3A_1475, %dma_start3A_1489, %dma_start3A_1490] : memref<2x64x128xf32, #tpu.memory_space<vmem>> -> memref<1x64x128xf32, #tpu.memory_space<vmem>>
      %dma_start3A_1492 = tpu.memref_squeeze %dma_start3A_1491 : memref<1x64x128xf32, #tpu.memory_space<vmem>> -> memref<64x128xf32, #tpu.memory_space<vmem>>
      %dma_start3A_1493 = arith.constant 8 : i32
      %dma_start3A_1494 = arith.constant 0 : i32
      %dma_start3A_1495 = tpu.memref_slice %dma_start3A_1492[%dma_start3A_1493, %dma_start3A_1494] : memref<64x128xf32, #tpu.memory_space<vmem>> -> memref<8x128xf32, #tpu.memory_space<vmem>>
      tpu.enqueue_dma source(%dma_start3A_1495 : memref<8x128xf32, #tpu.memory_space<vmem>>) target(%dma_start3A_1488 : memref<8x128xf32, #tpu.memory_space<hbm>>) target_semaphore(%arg11 : memref<!tpu.dma_semaphore, #tpu.memory_space<semaphore_mem>>)
      %mul3A_1496 = arith.constant 128 : i32
      %mul3A_1497 = arith.muli %select_n3A_1367, %mul3A_1496 : i32
      %dma_start3A_1498 = arith.constant 1 : i32
      %dma_start3A_1499 = arith.constant 0 : i32
      %dma_start3A_1500 = arith.constant 0 : i32
      %dma_start3A_1501 = tpu.memref_slice %arg8[%dma_start3A_1498, %dma_start3A_1499, %dma_start3A_1500] : memref<2x64x128xf32, #tpu.memory_space<vmem>> -> memref<1x64x128xf32, #tpu.memory_space<vmem>>
      %dma_start3A_1502 = tpu.memref_squeeze %dma_start3A_1501 : memref<1x64x128xf32, #tpu.memory_space<vmem>> -> memref<64x128xf32, #tpu.memory_space<vmem>>
      %dma_start3A_1503 = arith.constant 16 : i32
      %dma_start3A_1504 = arith.constant 0 : i32
      %dma_start3A_1505 = tpu.memref_slice %dma_start3A_1502[%dma_start3A_1503, %dma_start3A_1504] : memref<64x128xf32, #tpu.memory_space<vmem>> -> memref<8x128xf32, #tpu.memory_space<vmem>>
      %dma_start3A_1506 = arith.constant 16 : i32
      %dma_start3A_1507 = tpu.memref_slice %arg4[%select_n3A_1351, %dma_start3A_1506, %mul3A_1497] : memref<50x64x16384xf32, #tpu.memory_space<hbm>> -> memref<1x8x128xf32, #tpu.memory_space<hbm>>
      %dma_start3A_1508 = tpu.memref_squeeze %dma_start3A_1507 : memref<1x8x128xf32, #tpu.memory_space<hbm>> -> memref<8x128xf32, #tpu.memory_space<hbm>>
      %dma_start3A_1509 = arith.constant 16 : i32
      %dma_start3A_1510 = tpu.memref_slice %arg4[%select_n3A_1351, %dma_start3A_1509, %mul3A_1497] : memref<50x64x16384xf32, #tpu.memory_space<hbm>> -> memref<1x8x128xf32, #tpu.memory_space<hbm>>
      %dma_start3A_1511 = tpu.memref_squeeze %dma_start3A_1510 : memref<1x8x128xf32, #tpu.memory_space<hbm>> -> memref<8x128xf32, #tpu.memory_space<hbm>>
      %dma_start3A_1512 = arith.constant 0 : i32
      %dma_start3A_1513 = arith.constant 0 : i32
      %dma_start3A_1514 = tpu.memref_slice %arg8[%dma_start3A_1498, %dma_start3A_1512, %dma_start3A_1513] : memref<2x64x128xf32, #tpu.memory_space<vmem>> -> memref<1x64x128xf32, #tpu.memory_space<vmem>>
      %dma_start3A_1515 = tpu.memref_squeeze %dma_start3A_1514 : memref<1x64x128xf32, #tpu.memory_space<vmem>> -> memref<64x128xf32, #tpu.memory_space<vmem>>
      %dma_start3A_1516 = arith.constant 16 : i32
      %dma_start3A_1517 = arith.constant 0 : i32
      %dma_start3A_1518 = tpu.memref_slice %dma_start3A_1515[%dma_start3A_1516, %dma_start3A_1517] : memref<64x128xf32, #tpu.memory_space<vmem>> -> memref<8x128xf32, #tpu.memory_space<vmem>>
      tpu.enqueue_dma source(%dma_start3A_1518 : memref<8x128xf32, #tpu.memory_space<vmem>>) target(%dma_start3A_1511 : memref<8x128xf32, #tpu.memory_space<hbm>>) target_semaphore(%arg11 : memref<!tpu.dma_semaphore, #tpu.memory_space<semaphore_mem>>)
      %mul3A_1519 = arith.constant 128 : i32
      %mul3A_1520 = arith.muli %select_n3A_1367, %mul3A_1519 : i32
      %dma_start3A_1521 = arith.constant 1 : i32
      %dma_start3A_1522 = arith.constant 0 : i32
      %dma_start3A_1523 = arith.constant 0 : i32
      %dma_start3A_1524 = tpu.memref_slice %arg8[%dma_start3A_1521, %dma_start3A_1522, %dma_start3A_1523] : memref<2x64x128xf32, #tpu.memory_space<vmem>> -> memref<1x64x128xf32, #tpu.memory_space<vmem>>
      %dma_start3A_1525 = tpu.memref_squeeze %dma_start3A_1524 : memref<1x64x128xf32, #tpu.memory_space<vmem>> -> memref<64x128xf32, #tpu.memory_space<vmem>>
      %dma_start3A_1526 = arith.constant 24 : i32
      %dma_start3A_1527 = arith.constant 0 : i32
      %dma_start3A_1528 = tpu.memref_slice %dma_start3A_1525[%dma_start3A_1526, %dma_start3A_1527] : memref<64x128xf32, #tpu.memory_space<vmem>> -> memref<8x128xf32, #tpu.memory_space<vmem>>
      %dma_start3A_1529 = arith.constant 24 : i32
      %dma_start3A_1530 = tpu.memref_slice %arg4[%select_n3A_1351, %dma_start3A_1529, %mul3A_1520] : memref<50x64x16384xf32, #tpu.memory_space<hbm>> -> memref<1x8x128xf32, #tpu.memory_space<hbm>>
      %dma_start3A_1531 = tpu.memref_squeeze %dma_start3A_1530 : memref<1x8x128xf32, #tpu.memory_space<hbm>> -> memref<8x128xf32, #tpu.memory_space<hbm>>
      %dma_start3A_1532 = arith.constant 24 : i32
      %dma_start3A_1533 = tpu.memref_slice %arg4[%select_n3A_1351, %dma_start3A_1532, %mul3A_1520] : memref<50x64x16384xf32, #tpu.memory_space<hbm>> -> memref<1x8x128xf32, #tpu.memory_space<hbm>>
      %dma_start3A_1534 = tpu.memref_squeeze %dma_start3A_1533 : memref<1x8x128xf32, #tpu.memory_space<hbm>> -> memref<8x128xf32, #tpu.memory_space<hbm>>
      %dma_start3A_1535 = arith.constant 0 : i32
      %dma_start3A_1536 = arith.constant 0 : i32
      %dma_start3A_1537 = tpu.memref_slice %arg8[%dma_start3A_1521, %dma_start3A_1535, %dma_start3A_1536] : memref<2x64x128xf32, #tpu.memory_space<vmem>> -> memref<1x64x128xf32, #tpu.memory_space<vmem>>
      %dma_start3A_1538 = tpu.memref_squeeze %dma_start3A_1537 : memref<1x64x128xf32, #tpu.memory_space<vmem>> -> memref<64x128xf32, #tpu.memory_space<vmem>>
      %dma_start3A_1539 = arith.constant 24 : i32
      %dma_start3A_1540 = arith.constant 0 : i32
      %dma_start3A_1541 = tpu.memref_slice %dma_start3A_1538[%dma_start3A_1539, %dma_start3A_1540] : memref<64x128xf32, #tpu.memory_space<vmem>> -> memref<8x128xf32, #tpu.memory_space<vmem>>
      tpu.enqueue_dma source(%dma_start3A_1541 : memref<8x128xf32, #tpu.memory_space<vmem>>) target(%dma_start3A_1534 : memref<8x128xf32, #tpu.memory_space<hbm>>) target_semaphore(%arg11 : memref<!tpu.dma_semaphore, #tpu.memory_space<semaphore_mem>>)
      %mul3A_1542 = arith.constant 128 : i32
      %mul3A_1543 = arith.muli %select_n3A_1367, %mul3A_1542 : i32
      %dma_start3A_1544 = arith.constant 1 : i32
      %dma_start3A_1545 = arith.constant 0 : i32
      %dma_start3A_1546 = arith.constant 0 : i32
      %dma_start3A_1547 = tpu.memref_slice %arg8[%dma_start3A_1544, %dma_start3A_1545, %dma_start3A_1546] : memref<2x64x128xf32, #tpu.memory_space<vmem>> -> memref<1x64x128xf32, #tpu.memory_space<vmem>>
      %dma_start3A_1548 = tpu.memref_squeeze %dma_start3A_1547 : memref<1x64x128xf32, #tpu.memory_space<vmem>> -> memref<64x128xf32, #tpu.memory_space<vmem>>
      %dma_start3A_1549 = arith.constant 32 : i32
      %dma_start3A_1550 = arith.constant 0 : i32
      %dma_start3A_1551 = tpu.memref_slice %dma_start3A_1548[%dma_start3A_1549, %dma_start3A_1550] : memref<64x128xf32, #tpu.memory_space<vmem>> -> memref<8x128xf32, #tpu.memory_space<vmem>>
      %dma_start3A_1552 = arith.constant 32 : i32
      %dma_start3A_1553 = tpu.memref_slice %arg4[%select_n3A_1351, %dma_start3A_1552, %mul3A_1543] : memref<50x64x16384xf32, #tpu.memory_space<hbm>> -> memref<1x8x128xf32, #tpu.memory_space<hbm>>
      %dma_start3A_1554 = tpu.memref_squeeze %dma_start3A_1553 : memref<1x8x128xf32, #tpu.memory_space<hbm>> -> memref<8x128xf32, #tpu.memory_space<hbm>>
      %dma_start3A_1555 = arith.constant 32 : i32
      %dma_start3A_1556 = tpu.memref_slice %arg4[%select_n3A_1351, %dma_start3A_1555, %mul3A_1543] : memref<50x64x16384xf32, #tpu.memory_space<hbm>> -> memref<1x8x128xf32, #tpu.memory_space<hbm>>
      %dma_start3A_1557 = tpu.memref_squeeze %dma_start3A_1556 : memref<1x8x128xf32, #tpu.memory_space<hbm>> -> memref<8x128xf32, #tpu.memory_space<hbm>>
      %dma_start3A_1558 = arith.constant 0 : i32
      %dma_start3A_1559 = arith.constant 0 : i32
      %dma_start3A_1560 = tpu.memref_slice %arg8[%dma_start3A_1544, %dma_start3A_1558, %dma_start3A_1559] : memref<2x64x128xf32, #tpu.memory_space<vmem>> -> memref<1x64x128xf32, #tpu.memory_space<vmem>>
      %dma_start3A_1561 = tpu.memref_squeeze %dma_start3A_1560 : memref<1x64x128xf32, #tpu.memory_space<vmem>> -> memref<64x128xf32, #tpu.memory_space<vmem>>
      %dma_start3A_1562 = arith.constant 32 : i32
      %dma_start3A_1563 = arith.constant 0 : i32
      %dma_start3A_1564 = tpu.memref_slice %dma_start3A_1561[%dma_start3A_1562, %dma_start3A_1563] : memref<64x128xf32, #tpu.memory_space<vmem>> -> memref<8x128xf32, #tpu.memory_space<vmem>>
      tpu.enqueue_dma source(%dma_start3A_1564 : memref<8x128xf32, #tpu.memory_space<vmem>>) target(%dma_start3A_1557 : memref<8x128xf32, #tpu.memory_space<hbm>>) target_semaphore(%arg11 : memref<!tpu.dma_semaphore, #tpu.memory_space<semaphore_mem>>)
      %mul3A_1565 = arith.constant 128 : i32
      %mul3A_1566 = arith.muli %select_n3A_1367, %mul3A_1565 : i32
      %dma_start3A_1567 = arith.constant 1 : i32
      %dma_start3A_1568 = arith.constant 0 : i32
      %dma_start3A_1569 = arith.constant 0 : i32
      %dma_start3A_1570 = tpu.memref_slice %arg8[%dma_start3A_1567, %dma_start3A_1568, %dma_start3A_1569] : memref<2x64x128xf32, #tpu.memory_space<vmem>> -> memref<1x64x128xf32, #tpu.memory_space<vmem>>
      %dma_start3A_1571 = tpu.memref_squeeze %dma_start3A_1570 : memref<1x64x128xf32, #tpu.memory_space<vmem>> -> memref<64x128xf32, #tpu.memory_space<vmem>>
      %dma_start3A_1572 = arith.constant 40 : i32
      %dma_start3A_1573 = arith.constant 0 : i32
      %dma_start3A_1574 = tpu.memref_slice %dma_start3A_1571[%dma_start3A_1572, %dma_start3A_1573] : memref<64x128xf32, #tpu.memory_space<vmem>> -> memref<8x128xf32, #tpu.memory_space<vmem>>
      %dma_start3A_1575 = arith.constant 40 : i32
      %dma_start3A_1576 = tpu.memref_slice %arg4[%select_n3A_1351, %dma_start3A_1575, %mul3A_1566] : memref<50x64x16384xf32, #tpu.memory_space<hbm>> -> memref<1x8x128xf32, #tpu.memory_space<hbm>>
      %dma_start3A_1577 = tpu.memref_squeeze %dma_start3A_1576 : memref<1x8x128xf32, #tpu.memory_space<hbm>> -> memref<8x128xf32, #tpu.memory_space<hbm>>
      %dma_start3A_1578 = arith.constant 40 : i32
      %dma_start3A_1579 = tpu.memref_slice %arg4[%select_n3A_1351, %dma_start3A_1578, %mul3A_1566] : memref<50x64x16384xf32, #tpu.memory_space<hbm>> -> memref<1x8x128xf32, #tpu.memory_space<hbm>>
      %dma_start3A_1580 = tpu.memref_squeeze %dma_start3A_1579 : memref<1x8x128xf32, #tpu.memory_space<hbm>> -> memref<8x128xf32, #tpu.memory_space<hbm>>
      %dma_start3A_1581 = arith.constant 0 : i32
      %dma_start3A_1582 = arith.constant 0 : i32
      %dma_start3A_1583 = tpu.memref_slice %arg8[%dma_start3A_1567, %dma_start3A_1581, %dma_start3A_1582] : memref<2x64x128xf32, #tpu.memory_space<vmem>> -> memref<1x64x128xf32, #tpu.memory_space<vmem>>
      %dma_start3A_1584 = tpu.memref_squeeze %dma_start3A_1583 : memref<1x64x128xf32, #tpu.memory_space<vmem>> -> memref<64x128xf32, #tpu.memory_space<vmem>>
      %dma_start3A_1585 = arith.constant 40 : i32
      %dma_start3A_1586 = arith.constant 0 : i32
      %dma_start3A_1587 = tpu.memref_slice %dma_start3A_1584[%dma_start3A_1585, %dma_start3A_1586] : memref<64x128xf32, #tpu.memory_space<vmem>> -> memref<8x128xf32, #tpu.memory_space<vmem>>
      tpu.enqueue_dma source(%dma_start3A_1587 : memref<8x128xf32, #tpu.memory_space<vmem>>) target(%dma_start3A_1580 : memref<8x128xf32, #tpu.memory_space<hbm>>) target_semaphore(%arg11 : memref<!tpu.dma_semaphore, #tpu.memory_space<semaphore_mem>>)
      %mul3A_1588 = arith.constant 128 : i32
      %mul3A_1589 = arith.muli %select_n3A_1367, %mul3A_1588 : i32
      %dma_start3A_1590 = arith.constant 1 : i32
      %dma_start3A_1591 = arith.constant 0 : i32
      %dma_start3A_1592 = arith.constant 0 : i32
      %dma_start3A_1593 = tpu.memref_slice %arg8[%dma_start3A_1590, %dma_start3A_1591, %dma_start3A_1592] : memref<2x64x128xf32, #tpu.memory_space<vmem>> -> memref<1x64x128xf32, #tpu.memory_space<vmem>>
      %dma_start3A_1594 = tpu.memref_squeeze %dma_start3A_1593 : memref<1x64x128xf32, #tpu.memory_space<vmem>> -> memref<64x128xf32, #tpu.memory_space<vmem>>
      %dma_start3A_1595 = arith.constant 48 : i32
      %dma_start3A_1596 = arith.constant 0 : i32
      %dma_start3A_1597 = tpu.memref_slice %dma_start3A_1594[%dma_start3A_1595, %dma_start3A_1596] : memref<64x128xf32, #tpu.memory_space<vmem>> -> memref<8x128xf32, #tpu.memory_space<vmem>>
      %dma_start3A_1598 = arith.constant 48 : i32
      %dma_start3A_1599 = tpu.memref_slice %arg4[%select_n3A_1351, %dma_start3A_1598, %mul3A_1589] : memref<50x64x16384xf32, #tpu.memory_space<hbm>> -> memref<1x8x128xf32, #tpu.memory_space<hbm>>
      %dma_start3A_1600 = tpu.memref_squeeze %dma_start3A_1599 : memref<1x8x128xf32, #tpu.memory_space<hbm>> -> memref<8x128xf32, #tpu.memory_space<hbm>>
      %dma_start3A_1601 = arith.constant 48 : i32
      %dma_start3A_1602 = tpu.memref_slice %arg4[%select_n3A_1351, %dma_start3A_1601, %mul3A_1589] : memref<50x64x16384xf32, #tpu.memory_space<hbm>> -> memref<1x8x128xf32, #tpu.memory_space<hbm>>
      %dma_start3A_1603 = tpu.memref_squeeze %dma_start3A_1602 : memref<1x8x128xf32, #tpu.memory_space<hbm>> -> memref<8x128xf32, #tpu.memory_space<hbm>>
      %dma_start3A_1604 = arith.constant 0 : i32
      %dma_start3A_1605 = arith.constant 0 : i32
      %dma_start3A_1606 = tpu.memref_slice %arg8[%dma_start3A_1590, %dma_start3A_1604, %dma_start3A_1605] : memref<2x64x128xf32, #tpu.memory_space<vmem>> -> memref<1x64x128xf32, #tpu.memory_space<vmem>>
      %dma_start3A_1607 = tpu.memref_squeeze %dma_start3A_1606 : memref<1x64x128xf32, #tpu.memory_space<vmem>> -> memref<64x128xf32, #tpu.memory_space<vmem>>
      %dma_start3A_1608 = arith.constant 48 : i32
      %dma_start3A_1609 = arith.constant 0 : i32
      %dma_start3A_1610 = tpu.memref_slice %dma_start3A_1607[%dma_start3A_1608, %dma_start3A_1609] : memref<64x128xf32, #tpu.memory_space<vmem>> -> memref<8x128xf32, #tpu.memory_space<vmem>>
      tpu.enqueue_dma source(%dma_start3A_1610 : memref<8x128xf32, #tpu.memory_space<vmem>>) target(%dma_start3A_1603 : memref<8x128xf32, #tpu.memory_space<hbm>>) target_semaphore(%arg11 : memref<!tpu.dma_semaphore, #tpu.memory_space<semaphore_mem>>)
      %mul3A_1611 = arith.constant 128 : i32
      %mul3A_1612 = arith.muli %select_n3A_1367, %mul3A_1611 : i32
      %dma_start3A_1613 = arith.constant 1 : i32
      %dma_start3A_1614 = arith.constant 0 : i32
      %dma_start3A_1615 = arith.constant 0 : i32
      %dma_start3A_1616 = tpu.memref_slice %arg8[%dma_start3A_1613, %dma_start3A_1614, %dma_start3A_1615] : memref<2x64x128xf32, #tpu.memory_space<vmem>> -> memref<1x64x128xf32, #tpu.memory_space<vmem>>
      %dma_start3A_1617 = tpu.memref_squeeze %dma_start3A_1616 : memref<1x64x128xf32, #tpu.memory_space<vmem>> -> memref<64x128xf32, #tpu.memory_space<vmem>>
      %dma_start3A_1618 = arith.constant 56 : i32
      %dma_start3A_1619 = arith.constant 0 : i32
      %dma_start3A_1620 = tpu.memref_slice %dma_start3A_1617[%dma_start3A_1618, %dma_start3A_1619] : memref<64x128xf32, #tpu.memory_space<vmem>> -> memref<8x128xf32, #tpu.memory_space<vmem>>
      %dma_start3A_1621 = arith.constant 56 : i32
      %dma_start3A_1622 = tpu.memref_slice %arg4[%select_n3A_1351, %dma_start3A_1621, %mul3A_1612] : memref<50x64x16384xf32, #tpu.memory_space<hbm>> -> memref<1x8x128xf32, #tpu.memory_space<hbm>>
      %dma_start3A_1623 = tpu.memref_squeeze %dma_start3A_1622 : memref<1x8x128xf32, #tpu.memory_space<hbm>> -> memref<8x128xf32, #tpu.memory_space<hbm>>
      %dma_start3A_1624 = arith.constant 56 : i32
      %dma_start3A_1625 = tpu.memref_slice %arg4[%select_n3A_1351, %dma_start3A_1624, %mul3A_1612] : memref<50x64x16384xf32, #tpu.memory_space<hbm>> -> memref<1x8x128xf32, #tpu.memory_space<hbm>>
      %dma_start3A_1626 = tpu.memref_squeeze %dma_start3A_1625 : memref<1x8x128xf32, #tpu.memory_space<hbm>> -> memref<8x128xf32, #tpu.memory_space<hbm>>
      %dma_start3A_1627 = arith.constant 0 : i32
      %dma_start3A_1628 = arith.constant 0 : i32
      %dma_start3A_1629 = tpu.memref_slice %arg8[%dma_start3A_1613, %dma_start3A_1627, %dma_start3A_1628] : memref<2x64x128xf32, #tpu.memory_space<vmem>> -> memref<1x64x128xf32, #tpu.memory_space<vmem>>
      %dma_start3A_1630 = tpu.memref_squeeze %dma_start3A_1629 : memref<1x64x128xf32, #tpu.memory_space<vmem>> -> memref<64x128xf32, #tpu.memory_space<vmem>>
      %dma_start3A_1631 = arith.constant 56 : i32
      %dma_start3A_1632 = arith.constant 0 : i32
      %dma_start3A_1633 = tpu.memref_slice %dma_start3A_1630[%dma_start3A_1631, %dma_start3A_1632] : memref<64x128xf32, #tpu.memory_space<vmem>> -> memref<8x128xf32, #tpu.memory_space<vmem>>
      tpu.enqueue_dma source(%dma_start3A_1633 : memref<8x128xf32, #tpu.memory_space<vmem>>) target(%dma_start3A_1626 : memref<8x128xf32, #tpu.memory_space<hbm>>) target_semaphore(%arg11 : memref<!tpu.dma_semaphore, #tpu.memory_space<semaphore_mem>>)
    }
    %scan3A_340 = arith.constant 100 : i32
    %dma_wait3A_341 = arith.constant 0 : i32
    %dma_wait3A_342 = arith.constant 0 : i32
    %dma_wait3A_343 = arith.constant 0 : i32
    %dma_wait3A_344 = arith.constant 0 : i32
    %dma_wait3A_345 = tpu.memref_slice %arg8[%dma_wait3A_341, %dma_wait3A_343, %dma_wait3A_344] : memref<2x64x128xf32, #tpu.memory_space<vmem>> -> memref<1x64x128xf32, #tpu.memory_space<vmem>>
    %dma_wait3A_346 = tpu.memref_squeeze %dma_wait3A_345 : memref<1x64x128xf32, #tpu.memory_space<vmem>> -> memref<64x128xf32, #tpu.memory_space<vmem>>
    %dma_wait3A_347 = arith.constant 0 : i32
    %dma_wait3A_348 = arith.constant 0 : i32
    %dma_wait3A_349 = tpu.memref_slice %dma_wait3A_346[%dma_wait3A_347, %dma_wait3A_348] : memref<64x128xf32, #tpu.memory_space<vmem>> -> memref<8x128xf32, #tpu.memory_space<vmem>>
    %dma_wait3A_350 = arith.constant 0 : i32
    %dma_wait3A_351 = arith.constant 0 : i32
    %dma_wait3A_352 = tpu.memref_slice %arg4[%dma_wait3A_342, %dma_wait3A_350, %dma_wait3A_351] : memref<50x64x16384xf32, #tpu.memory_space<hbm>> -> memref<1x8x128xf32, #tpu.memory_space<hbm>>
    %dma_wait3A_353 = tpu.memref_squeeze %dma_wait3A_352 : memref<1x8x128xf32, #tpu.memory_space<hbm>> -> memref<8x128xf32, #tpu.memory_space<hbm>>
    %dma_wait3A_354 = arith.constant 0 : i32
    %dma_wait3A_355 = arith.constant 0 : i32
    %dma_wait3A_356 = tpu.memref_slice %arg4[%dma_wait3A_342, %dma_wait3A_354, %dma_wait3A_355] : memref<50x64x16384xf32, #tpu.memory_space<hbm>> -> memref<1x8x128xf32, #tpu.memory_space<hbm>>
    %dma_wait3A_357 = tpu.memref_squeeze %dma_wait3A_356 : memref<1x8x128xf32, #tpu.memory_space<hbm>> -> memref<8x128xf32, #tpu.memory_space<hbm>>
    %dma_wait3A_358 = arith.constant 0 : i32
    %dma_wait3A_359 = arith.constant 0 : i32
    %dma_wait3A_360 = tpu.memref_slice %arg8[%dma_wait3A_341, %dma_wait3A_358, %dma_wait3A_359] : memref<2x64x128xf32, #tpu.memory_space<vmem>> -> memref<1x64x128xf32, #tpu.memory_space<vmem>>
    %dma_wait3A_361 = tpu.memref_squeeze %dma_wait3A_360 : memref<1x64x128xf32, #tpu.memory_space<vmem>> -> memref<64x128xf32, #tpu.memory_space<vmem>>
    %dma_wait3A_362 = arith.constant 0 : i32
    %dma_wait3A_363 = arith.constant 0 : i32
    %dma_wait3A_364 = tpu.memref_slice %dma_wait3A_361[%dma_wait3A_362, %dma_wait3A_363] : memref<64x128xf32, #tpu.memory_space<vmem>> -> memref<8x128xf32, #tpu.memory_space<vmem>>
    tpu.wait_dma2 semaphore(%arg11 : memref<!tpu.dma_semaphore, #tpu.memory_space<semaphore_mem>>) src(%dma_wait3A_364 : memref<8x128xf32, #tpu.memory_space<vmem>>) dst(%dma_wait3A_357 : memref<8x128xf32, #tpu.memory_space<hbm>>)
    %dma_wait3A_365 = arith.constant 0 : i32
    %dma_wait3A_366 = arith.constant 0 : i32
    %dma_wait3A_367 = arith.constant 0 : i32
    %dma_wait3A_368 = arith.constant 0 : i32
    %dma_wait3A_369 = tpu.memref_slice %arg8[%dma_wait3A_365, %dma_wait3A_367, %dma_wait3A_368] : memref<2x64x128xf32, #tpu.memory_space<vmem>> -> memref<1x64x128xf32, #tpu.memory_space<vmem>>
    %dma_wait3A_370 = tpu.memref_squeeze %dma_wait3A_369 : memref<1x64x128xf32, #tpu.memory_space<vmem>> -> memref<64x128xf32, #tpu.memory_space<vmem>>
    %dma_wait3A_371 = arith.constant 8 : i32
    %dma_wait3A_372 = arith.constant 0 : i32
    %dma_wait3A_373 = tpu.memref_slice %dma_wait3A_370[%dma_wait3A_371, %dma_wait3A_372] : memref<64x128xf32, #tpu.memory_space<vmem>> -> memref<8x128xf32, #tpu.memory_space<vmem>>
    %dma_wait3A_374 = arith.constant 0 : i32
    %dma_wait3A_375 = arith.constant 0 : i32
    %dma_wait3A_376 = tpu.memref_slice %arg4[%dma_wait3A_366, %dma_wait3A_374, %dma_wait3A_375] : memref<50x64x16384xf32, #tpu.memory_space<hbm>> -> memref<1x8x128xf32, #tpu.memory_space<hbm>>
    %dma_wait3A_377 = tpu.memref_squeeze %dma_wait3A_376 : memref<1x8x128xf32, #tpu.memory_space<hbm>> -> memref<8x128xf32, #tpu.memory_space<hbm>>
    %dma_wait3A_378 = arith.constant 0 : i32
    %dma_wait3A_379 = arith.constant 0 : i32
    %dma_wait3A_380 = tpu.memref_slice %arg4[%dma_wait3A_366, %dma_wait3A_378, %dma_wait3A_379] : memref<50x64x16384xf32, #tpu.memory_space<hbm>> -> memref<1x8x128xf32, #tpu.memory_space<hbm>>
    %dma_wait3A_381 = tpu.memref_squeeze %dma_wait3A_380 : memref<1x8x128xf32, #tpu.memory_space<hbm>> -> memref<8x128xf32, #tpu.memory_space<hbm>>
    %dma_wait3A_382 = arith.constant 0 : i32
    %dma_wait3A_383 = arith.constant 0 : i32
    %dma_wait3A_384 = tpu.memref_slice %arg8[%dma_wait3A_365, %dma_wait3A_382, %dma_wait3A_383] : memref<2x64x128xf32, #tpu.memory_space<vmem>> -> memref<1x64x128xf32, #tpu.memory_space<vmem>>
    %dma_wait3A_385 = tpu.memref_squeeze %dma_wait3A_384 : memref<1x64x128xf32, #tpu.memory_space<vmem>> -> memref<64x128xf32, #tpu.memory_space<vmem>>
    %dma_wait3A_386 = arith.constant 8 : i32
    %dma_wait3A_387 = arith.constant 0 : i32
    %dma_wait3A_388 = tpu.memref_slice %dma_wait3A_385[%dma_wait3A_386, %dma_wait3A_387] : memref<64x128xf32, #tpu.memory_space<vmem>> -> memref<8x128xf32, #tpu.memory_space<vmem>>
    tpu.wait_dma2 semaphore(%arg11 : memref<!tpu.dma_semaphore, #tpu.memory_space<semaphore_mem>>) src(%dma_wait3A_388 : memref<8x128xf32, #tpu.memory_space<vmem>>) dst(%dma_wait3A_381 : memref<8x128xf32, #tpu.memory_space<hbm>>)
    %dma_wait3A_389 = arith.constant 0 : i32
    %dma_wait3A_390 = arith.constant 0 : i32
    %dma_wait3A_391 = arith.constant 0 : i32
    %dma_wait3A_392 = arith.constant 0 : i32
    %dma_wait3A_393 = tpu.memref_slice %arg8[%dma_wait3A_389, %dma_wait3A_391, %dma_wait3A_392] : memref<2x64x128xf32, #tpu.memory_space<vmem>> -> memref<1x64x128xf32, #tpu.memory_space<vmem>>
    %dma_wait3A_394 = tpu.memref_squeeze %dma_wait3A_393 : memref<1x64x128xf32, #tpu.memory_space<vmem>> -> memref<64x128xf32, #tpu.memory_space<vmem>>
    %dma_wait3A_395 = arith.constant 16 : i32
    %dma_wait3A_396 = arith.constant 0 : i32
    %dma_wait3A_397 = tpu.memref_slice %dma_wait3A_394[%dma_wait3A_395, %dma_wait3A_396] : memref<64x128xf32, #tpu.memory_space<vmem>> -> memref<8x128xf32, #tpu.memory_space<vmem>>
    %dma_wait3A_398 = arith.constant 0 : i32
    %dma_wait3A_399 = arith.constant 0 : i32
    %dma_wait3A_400 = tpu.memref_slice %arg4[%dma_wait3A_390, %dma_wait3A_398, %dma_wait3A_399] : memref<50x64x16384xf32, #tpu.memory_space<hbm>> -> memref<1x8x128xf32, #tpu.memory_space<hbm>>
    %dma_wait3A_401 = tpu.memref_squeeze %dma_wait3A_400 : memref<1x8x128xf32, #tpu.memory_space<hbm>> -> memref<8x128xf32, #tpu.memory_space<hbm>>
    %dma_wait3A_402 = arith.constant 0 : i32
    %dma_wait3A_403 = arith.constant 0 : i32
    %dma_wait3A_404 = tpu.memref_slice %arg4[%dma_wait3A_390, %dma_wait3A_402, %dma_wait3A_403] : memref<50x64x16384xf32, #tpu.memory_space<hbm>> -> memref<1x8x128xf32, #tpu.memory_space<hbm>>
    %dma_wait3A_405 = tpu.memref_squeeze %dma_wait3A_404 : memref<1x8x128xf32, #tpu.memory_space<hbm>> -> memref<8x128xf32, #tpu.memory_space<hbm>>
    %dma_wait3A_406 = arith.constant 0 : i32
    %dma_wait3A_407 = arith.constant 0 : i32
    %dma_wait3A_408 = tpu.memref_slice %arg8[%dma_wait3A_389, %dma_wait3A_406, %dma_wait3A_407] : memref<2x64x128xf32, #tpu.memory_space<vmem>> -> memref<1x64x128xf32, #tpu.memory_space<vmem>>
    %dma_wait3A_409 = tpu.memref_squeeze %dma_wait3A_408 : memref<1x64x128xf32, #tpu.memory_space<vmem>> -> memref<64x128xf32, #tpu.memory_space<vmem>>
    %dma_wait3A_410 = arith.constant 16 : i32
    %dma_wait3A_411 = arith.constant 0 : i32
    %dma_wait3A_412 = tpu.memref_slice %dma_wait3A_409[%dma_wait3A_410, %dma_wait3A_411] : memref<64x128xf32, #tpu.memory_space<vmem>> -> memref<8x128xf32, #tpu.memory_space<vmem>>
    tpu.wait_dma2 semaphore(%arg11 : memref<!tpu.dma_semaphore, #tpu.memory_space<semaphore_mem>>) src(%dma_wait3A_412 : memref<8x128xf32, #tpu.memory_space<vmem>>) dst(%dma_wait3A_405 : memref<8x128xf32, #tpu.memory_space<hbm>>)
    %dma_wait3A_413 = arith.constant 0 : i32
    %dma_wait3A_414 = arith.constant 0 : i32
    %dma_wait3A_415 = arith.constant 0 : i32
    %dma_wait3A_416 = arith.constant 0 : i32
    %dma_wait3A_417 = tpu.memref_slice %arg8[%dma_wait3A_413, %dma_wait3A_415, %dma_wait3A_416] : memref<2x64x128xf32, #tpu.memory_space<vmem>> -> memref<1x64x128xf32, #tpu.memory_space<vmem>>
    %dma_wait3A_418 = tpu.memref_squeeze %dma_wait3A_417 : memref<1x64x128xf32, #tpu.memory_space<vmem>> -> memref<64x128xf32, #tpu.memory_space<vmem>>
    %dma_wait3A_419 = arith.constant 24 : i32
    %dma_wait3A_420 = arith.constant 0 : i32
    %dma_wait3A_421 = tpu.memref_slice %dma_wait3A_418[%dma_wait3A_419, %dma_wait3A_420] : memref<64x128xf32, #tpu.memory_space<vmem>> -> memref<8x128xf32, #tpu.memory_space<vmem>>
    %dma_wait3A_422 = arith.constant 0 : i32
    %dma_wait3A_423 = arith.constant 0 : i32
    %dma_wait3A_424 = tpu.memref_slice %arg4[%dma_wait3A_414, %dma_wait3A_422, %dma_wait3A_423] : memref<50x64x16384xf32, #tpu.memory_space<hbm>> -> memref<1x8x128xf32, #tpu.memory_space<hbm>>
    %dma_wait3A_425 = tpu.memref_squeeze %dma_wait3A_424 : memref<1x8x128xf32, #tpu.memory_space<hbm>> -> memref<8x128xf32, #tpu.memory_space<hbm>>
    %dma_wait3A_426 = arith.constant 0 : i32
    %dma_wait3A_427 = arith.constant 0 : i32
    %dma_wait3A_428 = tpu.memref_slice %arg4[%dma_wait3A_414, %dma_wait3A_426, %dma_wait3A_427] : memref<50x64x16384xf32, #tpu.memory_space<hbm>> -> memref<1x8x128xf32, #tpu.memory_space<hbm>>
    %dma_wait3A_429 = tpu.memref_squeeze %dma_wait3A_428 : memref<1x8x128xf32, #tpu.memory_space<hbm>> -> memref<8x128xf32, #tpu.memory_space<hbm>>
    %dma_wait3A_430 = arith.constant 0 : i32
    %dma_wait3A_431 = arith.constant 0 : i32
    %dma_wait3A_432 = tpu.memref_slice %arg8[%dma_wait3A_413, %dma_wait3A_430, %dma_wait3A_431] : memref<2x64x128xf32, #tpu.memory_space<vmem>> -> memref<1x64x128xf32, #tpu.memory_space<vmem>>
    %dma_wait3A_433 = tpu.memref_squeeze %dma_wait3A_432 : memref<1x64x128xf32, #tpu.memory_space<vmem>> -> memref<64x128xf32, #tpu.memory_space<vmem>>
    %dma_wait3A_434 = arith.constant 24 : i32
    %dma_wait3A_435 = arith.constant 0 : i32
    %dma_wait3A_436 = tpu.memref_slice %dma_wait3A_433[%dma_wait3A_434, %dma_wait3A_435] : memref<64x128xf32, #tpu.memory_space<vmem>> -> memref<8x128xf32, #tpu.memory_space<vmem>>
    tpu.wait_dma2 semaphore(%arg11 : memref<!tpu.dma_semaphore, #tpu.memory_space<semaphore_mem>>) src(%dma_wait3A_436 : memref<8x128xf32, #tpu.memory_space<vmem>>) dst(%dma_wait3A_429 : memref<8x128xf32, #tpu.memory_space<hbm>>)
    %dma_wait3A_437 = arith.constant 0 : i32
    %dma_wait3A_438 = arith.constant 0 : i32
    %dma_wait3A_439 = arith.constant 0 : i32
    %dma_wait3A_440 = arith.constant 0 : i32
    %dma_wait3A_441 = tpu.memref_slice %arg8[%dma_wait3A_437, %dma_wait3A_439, %dma_wait3A_440] : memref<2x64x128xf32, #tpu.memory_space<vmem>> -> memref<1x64x128xf32, #tpu.memory_space<vmem>>
    %dma_wait3A_442 = tpu.memref_squeeze %dma_wait3A_441 : memref<1x64x128xf32, #tpu.memory_space<vmem>> -> memref<64x128xf32, #tpu.memory_space<vmem>>
    %dma_wait3A_443 = arith.constant 32 : i32
    %dma_wait3A_444 = arith.constant 0 : i32
    %dma_wait3A_445 = tpu.memref_slice %dma_wait3A_442[%dma_wait3A_443, %dma_wait3A_444] : memref<64x128xf32, #tpu.memory_space<vmem>> -> memref<8x128xf32, #tpu.memory_space<vmem>>
    %dma_wait3A_446 = arith.constant 0 : i32
    %dma_wait3A_447 = arith.constant 0 : i32
    %dma_wait3A_448 = tpu.memref_slice %arg4[%dma_wait3A_438, %dma_wait3A_446, %dma_wait3A_447] : memref<50x64x16384xf32, #tpu.memory_space<hbm>> -> memref<1x8x128xf32, #tpu.memory_space<hbm>>
    %dma_wait3A_449 = tpu.memref_squeeze %dma_wait3A_448 : memref<1x8x128xf32, #tpu.memory_space<hbm>> -> memref<8x128xf32, #tpu.memory_space<hbm>>
    %dma_wait3A_450 = arith.constant 0 : i32
    %dma_wait3A_451 = arith.constant 0 : i32
    %dma_wait3A_452 = tpu.memref_slice %arg4[%dma_wait3A_438, %dma_wait3A_450, %dma_wait3A_451] : memref<50x64x16384xf32, #tpu.memory_space<hbm>> -> memref<1x8x128xf32, #tpu.memory_space<hbm>>
    %dma_wait3A_453 = tpu.memref_squeeze %dma_wait3A_452 : memref<1x8x128xf32, #tpu.memory_space<hbm>> -> memref<8x128xf32, #tpu.memory_space<hbm>>
    %dma_wait3A_454 = arith.constant 0 : i32
    %dma_wait3A_455 = arith.constant 0 : i32
    %dma_wait3A_456 = tpu.memref_slice %arg8[%dma_wait3A_437, %dma_wait3A_454, %dma_wait3A_455] : memref<2x64x128xf32, #tpu.memory_space<vmem>> -> memref<1x64x128xf32, #tpu.memory_space<vmem>>
    %dma_wait3A_457 = tpu.memref_squeeze %dma_wait3A_456 : memref<1x64x128xf32, #tpu.memory_space<vmem>> -> memref<64x128xf32, #tpu.memory_space<vmem>>
    %dma_wait3A_458 = arith.constant 32 : i32
    %dma_wait3A_459 = arith.constant 0 : i32
    %dma_wait3A_460 = tpu.memref_slice %dma_wait3A_457[%dma_wait3A_458, %dma_wait3A_459] : memref<64x128xf32, #tpu.memory_space<vmem>> -> memref<8x128xf32, #tpu.memory_space<vmem>>
    tpu.wait_dma2 semaphore(%arg11 : memref<!tpu.dma_semaphore, #tpu.memory_space<semaphore_mem>>) src(%dma_wait3A_460 : memref<8x128xf32, #tpu.memory_space<vmem>>) dst(%dma_wait3A_453 : memref<8x128xf32, #tpu.memory_space<hbm>>)
    %dma_wait3A_461 = arith.constant 0 : i32
    %dma_wait3A_462 = arith.constant 0 : i32
    %dma_wait3A_463 = arith.constant 0 : i32
    %dma_wait3A_464 = arith.constant 0 : i32
    %dma_wait3A_465 = tpu.memref_slice %arg8[%dma_wait3A_461, %dma_wait3A_463, %dma_wait3A_464] : memref<2x64x128xf32, #tpu.memory_space<vmem>> -> memref<1x64x128xf32, #tpu.memory_space<vmem>>
    %dma_wait3A_466 = tpu.memref_squeeze %dma_wait3A_465 : memref<1x64x128xf32, #tpu.memory_space<vmem>> -> memref<64x128xf32, #tpu.memory_space<vmem>>
    %dma_wait3A_467 = arith.constant 40 : i32
    %dma_wait3A_468 = arith.constant 0 : i32
    %dma_wait3A_469 = tpu.memref_slice %dma_wait3A_466[%dma_wait3A_467, %dma_wait3A_468] : memref<64x128xf32, #tpu.memory_space<vmem>> -> memref<8x128xf32, #tpu.memory_space<vmem>>
    %dma_wait3A_470 = arith.constant 0 : i32
    %dma_wait3A_471 = arith.constant 0 : i32
    %dma_wait3A_472 = tpu.memref_slice %arg4[%dma_wait3A_462, %dma_wait3A_470, %dma_wait3A_471] : memref<50x64x16384xf32, #tpu.memory_space<hbm>> -> memref<1x8x128xf32, #tpu.memory_space<hbm>>
    %dma_wait3A_473 = tpu.memref_squeeze %dma_wait3A_472 : memref<1x8x128xf32, #tpu.memory_space<hbm>> -> memref<8x128xf32, #tpu.memory_space<hbm>>
    %dma_wait3A_474 = arith.constant 0 : i32
    %dma_wait3A_475 = arith.constant 0 : i32
    %dma_wait3A_476 = tpu.memref_slice %arg4[%dma_wait3A_462, %dma_wait3A_474, %dma_wait3A_475] : memref<50x64x16384xf32, #tpu.memory_space<hbm>> -> memref<1x8x128xf32, #tpu.memory_space<hbm>>
    %dma_wait3A_477 = tpu.memref_squeeze %dma_wait3A_476 : memref<1x8x128xf32, #tpu.memory_space<hbm>> -> memref<8x128xf32, #tpu.memory_space<hbm>>
    %dma_wait3A_478 = arith.constant 0 : i32
    %dma_wait3A_479 = arith.constant 0 : i32
    %dma_wait3A_480 = tpu.memref_slice %arg8[%dma_wait3A_461, %dma_wait3A_478, %dma_wait3A_479] : memref<2x64x128xf32, #tpu.memory_space<vmem>> -> memref<1x64x128xf32, #tpu.memory_space<vmem>>
    %dma_wait3A_481 = tpu.memref_squeeze %dma_wait3A_480 : memref<1x64x128xf32, #tpu.memory_space<vmem>> -> memref<64x128xf32, #tpu.memory_space<vmem>>
    %dma_wait3A_482 = arith.constant 40 : i32
    %dma_wait3A_483 = arith.constant 0 : i32
    %dma_wait3A_484 = tpu.memref_slice %dma_wait3A_481[%dma_wait3A_482, %dma_wait3A_483] : memref<64x128xf32, #tpu.memory_space<vmem>> -> memref<8x128xf32, #tpu.memory_space<vmem>>
    tpu.wait_dma2 semaphore(%arg11 : memref<!tpu.dma_semaphore, #tpu.memory_space<semaphore_mem>>) src(%dma_wait3A_484 : memref<8x128xf32, #tpu.memory_space<vmem>>) dst(%dma_wait3A_477 : memref<8x128xf32, #tpu.memory_space<hbm>>)
    %dma_wait3A_485 = arith.constant 0 : i32
    %dma_wait3A_486 = arith.constant 0 : i32
    %dma_wait3A_487 = arith.constant 0 : i32
    %dma_wait3A_488 = arith.constant 0 : i32
    %dma_wait3A_489 = tpu.memref_slice %arg8[%dma_wait3A_485, %dma_wait3A_487, %dma_wait3A_488] : memref<2x64x128xf32, #tpu.memory_space<vmem>> -> memref<1x64x128xf32, #tpu.memory_space<vmem>>
    %dma_wait3A_490 = tpu.memref_squeeze %dma_wait3A_489 : memref<1x64x128xf32, #tpu.memory_space<vmem>> -> memref<64x128xf32, #tpu.memory_space<vmem>>
    %dma_wait3A_491 = arith.constant 48 : i32
    %dma_wait3A_492 = arith.constant 0 : i32
    %dma_wait3A_493 = tpu.memref_slice %dma_wait3A_490[%dma_wait3A_491, %dma_wait3A_492] : memref<64x128xf32, #tpu.memory_space<vmem>> -> memref<8x128xf32, #tpu.memory_space<vmem>>
    %dma_wait3A_494 = arith.constant 0 : i32
    %dma_wait3A_495 = arith.constant 0 : i32
    %dma_wait3A_496 = tpu.memref_slice %arg4[%dma_wait3A_486, %dma_wait3A_494, %dma_wait3A_495] : memref<50x64x16384xf32, #tpu.memory_space<hbm>> -> memref<1x8x128xf32, #tpu.memory_space<hbm>>
    %dma_wait3A_497 = tpu.memref_squeeze %dma_wait3A_496 : memref<1x8x128xf32, #tpu.memory_space<hbm>> -> memref<8x128xf32, #tpu.memory_space<hbm>>
    %dma_wait3A_498 = arith.constant 0 : i32
    %dma_wait3A_499 = arith.constant 0 : i32
    %dma_wait3A_500 = tpu.memref_slice %arg4[%dma_wait3A_486, %dma_wait3A_498, %dma_wait3A_499] : memref<50x64x16384xf32, #tpu.memory_space<hbm>> -> memref<1x8x128xf32, #tpu.memory_space<hbm>>
    %dma_wait3A_501 = tpu.memref_squeeze %dma_wait3A_500 : memref<1x8x128xf32, #tpu.memory_space<hbm>> -> memref<8x128xf32, #tpu.memory_space<hbm>>
    %dma_wait3A_502 = arith.constant 0 : i32
    %dma_wait3A_503 = arith.constant 0 : i32
    %dma_wait3A_504 = tpu.memref_slice %arg8[%dma_wait3A_485, %dma_wait3A_502, %dma_wait3A_503] : memref<2x64x128xf32, #tpu.memory_space<vmem>> -> memref<1x64x128xf32, #tpu.memory_space<vmem>>
    %dma_wait3A_505 = tpu.memref_squeeze %dma_wait3A_504 : memref<1x64x128xf32, #tpu.memory_space<vmem>> -> memref<64x128xf32, #tpu.memory_space<vmem>>
    %dma_wait3A_506 = arith.constant 48 : i32
    %dma_wait3A_507 = arith.constant 0 : i32
    %dma_wait3A_508 = tpu.memref_slice %dma_wait3A_505[%dma_wait3A_506, %dma_wait3A_507] : memref<64x128xf32, #tpu.memory_space<vmem>> -> memref<8x128xf32, #tpu.memory_space<vmem>>
    tpu.wait_dma2 semaphore(%arg11 : memref<!tpu.dma_semaphore, #tpu.memory_space<semaphore_mem>>) src(%dma_wait3A_508 : memref<8x128xf32, #tpu.memory_space<vmem>>) dst(%dma_wait3A_501 : memref<8x128xf32, #tpu.memory_space<hbm>>)
    %dma_wait3A_509 = arith.constant 0 : i32
    %dma_wait3A_510 = arith.constant 0 : i32
    %dma_wait3A_511 = arith.constant 0 : i32
    %dma_wait3A_512 = arith.constant 0 : i32
    %dma_wait3A_513 = tpu.memref_slice %arg8[%dma_wait3A_509, %dma_wait3A_511, %dma_wait3A_512] : memref<2x64x128xf32, #tpu.memory_space<vmem>> -> memref<1x64x128xf32, #tpu.memory_space<vmem>>
    %dma_wait3A_514 = tpu.memref_squeeze %dma_wait3A_513 : memref<1x64x128xf32, #tpu.memory_space<vmem>> -> memref<64x128xf32, #tpu.memory_space<vmem>>
    %dma_wait3A_515 = arith.constant 56 : i32
    %dma_wait3A_516 = arith.constant 0 : i32
    %dma_wait3A_517 = tpu.memref_slice %dma_wait3A_514[%dma_wait3A_515, %dma_wait3A_516] : memref<64x128xf32, #tpu.memory_space<vmem>> -> memref<8x128xf32, #tpu.memory_space<vmem>>
    %dma_wait3A_518 = arith.constant 0 : i32
    %dma_wait3A_519 = arith.constant 0 : i32
    %dma_wait3A_520 = tpu.memref_slice %arg4[%dma_wait3A_510, %dma_wait3A_518, %dma_wait3A_519] : memref<50x64x16384xf32, #tpu.memory_space<hbm>> -> memref<1x8x128xf32, #tpu.memory_space<hbm>>
    %dma_wait3A_521 = tpu.memref_squeeze %dma_wait3A_520 : memref<1x8x128xf32, #tpu.memory_space<hbm>> -> memref<8x128xf32, #tpu.memory_space<hbm>>
    %dma_wait3A_522 = arith.constant 0 : i32
    %dma_wait3A_523 = arith.constant 0 : i32
    %dma_wait3A_524 = tpu.memref_slice %arg4[%dma_wait3A_510, %dma_wait3A_522, %dma_wait3A_523] : memref<50x64x16384xf32, #tpu.memory_space<hbm>> -> memref<1x8x128xf32, #tpu.memory_space<hbm>>
    %dma_wait3A_525 = tpu.memref_squeeze %dma_wait3A_524 : memref<1x8x128xf32, #tpu.memory_space<hbm>> -> memref<8x128xf32, #tpu.memory_space<hbm>>
    %dma_wait3A_526 = arith.constant 0 : i32
    %dma_wait3A_527 = arith.constant 0 : i32
    %dma_wait3A_528 = tpu.memref_slice %arg8[%dma_wait3A_509, %dma_wait3A_526, %dma_wait3A_527] : memref<2x64x128xf32, #tpu.memory_space<vmem>> -> memref<1x64x128xf32, #tpu.memory_space<vmem>>
    %dma_wait3A_529 = tpu.memref_squeeze %dma_wait3A_528 : memref<1x64x128xf32, #tpu.memory_space<vmem>> -> memref<64x128xf32, #tpu.memory_space<vmem>>
    %dma_wait3A_530 = arith.constant 56 : i32
    %dma_wait3A_531 = arith.constant 0 : i32
    %dma_wait3A_532 = tpu.memref_slice %dma_wait3A_529[%dma_wait3A_530, %dma_wait3A_531] : memref<64x128xf32, #tpu.memory_space<vmem>> -> memref<8x128xf32, #tpu.memory_space<vmem>>
    tpu.wait_dma2 semaphore(%arg11 : memref<!tpu.dma_semaphore, #tpu.memory_space<semaphore_mem>>) src(%dma_wait3A_532 : memref<8x128xf32, #tpu.memory_space<vmem>>) dst(%dma_wait3A_525 : memref<8x128xf32, #tpu.memory_space<hbm>>)
    %dma_wait3A_533 = arith.constant 1 : i32
    %dma_wait3A_534 = arith.constant 0 : i32
    %dma_wait3A_535 = arith.constant 0 : i32
    %dma_wait3A_536 = arith.constant 0 : i32
    %dma_wait3A_537 = tpu.memref_slice %arg8[%dma_wait3A_533, %dma_wait3A_535, %dma_wait3A_536] : memref<2x64x128xf32, #tpu.memory_space<vmem>> -> memref<1x64x128xf32, #tpu.memory_space<vmem>>
    %dma_wait3A_538 = tpu.memref_squeeze %dma_wait3A_537 : memref<1x64x128xf32, #tpu.memory_space<vmem>> -> memref<64x128xf32, #tpu.memory_space<vmem>>
    %dma_wait3A_539 = arith.constant 0 : i32
    %dma_wait3A_540 = arith.constant 0 : i32
    %dma_wait3A_541 = tpu.memref_slice %dma_wait3A_538[%dma_wait3A_539, %dma_wait3A_540] : memref<64x128xf32, #tpu.memory_space<vmem>> -> memref<8x128xf32, #tpu.memory_space<vmem>>
    %dma_wait3A_542 = arith.constant 0 : i32
    %dma_wait3A_543 = arith.constant 0 : i32
    %dma_wait3A_544 = tpu.memref_slice %arg4[%dma_wait3A_534, %dma_wait3A_542, %dma_wait3A_543] : memref<50x64x16384xf32, #tpu.memory_space<hbm>> -> memref<1x8x128xf32, #tpu.memory_space<hbm>>
    %dma_wait3A_545 = tpu.memref_squeeze %dma_wait3A_544 : memref<1x8x128xf32, #tpu.memory_space<hbm>> -> memref<8x128xf32, #tpu.memory_space<hbm>>
    %dma_wait3A_546 = arith.constant 0 : i32
    %dma_wait3A_547 = arith.constant 0 : i32
    %dma_wait3A_548 = tpu.memref_slice %arg4[%dma_wait3A_534, %dma_wait3A_546, %dma_wait3A_547] : memref<50x64x16384xf32, #tpu.memory_space<hbm>> -> memref<1x8x128xf32, #tpu.memory_space<hbm>>
    %dma_wait3A_549 = tpu.memref_squeeze %dma_wait3A_548 : memref<1x8x128xf32, #tpu.memory_space<hbm>> -> memref<8x128xf32, #tpu.memory_space<hbm>>
    %dma_wait3A_550 = arith.constant 0 : i32
    %dma_wait3A_551 = arith.constant 0 : i32
    %dma_wait3A_552 = tpu.memref_slice %arg8[%dma_wait3A_533, %dma_wait3A_550, %dma_wait3A_551] : memref<2x64x128xf32, #tpu.memory_space<vmem>> -> memref<1x64x128xf32, #tpu.memory_space<vmem>>
    %dma_wait3A_553 = tpu.memref_squeeze %dma_wait3A_552 : memref<1x64x128xf32, #tpu.memory_space<vmem>> -> memref<64x128xf32, #tpu.memory_space<vmem>>
    %dma_wait3A_554 = arith.constant 0 : i32
    %dma_wait3A_555 = arith.constant 0 : i32
    %dma_wait3A_556 = tpu.memref_slice %dma_wait3A_553[%dma_wait3A_554, %dma_wait3A_555] : memref<64x128xf32, #tpu.memory_space<vmem>> -> memref<8x128xf32, #tpu.memory_space<vmem>>
    tpu.wait_dma2 semaphore(%arg11 : memref<!tpu.dma_semaphore, #tpu.memory_space<semaphore_mem>>) src(%dma_wait3A_556 : memref<8x128xf32, #tpu.memory_space<vmem>>) dst(%dma_wait3A_549 : memref<8x128xf32, #tpu.memory_space<hbm>>)
    %dma_wait3A_557 = arith.constant 1 : i32
    %dma_wait3A_558 = arith.constant 0 : i32
    %dma_wait3A_559 = arith.constant 0 : i32
    %dma_wait3A_560 = arith.constant 0 : i32
    %dma_wait3A_561 = tpu.memref_slice %arg8[%dma_wait3A_557, %dma_wait3A_559, %dma_wait3A_560] : memref<2x64x128xf32, #tpu.memory_space<vmem>> -> memref<1x64x128xf32, #tpu.memory_space<vmem>>
    %dma_wait3A_562 = tpu.memref_squeeze %dma_wait3A_561 : memref<1x64x128xf32, #tpu.memory_space<vmem>> -> memref<64x128xf32, #tpu.memory_space<vmem>>
    %dma_wait3A_563 = arith.constant 8 : i32
    %dma_wait3A_564 = arith.constant 0 : i32
    %dma_wait3A_565 = tpu.memref_slice %dma_wait3A_562[%dma_wait3A_563, %dma_wait3A_564] : memref<64x128xf32, #tpu.memory_space<vmem>> -> memref<8x128xf32, #tpu.memory_space<vmem>>
    %dma_wait3A_566 = arith.constant 0 : i32
    %dma_wait3A_567 = arith.constant 0 : i32
    %dma_wait3A_568 = tpu.memref_slice %arg4[%dma_wait3A_558, %dma_wait3A_566, %dma_wait3A_567] : memref<50x64x16384xf32, #tpu.memory_space<hbm>> -> memref<1x8x128xf32, #tpu.memory_space<hbm>>
    %dma_wait3A_569 = tpu.memref_squeeze %dma_wait3A_568 : memref<1x8x128xf32, #tpu.memory_space<hbm>> -> memref<8x128xf32, #tpu.memory_space<hbm>>
    %dma_wait3A_570 = arith.constant 0 : i32
    %dma_wait3A_571 = arith.constant 0 : i32
    %dma_wait3A_572 = tpu.memref_slice %arg4[%dma_wait3A_558, %dma_wait3A_570, %dma_wait3A_571] : memref<50x64x16384xf32, #tpu.memory_space<hbm>> -> memref<1x8x128xf32, #tpu.memory_space<hbm>>
    %dma_wait3A_573 = tpu.memref_squeeze %dma_wait3A_572 : memref<1x8x128xf32, #tpu.memory_space<hbm>> -> memref<8x128xf32, #tpu.memory_space<hbm>>
    %dma_wait3A_574 = arith.constant 0 : i32
    %dma_wait3A_575 = arith.constant 0 : i32
    %dma_wait3A_576 = tpu.memref_slice %arg8[%dma_wait3A_557, %dma_wait3A_574, %dma_wait3A_575] : memref<2x64x128xf32, #tpu.memory_space<vmem>> -> memref<1x64x128xf32, #tpu.memory_space<vmem>>
    %dma_wait3A_577 = tpu.memref_squeeze %dma_wait3A_576 : memref<1x64x128xf32, #tpu.memory_space<vmem>> -> memref<64x128xf32, #tpu.memory_space<vmem>>
    %dma_wait3A_578 = arith.constant 8 : i32
    %dma_wait3A_579 = arith.constant 0 : i32
    %dma_wait3A_580 = tpu.memref_slice %dma_wait3A_577[%dma_wait3A_578, %dma_wait3A_579] : memref<64x128xf32, #tpu.memory_space<vmem>> -> memref<8x128xf32, #tpu.memory_space<vmem>>
    tpu.wait_dma2 semaphore(%arg11 : memref<!tpu.dma_semaphore, #tpu.memory_space<semaphore_mem>>) src(%dma_wait3A_580 : memref<8x128xf32, #tpu.memory_space<vmem>>) dst(%dma_wait3A_573 : memref<8x128xf32, #tpu.memory_space<hbm>>)
    %dma_wait3A_581 = arith.constant 1 : i32
    %dma_wait3A_582 = arith.constant 0 : i32
    %dma_wait3A_583 = arith.constant 0 : i32
    %dma_wait3A_584 = arith.constant 0 : i32
    %dma_wait3A_585 = tpu.memref_slice %arg8[%dma_wait3A_581, %dma_wait3A_583, %dma_wait3A_584] : memref<2x64x128xf32, #tpu.memory_space<vmem>> -> memref<1x64x128xf32, #tpu.memory_space<vmem>>
    %dma_wait3A_586 = tpu.memref_squeeze %dma_wait3A_585 : memref<1x64x128xf32, #tpu.memory_space<vmem>> -> memref<64x128xf32, #tpu.memory_space<vmem>>
    %dma_wait3A_587 = arith.constant 16 : i32
    %dma_wait3A_588 = arith.constant 0 : i32
    %dma_wait3A_589 = tpu.memref_slice %dma_wait3A_586[%dma_wait3A_587, %dma_wait3A_588] : memref<64x128xf32, #tpu.memory_space<vmem>> -> memref<8x128xf32, #tpu.memory_space<vmem>>
    %dma_wait3A_590 = arith.constant 0 : i32
    %dma_wait3A_591 = arith.constant 0 : i32
    %dma_wait3A_592 = tpu.memref_slice %arg4[%dma_wait3A_582, %dma_wait3A_590, %dma_wait3A_591] : memref<50x64x16384xf32, #tpu.memory_space<hbm>> -> memref<1x8x128xf32, #tpu.memory_space<hbm>>
    %dma_wait3A_593 = tpu.memref_squeeze %dma_wait3A_592 : memref<1x8x128xf32, #tpu.memory_space<hbm>> -> memref<8x128xf32, #tpu.memory_space<hbm>>
    %dma_wait3A_594 = arith.constant 0 : i32
    %dma_wait3A_595 = arith.constant 0 : i32
    %dma_wait3A_596 = tpu.memref_slice %arg4[%dma_wait3A_582, %dma_wait3A_594, %dma_wait3A_595] : memref<50x64x16384xf32, #tpu.memory_space<hbm>> -> memref<1x8x128xf32, #tpu.memory_space<hbm>>
    %dma_wait3A_597 = tpu.memref_squeeze %dma_wait3A_596 : memref<1x8x128xf32, #tpu.memory_space<hbm>> -> memref<8x128xf32, #tpu.memory_space<hbm>>
    %dma_wait3A_598 = arith.constant 0 : i32
    %dma_wait3A_599 = arith.constant 0 : i32
    %dma_wait3A_600 = tpu.memref_slice %arg8[%dma_wait3A_581, %dma_wait3A_598, %dma_wait3A_599] : memref<2x64x128xf32, #tpu.memory_space<vmem>> -> memref<1x64x128xf32, #tpu.memory_space<vmem>>
    %dma_wait3A_601 = tpu.memref_squeeze %dma_wait3A_600 : memref<1x64x128xf32, #tpu.memory_space<vmem>> -> memref<64x128xf32, #tpu.memory_space<vmem>>
    %dma_wait3A_602 = arith.constant 16 : i32
    %dma_wait3A_603 = arith.constant 0 : i32
    %dma_wait3A_604 = tpu.memref_slice %dma_wait3A_601[%dma_wait3A_602, %dma_wait3A_603] : memref<64x128xf32, #tpu.memory_space<vmem>> -> memref<8x128xf32, #tpu.memory_space<vmem>>
    tpu.wait_dma2 semaphore(%arg11 : memref<!tpu.dma_semaphore, #tpu.memory_space<semaphore_mem>>) src(%dma_wait3A_604 : memref<8x128xf32, #tpu.memory_space<vmem>>) dst(%dma_wait3A_597 : memref<8x128xf32, #tpu.memory_space<hbm>>)
    %dma_wait3A_605 = arith.constant 1 : i32
    %dma_wait3A_606 = arith.constant 0 : i32
    %dma_wait3A_607 = arith.constant 0 : i32
    %dma_wait3A_608 = arith.constant 0 : i32
    %dma_wait3A_609 = tpu.memref_slice %arg8[%dma_wait3A_605, %dma_wait3A_607, %dma_wait3A_608] : memref<2x64x128xf32, #tpu.memory_space<vmem>> -> memref<1x64x128xf32, #tpu.memory_space<vmem>>
    %dma_wait3A_610 = tpu.memref_squeeze %dma_wait3A_609 : memref<1x64x128xf32, #tpu.memory_space<vmem>> -> memref<64x128xf32, #tpu.memory_space<vmem>>
    %dma_wait3A_611 = arith.constant 24 : i32
    %dma_wait3A_612 = arith.constant 0 : i32
    %dma_wait3A_613 = tpu.memref_slice %dma_wait3A_610[%dma_wait3A_611, %dma_wait3A_612] : memref<64x128xf32, #tpu.memory_space<vmem>> -> memref<8x128xf32, #tpu.memory_space<vmem>>
    %dma_wait3A_614 = arith.constant 0 : i32
    %dma_wait3A_615 = arith.constant 0 : i32
    %dma_wait3A_616 = tpu.memref_slice %arg4[%dma_wait3A_606, %dma_wait3A_614, %dma_wait3A_615] : memref<50x64x16384xf32, #tpu.memory_space<hbm>> -> memref<1x8x128xf32, #tpu.memory_space<hbm>>
    %dma_wait3A_617 = tpu.memref_squeeze %dma_wait3A_616 : memref<1x8x128xf32, #tpu.memory_space<hbm>> -> memref<8x128xf32, #tpu.memory_space<hbm>>
    %dma_wait3A_618 = arith.constant 0 : i32
    %dma_wait3A_619 = arith.constant 0 : i32
    %dma_wait3A_620 = tpu.memref_slice %arg4[%dma_wait3A_606, %dma_wait3A_618, %dma_wait3A_619] : memref<50x64x16384xf32, #tpu.memory_space<hbm>> -> memref<1x8x128xf32, #tpu.memory_space<hbm>>
    %dma_wait3A_621 = tpu.memref_squeeze %dma_wait3A_620 : memref<1x8x128xf32, #tpu.memory_space<hbm>> -> memref<8x128xf32, #tpu.memory_space<hbm>>
    %dma_wait3A_622 = arith.constant 0 : i32
    %dma_wait3A_623 = arith.constant 0 : i32
    %dma_wait3A_624 = tpu.memref_slice %arg8[%dma_wait3A_605, %dma_wait3A_622, %dma_wait3A_623] : memref<2x64x128xf32, #tpu.memory_space<vmem>> -> memref<1x64x128xf32, #tpu.memory_space<vmem>>
    %dma_wait3A_625 = tpu.memref_squeeze %dma_wait3A_624 : memref<1x64x128xf32, #tpu.memory_space<vmem>> -> memref<64x128xf32, #tpu.memory_space<vmem>>
    %dma_wait3A_626 = arith.constant 24 : i32
    %dma_wait3A_627 = arith.constant 0 : i32
    %dma_wait3A_628 = tpu.memref_slice %dma_wait3A_625[%dma_wait3A_626, %dma_wait3A_627] : memref<64x128xf32, #tpu.memory_space<vmem>> -> memref<8x128xf32, #tpu.memory_space<vmem>>
    tpu.wait_dma2 semaphore(%arg11 : memref<!tpu.dma_semaphore, #tpu.memory_space<semaphore_mem>>) src(%dma_wait3A_628 : memref<8x128xf32, #tpu.memory_space<vmem>>) dst(%dma_wait3A_621 : memref<8x128xf32, #tpu.memory_space<hbm>>)
    %dma_wait3A_629 = arith.constant 1 : i32
    %dma_wait3A_630 = arith.constant 0 : i32
    %dma_wait3A_631 = arith.constant 0 : i32
    %dma_wait3A_632 = arith.constant 0 : i32
    %dma_wait3A_633 = tpu.memref_slice %arg8[%dma_wait3A_629, %dma_wait3A_631, %dma_wait3A_632] : memref<2x64x128xf32, #tpu.memory_space<vmem>> -> memref<1x64x128xf32, #tpu.memory_space<vmem>>
    %dma_wait3A_634 = tpu.memref_squeeze %dma_wait3A_633 : memref<1x64x128xf32, #tpu.memory_space<vmem>> -> memref<64x128xf32, #tpu.memory_space<vmem>>
    %dma_wait3A_635 = arith.constant 32 : i32
    %dma_wait3A_636 = arith.constant 0 : i32
    %dma_wait3A_637 = tpu.memref_slice %dma_wait3A_634[%dma_wait3A_635, %dma_wait3A_636] : memref<64x128xf32, #tpu.memory_space<vmem>> -> memref<8x128xf32, #tpu.memory_space<vmem>>
    %dma_wait3A_638 = arith.constant 0 : i32
    %dma_wait3A_639 = arith.constant 0 : i32
    %dma_wait3A_640 = tpu.memref_slice %arg4[%dma_wait3A_630, %dma_wait3A_638, %dma_wait3A_639] : memref<50x64x16384xf32, #tpu.memory_space<hbm>> -> memref<1x8x128xf32, #tpu.memory_space<hbm>>
    %dma_wait3A_641 = tpu.memref_squeeze %dma_wait3A_640 : memref<1x8x128xf32, #tpu.memory_space<hbm>> -> memref<8x128xf32, #tpu.memory_space<hbm>>
    %dma_wait3A_642 = arith.constant 0 : i32
    %dma_wait3A_643 = arith.constant 0 : i32
    %dma_wait3A_644 = tpu.memref_slice %arg4[%dma_wait3A_630, %dma_wait3A_642, %dma_wait3A_643] : memref<50x64x16384xf32, #tpu.memory_space<hbm>> -> memref<1x8x128xf32, #tpu.memory_space<hbm>>
    %dma_wait3A_645 = tpu.memref_squeeze %dma_wait3A_644 : memref<1x8x128xf32, #tpu.memory_space<hbm>> -> memref<8x128xf32, #tpu.memory_space<hbm>>
    %dma_wait3A_646 = arith.constant 0 : i32
    %dma_wait3A_647 = arith.constant 0 : i32
    %dma_wait3A_648 = tpu.memref_slice %arg8[%dma_wait3A_629, %dma_wait3A_646, %dma_wait3A_647] : memref<2x64x128xf32, #tpu.memory_space<vmem>> -> memref<1x64x128xf32, #tpu.memory_space<vmem>>
    %dma_wait3A_649 = tpu.memref_squeeze %dma_wait3A_648 : memref<1x64x128xf32, #tpu.memory_space<vmem>> -> memref<64x128xf32, #tpu.memory_space<vmem>>
    %dma_wait3A_650 = arith.constant 32 : i32
    %dma_wait3A_651 = arith.constant 0 : i32
    %dma_wait3A_652 = tpu.memref_slice %dma_wait3A_649[%dma_wait3A_650, %dma_wait3A_651] : memref<64x128xf32, #tpu.memory_space<vmem>> -> memref<8x128xf32, #tpu.memory_space<vmem>>
    tpu.wait_dma2 semaphore(%arg11 : memref<!tpu.dma_semaphore, #tpu.memory_space<semaphore_mem>>) src(%dma_wait3A_652 : memref<8x128xf32, #tpu.memory_space<vmem>>) dst(%dma_wait3A_645 : memref<8x128xf32, #tpu.memory_space<hbm>>)
    %dma_wait3A_653 = arith.constant 1 : i32
    %dma_wait3A_654 = arith.constant 0 : i32
    %dma_wait3A_655 = arith.constant 0 : i32
    %dma_wait3A_656 = arith.constant 0 : i32
    %dma_wait3A_657 = tpu.memref_slice %arg8[%dma_wait3A_653, %dma_wait3A_655, %dma_wait3A_656] : memref<2x64x128xf32, #tpu.memory_space<vmem>> -> memref<1x64x128xf32, #tpu.memory_space<vmem>>
    %dma_wait3A_658 = tpu.memref_squeeze %dma_wait3A_657 : memref<1x64x128xf32, #tpu.memory_space<vmem>> -> memref<64x128xf32, #tpu.memory_space<vmem>>
    %dma_wait3A_659 = arith.constant 40 : i32
    %dma_wait3A_660 = arith.constant 0 : i32
    %dma_wait3A_661 = tpu.memref_slice %dma_wait3A_658[%dma_wait3A_659, %dma_wait3A_660] : memref<64x128xf32, #tpu.memory_space<vmem>> -> memref<8x128xf32, #tpu.memory_space<vmem>>
    %dma_wait3A_662 = arith.constant 0 : i32
    %dma_wait3A_663 = arith.constant 0 : i32
    %dma_wait3A_664 = tpu.memref_slice %arg4[%dma_wait3A_654, %dma_wait3A_662, %dma_wait3A_663] : memref<50x64x16384xf32, #tpu.memory_space<hbm>> -> memref<1x8x128xf32, #tpu.memory_space<hbm>>
    %dma_wait3A_665 = tpu.memref_squeeze %dma_wait3A_664 : memref<1x8x128xf32, #tpu.memory_space<hbm>> -> memref<8x128xf32, #tpu.memory_space<hbm>>
    %dma_wait3A_666 = arith.constant 0 : i32
    %dma_wait3A_667 = arith.constant 0 : i32
    %dma_wait3A_668 = tpu.memref_slice %arg4[%dma_wait3A_654, %dma_wait3A_666, %dma_wait3A_667] : memref<50x64x16384xf32, #tpu.memory_space<hbm>> -> memref<1x8x128xf32, #tpu.memory_space<hbm>>
    %dma_wait3A_669 = tpu.memref_squeeze %dma_wait3A_668 : memref<1x8x128xf32, #tpu.memory_space<hbm>> -> memref<8x128xf32, #tpu.memory_space<hbm>>
    %dma_wait3A_670 = arith.constant 0 : i32
    %dma_wait3A_671 = arith.constant 0 : i32
    %dma_wait3A_672 = tpu.memref_slice %arg8[%dma_wait3A_653, %dma_wait3A_670, %dma_wait3A_671] : memref<2x64x128xf32, #tpu.memory_space<vmem>> -> memref<1x64x128xf32, #tpu.memory_space<vmem>>
    %dma_wait3A_673 = tpu.memref_squeeze %dma_wait3A_672 : memref<1x64x128xf32, #tpu.memory_space<vmem>> -> memref<64x128xf32, #tpu.memory_space<vmem>>
    %dma_wait3A_674 = arith.constant 40 : i32
    %dma_wait3A_675 = arith.constant 0 : i32
    %dma_wait3A_676 = tpu.memref_slice %dma_wait3A_673[%dma_wait3A_674, %dma_wait3A_675] : memref<64x128xf32, #tpu.memory_space<vmem>> -> memref<8x128xf32, #tpu.memory_space<vmem>>
    tpu.wait_dma2 semaphore(%arg11 : memref<!tpu.dma_semaphore, #tpu.memory_space<semaphore_mem>>) src(%dma_wait3A_676 : memref<8x128xf32, #tpu.memory_space<vmem>>) dst(%dma_wait3A_669 : memref<8x128xf32, #tpu.memory_space<hbm>>)
    %dma_wait3A_677 = arith.constant 1 : i32
    %dma_wait3A_678 = arith.constant 0 : i32
    %dma_wait3A_679 = arith.constant 0 : i32
    %dma_wait3A_680 = arith.constant 0 : i32
    %dma_wait3A_681 = tpu.memref_slice %arg8[%dma_wait3A_677, %dma_wait3A_679, %dma_wait3A_680] : memref<2x64x128xf32, #tpu.memory_space<vmem>> -> memref<1x64x128xf32, #tpu.memory_space<vmem>>
    %dma_wait3A_682 = tpu.memref_squeeze %dma_wait3A_681 : memref<1x64x128xf32, #tpu.memory_space<vmem>> -> memref<64x128xf32, #tpu.memory_space<vmem>>
    %dma_wait3A_683 = arith.constant 48 : i32
    %dma_wait3A_684 = arith.constant 0 : i32
    %dma_wait3A_685 = tpu.memref_slice %dma_wait3A_682[%dma_wait3A_683, %dma_wait3A_684] : memref<64x128xf32, #tpu.memory_space<vmem>> -> memref<8x128xf32, #tpu.memory_space<vmem>>
    %dma_wait3A_686 = arith.constant 0 : i32
    %dma_wait3A_687 = arith.constant 0 : i32
    %dma_wait3A_688 = tpu.memref_slice %arg4[%dma_wait3A_678, %dma_wait3A_686, %dma_wait3A_687] : memref<50x64x16384xf32, #tpu.memory_space<hbm>> -> memref<1x8x128xf32, #tpu.memory_space<hbm>>
    %dma_wait3A_689 = tpu.memref_squeeze %dma_wait3A_688 : memref<1x8x128xf32, #tpu.memory_space<hbm>> -> memref<8x128xf32, #tpu.memory_space<hbm>>
    %dma_wait3A_690 = arith.constant 0 : i32
    %dma_wait3A_691 = arith.constant 0 : i32
    %dma_wait3A_692 = tpu.memref_slice %arg4[%dma_wait3A_678, %dma_wait3A_690, %dma_wait3A_691] : memref<50x64x16384xf32, #tpu.memory_space<hbm>> -> memref<1x8x128xf32, #tpu.memory_space<hbm>>
    %dma_wait3A_693 = tpu.memref_squeeze %dma_wait3A_692 : memref<1x8x128xf32, #tpu.memory_space<hbm>> -> memref<8x128xf32, #tpu.memory_space<hbm>>
    %dma_wait3A_694 = arith.constant 0 : i32
    %dma_wait3A_695 = arith.constant 0 : i32
    %dma_wait3A_696 = tpu.memref_slice %arg8[%dma_wait3A_677, %dma_wait3A_694, %dma_wait3A_695] : memref<2x64x128xf32, #tpu.memory_space<vmem>> -> memref<1x64x128xf32, #tpu.memory_space<vmem>>
    %dma_wait3A_697 = tpu.memref_squeeze %dma_wait3A_696 : memref<1x64x128xf32, #tpu.memory_space<vmem>> -> memref<64x128xf32, #tpu.memory_space<vmem>>
    %dma_wait3A_698 = arith.constant 48 : i32
    %dma_wait3A_699 = arith.constant 0 : i32
    %dma_wait3A_700 = tpu.memref_slice %dma_wait3A_697[%dma_wait3A_698, %dma_wait3A_699] : memref<64x128xf32, #tpu.memory_space<vmem>> -> memref<8x128xf32, #tpu.memory_space<vmem>>
    tpu.wait_dma2 semaphore(%arg11 : memref<!tpu.dma_semaphore, #tpu.memory_space<semaphore_mem>>) src(%dma_wait3A_700 : memref<8x128xf32, #tpu.memory_space<vmem>>) dst(%dma_wait3A_693 : memref<8x128xf32, #tpu.memory_space<hbm>>)
    %dma_wait3A_701 = arith.constant 1 : i32
    %dma_wait3A_702 = arith.constant 0 : i32
    %dma_wait3A_703 = arith.constant 0 : i32
    %dma_wait3A_704 = arith.constant 0 : i32
    %dma_wait3A_705 = tpu.memref_slice %arg8[%dma_wait3A_701, %dma_wait3A_703, %dma_wait3A_704] : memref<2x64x128xf32, #tpu.memory_space<vmem>> -> memref<1x64x128xf32, #tpu.memory_space<vmem>>
    %dma_wait3A_706 = tpu.memref_squeeze %dma_wait3A_705 : memref<1x64x128xf32, #tpu.memory_space<vmem>> -> memref<64x128xf32, #tpu.memory_space<vmem>>
    %dma_wait3A_707 = arith.constant 56 : i32
    %dma_wait3A_708 = arith.constant 0 : i32
    %dma_wait3A_709 = tpu.memref_slice %dma_wait3A_706[%dma_wait3A_707, %dma_wait3A_708] : memref<64x128xf32, #tpu.memory_space<vmem>> -> memref<8x128xf32, #tpu.memory_space<vmem>>
    %dma_wait3A_710 = arith.constant 0 : i32
    %dma_wait3A_711 = arith.constant 0 : i32
    %dma_wait3A_712 = tpu.memref_slice %arg4[%dma_wait3A_702, %dma_wait3A_710, %dma_wait3A_711] : memref<50x64x16384xf32, #tpu.memory_space<hbm>> -> memref<1x8x128xf32, #tpu.memory_space<hbm>>
    %dma_wait3A_713 = tpu.memref_squeeze %dma_wait3A_712 : memref<1x8x128xf32, #tpu.memory_space<hbm>> -> memref<8x128xf32, #tpu.memory_space<hbm>>
    %dma_wait3A_714 = arith.constant 0 : i32
    %dma_wait3A_715 = arith.constant 0 : i32
    %dma_wait3A_716 = tpu.memref_slice %arg4[%dma_wait3A_702, %dma_wait3A_714, %dma_wait3A_715] : memref<50x64x16384xf32, #tpu.memory_space<hbm>> -> memref<1x8x128xf32, #tpu.memory_space<hbm>>
    %dma_wait3A_717 = tpu.memref_squeeze %dma_wait3A_716 : memref<1x8x128xf32, #tpu.memory_space<hbm>> -> memref<8x128xf32, #tpu.memory_space<hbm>>
    %dma_wait3A_718 = arith.constant 0 : i32
    %dma_wait3A_719 = arith.constant 0 : i32
    %dma_wait3A_720 = tpu.memref_slice %arg8[%dma_wait3A_701, %dma_wait3A_718, %dma_wait3A_719] : memref<2x64x128xf32, #tpu.memory_space<vmem>> -> memref<1x64x128xf32, #tpu.memory_space<vmem>>
    %dma_wait3A_721 = tpu.memref_squeeze %dma_wait3A_720 : memref<1x64x128xf32, #tpu.memory_space<vmem>> -> memref<64x128xf32, #tpu.memory_space<vmem>>
    %dma_wait3A_722 = arith.constant 56 : i32
    %dma_wait3A_723 = arith.constant 0 : i32
    %dma_wait3A_724 = tpu.memref_slice %dma_wait3A_721[%dma_wait3A_722, %dma_wait3A_723] : memref<64x128xf32, #tpu.memory_space<vmem>> -> memref<8x128xf32, #tpu.memory_space<vmem>>
    tpu.wait_dma2 semaphore(%arg11 : memref<!tpu.dma_semaphore, #tpu.memory_space<semaphore_mem>>) src(%dma_wait3A_724 : memref<8x128xf32, #tpu.memory_space<vmem>>) dst(%dma_wait3A_717 : memref<8x128xf32, #tpu.memory_space<hbm>>)
    return
  }
}

</mosaic_0001>

<sc_bundles>
// kernel: kernel.3.cloned.1.call-start
scs
__scs_entry_jumppad:
0x0: {  	(pc) =	sbr.rel $0x88, $3  }
0x1: {  	(tag) =	ssettag $0x0;
	lr =	simm.s32 $0x1  }
0x2: {  	[smem:$0x3F9F] =	sst lr;
	_ =	strace $0xD0000000  }
0x3: {  	_ = 	snop  }
0x4: {  	_ = 	snop  }
0x5: {  	_ = 	snop  }
0x6: {  	_ = 	snop  }
0x7: {  	_ = 	snop  }
__scs_overlays_trampoline_lowered:
0x8: {  	[smem:$0x3FAE] =	sst s0  }
0x9: {  	[smem:$0x3FAF] =	sst s1  }
0xa: {  	[smem:$0x3FB0] =	sst s2  }
0xb: {  	[smem:$0x3FB1] =	sst s3  }
0xc: {  	[smem:$0x3FB2] =	sst s4  }
0xd: {  	[smem:$0x3FB3] =	sst s5  }
0xe: {  	[smem:$0x3FB4] =	sst s6  }
0xf: {  	[smem:$0x3FB5] =	sst s7  }
0x10: {  	[smem:$0x3FB6] =	sst s8  }
0x11: {  	[smem:$0x3FB7] =	sst s9;
	s0 =	simm.s32 @!p0 $0x0  }
0x12: {  	s1 =	sld [smem:$0x3F9D];
	s0 =	simm.s32 @p0 $0x1  }
0x13: {  	[smem:$0x3FB8] =	sst s0;
	s0 =	simm.s32 @!p1 $0x0  }
0x14: {  	s2 =	sld [smem:$0x3F9C];
	s0 =	simm.s32 @p1 $0x1  }
0x15: {  	[smem:$0x3FB9] =	sst s0;
	s0 =	simm.s32 @!p2 $0x0  }
0x16: {  	s3 =	sld [smem:$0x3FDB];
	s0 =	simm.s32 @p2 $0x1  }
0x17: {  	s4 =	simm.s32 $0x1BF5;
	[smem:$0x3FBB] =	sst s0  }
0x18: {  	s0 =	sld [smem:$0x3F9E];
	_ =	swait.ge [sflag:s4], $0x0  }
0x19: {  	s7 =	sld [smem:$0x3F9F]  }
0x1a: {  	s8 =	sadd.s32 $0xFFFFE003, lr  }
0x1b: {  	s9 =	sadd.s32 $0xFFFFFEF7, lr;
	s5 =	simm.s32 $0xFFFFFFFF;
	p2 =	slt.u32 s8, $0xFFFFF086  }
0x1c: {  	p1 =	slt.u32 s9, $0xF7A;
	s5 =	simm.s32 @!p2 $0x0  }
0x1d: {  	s5 =	simm.s32 @p1 $0x1;
	p0 =	seq.s32 s7, s2  }
0x1e: {  	s7 =	smul.u32 @!p0 $0xF7A, s2;
	p2 =	seq.s32 @!p0 s5, $0x0  }
0x1f: {  	s9 =	smul.u32 $0xF7A, s1;
	s8 =	simm.s32 @!p0 $0x1BF5;
	p2 =	por !p2, p0  }
0x20: {  	[sflag:s8] =	ssyncset.s32 @!p0 $0xFFFFF086;
	s6 =	sadd.s32 @!p0 s3, s7;
	s7 =	simm.s32 @!p0 $0x108  }
0x21: {  	s3 =	sadd.s32 s3, s9;
	s6 =	sadd.s32 @!p0 $0x88, s6;
	s7 =	simm.s32 @p2 $0x1082  }
0x22: {  	[simem:s7], [sflag:s8] =	dma.local @!p0 [hbm:s6], $0xF7A  }
0x23: {  	s9 =	sor.u32 $0xD0000000, s2;
	s6 =	simm.s32 $0x108;
	_ =	swait.ge @!p0 [sflag:s8], $0x0  }
0x24: {  	s3 =	sadd.s32 $0x88, s3;
	s6 =	simm.s32 @!p1 $0x1082;
	[sflag:s4] =	ssyncset.s32 $0xFFFFF086  }
0x25: {  	[simem:s6], [sflag:s4] =	dma.local [hbm:s3], $0xF7A  }
0x26: {  	[smem:$0x3F9F] =	sst s1;
	(tag) =	ssettag s2;
	_ =	strace s9  }
0x27: {  	s1 =	sld [smem:$0x3FAF]  }
0x28: {  	s2 =	sld [smem:$0x3FB0]  }
0x29: {  	s4 =	sld [smem:$0x3FB2]  }
0x2a: {  	p0 =	seq.s32 s5, $0x0;
	s5 =	sld [smem:$0x3FB3]  }
0x2b: {  	s6 =	sld [smem:$0x3FB4]  }
0x2c: {  	s7 =	sld [smem:$0x3FB5]  }
0x2d: {  	s3 =	simm.s32 $0x108;
	s8 =	sld [smem:$0x3FB6]  }
0x2e: {  	s3 =	simm.s32 @!p0 $0x1082;
	s9 =	sld [smem:$0x3FB7]  }
0x2f: {  	lr =	sadd.s32 s0, s3;
	s0 =	sld [smem:$0x3FAE]  }
0x30: {  	s3 =	sld [smem:$0x3FB1]  }
0x31: {  	[smem:$0x3FBA] =	sst s10  }
0x32: {  	s10 =	sld [smem:$0x3FB8];
	_ =	sdelay $0x3  }
0x33: {  	p0 =	seq.s32 s10, $0x1;
	s10 =	sld [smem:$0x3FBA];
	_ =	sdelay $0x3  }
0x34: {  	[smem:$0x3FBA] =	sst s10  }
0x35: {  	s10 =	sld [smem:$0x3FB9];
	_ =	sdelay $0x3  }
0x36: {  	p1 =	seq.s32 s10, $0x1;
	s10 =	sld [smem:$0x3FBA];
	_ =	sdelay $0x3  }
0x37: {  	[smem:$0x3FBA] =	sst s10  }
0x38: {  	s10 =	sld [smem:$0x3FBB]  }
0x39: {  	_ = 	snop;
	(pc) =	sbr.ind lr, $3  }
0x3a: {  	_ = 	snop  }
0x3b: {  	_ = 	snop  }
0x3c: {  	p2 =	seq.s32 s10, $0x1;
	s10 =	sld [smem:$0x3FBA]  }
0x3d: {  	_ =	shalt  }
0x3e: {  	_ =	shalt  }
0x3f: {  	_ =	shalt  }
0x40: {  	_ =	shalt  }
0x41: {  	_ =	shalt  }
0x42: {  	_ =	shalt  }
0x43: {  	_ =	shalt  }
0x44: {  	_ =	shalt  }
0x45: {  	_ =	shalt  }
0x46: {  	_ =	shalt  }
0x47: {  	_ =	shalt  }
0x48: {  	_ =	shalt  }
0x49: {  	_ =	shalt  }
0x4a: {  	_ =	shalt  }
0x4b: {  	_ =	shalt  }
0x4c: {  	_ =	shalt  }
0x4d: {  	_ =	shalt  }
0x4e: {  	_ =	shalt  }
0x4f: {  	_ =	shalt  }
0x50: {  	_ =	shalt  }
0x51: {  	_ =	shalt  }
0x52: {  	_ =	shalt  }
0x53: {  	_ =	shalt  }
0x54: {  	_ =	shalt  }
0x55: {  	_ =	shalt  }
0x56: {  	_ =	shalt  }
0x57: {  	_ =	shalt  }
0x58: {  	_ =	shalt  }
0x59: {  	_ =	shalt  }
0x5a: {  	_ =	shalt  }
0x5b: {  	_ =	shalt  }
0x5c: {  	_ =	shalt  }
0x5d: {  	_ =	shalt  }
0x5e: {  	_ =	shalt  }
0x5f: {  	_ =	shalt  }
0x60: {  	_ =	shalt  }
0x61: {  	_ =	shalt  }
0x62: {  	_ =	shalt  }
0x63: {  	_ =	shalt  }
0x64: {  	_ =	shalt  }
0x65: {  	_ =	shalt  }
0x66: {  	_ =	shalt  }
0x67: {  	_ =	shalt  }
0x68: {  	_ =	shalt  }
0x69: {  	_ =	shalt  }
0x6a: {  	_ =	shalt  }
0x6b: {  	_ =	shalt  }
0x6c: {  	_ =	shalt  }
0x6d: {  	_ =	shalt  }
0x6e: {  	_ =	shalt  }
0x6f: {  	_ =	shalt  }
0x70: {  	_ =	shalt  }
0x71: {  	_ =	shalt  }
0x72: {  	_ =	shalt  }
0x73: {  	_ =	shalt  }
0x74: {  	_ =	shalt  }
0x75: {  	_ =	shalt  }
0x76: {  	_ =	shalt  }
0x77: {  	_ =	shalt  }
0x78: {  	_ =	shalt  }
0x79: {  	_ =	shalt  }
0x7a: {  	_ =	shalt  }
0x7b: {  	_ =	shalt  }
0x7c: {  	_ =	shalt  }
0x7d: {  	_ =	shalt  }
0x7e: {  	_ =	shalt  }
0x7f: {  	_ =	shalt  }
0x80: {  	_ =	shalt  }
0x81: {  	_ =	shalt  }
0x82: {  	_ =	shalt  }
0x83: {  	_ =	shalt  }
0x84: {  	_ =	shalt  }
0x85: {  	_ =	shalt  }
0x86: {  	_ =	shalt  }
0x87: {  	_ =	shalt  }
.Lfunc_end0:
.L_simem_size_0:
called_computation_lowered:
.L_overlay_start_0:
0x88: {  	s2 =	sld [smem:$0x3FD9]  }
0x89: {  	s3 =	sld [smem:$0x3FFE];
	_ =	sdelay $0x1  }
0x8a: {  	s1 =	srdreg.scid  }
0x8b: {  	s0 =	sand.u32 $0x1, s1  }
0x8c: {  	s17 =	sshll.u32 s0, $0xA;
	s2 =	sadd.s32 s3, s2  }
0x8d: {  	s2 =	sadd.s32 s2, s17  }
0x8e: {  	[smem:$0x3FC6] =	sst s2  }
0x8f: {  	_ = 	snop  }
0x90: {  	s2 =	sld [smem:$0x3FC9]  }
0x91: {  	s18 =	sld [smem:$0x3FD0];
	(tm) =	ssettm $0x1  }
0x92: {  	s4 =	sld [smem:$0x3FFB];
	_ =	sdelay $0x3  }
0x93: {  	_ =	strace s4  }
0x94: {  	s4 =	sld [smem:$0x3FFC];
	_ =	sdelay $0x3  }
0x95: {  	_ =	strace s4  }
0x96: {  	s4 =	sld [smem:$0x3FFD];
	_ =	sdelay $0x3  }
0x97: {  	_ =	strace s4  }
0x98: {  	_ =	strace $0x8FFFFFFF  }
0x99: {  	s19 =	sld [smem:$0x3FDB];
	_ =	sdelay $0x1  }
0x9a: {  	s5 =	simm.s32 $_scs_section_size  }
0x9b: {  	s6 =	simm.s32 $_size__tile_overlayer_lowered;
	s7 =	simm.s32 $_tile_overlayer_lowered  }
0x9c: {  	s22 =	simm.s32 $0x1BFF;
	s21 =	sshll.u32 s7, $0x1;
	s4 =	sadd.s32 s5, s19  }
0x9d: {  	s8 =	simm.s32 $0x0;
	s20 =	sshll.u32 s6, $0x1;
	s6 =	sadd.s32 s21, s4  }
0x9e: {  	[timem:s8], [sflag:s22] =	dma.local [hbm:s6], s20  }
0x9f: {  	_ =	swait.ge [sflag:s22], s20  }
0xa0: {  	s5 =	ssub.s32 $0x0, s20;
	[sflag:s22] =	ssyncset.done $0x0  }
0xa1: {  	[sflag:s22] =	ssyncadd.s32 s5;
	_ =	sdelay $0x1  }
0xa2: {  	s23 =	simm.s32 $0x1B8B  }
0xa3: {  	_ =	swait.ge [sflag:s23], $0x1  }
0xa4: {  	[sflag:s23] =	ssyncset.done $0x0  }
0xa5: {  	s25 =	simm.s32 $0x1B8E;
	s24 =	sld [smem:$0x3FFE];
	[sflag:s23] =	ssyncadd.s32 $0xFFFFFFFF  }
0xa6: {  	s26 =	simm.s32 $execute0_lowered;
	[smem:$0x3FD2] =	sst s25  }
0xa7: {  	s6 =	sshll.u32 s26, $0x1;
	_ =	strace $0x80000046;
	[dreg:$0x1] =	wrdreg $0xFFFFFFFF  }
0xa8: {  	s28 =	simm.s32 $_size_execute0_lowered;
	s4 =	sadd.s32 s4, s6;
	[dreg:$0x0] =	wrdreg $0x0  }
0xa9: {  	s6 =	sshll.u32 s28, $0x1;
	[dreg:$0x2] =	wrdreg s4  }
0xaa: {  	[dreg:$0x3] =	wrdreg s6  }
0xab: {  	[dreg:$0x4] =	wrdreg $0xC0  }
0xac: {  	_ =	task [dreg:s8], $0x5FFFF  }
0xad: {  	[dreg:$0x1] =	wrdreg $0xFFFFFFFF  }
0xae: {  	[dreg:$0x0] =	wrdreg $0x60  }
0xaf: {  	[dreg:$0x2] =	wrdreg s2  }
0xb0: {  	[dreg:$0x3] =	wrdreg s24  }
0xb1: {  	[dreg:$0x4] =	wrdreg s18  }
0xb2: {  	[dreg:$0x5] =	wrdreg $0x9  }
0xb3: {  	_ =	task.clear_ibuf [dreg:s8], $0x6FFFF;
	_ =	strace $0x90000046  }
0xb4: {  	s29 =	simm.s32 $0x9;
	_ =	strace $0x80000048  }
0xb5: {  	_ =	swait.ge [sflag:s29], $0x1  }
0xb6: {  	[sflag:s29] =	ssyncadd.s32 $0xFFFFFFFF  }
0xb7: {  	_ =	strace $0x90000048  }
0xb8: {  	_ =	sfence  }
0xb9: {  	s30 =	sld [smem:$0x0];
	_ =	sdelay $0x2  }
0xba: {  	s31 =	sshll.u32 s1, $0xD;
	s1 =	sshrl.u32 s1, $0x2  }
0xbb: {  	s3 =	sand.u32 $0x4000, s31;
	s1 =	sadd.s32 s1, s30  }
0xbc: {  	s0 =	sor.u32 s3, s0;
	s1 =	sshll.u32 s1, $0x11  }
0xbd: {  	s0 =	sor.u32 s1, s0  }
0xbe: {  	s0 =	sadd.s32 $0x8F2B, s0  }
0xbf: {  	[sflag:s0] =	ssyncadd.remote.s32 $0x1  }
0xc0: {  	_ =	sfence.sel $0xFFFF  }
0xc1: {  	[dreg:$0x0] =	wrdreg $0xFFFFFFFF;
	(pc) =	sbr.abs _section_cstart, $3  }
0xc2: {  	[dreg:$0x1] =	wrdreg $0xFFFFFFFF  }
0xc3: {  	_ =	task.clear_ibuf [dreg:s8], $0x2FFFF;
	_ =	strace $0x9FFFFFFF  }
0xc4: {  	(tm) =	ssettm $0x7FFFFFFF  }
0xc5: {  	_ =	shalt  }
tec
execute0_lowered:
.L_overlay_start_1:
0x0: {  	(tag) =	ssettag $0x1  }
0x1: {  	s0 =	srdreg.scid  }
0x2: {  	s1 =	stileid.u32;
	s6 =	rddreg [dreg:$0x1]  }
0x3: {  	s17 =	simm.s32 $0x3;
	s0 =	sand.u32 $0x1, s0;
	s1 =	sshll.u32 s1, $0x1  }
0x4: {  	s18 =	simm.s32 $0x80;
	s20 =	simm.s32 $0x100;
	s2 =	sor.u32 s0, s1  }
0x5: {  	s21 =	simm.s32 $0x1;
	s23 =	simm.s32 $0x4100;
	s3 =	smul.u32 $0x6400, s2  }
0x6: {  	s25 =	simm.s32 $0xBE00;
	s0 =	ssub.s32 $0x2, s0;
	s4 =	smul.u32 $0x12000, s2  }
0x7: {  	s26 =	simm.s32 $0x2;
	s2 =	smul.u32 $0xC8, s2;
	s8 =	sshrl.u32 s0, $0x1  }
0x8: {  	s1 =	rddreg [dreg:$0x0];
	s0 =	ssub.s32 s0, s8;
	s3 =	sand.u32 $0xE0000, s3  }
0x9: {  	s5 =	sand.u32 $0x1E000, s4;
	s4 =	rddreg [dreg:$0x2];
	s7 =	sand.u32 $0x380, s2  }
0xa: {  	s0 =	smax.u32 s0, $0x1;
	s3 =	sor.u32 s5, s3;
	s5 =	simm.s32 $0x0  }
0xb: {  	v0 =	vlaneseq.u32;
	s9 =	sadd.s32 $0x4000, s4;
	s10 =	sadd.s32 $0x8000, s4;
	s11 =	sadd.s32 $0xC000, s4  }
0xc: {  	v0 =	vmul.u32 $0x80, v0;
	s12 =	sadd.s32 $0x10000, s4;
	s13 =	sadd.s32 $0x14000, s4;
	s3 =	sor.u32 s7, s3  }
0xd: {  	s14 =	sadd.s32 $0x18000, s4;
	[smem:$0x7FF] =	sst s5;
	s3 =	sshrl.u32 s3, $0x3  }
0xe: {  	v1 =	vor.u32 $0x800, v0;
	_ =	strace $0x80000047;
	[dreg:$0x6] =	wrdreg s0;
	s3 =	sadd.s32 s1, s3  }
0xf: {  	v2 =	vor.u32 $0x1000, v0;
	v3 =	vor.u32 $0x1800, v0;
	v4 =	vor.u32 $0x2000, v0;
	s15 =	sadd.s32 $0x1C000, s4;
	[dreg:$0x4] =	wrdreg s3;
	s3 =	sadd.s32 $0x80, s3  }
0x10: {  	v5 =	vor.u32 $0x2800, v0;
	v6 =	vor.u32 $0x3000, v0;
	v7 =	vor.u32 $0x3800, v0;
	s7 =	sadd.s32 $0xF42800, s6;
	[dreg:$0x5] =	wrdreg s3;
	s3 =	simm.s32 $0x0  }
.LBB2_1:
0x11: {  	[dreg:$0x7] =	wrdreg s3  }
0x12: {  	s0 =	rddreg [dreg:$0x4]  }
0x13: {  	[tilespmem:s5], [sflag:$0x3] =	stream.linear.gather [hbm4b:s0+s5], $0x80, $0x38;
	[tilespmem:$0xC300] =	vst v63  }
0x14: {  	_ =	swait.ge [sflag:s17], $0x80  }
0x15: {  	[sflag:s17] =	ssyncset.done $0x0  }
0x16: {  	[sflag:s17] =	ssyncadd.s32 $0xFFFFFF80  }
0x17: {  	v8 =	vld [tilespmem:$0x0];
	_ =	sdelay $0x1  }
0x18: {  	v9 =	vld [tilespmem:$0x10];
	_ =	sdelay $0x1  }
0x19: {  	v10 =	vld [tilespmem:$0x20]  }
0x1a: {  	v11 =	vshrl.u32 v8, $0x1;
	v8 =	vshll.u32 v8, $0x6  }
0x1b: {  	v58 =	vld [tilespmem:$0x30];
	[tilespmem:$0x8100] =	vst v11;
	v8 =	vand.u32 $0x40, v8  }
0x1c: {  	[tilespmem:$0xC200] =	vst v8;
	v8 =	vshrl.u32 v9, $0x1;
	v9 =	vshll.u32 v9, $0x6  }
0x1d: {  	v59 =	vld [tilespmem:$0x40];
	[tilespmem:$0x8110] =	vst v8;
	v8 =	vand.u32 $0x40, v9  }
0x1e: {  	[tilespmem:$0xC210] =	vst v8;
	v8 =	vshrl.u32 v10, $0x1;
	v10 =	vshll.u32 v10, $0x6  }
0x1f: {  	v60 =	vld [tilespmem:$0x50];
	[tilespmem:$0x8120] =	vst v8;
	v8 =	vand.u32 $0x40, v10  }
0x20: {  	v11 =	vshll.u32 v58, $0x6;
	[tilespmem:$0xC220] =	vst v8;
	v8 =	vshrl.u32 v58, $0x1  }
0x21: {  	v61 =	vld [tilespmem:$0x60];
	[tilespmem:$0x8130] =	vst v8;
	v8 =	vand.u32 $0x40, v11  }
0x22: {  	v9 =	vshll.u32 v59, $0x6;
	[tilespmem:$0xC230] =	vst v8;
	v8 =	vshrl.u32 v59, $0x1  }
0x23: {  	v62 =	vld [tilespmem:$0x70];
	[tilespmem:$0x8140] =	vst v8;
	v8 =	vand.u32 $0x40, v9  }
0x24: {  	v10 =	vshll.u32 v60, $0x6;
	[tilespmem:$0xC240] =	vst v8;
	v8 =	vshrl.u32 v60, $0x1  }
0x25: {  	[tilespmem:$0x8150] =	vst v8;
	v8 =	vand.u32 $0x40, v10  }
0x26: {  	v63 =	vshll.u32 v61, $0x6;
	[tilespmem:$0xC250] =	vst v8;
	v8 =	vshrl.u32 v61, $0x1  }
0x27: {  	[tilespmem:$0x8160] =	vst v8;
	v8 =	vand.u32 $0x40, v63  }
0x28: {  	v9 =	vshll.u32 v62, $0x6;
	[tilespmem:$0xC260] =	vst v8;
	v8 =	vshrl.u32 v62, $0x1  }
0x29: {  	[tilespmem:$0x8170] =	vst v8;
	v8 =	vand.u32 $0x40, v9  }
0x2a: {  	s30 =	simm.s32 $0x8100;
	[tilespmem:$0xC270] =	vst v8  }
0x2b: {  	[tilespmem:s20], [sflag:$0x1] =	stream.indirect.gather [hbm4b:s7+s18], $0x80, s30, s18, $0xb8;
	[tilespmem:$0xC300] =	vst v63  }
0x2c: {  	s28 =	simm.s32 $0x0;
	s31 =	rddreg [dreg:$0x5]  }
0x2d: {  	[tilespmem:s18], [sflag:$0x3] =	stream.linear.gather [hbm4b:s31+s5], $0x80, $0x38;
	[tilespmem:$0xC300] =	vst v63  }
.LBB2_2:
0x2e: {  	_ =	swait.ge [sflag:s21], $0x4000  }
0x2f: {  	[sflag:s21] =	ssyncset.done $0x0  }
0x30: {  	[sflag:s21] =	ssyncadd.s32 $0xFFFFC000  }
0x31: {  	_ =	swait.ge [sflag:s17], $0x80  }
0x32: {  	[sflag:s17] =	ssyncset.done $0x0  }
0x33: {  	[sflag:s17] =	ssyncadd.s32 $0xFFFFFF80  }
0x34: {  	v8 =	vld [tilespmem:$0x80];
	_ =	sdelay $0x1  }
0x35: {  	v9 =	vld [tilespmem:$0x90];
	_ =	sdelay $0x1  }
0x36: {  	v10 =	vld [tilespmem:$0xA0]  }
0x37: {  	v11 =	vshrl.u32 v8, $0x1;
	v8 =	vshll.u32 v8, $0x6  }
0x38: {  	[tilespmem:$0x8180] =	vst v11;
	v8 =	vand.u32 $0x40, v8;
	v11 =	vld [tilespmem:$0xB0]  }
0x39: {  	[tilespmem:$0xC280] =	vst v8;
	v8 =	vshrl.u32 v9, $0x1;
	v9 =	vshll.u32 v9, $0x6  }
0x3a: {  	[tilespmem:$0x8190] =	vst v8;
	v8 =	vand.u32 $0x40, v9;
	v9 =	vld [tilespmem:$0xC0]  }
0x3b: {  	[tilespmem:$0xC290] =	vst v8;
	v8 =	vshrl.u32 v10, $0x1;
	v10 =	vshll.u32 v10, $0x6  }
0x3c: {  	[tilespmem:$0x81A0] =	vst v8;
	v8 =	vand.u32 $0x40, v10;
	v10 =	vld [tilespmem:$0xD0]  }
0x3d: {  	[tilespmem:$0xC2A0] =	vst v8;
	v8 =	vshrl.u32 v11, $0x1;
	v11 =	vshll.u32 v11, $0x6  }
0x3e: {  	[tilespmem:$0x81B0] =	vst v8;
	v8 =	vand.u32 $0x40, v11;
	v11 =	vld [tilespmem:$0xE0]  }
0x3f: {  	[tilespmem:$0xC2B0] =	vst v8;
	v8 =	vshrl.u32 v9, $0x1;
	v9 =	vshll.u32 v9, $0x6  }
0x40: {  	[tilespmem:$0x81C0] =	vst v8;
	v8 =	vand.u32 $0x40, v9;
	v9 =	vld [tilespmem:$0xF0]  }
0x41: {  	[tilespmem:$0xC2C0] =	vst v8;
	v8 =	vshrl.u32 v10, $0x1;
	v10 =	vshll.u32 v10, $0x6  }
0x42: {  	[tilespmem:$0x81D0] =	vst v8;
	v8 =	vand.u32 $0x40, v10  }
0x43: {  	[tilespmem:$0xC2D0] =	vst v8;
	v8 =	vshrl.u32 v11, $0x1;
	v10 =	vshll.u32 v11, $0x6  }
0x44: {  	[tilespmem:$0x81E0] =	vst v8;
	v8 =	vand.u32 $0x40, v10  }
0x45: {  	s0 =	sshll.u32 s28, $0x1;
	[tilespmem:$0xC2E0] =	vst v8;
	v8 =	vshrl.u32 v9, $0x1;
	v9 =	vshll.u32 v9, $0x6  }
0x46: {  	p1 =	seq.s32 s28, $0x63;
	s29 =	sadd.s32 s2, s0;
	[tilespmem:$0x81F0] =	vst v8;
	v8 =	vand.u32 $0x40, v9  }
0x47: {  	s3 =	simm.s32 $0x8180;
	s0 =	sadd.s32 @!p1 $0x2, s29;
	[tilespmem:$0xC2F0] =	vst v8  }
0x48: {  	[tilespmem:s23], [sflag:$0x1] =	stream.indirect.gather [hbm4b:s7+s18], $0x80, s3, s18, $0xb8;
	[tilespmem:$0xC300] =	vst v63  }
0x49: {  	s3 =	sshll.u32 @!p1 s0, $0xA  }
0x4a: {  	s6 =	sshll.u32 @!p1 s0, $0x7;
	s0 =	sand.u32 @!p1 $0x380, s0;
	s3 =	sand.u32 @!p1 $0x1F800, s3  }
0x4b: {  	s6 =	sand.u32 @!p1 $0x7FFE0000, s6;
	s0 =	sor.u32 @!p1 s0, s3  }
0x4c: {  	s0 =	sor.u32 @!p1 s6, s0  }
0x4d: {  	s0 =	sshrl.u32 @!p1 s0, $0x3  }
0x4e: {  	s3 =	simm.s32 @!p1 $0x0;
	s0 =	sadd.s32 @!p1 s1, s0  }
0x4f: {  	[tilespmem:s3], [sflag:$0x3] =	stream.linear.gather @!p1 [hbm4b:s0+s3], $0x80, $0x38;
	[tilespmem:$0xC300] =	vst v63  }
0x50: {  	v15 =	vld [tilespmem:$0xC200]  }
0x51: {  	v14 =	vld [tilespmem:$0xC210]  }
0x52: {  	v13 =	vld [tilespmem:$0xC220]  }
0x53: {  	v12 =	vld [tilespmem:$0xC230]  }
0x54: {  	v11 =	vld [tilespmem:$0xC240]  }
0x55: {  	p0 =	seq.s32 s28, $0x0;
	v10 =	vld [tilespmem:$0xC250]  }
0x56: {  	s8 =	simm.s32 @!p0 $0x2;
	v9 =	vld [tilespmem:$0xC260]  }
0x57: {  	v8 =	vld [tilespmem:$0xC270];
	_ =	swait.ge @!p0 [sflag:s8], $0x400  }
0x58: {  	[sflag:s8] =	ssyncset.done @!p0 $0x0  }
0x59: {  	[sflag:s8] =	ssyncadd.s32 @!p0 $0xFFFFFC00  }
0x5a: {  	_ =	swait.ge @!p0 [sflag:s8], $0x400  }
0x5b: {  	[sflag:s8] =	ssyncset.done @!p0 $0x0  }
0x5c: {  	[sflag:s8] =	ssyncadd.s32 @!p0 $0xFFFFFC00  }
0x5d: {  	_ =	swait.ge @!p0 [sflag:s8], $0x400  }
0x5e: {  	[sflag:s8] =	ssyncset.done @!p0 $0x0  }
0x5f: {  	[sflag:s8] =	ssyncadd.s32 @!p0 $0xFFFFFC00  }
0x60: {  	_ =	swait.ge @!p0 [sflag:s8], $0x400  }
0x61: {  	[sflag:s8] =	ssyncset.done @!p0 $0x0  }
0x62: {  	[sflag:s8] =	ssyncadd.s32 @!p0 $0xFFFFFC00  }
0x63: {  	_ =	swait.ge @!p0 [sflag:s8], $0x400  }
0x64: {  	[sflag:s8] =	ssyncset.done @!p0 $0x0  }
0x65: {  	[sflag:s8] =	ssyncadd.s32 @!p0 $0xFFFFFC00  }
0x66: {  	_ =	swait.ge @!p0 [sflag:s8], $0x400  }
0x67: {  	[sflag:s8] =	ssyncset.done @!p0 $0x0  }
0x68: {  	s6 =	simm.s32 $0x0;
	[sflag:s8] =	ssyncadd.s32 @!p0 $0xFFFFFC00  }
0x69: {  	s24 =	simm.s32 $0x7;
	v16 =	vadd.s32 s6, v15;
	_ =	swait.ge @!p0 [sflag:s8], $0x400  }
0x6a: {  	s16 =	simm.s32 $0x1;
	v17 =	vadd.s32 s24, v15;
	v16 =	vadd.s32 v0, v16;
	[sflag:s8] =	ssyncset.done @!p0 $0x0  }
0x6b: {  	s0 =	simm.s32 $0x2;
	v18 =	vadd.s32 s16, v15;
	v17 =	vadd.s32 v0, v17;
	[sflag:s8] =	ssyncadd.s32 @!p0 $0xFFFFFC00  }
0x6c: {  	s19 =	simm.s32 $0x3;
	v19 =	vadd.s32 s0, v15;
	v18 =	vadd.s32 v0, v18;
	_ =	swait.ge @!p0 [sflag:s8], $0x400  }
0x6d: {  	s3 =	simm.s32 $0x4;
	v20 =	vadd.s32 s19, v15;
	v19 =	vadd.s32 v0, v19;
	[sflag:s8] =	ssyncset.done @!p0 $0x0  }
0x6e: {  	s22 =	simm.s32 $0x6;
	v21 =	vadd.s32 s3, v15;
	v20 =	vadd.s32 v0, v20;
	[sflag:s8] =	ssyncadd.s32 @!p0 $0xFFFFFC00  }
0x6f: {  	v23 =	vadd.s32 s22, v15;
	v21 =	vadd.s32 v0, v21;
	s8 =	simm.s32 $0x5;
	v16 =	vld.idx.msk [tilespmem:v16+s20+$0x0], $0xffff  }
0x70: {  	v23 =	vadd.s32 v0, v23;
	v22 =	vadd.s32 s8, v15;
	v17 =	vld.idx.msk [tilespmem:v17+s20+$0x0], $0xffff  }
0x71: {  	v24 =	vadd.s32 s24, v14;
	v18 =	vld.idx.msk [tilespmem:v18+s20+$0x0], $0xffff;
	v22 =	vadd.s32 v0, v22  }
0x72: {  	v25 =	vadd.s32 s16, v14;
	v24 =	vadd.s32 v1, v24;
	v19 =	vld.idx.msk [tilespmem:v19+s20+$0x0], $0xffff  }
0x73: {  	v26 =	vadd.s32 s0, v14;
	v25 =	vadd.s32 v1, v25;
	v20 =	vld.idx.msk [tilespmem:v20+s20+$0x0], $0xffff  }
0x74: {  	s31 =	simm.s32 $0x8400;
	v27 =	vadd.s32 s19, v14;
	v26 =	vadd.s32 v1, v26;
	v21 =	vld.idx.msk [tilespmem:v21+s20+$0x0], $0xffff  }
0x75: {  	v28 =	vadd.s32 s3, v14;
	v27 =	vadd.s32 v1, v27;
	v23 =	vld.idx.msk [tilespmem:v23+s20+$0x0], $0xffff;
	[tilespmem:s31+$0x180] =	vst v17  }
0x76: {  	v28 =	vadd.s32 v1, v28;
	v29 =	vadd.s32 s8, v14;
	[tilespmem:s31+$0xFFFFFE80] =	vst v18;
	v18 =	vadd.s32 s22, v14;
	v22 =	vld.idx.msk [tilespmem:v22+s20+$0x0], $0xffff  }
0x77: {  	v17 =	vadd.s32 v1, v29;
	[tilespmem:s31+$0xFFFFFF00] =	vst v19;
	v29 =	vadd.s32 s6, v14;
	v24 =	vld.idx.msk [tilespmem:v24+s20+$0x0], $0xffff;
	v18 =	vadd.s32 v1, v18  }
0x78: {  	[tilespmem:s31+$0xFFFFFF80] =	vst v20;
	v25 =	vld.idx.msk [tilespmem:v25+s20+$0x0], $0xffff;
	v20 =	vadd.s32 v1, v29  }
0x79: {  	v19 =	vadd.s32 s24, v13;
	[tilespmem:s31+$0x0] =	vst v21;
	v26 =	vld.idx.msk [tilespmem:v26+s20+$0x0], $0xffff  }
0x7a: {  	[tilespmem:s31+$0x100] =	vst v23;
	v19 =	vadd.s32 v2, v19;
	v29 =	vadd.s32 s16, v13;
	v27 =	vld.idx.msk [tilespmem:v27+s20+$0x0], $0xffff  }
0x7b: {  	[tilespmem:s31+$0xFFFFFE00] =	vst v16;
	v28 =	vld.idx.msk [tilespmem:v28+s20+$0x0], $0xffff;
	v21 =	vadd.s32 v2, v29;
	v29 =	vadd.s32 s0, v13  }
0x7c: {  	[tilespmem:s31+$0x80] =	vst v22;
	v22 =	vadd.s32 v2, v29;
	v29 =	vadd.s32 s19, v13;
	v18 =	vld.idx.msk [tilespmem:v18+s20+$0x0], $0xffff  }
0x7d: {  	v20 =	vld.idx.msk [tilespmem:v20+s20+$0x0], $0xffff;
	v23 =	vadd.s32 v2, v29;
	v29 =	vadd.s32 s3, v13  }
0x7e: {  	[tilespmem:s31+$0x190] =	vst v24;
	v24 =	vadd.s32 s8, v13;
	v17 =	vld.idx.msk [tilespmem:v17+s20+$0x0], $0xffff;
	v16 =	vadd.s32 v2, v29  }
0x7f: {  	[tilespmem:s31+$0xFFFFFE90] =	vst v25;
	v25 =	vadd.s32 s24, v12;
	v19 =	vld.idx.msk [tilespmem:v19+s20+$0x0], $0xffff;
	v24 =	vadd.s32 v2, v24  }
0x80: {  	[tilespmem:s31+$0xFFFFFF10] =	vst v26;
	v26 =	vadd.s32 s22, v13;
	v21 =	vld.idx.msk [tilespmem:v21+s20+$0x0], $0xffff;
	v25 =	vadd.s32 v3, v25  }
0x81: {  	[tilespmem:s31+$0xFFFFFF90] =	vst v27;
	v26 =	vadd.s32 v2, v26;
	v29 =	vadd.s32 s6, v13;
	v22 =	vld.idx.msk [tilespmem:v22+s20+$0x0], $0xffff  }
0x82: {  	[tilespmem:s31+$0x10] =	vst v28;
	v27 =	vadd.s32 v2, v29;
	v29 =	vadd.s32 s16, v12;
	v23 =	vld.idx.msk [tilespmem:v23+s20+$0x0], $0xffff  }
0x83: {  	v28 =	vadd.s32 v3, v29;
	v29 =	vadd.s32 s0, v12;
	[tilespmem:s31+$0x90] =	vst v17;
	v16 =	vld.idx.msk [tilespmem:v16+s20+$0x0], $0xffff  }
0x84: {  	v17 =	vadd.s32 v3, v29;
	v29 =	vadd.s32 s19, v12;
	[tilespmem:s31+$0x1A0] =	vst v19;
	v24 =	vld.idx.msk [tilespmem:v24+s20+$0x0], $0xffff  }
0x85: {  	[tilespmem:s31+$0x110] =	vst v18;
	v19 =	vadd.s32 v3, v29;
	v29 =	vadd.s32 s3, v12;
	v18 =	vld.idx.msk [tilespmem:v25+s20+$0x0], $0xffff  }
0x86: {  	[tilespmem:s31+$0xFFFFFE10] =	vst v20;
	v25 =	vld.idx.msk [tilespmem:v26+s20+$0x0], $0xffff;
	v26 =	vadd.s32 s24, v11;
	v20 =	vadd.s32 v3, v29  }
0x87: {  	[tilespmem:s31+$0xFFFFFEA0] =	vst v21;
	v21 =	vadd.s32 s8, v12;
	v27 =	vld.idx.msk [tilespmem:v27+s20+$0x0], $0xffff;
	v26 =	vadd.s32 v4, v26  }
0x88: {  	v21 =	vadd.s32 v3, v21;
	v28 =	vld.idx.msk [tilespmem:v28+s20+$0x0], $0xffff;
	[tilespmem:s31+$0xFFFFFF20] =	vst v22;
	v22 =	vadd.s32 s22, v12  }
0x89: {  	v29 =	vadd.s32 s6, v12;
	v17 =	vld.idx.msk [tilespmem:v17+s20+$0x0], $0xffff;
	[tilespmem:s31+$0xFFFFFFA0] =	vst v23;
	v22 =	vadd.s32 v3, v22  }
0x8a: {  	v23 =	vadd.s32 v3, v29;
	v29 =	vadd.s32 s16, v11;
	v19 =	vld.idx.msk [tilespmem:v19+s20+$0x0], $0xffff;
	[tilespmem:s31+$0x20] =	vst v16  }
0x8b: {  	v16 =	vadd.s32 v4, v29;
	v29 =	vadd.s32 s0, v11;
	[tilespmem:s31+$0x1B0] =	vst v18;
	v20 =	vld.idx.msk [tilespmem:v20+s20+$0x0], $0xffff  }
0x8c: {  	[tilespmem:s31+$0xA0] =	vst v24;
	v18 =	vadd.s32 v4, v29;
	v29 =	vadd.s32 s19, v11;
	v24 =	vld.idx.msk [tilespmem:v26+s20+$0x0], $0xffff  }
0x8d: {  	[tilespmem:s31+$0x120] =	vst v25;
	v25 =	vadd.s32 s24, v10;
	v21 =	vld.idx.msk [tilespmem:v21+s20+$0x0], $0xffff;
	v26 =	vadd.s32 v4, v29  }
0x8e: {  	[tilespmem:s31+$0xFFFFFE20] =	vst v27;
	v27 =	vadd.s32 s3, v11;
	v25 =	vadd.s32 v5, v25;
	v22 =	vld.idx.msk [tilespmem:v22+s20+$0x0], $0xffff  }
0x8f: {  	[tilespmem:s31+$0xFFFFFEB0] =	vst v28;
	v27 =	vadd.s32 v4, v27;
	v28 =	vadd.s32 s8, v11;
	v23 =	vld.idx.msk [tilespmem:v23+s20+$0x0], $0xffff  }
0x90: {  	[tilespmem:s31+$0xFFFFFF30] =	vst v17;
	v17 =	vadd.s32 v4, v28;
	v28 =	vadd.s32 s22, v11;
	v16 =	vld.idx.msk [tilespmem:v16+s20+$0x0], $0xffff  }
0x91: {  	v29 =	vadd.s32 s6, v11;
	[tilespmem:s31+$0xFFFFFFB0] =	vst v19;
	v19 =	vadd.s32 v4, v28;
	v18 =	vld.idx.msk [tilespmem:v18+s20+$0x0], $0xffff  }
0x92: {  	v28 =	vadd.s32 v4, v29;
	v29 =	vadd.s32 s16, v10;
	[tilespmem:s31+$0x1C0] =	vst v24;
	v26 =	vld.idx.msk [tilespmem:v26+s20+$0x0], $0xffff  }
0x93: {  	v24 =	vadd.s32 v5, v29;
	v29 =	vadd.s32 s0, v10;
	[tilespmem:s31+$0x30] =	vst v20;
	v20 =	vld.idx.msk [tilespmem:v25+s20+$0x0], $0xffff  }
0x94: {  	[tilespmem:s31+$0xB0] =	vst v21;
	v21 =	vadd.s32 s24, v9;
	v25 =	vadd.s32 v5, v29;
	v27 =	vld.idx.msk [tilespmem:v27+s20+$0x0], $0xffff  }
0x95: {  	v29 =	vadd.s32 s19, v10;
	v21 =	vadd.s32 v6, v21;
	v17 =	vld.idx.msk [tilespmem:v17+s20+$0x0], $0xffff;
	[tilespmem:s31+$0x130] =	vst v22  }
0x96: {  	[tilespmem:s31+$0xFFFFFE30] =	vst v23;
	v22 =	vadd.s32 v5, v29;
	v23 =	vadd.s32 s3, v10;
	v19 =	vld.idx.msk [tilespmem:v19+s20+$0x0], $0xffff  }
0x97: {  	v28 =	vld.idx.msk [tilespmem:v28+s20+$0x0], $0xffff;
	[tilespmem:s31+$0xFFFFFEC0] =	vst v16;
	v16 =	vadd.s32 v5, v23;
	v23 =	vadd.s32 s8, v10  }
0x98: {  	v24 =	vld.idx.msk [tilespmem:v24+s20+$0x0], $0xffff;
	[tilespmem:s31+$0xFFFFFF40] =	vst v18;
	v18 =	vadd.s32 v5, v23;
	v23 =	vadd.s32 s22, v10  }
0x99: {  	v29 =	vadd.s32 s6, v10;
	v25 =	vld.idx.msk [tilespmem:v25+s20+$0x0], $0xffff;
	v23 =	vadd.s32 v5, v23;
	[tilespmem:s31+$0x1D0] =	vst v20  }
0x9a: {  	v20 =	vadd.s32 v5, v29;
	v29 =	vadd.s32 s16, v9;
	[tilespmem:s31+$0xFFFFFFC0] =	vst v26;
	v21 =	vld.idx.msk [tilespmem:v21+s20+$0x0], $0xffff  }
0x9b: {  	[tilespmem:s31+$0x40] =	vst v27;
	v27 =	vadd.s32 s24, v8;
	v26 =	vadd.s32 v6, v29;
	v22 =	vld.idx.msk [tilespmem:v22+s20+$0x0], $0xffff  }
0x9c: {  	v29 =	vadd.s32 s0, v9;
	[tilespmem:s31+$0xC0] =	vst v17;
	v17 =	vadd.s32 v7, v27;
	v16 =	vld.idx.msk [tilespmem:v16+s20+$0x0], $0xffff  }
0x9d: {  	v27 =	vadd.s32 v6, v29;
	v29 =	vadd.s32 s19, v9;
	[tilespmem:s31+$0x140] =	vst v19;
	v18 =	vld.idx.msk [tilespmem:v18+s20+$0x0], $0xffff  }
0x9e: {  	[tilespmem:s31+$0xFFFFFE40] =	vst v28;
	v19 =	vadd.s32 v6, v29;
	v28 =	vadd.s32 s3, v9;
	v23 =	vld.idx.msk [tilespmem:v23+s20+$0x0], $0xffff  }
0x9f: {  	[tilespmem:s31+$0xFFFFFED0] =	vst v24;
	v24 =	vadd.s32 s8, v9;
	v29 =	vld.idx.msk [tilespmem:v20+s20+$0x0], $0xffff;
	v20 =	vadd.s32 v6, v28  }
0xa0: {  	v24 =	vadd.s32 v6, v24;
	v28 =	vld.idx.msk [tilespmem:v26+s20+$0x0], $0xffff;
	v26 =	vadd.s32 s22, v9;
	[tilespmem:s31+$0x1E0] =	vst v21  }
0xa1: {  	s30 =	simm.s32 $0x8;
	[tilespmem:s31+$0xFFFFFF50] =	vst v25;
	v21 =	vadd.s32 s6, v9;
	v25 =	vadd.s32 v6, v26;
	v30 =	vld.idx.msk [tilespmem:v17+s20+$0x0], $0xffff  }
0xa2: {  	v17 =	vadd.s32 s30, v15;
	v31 =	vadd.s32 v6, v21;
	v32 =	vld.idx.msk [tilespmem:v27+s20+$0x0], $0xffff;
	[tilespmem:s31+$0xFFFFFFD0] =	vst v22  }
0xa3: {  	v22 =	vadd.s32 v0, v17;
	v17 =	vadd.s32 s16, v8;
	v21 =	vld.idx.msk [tilespmem:v19+s20+$0x0], $0xffff;
	[tilespmem:s31+$0x50] =	vst v16  }
0xa4: {  	v16 =	vadd.s32 s0, v8;
	v33 =	vadd.s32 v7, v17;
	[tilespmem:s31+$0xD0] =	vst v18;
	v20 =	vld.idx.msk [tilespmem:v20+s20+$0x0], $0xffff  }
0xa5: {  	v17 =	vadd.s32 s19, v8;
	v27 =	vadd.s32 v7, v16;
	v18 =	vld.idx.msk [tilespmem:v24+s20+$0x0], $0xffff;
	[tilespmem:s31+$0x150] =	vst v23  }
0xa6: {  	v16 =	vadd.s32 s3, v8;
	[tilespmem:s31+$0xFFFFFE50] =	vst v29;
	v26 =	vadd.s32 v7, v17;
	v19 =	vld.idx.msk [tilespmem:v25+s20+$0x0], $0xffff  }
0xa7: {  	v23 =	vadd.s32 v7, v16;
	v24 =	vadd.s32 s8, v8;
	[tilespmem:s31+$0xFFFFFEE0] =	vst v28;
	v17 =	vld.idx.msk [tilespmem:v31+s20+$0x0], $0xffff  }
0xa8: {  	v24 =	vadd.s32 v7, v24;
	[tilespmem:s31+$0x1F0] =	vst v30;
	v25 =	vadd.s32 s22, v8;
	v16 =	vld.idx.msk [tilespmem:v22+s20+$0x0], $0xffff  }
0xa9: {  	s0 =	simm.s32 $0x10;
	s3 =	simm.s32 $0xF;
	v28 =	vadd.s32 s6, v8;
	[tilespmem:s31+$0xFFFFFF60] =	vst v32;
	v25 =	vadd.s32 v7, v25;
	v22 =	vld.idx.msk [tilespmem:v33+s20+$0x0], $0xffff  }
.LBB2_3:
0xaa: {  	p2 =	slt.u32 s0, $0x38;
	s8 =	sadd.s32 $0x1, s30;
	v29 =	vadd.s32 s3, v15;
	v28 =	vadd.s32 v7, v28;
	v27 =	vld.idx.msk [tilespmem:v27+s20+$0x0], $0xffff;
	[tilespmem:s31+$0xFFFFFFE0] =	vst v21  }
0xab: {  	s16 =	sadd.s32 $0x2, s30;
	v21 =	vadd.s32 s8, v15;
	v29 =	vadd.s32 v0, v29;
	v26 =	vld.idx.msk [tilespmem:v26+s20+$0x0], $0xffff;
	[tilespmem:s31+$0x60] =	vst v20  }
0xac: {  	s6 =	sadd.s32 $0x3, s30;
	v20 =	vadd.s32 v0, v21;
	v21 =	vadd.s32 s16, v15;
	v23 =	vld.idx.msk [tilespmem:v23+s20+$0x0], $0xffff;
	[tilespmem:s31+$0xE0] =	vst v18  }
0xad: {  	s19 =	sadd.s32 $0x4, s30;
	v18 =	vadd.s32 v0, v21;
	v21 =	vadd.s32 s6, v15;
	v24 =	vld.idx.msk [tilespmem:v24+s20+$0x0], $0xffff;
	[tilespmem:s31+$0x160] =	vst v19  }
0xae: {  	s22 =	sadd.s32 $0x5, s30;
	v19 =	vadd.s32 v0, v21;
	v21 =	vadd.s32 s19, v15;
	[tilespmem:s31+$0xFFFFFE60] =	vst v17;
	v17 =	vld.idx.msk [tilespmem:v25+s20+$0x0], $0xffff  }
0xaf: {  	s24 =	sadd.s32 $0x6, s30;
	v25 =	vadd.s32 s22, v15;
	v21 =	vadd.s32 v0, v21;
	v28 =	vld.idx.msk [tilespmem:v28+s20+$0x0], $0xffff;
	[tilespmem:s31+$0xFFFFFEF0] =	vst v22  }
0xb0: {  	v22 =	vadd.s32 v0, v25;
	v25 =	vadd.s32 s24, v15;
	v29 =	vld.idx.msk [tilespmem:v29+s20+$0x0], $0xffff;
	[tilespmem:s31+$0xFFFFFF70] =	vst v27  }
0xb1: {  	v25 =	vadd.s32 v0, v25;
	v27 =	vadd.s32 s3, v14;
	v20 =	vld.idx.msk [tilespmem:v20+s20+$0x0], $0xffff;
	[tilespmem:s31+$0xFFFFFFF0] =	vst v26  }
0xb2: {  	v26 =	vadd.s32 s8, v14;
	v27 =	vadd.s32 v1, v27;
	v18 =	vld.idx.msk [tilespmem:v18+s20+$0x0], $0xffff;
	[tilespmem:s31+$0x70] =	vst v23  }
0xb3: {  	v23 =	vadd.s32 v1, v26;
	v26 =	vadd.s32 s16, v14;
	v19 =	vld.idx.msk [tilespmem:v19+s20+$0x0], $0xffff;
	[tilespmem:s31+$0xF0] =	vst v24  }
0xb4: {  	v24 =	vadd.s32 v1, v26;
	v26 =	vadd.s32 s6, v14;
	v21 =	vld.idx.msk [tilespmem:v21+s20+$0x0], $0xffff;
	[tilespmem:s31+$0x170] =	vst v17  }
0xb5: {  	v17 =	vadd.s32 v1, v26;
	v26 =	vadd.s32 s19, v14;
	v22 =	vld.idx.msk [tilespmem:v22+s20+$0x0], $0xffff;
	[tilespmem:s31+$0xFFFFFE70] =	vst v28;
	s31 =	sadd.s32 $0x400, s31  }
0xb6: {  	v26 =	vadd.s32 v1, v26;
	v28 =	vadd.s32 s22, v14;
	v25 =	vld.idx.msk [tilespmem:v25+s20+$0x0], $0xffff;
	[tilespmem:s31+$0x180] =	vst v29  }
0xb7: {  	[tilespmem:s31+$0xFFFFFE80] =	vst v20;
	v20 =	vadd.s32 v1, v28;
	v28 =	vadd.s32 s24, v14;
	v27 =	vld.idx.msk [tilespmem:v27+s20+$0x0], $0xffff  }
0xb8: {  	v23 =	vld.idx.msk [tilespmem:v23+s20+$0x0], $0xffff;
	[tilespmem:s31+$0xFFFFFF00] =	vst v18;
	v18 =	vadd.s32 v1, v28;
	v28 =	vadd.s32 s3, v13  }
0xb9: {  	v29 =	vadd.s32 s30, v14;
	v24 =	vld.idx.msk [tilespmem:v24+s20+$0x0], $0xffff;
	[tilespmem:s31+$0xFFFFFF80] =	vst v19;
	v19 =	vadd.s32 v2, v28  }
0xba: {  	v28 =	vadd.s32 v1, v29;
	v29 =	vadd.s32 s8, v13;
	v17 =	vld.idx.msk [tilespmem:v17+s20+$0x0], $0xffff;
	[tilespmem:s31+$0x0] =	vst v21  }
0xbb: {  	v21 =	vadd.s32 v2, v29;
	v29 =	vadd.s32 s16, v13;
	v26 =	vld.idx.msk [tilespmem:v26+s20+$0x0], $0xffff;
	[tilespmem:s31+$0x80] =	vst v22  }
0xbc: {  	v22 =	vadd.s32 v2, v29;
	v29 =	vadd.s32 s6, v13;
	v20 =	vld.idx.msk [tilespmem:v20+s20+$0x0], $0xffff;
	[tilespmem:s31+$0x100] =	vst v25  }
0xbd: {  	v25 =	vadd.s32 v2, v29;
	v29 =	vadd.s32 s19, v13;
	v18 =	vld.idx.msk [tilespmem:v18+s20+$0x0], $0xffff;
	[tilespmem:s31+$0x190] =	vst v27  }
0xbe: {  	v27 =	vadd.s32 s22, v13;
	[tilespmem:s31+$0xFFFFFE00] =	vst v16;
	v16 =	vadd.s32 v2, v29;
	v19 =	vld.idx.msk [tilespmem:v19+s20+$0x0], $0xffff  }
0xbf: {  	v28 =	vld.idx.msk [tilespmem:v28+s20+$0x0], $0xffff;
	[tilespmem:s31+$0xFFFFFE90] =	vst v23;
	v23 =	vadd.s32 v2, v27;
	v27 =	vadd.s32 s3, v12  }
0xc0: {  	v21 =	vld.idx.msk [tilespmem:v21+s20+$0x0], $0xffff;
	[tilespmem:s31+$0xFFFFFF10] =	vst v24;
	v24 =	vadd.s32 s24, v13;
	v27 =	vadd.s32 v3, v27  }
0xc1: {  	v29 =	vadd.s32 s30, v13;
	v22 =	vld.idx.msk [tilespmem:v22+s20+$0x0], $0xffff;
	[tilespmem:s31+$0xFFFFFF90] =	vst v17;
	v17 =	vadd.s32 v2, v24  }
0xc2: {  	v24 =	vadd.s32 v2, v29;
	v29 =	vadd.s32 s8, v12;
	v25 =	vld.idx.msk [tilespmem:v25+s20+$0x0], $0xffff;
	[tilespmem:s31+$0x10] =	vst v26  }
0xc3: {  	v26 =	vadd.s32 v3, v29;
	v29 =	vadd.s32 s16, v12;
	v16 =	vld.idx.msk [tilespmem:v16+s20+$0x0], $0xffff;
	[tilespmem:s31+$0x90] =	vst v20  }
0xc4: {  	v20 =	vadd.s32 v3, v29;
	v29 =	vadd.s32 s6, v12;
	v23 =	vld.idx.msk [tilespmem:v23+s20+$0x0], $0xffff;
	[tilespmem:s31+$0x1A0] =	vst v19  }
0xc5: {  	v19 =	vadd.s32 v3, v29;
	v29 =	vadd.s32 s19, v12;
	[tilespmem:s31+$0x110] =	vst v18;
	v18 =	vld.idx.msk [tilespmem:v27+s20+$0x0], $0xffff  }
0xc6: {  	v27 =	vadd.s32 v3, v29;
	[tilespmem:s31+$0xFFFFFE10] =	vst v28;
	v17 =	vld.idx.msk [tilespmem:v17+s20+$0x0], $0xffff;
	v28 =	vadd.s32 s3, v11  }
0xc7: {  	v24 =	vld.idx.msk [tilespmem:v24+s20+$0x0], $0xffff;
	[tilespmem:s31+$0xFFFFFEA0] =	vst v21;
	v21 =	vadd.s32 s22, v12;
	v28 =	vadd.s32 v4, v28  }
0xc8: {  	v26 =	vld.idx.msk [tilespmem:v26+s20+$0x0], $0xffff;
	[tilespmem:s31+$0xFFFFFF20] =	vst v22;
	v21 =	vadd.s32 v3, v21;
	v22 =	vadd.s32 s24, v12  }
0xc9: {  	v29 =	vadd.s32 s30, v12;
	v20 =	vld.idx.msk [tilespmem:v20+s20+$0x0], $0xffff;
	[tilespmem:s31+$0xFFFFFFA0] =	vst v25;
	v22 =	vadd.s32 v3, v22  }
0xca: {  	v25 =	vadd.s32 v3, v29;
	v29 =	vadd.s32 s8, v11;
	v19 =	vld.idx.msk [tilespmem:v19+s20+$0x0], $0xffff;
	[tilespmem:s31+$0x20] =	vst v16  }
0xcb: {  	v16 =	vadd.s32 v4, v29;
	v29 =	vadd.s32 s16, v11;
	v27 =	vld.idx.msk [tilespmem:v27+s20+$0x0], $0xffff;
	[tilespmem:s31+$0x1B0] =	vst v18  }
0xcc: {  	v18 =	vadd.s32 v4, v29;
	v29 =	vadd.s32 s6, v11;
	[tilespmem:s31+$0xA0] =	vst v23;
	v23 =	vld.idx.msk [tilespmem:v28+s20+$0x0], $0xffff  }
0xcd: {  	v28 =	vadd.s32 v4, v29;
	v21 =	vld.idx.msk [tilespmem:v21+s20+$0x0], $0xffff;
	[tilespmem:s31+$0x120] =	vst v17;
	v17 =	vadd.s32 s3, v10  }
0xce: {  	[tilespmem:s31+$0xFFFFFE20] =	vst v24;
	v24 =	vadd.s32 s19, v11;
	v22 =	vld.idx.msk [tilespmem:v22+s20+$0x0], $0xffff;
	v17 =	vadd.s32 v5, v17  }
0xcf: {  	v25 =	vld.idx.msk [tilespmem:v25+s20+$0x0], $0xffff;
	[tilespmem:s31+$0xFFFFFEB0] =	vst v26;
	v24 =	vadd.s32 v4, v24;
	v26 =	vadd.s32 s22, v11  }
0xd0: {  	v16 =	vld.idx.msk [tilespmem:v16+s20+$0x0], $0xffff;
	[tilespmem:s31+$0xFFFFFF30] =	vst v20;
	v20 =	vadd.s32 v4, v26;
	v26 =	vadd.s32 s24, v11  }
0xd1: {  	v29 =	vadd.s32 s30, v11;
	v18 =	vld.idx.msk [tilespmem:v18+s20+$0x0], $0xffff;
	[tilespmem:s31+$0xFFFFFFB0] =	vst v19;
	v19 =	vadd.s32 v4, v26  }
0xd2: {  	v26 =	vadd.s32 v4, v29;
	v29 =	vadd.s32 s8, v10;
	v28 =	vld.idx.msk [tilespmem:v28+s20+$0x0], $0xffff;
	[tilespmem:s31+$0x1C0] =	vst v23  }
0xd3: {  	v23 =	vadd.s32 v5, v29;
	v29 =	vadd.s32 s16, v10;
	[tilespmem:s31+$0x30] =	vst v27;
	v17 =	vld.idx.msk [tilespmem:v17+s20+$0x0], $0xffff  }
0xd4: {  	v27 =	vadd.s32 v5, v29;
	v24 =	vld.idx.msk [tilespmem:v24+s20+$0x0], $0xffff;
	[tilespmem:s31+$0xB0] =	vst v21;
	v21 =	vadd.s32 s3, v9  }
0xd5: {  	v29 =	vadd.s32 s6, v10;
	v20 =	vld.idx.msk [tilespmem:v20+s20+$0x0], $0xffff;
	[tilespmem:s31+$0x130] =	vst v22;
	v21 =	vadd.s32 v6, v21  }
0xd6: {  	v22 =	vadd.s32 v5, v29;
	[tilespmem:s31+$0xFFFFFE30] =	vst v25;
	v25 =	vadd.s32 s19, v10;
	v19 =	vld.idx.msk [tilespmem:v19+s20+$0x0], $0xffff  }
0xd7: {  	v26 =	vld.idx.msk [tilespmem:v26+s20+$0x0], $0xffff;
	[tilespmem:s31+$0xFFFFFEC0] =	vst v16;
	v16 =	vadd.s32 v5, v25;
	v25 =	vadd.s32 s22, v10  }
0xd8: {  	v23 =	vld.idx.msk [tilespmem:v23+s20+$0x0], $0xffff;
	[tilespmem:s31+$0xFFFFFF40] =	vst v18;
	v18 =	vadd.s32 v5, v25;
	v25 =	vadd.s32 s24, v10  }
0xd9: {  	v29 =	vadd.s32 s30, v10;
	v27 =	vld.idx.msk [tilespmem:v27+s20+$0x0], $0xffff;
	v25 =	vadd.s32 v5, v25;
	[tilespmem:s31+$0x1D0] =	vst v17  }
0xda: {  	v17 =	vadd.s32 v5, v29;
	v29 =	vadd.s32 s8, v9;
	[tilespmem:s31+$0xFFFFFFC0] =	vst v28;
	v21 =	vld.idx.msk [tilespmem:v21+s20+$0x0], $0xffff  }
0xdb: {  	v28 =	vadd.s32 v6, v29;
	v22 =	vld.idx.msk [tilespmem:v22+s20+$0x0], $0xffff;
	[tilespmem:s31+$0x40] =	vst v24;
	v24 =	vadd.s32 s3, v8  }
0xdc: {  	v29 =	vadd.s32 s16, v9;
	v16 =	vld.idx.msk [tilespmem:v16+s20+$0x0], $0xffff;
	[tilespmem:s31+$0xC0] =	vst v20;
	v20 =	vadd.s32 v7, v24  }
0xdd: {  	v24 =	vadd.s32 v6, v29;
	v29 =	vadd.s32 s6, v9;
	v18 =	vld.idx.msk [tilespmem:v18+s20+$0x0], $0xffff;
	[tilespmem:s31+$0x140] =	vst v19  }
0xde: {  	v19 =	vadd.s32 v6, v29;
	[tilespmem:s31+$0xFFFFFE40] =	vst v26;
	v26 =	vadd.s32 s19, v9;
	v25 =	vld.idx.msk [tilespmem:v25+s20+$0x0], $0xffff  }
0xdf: {  	v17 =	vld.idx.msk [tilespmem:v17+s20+$0x0], $0xffff;
	[tilespmem:s31+$0xFFFFFED0] =	vst v23;
	v23 =	vadd.s32 v6, v26;
	v26 =	vadd.s32 s22, v9  }
0xe0: {  	v29 =	vadd.s32 s24, v9;
	v28 =	vld.idx.msk [tilespmem:v28+s20+$0x0], $0xffff;
	v26 =	vadd.s32 v6, v26;
	[tilespmem:s31+$0x1E0] =	vst v21  }
0xe1: {  	v29 =	vadd.s32 v6, v29;
	v21 =	vadd.s32 s30, v9;
	[tilespmem:s31+$0xFFFFFF50] =	vst v27;
	v30 =	vld.idx.msk [tilespmem:v20+s20+$0x0], $0xffff  }
0xe2: {  	v20 =	vadd.s32 s0, v15;
	v31 =	vadd.s32 v6, v21;
	v32 =	vld.idx.msk [tilespmem:v24+s20+$0x0], $0xffff;
	[tilespmem:s31+$0xFFFFFFD0] =	vst v22  }
0xe3: {  	v22 =	vadd.s32 v0, v20;
	v20 =	vadd.s32 s8, v8;
	v21 =	vld.idx.msk [tilespmem:v19+s20+$0x0], $0xffff;
	[tilespmem:s31+$0x50] =	vst v16  }
0xe4: {  	v33 =	vadd.s32 v7, v20;
	v16 =	vadd.s32 s16, v8;
	v20 =	vld.idx.msk [tilespmem:v23+s20+$0x0], $0xffff;
	[tilespmem:s31+$0xD0] =	vst v18  }
.Ltmp0:
0xe5: {  	v27 =	vadd.s32 v7, v16;
	v16 =	vadd.s32 s6, v8;
	v18 =	vld.idx.msk [tilespmem:v26+s20+$0x0], $0xffff;
	[tilespmem:s31+$0x150] =	vst v25;
	(pc) =	sbr.rel @p2 .LBB2_3-.Ltmp0, $4  }
0xe6: {  	v26 =	vadd.s32 v7, v16;
	v16 =	vadd.s32 s19, v8;
	[tilespmem:s31+$0xFFFFFE50] =	vst v17;
	v19 =	vld.idx.msk [tilespmem:v29+s20+$0x0], $0xffff  }
0xe7: {  	v24 =	vadd.s32 s22, v8;
	v23 =	vadd.s32 v7, v16;
	v17 =	vld.idx.msk [tilespmem:v31+s20+$0x0], $0xffff;
	[tilespmem:s31+$0x1F0] =	vst v30  }
0xe8: {  	v24 =	vadd.s32 v7, v24;
	v25 =	vadd.s32 s24, v8;
	v16 =	vld.idx.msk [tilespmem:v22+s20+$0x0], $0xffff;
	[tilespmem:s31+$0xFFFFFEE0] =	vst v28  }
0xe9: {  	s3 =	sadd.s32 $0x7, s0;
	v25 =	vadd.s32 v7, v25;
	v28 =	vadd.s32 s30, v8;
	s30 =	smov.u32 s0;
	s0 =	sadd.s32 $0x8, s0;
	v22 =	vld.idx.msk [tilespmem:v33+s20+$0x0], $0xffff;
	[tilespmem:s31+$0xFFFFFF60] =	vst v32  }
0xea: {  	_ =	sdelay $0x2  }
0xeb: {  	[tilespmem:s31+$0xFFFFFFE0] =	vst v21;
	v47 =	vadd.s32 s3, v15  }
0xec: {  	s6 =	sadd.s32 $0x1, s30;
	v28 =	vadd.s32 v7, v28;
	v27 =	vld.idx.msk [tilespmem:v27+s20+$0x0], $0xffff;
	[tilespmem:s31+$0x60] =	vst v20;
	v57 =	vadd.s32 s3, v14;
	v33 =	vadd.s32 s30, v14  }
0xed: {  	s8 =	sadd.s32 $0x2, s30;
	[tilespmem:s31+$0xE0] =	vst v18;
	s16 =	sadd.s32 $0x3, s30;
	s19 =	sadd.s32 $0x4, s30;
	v48 =	vadd.s32 s6, v15;
	v21 =	vadd.s32 v0, v47;
	v26 =	vld.idx.msk [tilespmem:v26+s20+$0x0], $0xffff;
	v59 =	vadd.s32 s6, v14  }
0xee: {  	s24 =	sadd.s32 $0x5, s30;
	s22 =	sadd.s32 $0x6, s30;
	[tilespmem:s31+$0x160] =	vst v19;
	v60 =	vadd.s32 s8, v14;
	v61 =	vadd.s32 s16, v14;
	v63 =	vadd.s32 s19, v14  }
0xef: {  	s0 =	sadd.s32 $0x400, s31;
	v23 =	vld.idx.msk [tilespmem:v23+s20+$0x0], $0xffff;
	v29 =	vadd.s32 s24, v14;
	v32 =	vadd.s32 s22, v14;
	v14 =	vadd.s32 v1, v33;
	[tilespmem:s31+$0xFFFFFE60] =	vst v17  }
0xf0: {  	v50 =	vadd.s32 s8, v15;
	v24 =	vld.idx.msk [tilespmem:v24+s20+$0x0], $0xffff;
	v49 =	vadd.s32 v0, v48;
	[tilespmem:s0+$0xFFFFFE00] =	vst v16  }
0xf1: {  	v52 =	vadd.s32 s16, v15;
	v51 =	vadd.s32 v0, v50;
	v25 =	vld.idx.msk [tilespmem:v25+s20+$0x0], $0xffff;
	[tilespmem:s31+$0xFFFFFEF0] =	vst v22  }
0xf2: {  	v54 =	vadd.s32 s19, v15;
	v53 =	vadd.s32 v0, v52;
	v28 =	vld.idx.msk [tilespmem:v28+s20+$0x0], $0xffff;
	[tilespmem:s31+$0xFFFFFF70] =	vst v27  }
0xf3: {  	v31 =	vadd.s32 s3, v13;
	v56 =	vadd.s32 s22, v15;
	v20 =	vadd.s32 v0, v54;
	v21 =	vld.idx.msk [tilespmem:v21+s20+$0x0], $0xffff;
	[tilespmem:s31+$0xFFFFFFF0] =	vst v26  }
0xf4: {  	v45 =	vadd.s32 s30, v13;
	v55 =	vadd.s32 s24, v15;
	v15 =	vadd.s32 v0, v56;
	[tilespmem:s31+$0x70] =	vst v23;
	v14 =	vld.idx.msk [tilespmem:v14+s20+$0x0], $0xffff  }
0xf5: {  	v35 =	vadd.s32 s6, v13;
	v37 =	vadd.s32 s8, v13;
	v22 =	vadd.s32 v0, v55;
	[tilespmem:s31+$0xF0] =	vst v24;
	v18 =	vld.idx.msk [tilespmem:v49+s20+$0x0], $0xffff  }
0xf6: {  	v58 =	vadd.s32 v1, v57;
	v38 =	vadd.s32 s16, v13;
	v40 =	vadd.s32 s19, v13;
	v19 =	vld.idx.msk [tilespmem:v51+s20+$0x0], $0xffff;
	[tilespmem:s31+$0x170] =	vst v25  }
0xf7: {  	v43 =	vadd.s32 s24, v13;
	v44 =	vadd.s32 s22, v13;
	v13 =	vadd.s32 v2, v45;
	v17 =	vld.idx.msk [tilespmem:v53+s20+$0x0], $0xffff;
	[tilespmem:s31+$0xFFFFFE70] =	vst v28  }
0xf8: {  	v24 =	vadd.s32 v1, v59;
	v20 =	vld.idx.msk [tilespmem:v20+s20+$0x0], $0xffff;
	[tilespmem:s0+$0x180] =	vst v21  }
0xf9: {  	v25 =	vadd.s32 v1, v60;
	v15 =	vld.idx.msk [tilespmem:v15+s20+$0x0], $0xffff;
	[tilespmem:s0+$0xFFFFFE10] =	vst v14  }
0xfa: {  	v62 =	vadd.s32 v1, v61;
	v22 =	vld.idx.msk [tilespmem:v22+s20+$0x0], $0xffff;
	[tilespmem:s0+$0xFFFFFE80] =	vst v18  }
0xfb: {  	v28 =	vadd.s32 v1, v63;
	v23 =	vld.idx.msk [tilespmem:v58+s20+$0x0], $0xffff;
	[tilespmem:s0+$0xFFFFFF00] =	vst v19  }
0xfc: {  	v42 =	vadd.s32 s3, v12;
	v47 =	vadd.s32 s6, v12;
	v30 =	vadd.s32 v1, v29;
	[tilespmem:s0+$0xFFFFFF80] =	vst v17;
	v13 =	vld.idx.msk [tilespmem:v13+s20+$0x0], $0xffff  }
0xfd: {  	v57 =	vadd.s32 s22, v12;
	v48 =	vadd.s32 s8, v12;
	[tilespmem:s0+$0x0] =	vst v20;
	v17 =	vadd.s32 v1, v32;
	v24 =	vld.idx.msk [tilespmem:v24+s20+$0x0], $0xffff  }
0xfe: {  	v50 =	vadd.s32 s16, v12;
	v26 =	vadd.s32 v2, v31;
	[tilespmem:s0+$0x100] =	vst v15;
	v58 =	vadd.s32 s30, v12;
	v34 =	vld.idx.msk [tilespmem:v25+s20+$0x0], $0xffff  }
0xff: {  	v54 =	vadd.s32 s19, v12;
	v55 =	vadd.s32 s24, v12;
	v21 =	vld.idx.msk [tilespmem:v62+s20+$0x0], $0xffff;
	v12 =	vadd.s32 v3, v58;
	[tilespmem:s0+$0x80] =	vst v22  }
0x100: {  	v36 =	vadd.s32 v2, v35;
	v18 =	vld.idx.msk [tilespmem:v28+s20+$0x0], $0xffff;
	[tilespmem:s0+$0x190] =	vst v23  }
0x101: {  	v22 =	vadd.s32 v2, v37;
	v19 =	vld.idx.msk [tilespmem:v30+s20+$0x0], $0xffff;
	[tilespmem:s0+$0xFFFFFE20] =	vst v13  }
0x102: {  	v39 =	vadd.s32 v2, v38;
	v17 =	vld.idx.msk [tilespmem:v17+s20+$0x0], $0xffff;
	[tilespmem:s0+$0xFFFFFE90] =	vst v24  }
0x103: {  	v20 =	vadd.s32 v2, v43;
	v41 =	vld.idx.msk [tilespmem:v26+s20+$0x0], $0xffff;
	[tilespmem:s0+$0xFFFFFF10] =	vst v34  }
0x104: {  	v23 =	vadd.s32 v2, v40;
	[tilespmem:s0+$0xFFFFFF90] =	vst v21;
	v12 =	vld.idx.msk [tilespmem:v12+s20+$0x0], $0xffff  }
0x105: {  	v21 =	vadd.s32 v2, v44;
	v15 =	vld.idx.msk [tilespmem:v36+s20+$0x0], $0xffff;
	[tilespmem:s0+$0x10] =	vst v18  }
0x106: {  	v24 =	vadd.s32 v3, v42;
	v46 =	vld.idx.msk [tilespmem:v22+s20+$0x0], $0xffff;
	[tilespmem:s0+$0x90] =	vst v19  }
0x107: {  	v16 =	vld.idx.msk [tilespmem:v39+s20+$0x0], $0xffff;
	v19 =	vadd.s32 v3, v47;
	[tilespmem:s0+$0x110] =	vst v17  }
0x108: {  	v49 =	vadd.s32 v3, v48;
	v51 =	vld.idx.msk [tilespmem:v20+s20+$0x0], $0xffff;
	[tilespmem:s0+$0x1A0] =	vst v41  }
0x109: {  	v52 =	vadd.s32 v3, v50;
	v23 =	vld.idx.msk [tilespmem:v23+s20+$0x0], $0xffff;
	[tilespmem:s0+$0xFFFFFE30] =	vst v12  }
0x10a: {  	v18 =	vadd.s32 v3, v55;
	v21 =	vld.idx.msk [tilespmem:v21+s20+$0x0], $0xffff;
	[tilespmem:s0+$0xFFFFFEA0] =	vst v15  }
0x10b: {  	v53 =	vadd.s32 s3, v11;
	v24 =	vld.idx.msk [tilespmem:v24+s20+$0x0], $0xffff;
	[tilespmem:s0+$0xFFFFFF20] =	vst v46;
	v15 =	vadd.s32 v3, v54  }
0x10c: {  	v22 =	vadd.s32 v4, v53;
	[tilespmem:s0+$0xFFFFFFA0] =	vst v16;
	v56 =	vld.idx.msk [tilespmem:v19+s20+$0x0], $0xffff  }
0x10d: {  	v59 =	vadd.s32 s6, v11;
	v17 =	vld.idx.msk [tilespmem:v49+s20+$0x0], $0xffff;
	v19 =	vadd.s32 v3, v57;
	[tilespmem:s0+$0xA0] =	vst v51  }
0x10e: {  	v61 =	vadd.s32 s8, v11;
	v27 =	vadd.s32 s22, v11;
	v60 =	vadd.s32 v4, v59;
	v20 =	vld.idx.msk [tilespmem:v52+s20+$0x0], $0xffff;
	[tilespmem:s0+$0x20] =	vst v23  }
0x10f: {  	v62 =	vadd.s32 v4, v61;
	v25 =	vadd.s32 s19, v11;
	v28 =	vadd.s32 s30, v11;
	v18 =	vld.idx.msk [tilespmem:v18+s20+$0x0], $0xffff;
	[tilespmem:s0+$0x120] =	vst v21  }
0x110: {  	v26 =	vadd.s32 s24, v11;
	[tilespmem:s0+$0x1B0] =	vst v24;
	v15 =	vld.idx.msk [tilespmem:v15+s20+$0x0], $0xffff;
	v24 =	vadd.s32 s16, v11;
	v11 =	vadd.s32 v4, v28  }
0x111: {  	v22 =	vld.idx.msk [tilespmem:v22+s20+$0x0], $0xffff;
	[tilespmem:s0+$0xFFFFFEB0] =	vst v56;
	v13 =	vadd.s32 v4, v24  }
0x112: {  	v16 =	vadd.s32 v4, v25;
	v19 =	vld.idx.msk [tilespmem:v19+s20+$0x0], $0xffff;
	[tilespmem:s0+$0xFFFFFF30] =	vst v17  }
0x113: {  	v63 =	vadd.s32 s3, v10;
	[tilespmem:s0+$0xFFFFFFB0] =	vst v20;
	v17 =	vadd.s32 v4, v26;
	v14 =	vld.idx.msk [tilespmem:v60+s20+$0x0], $0xffff  }
0x114: {  	v23 =	vadd.s32 v5, v63;
	v21 =	vld.idx.msk [tilespmem:v62+s20+$0x0], $0xffff;
	[tilespmem:s0+$0xB0] =	vst v18  }
0x115: {  	v31 =	vadd.s32 s8, v10;
	v20 =	vadd.s32 v4, v27;
	[tilespmem:s0+$0x30] =	vst v15;
	v11 =	vld.idx.msk [tilespmem:v11+s20+$0x0], $0xffff  }
0x116: {  	v33 =	vadd.s32 s16, v10;
	v29 =	vadd.s32 s6, v10;
	v32 =	vadd.s32 v5, v31;
	[tilespmem:s0+$0x1C0] =	vst v22;
	v13 =	vld.idx.msk [tilespmem:v13+s20+$0x0], $0xffff  }
0x117: {  	v35 =	vadd.s32 s19, v10;
	v38 =	vadd.s32 s30, v10;
	v15 =	vadd.s32 v5, v29;
	[tilespmem:s0+$0x130] =	vst v19;
	v16 =	vld.idx.msk [tilespmem:v16+s20+$0x0], $0xffff  }
0x118: {  	v37 =	vadd.s32 s22, v10;
	v36 =	vadd.s32 s24, v10;
	v10 =	vadd.s32 v5, v38;
	v17 =	vld.idx.msk [tilespmem:v17+s20+$0x0], $0xffff;
	[tilespmem:s0+$0xFFFFFEC0] =	vst v14  }
0x119: {  	v34 =	vadd.s32 v5, v33;
	v22 =	vld.idx.msk [tilespmem:v23+s20+$0x0], $0xffff;
	[tilespmem:s0+$0xFFFFFF40] =	vst v21  }
0x11a: {  	v19 =	vadd.s32 v5, v35;
	v20 =	vld.idx.msk [tilespmem:v20+s20+$0x0], $0xffff;
	[tilespmem:s0+$0xFFFFFE40] =	vst v11  }
0x11b: {  	v30 =	vadd.s32 s3, v9;
	v21 =	vadd.s32 v5, v36;
	v12 =	vld.idx.msk [tilespmem:v32+s20+$0x0], $0xffff;
	[tilespmem:s0+$0xFFFFFFC0] =	vst v13  }
0x11c: {  	v18 =	vadd.s32 v6, v30;
	v15 =	vld.idx.msk [tilespmem:v15+s20+$0x0], $0xffff;
	[tilespmem:s0+$0x40] =	vst v16  }
0x11d: {  	v42 =	vadd.s32 s8, v9;
	v39 =	vadd.s32 v5, v37;
	[tilespmem:s0+$0xC0] =	vst v17;
	v10 =	vld.idx.msk [tilespmem:v10+s20+$0x0], $0xffff  }
0x11e: {  	v50 =	vadd.s32 s22, v9;
	v43 =	vadd.s32 v6, v42;
	v41 =	vadd.s32 s6, v9;
	[tilespmem:s0+$0x1D0] =	vst v22;
	v14 =	vld.idx.msk [tilespmem:v34+s20+$0x0], $0xffff  }
0x11f: {  	v48 =	vadd.s32 s24, v9;
	v52 =	vadd.s32 s30, v9;
	v17 =	vadd.s32 v6, v41;
	[tilespmem:s0+$0x140] =	vst v20;
	v19 =	vld.idx.msk [tilespmem:v19+s20+$0x0], $0xffff  }
0x120: {  	v44 =	vadd.s32 s16, v9;
	v46 =	vadd.s32 s19, v9;
	v9 =	vadd.s32 v6, v52;
	v21 =	vld.idx.msk [tilespmem:v21+s20+$0x0], $0xffff;
	[tilespmem:s0+$0xFFFFFF50] =	vst v12  }
0x121: {  	v40 =	vadd.s32 s3, v8;
	v45 =	vadd.s32 v6, v44;
	v18 =	vld.idx.msk [tilespmem:v18+s20+$0x0], $0xffff;
	[tilespmem:s0+$0xFFFFFED0] =	vst v15  }
0x122: {  	v16 =	vadd.s32 v7, v40;
	v13 =	vld.idx.msk [tilespmem:v39+s20+$0x0], $0xffff;
	[tilespmem:s0+$0xFFFFFE50] =	vst v10  }
0x123: {  	v47 =	vadd.s32 v6, v46;
	v11 =	vld.idx.msk [tilespmem:v43+s20+$0x0], $0xffff;
	[tilespmem:s0+$0xFFFFFFD0] =	vst v14  }
0x124: {  	v58 =	vadd.s32 s24, v8;
	v49 =	vadd.s32 v6, v48;
	v51 =	vld.idx.msk [tilespmem:v17+s20+$0x0], $0xffff;
	[tilespmem:s0+$0x50] =	vst v19  }
0x125: {  	v53 =	vadd.s32 v6, v50;
	v55 =	vadd.s32 s8, v8;
	v54 =	vadd.s32 s6, v8;
	[tilespmem:s0+$0xD0] =	vst v21;
	v9 =	vld.idx.msk [tilespmem:v9+s20+$0x0], $0xffff  }
0x126: {  	v57 =	vadd.s32 s19, v8;
	v56 =	vadd.s32 s16, v8;
	v20 =	vadd.s32 v7, v55;
	[tilespmem:s0+$0x1E0] =	vst v18;
	v15 =	vld.idx.msk [tilespmem:v45+s20+$0x0], $0xffff  }
0x127: {  	v60 =	vadd.s32 s22, v8;
	v8 =	vadd.s32 s30, v8;
	v19 =	vadd.s32 v7, v54;
	[tilespmem:s0+$0x150] =	vst v13;
	v16 =	vld.idx.msk [tilespmem:v16+s20+$0x0], $0xffff  }
0x128: {  	v8 =	vadd.s32 v7, v8;
	v18 =	vld.idx.msk [tilespmem:v47+s20+$0x0], $0xffff;
	[tilespmem:s0+$0xFFFFFF60] =	vst v11  }
0x129: {  	v12 =	vld.idx.msk [tilespmem:v49+s20+$0x0], $0xffff;
	v13 =	vadd.s32 v7, v56;
	[tilespmem:s0+$0xFFFFFEE0] =	vst v51  }
0x12a: {  	v10 =	vadd.s32 v7, v57;
	v17 =	vld.idx.msk [tilespmem:v53+s20+$0x0], $0xffff;
	[tilespmem:s0+$0xFFFFFE60] =	vst v9  }
0x12b: {  	v59 =	vadd.s32 v7, v58;
	v62 =	vld.idx.msk [tilespmem:v20+s20+$0x0], $0xffff;
	[tilespmem:s0+$0xFFFFFFE0] =	vst v15  }
0x12c: {  	v61 =	vld.idx.msk [tilespmem:v19+s20+$0x0], $0xffff;
	[tilespmem:s0+$0x1F0] =	vst v16;
	v16 =	vadd.s32 v7, v60  }
0x12d: {  	[tilespmem:s0+$0x60] =	vst v18;
	v8 =	vld.idx.msk [tilespmem:v8+s20+$0x0], $0xffff  }
0x12e: {  	[tilespmem:s0+$0xE0] =	vst v12;
	v13 =	vld.idx.msk [tilespmem:v13+s20+$0x0], $0xffff  }
0x12f: {  	v10 =	vld.idx.msk [tilespmem:v10+s20+$0x0], $0xffff;
	[tilespmem:s0+$0x160] =	vst v17  }
0x130: {  	v12 =	vld.idx.msk [tilespmem:v59+s20+$0x0], $0xffff;
	[tilespmem:s0+$0xFFFFFF70] =	vst v62  }
0x131: {  	[tilespmem:s0+$0xFFFFFEF0] =	vst v61;
	v63 =	vld.idx.msk [tilespmem:v16+s20+$0x0], $0xffff  }
0x132: {  	s31 =	sshll.u32 s29, $0xA;
	s24 =	sshll.u32 s29, $0xD;
	[tilespmem:s0+$0xFFFFFE70] =	vst v8  }
0x133: {  	s3 =	sand.u32 $0x7FF00000, s24;
	s6 =	sand.u32 $0x1F800, s31;
	[tilespmem:s0+$0xFFFFFFF0] =	vst v13  }
0x134: {  	s3 =	sor.u32 s6, s3;
	[tilespmem:s0+$0x70] =	vst v10  }
0x135: {  	s30 =	sshrl.u32 s3, $0x3;
	[tilespmem:s0+$0xF0] =	vst v12  }
0x136: {  	s6 =	simm.s32 $0x8200;
	s3 =	sadd.s32 s4, s30;
	[tilespmem:s0+$0x170] =	vst v63  }
0x137: {  	[hbm4b:s3+s5] =	stream.linear.scatter [tilespmem:s6], [sflag:$0x2], $0x400, $0x38;
	[tilespmem:$0xC300] =	vst v63  }
0x138: {  	s16 =	simm.s32 $0x8600;
	s8 =	sadd.s32 s30, s9  }
0x139: {  	[hbm4b:s8+s5] =	stream.linear.scatter [tilespmem:s16], [sflag:$0x2], $0x400, $0x38;
	[tilespmem:$0xC300] =	vst v63  }
0x13a: {  	s22 =	simm.s32 $0x8A00;
	s19 =	sadd.s32 s30, s10  }
0x13b: {  	[hbm4b:s19+s5] =	stream.linear.scatter [tilespmem:s22], [sflag:$0x2], $0x400, $0x38;
	[tilespmem:$0xC300] =	vst v63  }
0x13c: {  	s31 =	simm.s32 $0x8E00;
	s24 =	sadd.s32 s30, s11  }
0x13d: {  	[hbm4b:s24+s5] =	stream.linear.scatter [tilespmem:s31], [sflag:$0x2], $0x400, $0x38;
	[tilespmem:$0xC300] =	vst v63  }
0x13e: {  	s3 =	sadd.s32 s30, s12;
	s6 =	simm.s32 $0x9200  }
0x13f: {  	[hbm4b:s3+s5] =	stream.linear.scatter [tilespmem:s6], [sflag:$0x2], $0x400, $0x38;
	[tilespmem:$0xC300] =	vst v63  }
0x140: {  	s8 =	sadd.s32 s30, s13;
	s16 =	simm.s32 $0x9600  }
0x141: {  	[hbm4b:s8+s5] =	stream.linear.scatter [tilespmem:s16], [sflag:$0x2], $0x400, $0x38;
	[tilespmem:$0xC300] =	vst v63  }
0x142: {  	s19 =	sadd.s32 s30, s14;
	s22 =	simm.s32 $0x9A00  }
0x143: {  	[hbm4b:s19+s5] =	stream.linear.scatter [tilespmem:s22], [sflag:$0x2], $0x400, $0x38;
	[tilespmem:$0xC300] =	vst v63  }
.Ltmp1:
0x144: {  	s24 =	sadd.s32 s30, s15;
	s31 =	simm.s32 $0x9E00;
	(pc) =	sbr.rel @p1 .LBB2_6-.Ltmp1, $4  }
0x145: {  	[hbm4b:s24+s5] =	stream.linear.scatter [tilespmem:s31], [sflag:$0x2], $0x400, $0x38;
	[tilespmem:$0xC300] =	vst v63  }
0x146: {  	_ =	swait.ge [sflag:s21], $0x4000  }
0x147: {  	[sflag:s21] =	ssyncset.done $0x0  }
0x148: {  	[sflag:s21] =	ssyncadd.s32 $0xFFFFC000  }
0x149: {  	_ =	swait.ge [sflag:s17], $0x80  }
0x14a: {  	[sflag:s17] =	ssyncset.done $0x0  }
0x14b: {  	[sflag:s17] =	ssyncadd.s32 $0xFFFFFF80  }
0x14c: {  	v8 =	vld [tilespmem:$0x0];
	_ =	sdelay $0x1  }
0x14d: {  	v9 =	vld [tilespmem:$0x10];
	_ =	sdelay $0x1  }
0x14e: {  	v10 =	vld [tilespmem:$0x20]  }
0x14f: {  	v11 =	vshrl.u32 v8, $0x1;
	v8 =	vshll.u32 v8, $0x6  }
0x150: {  	v58 =	vld [tilespmem:$0x30];
	[tilespmem:$0x8100] =	vst v11;
	v8 =	vand.u32 $0x40, v8  }
0x151: {  	[tilespmem:$0xC200] =	vst v8;
	v8 =	vshrl.u32 v9, $0x1;
	v9 =	vshll.u32 v9, $0x6  }
0x152: {  	v59 =	vld [tilespmem:$0x40];
	[tilespmem:$0x8110] =	vst v8;
	v8 =	vand.u32 $0x40, v9  }
0x153: {  	[tilespmem:$0xC210] =	vst v8;
	v8 =	vshrl.u32 v10, $0x1;
	v10 =	vshll.u32 v10, $0x6  }
0x154: {  	v60 =	vld [tilespmem:$0x50];
	[tilespmem:$0x8120] =	vst v8;
	v8 =	vand.u32 $0x40, v10  }
0x155: {  	v11 =	vshll.u32 v58, $0x6;
	[tilespmem:$0xC220] =	vst v8;
	v8 =	vshrl.u32 v58, $0x1  }
0x156: {  	v61 =	vld [tilespmem:$0x60];
	[tilespmem:$0x8130] =	vst v8;
	v8 =	vand.u32 $0x40, v11  }
0x157: {  	v9 =	vshll.u32 v59, $0x6;
	[tilespmem:$0xC230] =	vst v8;
	v8 =	vshrl.u32 v59, $0x1  }
0x158: {  	v62 =	vld [tilespmem:$0x70];
	[tilespmem:$0x8140] =	vst v8;
	v8 =	vand.u32 $0x40, v9  }
0x159: {  	v10 =	vshll.u32 v60, $0x6;
	[tilespmem:$0xC240] =	vst v8;
	v8 =	vshrl.u32 v60, $0x1  }
0x15a: {  	[tilespmem:$0x8150] =	vst v8;
	v8 =	vand.u32 $0x40, v10  }
0x15b: {  	v63 =	vshll.u32 v61, $0x6;
	[tilespmem:$0xC250] =	vst v8;
	v8 =	vshrl.u32 v61, $0x1  }
0x15c: {  	[tilespmem:$0x8160] =	vst v8;
	v8 =	vand.u32 $0x40, v63  }
0x15d: {  	v9 =	vshll.u32 v62, $0x6;
	[tilespmem:$0xC260] =	vst v8;
	v8 =	vshrl.u32 v62, $0x1  }
0x15e: {  	s31 =	sadd.s32 $0x3, s29;
	[tilespmem:$0x8170] =	vst v8;
	v8 =	vand.u32 $0x40, v9  }
0x15f: {  	s0 =	simm.s32 $0x8100;
	s3 =	sshll.u32 s31, $0xA;
	[tilespmem:$0xC270] =	vst v8  }
0x160: {  	[tilespmem:s20], [sflag:$0x1] =	stream.indirect.gather [hbm4b:s7+s18], $0x80, s0, s18, $0xb8;
	[tilespmem:$0xC300] =	vst v63  }
0x161: {  	s6 =	sshll.u32 s31, $0x7;
	s3 =	sand.u32 $0x1FC00, s3;
	s0 =	sand.u32 $0x380, s31  }
0x162: {  	s6 =	sand.u32 $0x7FFE0000, s6;
	s0 =	sor.u32 s0, s3  }
0x163: {  	s0 =	sor.u32 s6, s0  }
0x164: {  	s0 =	sshrl.u32 s0, $0x3  }
0x165: {  	s0 =	sadd.s32 s1, s0  }
0x166: {  	[tilespmem:s18], [sflag:$0x3] =	stream.linear.gather [hbm4b:s0+s5], $0x80, $0x38;
	[tilespmem:$0xC300] =	vst v63  }
.LBB2_6:
0x167: {  	v15 =	vld [tilespmem:$0xC280]  }
0x168: {  	v14 =	vld [tilespmem:$0xC290]  }
0x169: {  	v13 =	vld [tilespmem:$0xC2A0]  }
0x16a: {  	v12 =	vld [tilespmem:$0xC2B0]  }
0x16b: {  	v11 =	vld [tilespmem:$0xC2C0]  }
0x16c: {  	v10 =	vld [tilespmem:$0xC2D0]  }
0x16d: {  	v9 =	vld [tilespmem:$0xC2E0];
	s8 =	simm.s32 @!p0 $0x2  }
0x16e: {  	v8 =	vld [tilespmem:$0xC2F0];
	_ =	swait.ge @!p0 [sflag:s8], $0x400  }
0x16f: {  	[sflag:s8] =	ssyncset.done @!p0 $0x0  }
0x170: {  	[sflag:s8] =	ssyncadd.s32 @!p0 $0xFFFFFC00  }
0x171: {  	_ =	swait.ge @!p0 [sflag:s8], $0x400  }
0x172: {  	[sflag:s8] =	ssyncset.done @!p0 $0x0  }
0x173: {  	[sflag:s8] =	ssyncadd.s32 @!p0 $0xFFFFFC00  }
0x174: {  	_ =	swait.ge @!p0 [sflag:s8], $0x400  }
0x175: {  	[sflag:s8] =	ssyncset.done @!p0 $0x0  }
0x176: {  	[sflag:s8] =	ssyncadd.s32 @!p0 $0xFFFFFC00  }
0x177: {  	_ =	swait.ge @!p0 [sflag:s8], $0x400  }
0x178: {  	[sflag:s8] =	ssyncset.done @!p0 $0x0  }
0x179: {  	[sflag:s8] =	ssyncadd.s32 @!p0 $0xFFFFFC00  }
0x17a: {  	_ =	swait.ge @!p0 [sflag:s8], $0x400  }
0x17b: {  	[sflag:s8] =	ssyncset.done @!p0 $0x0  }
0x17c: {  	[sflag:s8] =	ssyncadd.s32 @!p0 $0xFFFFFC00  }
0x17d: {  	_ =	swait.ge @!p0 [sflag:s8], $0x400  }
0x17e: {  	[sflag:s8] =	ssyncset.done @!p0 $0x0  }
0x17f: {  	s6 =	simm.s32 $0x0;
	[sflag:s8] =	ssyncadd.s32 @!p0 $0xFFFFFC00  }
0x180: {  	s24 =	simm.s32 $0x7;
	v16 =	vadd.s32 s6, v15;
	_ =	swait.ge @!p0 [sflag:s8], $0x400  }
0x181: {  	s16 =	simm.s32 $0x1;
	v17 =	vadd.s32 s24, v15;
	v16 =	vadd.s32 v0, v16;
	[sflag:s8] =	ssyncset.done @!p0 $0x0  }
0x182: {  	s0 =	simm.s32 $0x2;
	v18 =	vadd.s32 s16, v15;
	v17 =	vadd.s32 v0, v17;
	[sflag:s8] =	ssyncadd.s32 @!p0 $0xFFFFFC00  }
0x183: {  	s19 =	simm.s32 $0x3;
	v19 =	vadd.s32 s0, v15;
	v18 =	vadd.s32 v0, v18;
	_ =	swait.ge @!p0 [sflag:s8], $0x400  }
0x184: {  	s3 =	simm.s32 $0x4;
	v20 =	vadd.s32 s19, v15;
	v19 =	vadd.s32 v0, v19;
	[sflag:s8] =	ssyncset.done @!p0 $0x0  }
0x185: {  	s22 =	simm.s32 $0x6;
	v21 =	vadd.s32 s3, v15;
	v20 =	vadd.s32 v0, v20;
	[sflag:s8] =	ssyncadd.s32 @!p0 $0xFFFFFC00  }
0x186: {  	v23 =	vadd.s32 s22, v15;
	v21 =	vadd.s32 v0, v21;
	s8 =	simm.s32 $0x5;
	v16 =	vld.idx.msk [tilespmem:v16+s23+$0x0], $0xffff  }
0x187: {  	v23 =	vadd.s32 v0, v23;
	v22 =	vadd.s32 s8, v15;
	v17 =	vld.idx.msk [tilespmem:v17+s23+$0x0], $0xffff  }
0x188: {  	v24 =	vadd.s32 s24, v14;
	v18 =	vld.idx.msk [tilespmem:v18+s23+$0x0], $0xffff;
	v22 =	vadd.s32 v0, v22  }
0x189: {  	v25 =	vadd.s32 s16, v14;
	v24 =	vadd.s32 v1, v24;
	v19 =	vld.idx.msk [tilespmem:v19+s23+$0x0], $0xffff  }
0x18a: {  	v26 =	vadd.s32 s0, v14;
	v25 =	vadd.s32 v1, v25;
	v20 =	vld.idx.msk [tilespmem:v20+s23+$0x0], $0xffff  }
0x18b: {  	s31 =	simm.s32 $0xA5F0;
	v27 =	vadd.s32 s19, v14;
	v26 =	vadd.s32 v1, v26;
	v21 =	vld.idx.msk [tilespmem:v21+s23+$0x0], $0xffff  }
0x18c: {  	v28 =	vadd.s32 s3, v14;
	v27 =	vadd.s32 v1, v27;
	v23 =	vld.idx.msk [tilespmem:v23+s23+$0x0], $0xffff;
	[tilespmem:s31+$0xFFFFFF90] =	vst v17  }
0x18d: {  	v28 =	vadd.s32 v1, v28;
	v29 =	vadd.s32 s8, v14;
	[tilespmem:s31+$0xFFFFFC90] =	vst v18;
	v18 =	vadd.s32 s22, v14;
	v22 =	vld.idx.msk [tilespmem:v22+s23+$0x0], $0xffff  }
0x18e: {  	v17 =	vadd.s32 v1, v29;
	[tilespmem:s31+$0xFFFFFD10] =	vst v19;
	v29 =	vadd.s32 s6, v14;
	v24 =	vld.idx.msk [tilespmem:v24+s23+$0x0], $0xffff;
	v18 =	vadd.s32 v1, v18  }
0x18f: {  	[tilespmem:s31+$0xFFFFFD90] =	vst v20;
	v25 =	vld.idx.msk [tilespmem:v25+s23+$0x0], $0xffff;
	v20 =	vadd.s32 v1, v29  }
0x190: {  	v19 =	vadd.s32 s24, v13;
	[tilespmem:s31+$0xFFFFFE10] =	vst v21;
	v26 =	vld.idx.msk [tilespmem:v26+s23+$0x0], $0xffff  }
0x191: {  	[tilespmem:s31+$0xFFFFFF10] =	vst v23;
	v19 =	vadd.s32 v2, v19;
	v29 =	vadd.s32 s16, v13;
	v27 =	vld.idx.msk [tilespmem:v27+s23+$0x0], $0xffff  }
0x192: {  	[tilespmem:s31+$0xFFFFFC10] =	vst v16;
	v28 =	vld.idx.msk [tilespmem:v28+s23+$0x0], $0xffff;
	v21 =	vadd.s32 v2, v29;
	v29 =	vadd.s32 s0, v13  }
0x193: {  	[tilespmem:s31+$0xFFFFFE90] =	vst v22;
	v22 =	vadd.s32 v2, v29;
	v29 =	vadd.s32 s19, v13;
	v18 =	vld.idx.msk [tilespmem:v18+s23+$0x0], $0xffff  }
0x194: {  	v20 =	vld.idx.msk [tilespmem:v20+s23+$0x0], $0xffff;
	v23 =	vadd.s32 v2, v29;
	v29 =	vadd.s32 s3, v13  }
0x195: {  	[tilespmem:s31+$0xFFFFFFA0] =	vst v24;
	v24 =	vadd.s32 s8, v13;
	v17 =	vld.idx.msk [tilespmem:v17+s23+$0x0], $0xffff;
	v16 =	vadd.s32 v2, v29  }
0x196: {  	[tilespmem:s31+$0xFFFFFCA0] =	vst v25;
	v25 =	vadd.s32 s24, v12;
	v19 =	vld.idx.msk [tilespmem:v19+s23+$0x0], $0xffff;
	v24 =	vadd.s32 v2, v24  }
0x197: {  	[tilespmem:s31+$0xFFFFFD20] =	vst v26;
	v26 =	vadd.s32 s22, v13;
	v21 =	vld.idx.msk [tilespmem:v21+s23+$0x0], $0xffff;
	v25 =	vadd.s32 v3, v25  }
0x198: {  	[tilespmem:s31+$0xFFFFFDA0] =	vst v27;
	v26 =	vadd.s32 v2, v26;
	v29 =	vadd.s32 s6, v13;
	v22 =	vld.idx.msk [tilespmem:v22+s23+$0x0], $0xffff  }
0x199: {  	[tilespmem:s31+$0xFFFFFE20] =	vst v28;
	v27 =	vadd.s32 v2, v29;
	v29 =	vadd.s32 s16, v12;
	v23 =	vld.idx.msk [tilespmem:v23+s23+$0x0], $0xffff  }
0x19a: {  	v28 =	vadd.s32 v3, v29;
	v29 =	vadd.s32 s0, v12;
	[tilespmem:s31+$0xFFFFFEA0] =	vst v17;
	v16 =	vld.idx.msk [tilespmem:v16+s23+$0x0], $0xffff  }
0x19b: {  	v17 =	vadd.s32 v3, v29;
	v29 =	vadd.s32 s19, v12;
	[tilespmem:s31+$0xFFFFFFB0] =	vst v19;
	v24 =	vld.idx.msk [tilespmem:v24+s23+$0x0], $0xffff  }
0x19c: {  	[tilespmem:s31+$0xFFFFFF20] =	vst v18;
	v19 =	vadd.s32 v3, v29;
	v29 =	vadd.s32 s3, v12;
	v18 =	vld.idx.msk [tilespmem:v25+s23+$0x0], $0xffff  }
0x19d: {  	[tilespmem:s31+$0xFFFFFC20] =	vst v20;
	v25 =	vld.idx.msk [tilespmem:v26+s23+$0x0], $0xffff;
	v26 =	vadd.s32 s24, v11;
	v20 =	vadd.s32 v3, v29  }
0x19e: {  	[tilespmem:s31+$0xFFFFFCB0] =	vst v21;
	v21 =	vadd.s32 s8, v12;
	v27 =	vld.idx.msk [tilespmem:v27+s23+$0x0], $0xffff;
	v26 =	vadd.s32 v4, v26  }
0x19f: {  	v21 =	vadd.s32 v3, v21;
	v28 =	vld.idx.msk [tilespmem:v28+s23+$0x0], $0xffff;
	[tilespmem:s31+$0xFFFFFD30] =	vst v22;
	v22 =	vadd.s32 s22, v12  }
0x1a0: {  	v29 =	vadd.s32 s6, v12;
	v17 =	vld.idx.msk [tilespmem:v17+s23+$0x0], $0xffff;
	[tilespmem:s31+$0xFFFFFDB0] =	vst v23;
	v22 =	vadd.s32 v3, v22  }
0x1a1: {  	v23 =	vadd.s32 v3, v29;
	v29 =	vadd.s32 s16, v11;
	v19 =	vld.idx.msk [tilespmem:v19+s23+$0x0], $0xffff;
	[tilespmem:s31+$0xFFFFFE30] =	vst v16  }
0x1a2: {  	v16 =	vadd.s32 v4, v29;
	v29 =	vadd.s32 s0, v11;
	[tilespmem:s31+$0xFFFFFFC0] =	vst v18;
	v20 =	vld.idx.msk [tilespmem:v20+s23+$0x0], $0xffff  }
0x1a3: {  	[tilespmem:s31+$0xFFFFFEB0] =	vst v24;
	v18 =	vadd.s32 v4, v29;
	v29 =	vadd.s32 s19, v11;
	v24 =	vld.idx.msk [tilespmem:v26+s23+$0x0], $0xffff  }
0x1a4: {  	[tilespmem:s31+$0xFFFFFF30] =	vst v25;
	v25 =	vadd.s32 s24, v10;
	v21 =	vld.idx.msk [tilespmem:v21+s23+$0x0], $0xffff;
	v26 =	vadd.s32 v4, v29  }
0x1a5: {  	[tilespmem:s31+$0xFFFFFC30] =	vst v27;
	v27 =	vadd.s32 s3, v11;
	v25 =	vadd.s32 v5, v25;
	v22 =	vld.idx.msk [tilespmem:v22+s23+$0x0], $0xffff  }
0x1a6: {  	[tilespmem:s31+$0xFFFFFCC0] =	vst v28;
	v27 =	vadd.s32 v4, v27;
	v28 =	vadd.s32 s8, v11;
	v23 =	vld.idx.msk [tilespmem:v23+s23+$0x0], $0xffff  }
0x1a7: {  	[tilespmem:s31+$0xFFFFFD40] =	vst v17;
	v17 =	vadd.s32 v4, v28;
	v28 =	vadd.s32 s22, v11;
	v16 =	vld.idx.msk [tilespmem:v16+s23+$0x0], $0xffff  }
0x1a8: {  	v29 =	vadd.s32 s6, v11;
	[tilespmem:s31+$0xFFFFFDC0] =	vst v19;
	v19 =	vadd.s32 v4, v28;
	v18 =	vld.idx.msk [tilespmem:v18+s23+$0x0], $0xffff  }
0x1a9: {  	v28 =	vadd.s32 v4, v29;
	v29 =	vadd.s32 s16, v10;
	[tilespmem:s31+$0xFFFFFFD0] =	vst v24;
	v26 =	vld.idx.msk [tilespmem:v26+s23+$0x0], $0xffff  }
0x1aa: {  	v24 =	vadd.s32 v5, v29;
	v29 =	vadd.s32 s0, v10;
	[tilespmem:s31+$0xFFFFFE40] =	vst v20;
	v20 =	vld.idx.msk [tilespmem:v25+s23+$0x0], $0xffff  }
0x1ab: {  	[tilespmem:s31+$0xFFFFFEC0] =	vst v21;
	v21 =	vadd.s32 s24, v9;
	v25 =	vadd.s32 v5, v29;
	v27 =	vld.idx.msk [tilespmem:v27+s23+$0x0], $0xffff  }
0x1ac: {  	v29 =	vadd.s32 s19, v10;
	v21 =	vadd.s32 v6, v21;
	v17 =	vld.idx.msk [tilespmem:v17+s23+$0x0], $0xffff;
	[tilespmem:s31+$0xFFFFFF40] =	vst v22  }
0x1ad: {  	[tilespmem:s31+$0xFFFFFC40] =	vst v23;
	v22 =	vadd.s32 v5, v29;
	v23 =	vadd.s32 s3, v10;
	v19 =	vld.idx.msk [tilespmem:v19+s23+$0x0], $0xffff  }
0x1ae: {  	v28 =	vld.idx.msk [tilespmem:v28+s23+$0x0], $0xffff;
	[tilespmem:s31+$0xFFFFFCD0] =	vst v16;
	v16 =	vadd.s32 v5, v23;
	v23 =	vadd.s32 s8, v10  }
0x1af: {  	v24 =	vld.idx.msk [tilespmem:v24+s23+$0x0], $0xffff;
	[tilespmem:s31+$0xFFFFFD50] =	vst v18;
	v18 =	vadd.s32 v5, v23;
	v23 =	vadd.s32 s22, v10  }
0x1b0: {  	v29 =	vadd.s32 s6, v10;
	v25 =	vld.idx.msk [tilespmem:v25+s23+$0x0], $0xffff;
	v23 =	vadd.s32 v5, v23;
	[tilespmem:s31+$0xFFFFFFE0] =	vst v20  }
0x1b1: {  	v20 =	vadd.s32 v5, v29;
	v29 =	vadd.s32 s16, v9;
	[tilespmem:s31+$0xFFFFFDD0] =	vst v26;
	v21 =	vld.idx.msk [tilespmem:v21+s23+$0x0], $0xffff  }
0x1b2: {  	[tilespmem:s31+$0xFFFFFE50] =	vst v27;
	v27 =	vadd.s32 s24, v8;
	v26 =	vadd.s32 v6, v29;
	v22 =	vld.idx.msk [tilespmem:v22+s23+$0x0], $0xffff  }
0x1b3: {  	v29 =	vadd.s32 s0, v9;
	[tilespmem:s31+$0xFFFFFED0] =	vst v17;
	v17 =	vadd.s32 v7, v27;
	v16 =	vld.idx.msk [tilespmem:v16+s23+$0x0], $0xffff  }
0x1b4: {  	v27 =	vadd.s32 v6, v29;
	v29 =	vadd.s32 s19, v9;
	[tilespmem:s31+$0xFFFFFF50] =	vst v19;
	v18 =	vld.idx.msk [tilespmem:v18+s23+$0x0], $0xffff  }
0x1b5: {  	[tilespmem:s31+$0xFFFFFC50] =	vst v28;
	v19 =	vadd.s32 v6, v29;
	v28 =	vadd.s32 s3, v9;
	v23 =	vld.idx.msk [tilespmem:v23+s23+$0x0], $0xffff  }
0x1b6: {  	[tilespmem:s31+$0xFFFFFCE0] =	vst v24;
	v24 =	vadd.s32 s8, v9;
	v29 =	vld.idx.msk [tilespmem:v20+s23+$0x0], $0xffff;
	v20 =	vadd.s32 v6, v28  }
0x1b7: {  	v24 =	vadd.s32 v6, v24;
	v28 =	vld.idx.msk [tilespmem:v26+s23+$0x0], $0xffff;
	v26 =	vadd.s32 s22, v9;
	[tilespmem:s31+$0xFFFFFFF0] =	vst v21  }
0x1b8: {  	s29 =	simm.s32 $0x8;
	[tilespmem:s31+$0xFFFFFD60] =	vst v25;
	v21 =	vadd.s32 s6, v9;
	v25 =	vadd.s32 v6, v26;
	v30 =	vld.idx.msk [tilespmem:v17+s23+$0x0], $0xffff  }
0x1b9: {  	v17 =	vadd.s32 s29, v15;
	v31 =	vadd.s32 v6, v21;
	v32 =	vld.idx.msk [tilespmem:v27+s23+$0x0], $0xffff;
	[tilespmem:s31+$0xFFFFFDE0] =	vst v22  }
0x1ba: {  	v22 =	vadd.s32 v0, v17;
	v17 =	vadd.s32 s16, v8;
	v21 =	vld.idx.msk [tilespmem:v19+s23+$0x0], $0xffff;
	[tilespmem:s31+$0xFFFFFE60] =	vst v16  }
0x1bb: {  	v16 =	vadd.s32 s0, v8;
	v33 =	vadd.s32 v7, v17;
	[tilespmem:s31+$0xFFFFFEE0] =	vst v18;
	v20 =	vld.idx.msk [tilespmem:v20+s23+$0x0], $0xffff  }
0x1bc: {  	v17 =	vadd.s32 s19, v8;
	v27 =	vadd.s32 v7, v16;
	v18 =	vld.idx.msk [tilespmem:v24+s23+$0x0], $0xffff;
	[tilespmem:s31+$0xFFFFFF60] =	vst v23  }
0x1bd: {  	v16 =	vadd.s32 s3, v8;
	[tilespmem:s31+$0xFFFFFC60] =	vst v29;
	v26 =	vadd.s32 v7, v17;
	v19 =	vld.idx.msk [tilespmem:v25+s23+$0x0], $0xffff  }
0x1be: {  	v23 =	vadd.s32 v7, v16;
	v24 =	vadd.s32 s8, v8;
	[tilespmem:s31+$0xFFFFFCF0] =	vst v28;
	v17 =	vld.idx.msk [tilespmem:v31+s23+$0x0], $0xffff  }
0x1bf: {  	v24 =	vadd.s32 v7, v24;
	[tilespmem:s31+$0x0] =	vst v30;
	v25 =	vadd.s32 s22, v8;
	v16 =	vld.idx.msk [tilespmem:v22+s23+$0x0], $0xffff  }
0x1c0: {  	s0 =	simm.s32 $0x10;
	s3 =	simm.s32 $0xF;
	v28 =	vadd.s32 s6, v8;
	[tilespmem:s31+$0xFFFFFD70] =	vst v32;
	v25 =	vadd.s32 v7, v25;
	v22 =	vld.idx.msk [tilespmem:v33+s23+$0x0], $0xffff  }
.LBB2_7:
0x1c1: {  	p0 =	slt.u32 s0, $0x38;
	s8 =	sadd.s32 $0x1, s29;
	v29 =	vadd.s32 s3, v15;
	v28 =	vadd.s32 v7, v28;
	v27 =	vld.idx.msk [tilespmem:v27+s23+$0x0], $0xffff;
	[tilespmem:s31+$0xFFFFFDF0] =	vst v21  }
0x1c2: {  	s16 =	sadd.s32 $0x2, s29;
	v21 =	vadd.s32 s8, v15;
	v29 =	vadd.s32 v0, v29;
	v26 =	vld.idx.msk [tilespmem:v26+s23+$0x0], $0xffff;
	[tilespmem:s31+$0xFFFFFE70] =	vst v20  }
0x1c3: {  	s6 =	sadd.s32 $0x3, s29;
	v20 =	vadd.s32 v0, v21;
	v21 =	vadd.s32 s16, v15;
	v23 =	vld.idx.msk [tilespmem:v23+s23+$0x0], $0xffff;
	[tilespmem:s31+$0xFFFFFEF0] =	vst v18  }
0x1c4: {  	s19 =	sadd.s32 $0x4, s29;
	v18 =	vadd.s32 v0, v21;
	v21 =	vadd.s32 s6, v15;
	v24 =	vld.idx.msk [tilespmem:v24+s23+$0x0], $0xffff;
	[tilespmem:s31+$0xFFFFFF70] =	vst v19  }
0x1c5: {  	s22 =	sadd.s32 $0x5, s29;
	v19 =	vadd.s32 v0, v21;
	v21 =	vadd.s32 s19, v15;
	[tilespmem:s31+$0xFFFFFC70] =	vst v17;
	v17 =	vld.idx.msk [tilespmem:v25+s23+$0x0], $0xffff  }
0x1c6: {  	s24 =	sadd.s32 $0x6, s29;
	v25 =	vadd.s32 s22, v15;
	v21 =	vadd.s32 v0, v21;
	v28 =	vld.idx.msk [tilespmem:v28+s23+$0x0], $0xffff;
	[tilespmem:s31+$0xFFFFFD00] =	vst v22  }
0x1c7: {  	v22 =	vadd.s32 v0, v25;
	v25 =	vadd.s32 s24, v15;
	v29 =	vld.idx.msk [tilespmem:v29+s23+$0x0], $0xffff;
	[tilespmem:s31+$0xFFFFFD80] =	vst v27  }
0x1c8: {  	v25 =	vadd.s32 v0, v25;
	v27 =	vadd.s32 s3, v14;
	v20 =	vld.idx.msk [tilespmem:v20+s23+$0x0], $0xffff;
	[tilespmem:s31+$0xFFFFFE00] =	vst v26  }
0x1c9: {  	v26 =	vadd.s32 s8, v14;
	v27 =	vadd.s32 v1, v27;
	v18 =	vld.idx.msk [tilespmem:v18+s23+$0x0], $0xffff;
	[tilespmem:s31+$0xFFFFFE80] =	vst v23  }
0x1ca: {  	v23 =	vadd.s32 v1, v26;
	v26 =	vadd.s32 s16, v14;
	v19 =	vld.idx.msk [tilespmem:v19+s23+$0x0], $0xffff;
	[tilespmem:s31+$0xFFFFFF00] =	vst v24  }
0x1cb: {  	v24 =	vadd.s32 v1, v26;
	v26 =	vadd.s32 s6, v14;
	v21 =	vld.idx.msk [tilespmem:v21+s23+$0x0], $0xffff;
	[tilespmem:s31+$0xFFFFFF80] =	vst v17  }
0x1cc: {  	v17 =	vadd.s32 v1, v26;
	v26 =	vadd.s32 s19, v14;
	v22 =	vld.idx.msk [tilespmem:v22+s23+$0x0], $0xffff;
	[tilespmem:s31+$0xFFFFFC80] =	vst v28;
	s31 =	sadd.s32 $0x400, s31  }
0x1cd: {  	v26 =	vadd.s32 v1, v26;
	v28 =	vadd.s32 s22, v14;
	v25 =	vld.idx.msk [tilespmem:v25+s23+$0x0], $0xffff;
	[tilespmem:s31+$0xFFFFFF90] =	vst v29  }
0x1ce: {  	[tilespmem:s31+$0xFFFFFC90] =	vst v20;
	v20 =	vadd.s32 v1, v28;
	v28 =	vadd.s32 s24, v14;
	v27 =	vld.idx.msk [tilespmem:v27+s23+$0x0], $0xffff  }
0x1cf: {  	v23 =	vld.idx.msk [tilespmem:v23+s23+$0x0], $0xffff;
	[tilespmem:s31+$0xFFFFFD10] =	vst v18;
	v18 =	vadd.s32 v1, v28;
	v28 =	vadd.s32 s3, v13  }
0x1d0: {  	v29 =	vadd.s32 s29, v14;
	v24 =	vld.idx.msk [tilespmem:v24+s23+$0x0], $0xffff;
	[tilespmem:s31+$0xFFFFFD90] =	vst v19;
	v19 =	vadd.s32 v2, v28  }
0x1d1: {  	v28 =	vadd.s32 v1, v29;
	v29 =	vadd.s32 s8, v13;
	v17 =	vld.idx.msk [tilespmem:v17+s23+$0x0], $0xffff;
	[tilespmem:s31+$0xFFFFFE10] =	vst v21  }
0x1d2: {  	v21 =	vadd.s32 v2, v29;
	v29 =	vadd.s32 s16, v13;
	v26 =	vld.idx.msk [tilespmem:v26+s23+$0x0], $0xffff;
	[tilespmem:s31+$0xFFFFFE90] =	vst v22  }
0x1d3: {  	v22 =	vadd.s32 v2, v29;
	v29 =	vadd.s32 s6, v13;
	v20 =	vld.idx.msk [tilespmem:v20+s23+$0x0], $0xffff;
	[tilespmem:s31+$0xFFFFFF10] =	vst v25  }
0x1d4: {  	v25 =	vadd.s32 v2, v29;
	v29 =	vadd.s32 s19, v13;
	v18 =	vld.idx.msk [tilespmem:v18+s23+$0x0], $0xffff;
	[tilespmem:s31+$0xFFFFFFA0] =	vst v27  }
0x1d5: {  	v27 =	vadd.s32 s22, v13;
	[tilespmem:s31+$0xFFFFFC10] =	vst v16;
	v16 =	vadd.s32 v2, v29;
	v19 =	vld.idx.msk [tilespmem:v19+s23+$0x0], $0xffff  }
0x1d6: {  	v28 =	vld.idx.msk [tilespmem:v28+s23+$0x0], $0xffff;
	[tilespmem:s31+$0xFFFFFCA0] =	vst v23;
	v23 =	vadd.s32 v2, v27;
	v27 =	vadd.s32 s3, v12  }
0x1d7: {  	v21 =	vld.idx.msk [tilespmem:v21+s23+$0x0], $0xffff;
	[tilespmem:s31+$0xFFFFFD20] =	vst v24;
	v24 =	vadd.s32 s24, v13;
	v27 =	vadd.s32 v3, v27  }
0x1d8: {  	v29 =	vadd.s32 s29, v13;
	v22 =	vld.idx.msk [tilespmem:v22+s23+$0x0], $0xffff;
	[tilespmem:s31+$0xFFFFFDA0] =	vst v17;
	v17 =	vadd.s32 v2, v24  }
0x1d9: {  	v24 =	vadd.s32 v2, v29;
	v29 =	vadd.s32 s8, v12;
	v25 =	vld.idx.msk [tilespmem:v25+s23+$0x0], $0xffff;
	[tilespmem:s31+$0xFFFFFE20] =	vst v26  }
0x1da: {  	v26 =	vadd.s32 v3, v29;
	v29 =	vadd.s32 s16, v12;
	v16 =	vld.idx.msk [tilespmem:v16+s23+$0x0], $0xffff;
	[tilespmem:s31+$0xFFFFFEA0] =	vst v20  }
0x1db: {  	v20 =	vadd.s32 v3, v29;
	v29 =	vadd.s32 s6, v12;
	v23 =	vld.idx.msk [tilespmem:v23+s23+$0x0], $0xffff;
	[tilespmem:s31+$0xFFFFFFB0] =	vst v19  }
0x1dc: {  	v19 =	vadd.s32 v3, v29;
	v29 =	vadd.s32 s19, v12;
	[tilespmem:s31+$0xFFFFFF20] =	vst v18;
	v18 =	vld.idx.msk [tilespmem:v27+s23+$0x0], $0xffff  }
0x1dd: {  	v27 =	vadd.s32 v3, v29;
	[tilespmem:s31+$0xFFFFFC20] =	vst v28;
	v17 =	vld.idx.msk [tilespmem:v17+s23+$0x0], $0xffff;
	v28 =	vadd.s32 s3, v11  }
0x1de: {  	v24 =	vld.idx.msk [tilespmem:v24+s23+$0x0], $0xffff;
	[tilespmem:s31+$0xFFFFFCB0] =	vst v21;
	v21 =	vadd.s32 s22, v12;
	v28 =	vadd.s32 v4, v28  }
0x1df: {  	v26 =	vld.idx.msk [tilespmem:v26+s23+$0x0], $0xffff;
	[tilespmem:s31+$0xFFFFFD30] =	vst v22;
	v21 =	vadd.s32 v3, v21;
	v22 =	vadd.s32 s24, v12  }
0x1e0: {  	v29 =	vadd.s32 s29, v12;
	v20 =	vld.idx.msk [tilespmem:v20+s23+$0x0], $0xffff;
	[tilespmem:s31+$0xFFFFFDB0] =	vst v25;
	v22 =	vadd.s32 v3, v22  }
0x1e1: {  	v25 =	vadd.s32 v3, v29;
	v29 =	vadd.s32 s8, v11;
	v19 =	vld.idx.msk [tilespmem:v19+s23+$0x0], $0xffff;
	[tilespmem:s31+$0xFFFFFE30] =	vst v16  }
0x1e2: {  	v16 =	vadd.s32 v4, v29;
	v29 =	vadd.s32 s16, v11;
	v27 =	vld.idx.msk [tilespmem:v27+s23+$0x0], $0xffff;
	[tilespmem:s31+$0xFFFFFFC0] =	vst v18  }
0x1e3: {  	v18 =	vadd.s32 v4, v29;
	v29 =	vadd.s32 s6, v11;
	[tilespmem:s31+$0xFFFFFEB0] =	vst v23;
	v23 =	vld.idx.msk [tilespmem:v28+s23+$0x0], $0xffff  }
0x1e4: {  	v28 =	vadd.s32 v4, v29;
	v21 =	vld.idx.msk [tilespmem:v21+s23+$0x0], $0xffff;
	[tilespmem:s31+$0xFFFFFF30] =	vst v17;
	v17 =	vadd.s32 s3, v10  }
0x1e5: {  	[tilespmem:s31+$0xFFFFFC30] =	vst v24;
	v24 =	vadd.s32 s19, v11;
	v22 =	vld.idx.msk [tilespmem:v22+s23+$0x0], $0xffff;
	v17 =	vadd.s32 v5, v17  }
0x1e6: {  	v25 =	vld.idx.msk [tilespmem:v25+s23+$0x0], $0xffff;
	[tilespmem:s31+$0xFFFFFCC0] =	vst v26;
	v24 =	vadd.s32 v4, v24;
	v26 =	vadd.s32 s22, v11  }
0x1e7: {  	v16 =	vld.idx.msk [tilespmem:v16+s23+$0x0], $0xffff;
	[tilespmem:s31+$0xFFFFFD40] =	vst v20;
	v20 =	vadd.s32 v4, v26;
	v26 =	vadd.s32 s24, v11  }
0x1e8: {  	v29 =	vadd.s32 s29, v11;
	v18 =	vld.idx.msk [tilespmem:v18+s23+$0x0], $0xffff;
	[tilespmem:s31+$0xFFFFFDC0] =	vst v19;
	v19 =	vadd.s32 v4, v26  }
0x1e9: {  	v26 =	vadd.s32 v4, v29;
	v29 =	vadd.s32 s8, v10;
	v28 =	vld.idx.msk [tilespmem:v28+s23+$0x0], $0xffff;
	[tilespmem:s31+$0xFFFFFFD0] =	vst v23  }
0x1ea: {  	v23 =	vadd.s32 v5, v29;
	v29 =	vadd.s32 s16, v10;
	[tilespmem:s31+$0xFFFFFE40] =	vst v27;
	v17 =	vld.idx.msk [tilespmem:v17+s23+$0x0], $0xffff  }
0x1eb: {  	v27 =	vadd.s32 v5, v29;
	v24 =	vld.idx.msk [tilespmem:v24+s23+$0x0], $0xffff;
	[tilespmem:s31+$0xFFFFFEC0] =	vst v21;
	v21 =	vadd.s32 s3, v9  }
0x1ec: {  	v29 =	vadd.s32 s6, v10;
	v20 =	vld.idx.msk [tilespmem:v20+s23+$0x0], $0xffff;
	[tilespmem:s31+$0xFFFFFF40] =	vst v22;
	v21 =	vadd.s32 v6, v21  }
0x1ed: {  	v22 =	vadd.s32 v5, v29;
	[tilespmem:s31+$0xFFFFFC40] =	vst v25;
	v25 =	vadd.s32 s19, v10;
	v19 =	vld.idx.msk [tilespmem:v19+s23+$0x0], $0xffff  }
0x1ee: {  	v26 =	vld.idx.msk [tilespmem:v26+s23+$0x0], $0xffff;
	[tilespmem:s31+$0xFFFFFCD0] =	vst v16;
	v16 =	vadd.s32 v5, v25;
	v25 =	vadd.s32 s22, v10  }
0x1ef: {  	v23 =	vld.idx.msk [tilespmem:v23+s23+$0x0], $0xffff;
	[tilespmem:s31+$0xFFFFFD50] =	vst v18;
	v18 =	vadd.s32 v5, v25;
	v25 =	vadd.s32 s24, v10  }
0x1f0: {  	v29 =	vadd.s32 s29, v10;
	v27 =	vld.idx.msk [tilespmem:v27+s23+$0x0], $0xffff;
	v25 =	vadd.s32 v5, v25;
	[tilespmem:s31+$0xFFFFFFE0] =	vst v17  }
0x1f1: {  	v17 =	vadd.s32 v5, v29;
	v29 =	vadd.s32 s8, v9;
	[tilespmem:s31+$0xFFFFFDD0] =	vst v28;
	v21 =	vld.idx.msk [tilespmem:v21+s23+$0x0], $0xffff  }
0x1f2: {  	v28 =	vadd.s32 v6, v29;
	v22 =	vld.idx.msk [tilespmem:v22+s23+$0x0], $0xffff;
	[tilespmem:s31+$0xFFFFFE50] =	vst v24;
	v24 =	vadd.s32 s3, v8  }
0x1f3: {  	v29 =	vadd.s32 s16, v9;
	v16 =	vld.idx.msk [tilespmem:v16+s23+$0x0], $0xffff;
	[tilespmem:s31+$0xFFFFFED0] =	vst v20;
	v20 =	vadd.s32 v7, v24  }
0x1f4: {  	v24 =	vadd.s32 v6, v29;
	v29 =	vadd.s32 s6, v9;
	v18 =	vld.idx.msk [tilespmem:v18+s23+$0x0], $0xffff;
	[tilespmem:s31+$0xFFFFFF50] =	vst v19  }
0x1f5: {  	v19 =	vadd.s32 v6, v29;
	[tilespmem:s31+$0xFFFFFC50] =	vst v26;
	v26 =	vadd.s32 s19, v9;
	v25 =	vld.idx.msk [tilespmem:v25+s23+$0x0], $0xffff  }
0x1f6: {  	v17 =	vld.idx.msk [tilespmem:v17+s23+$0x0], $0xffff;
	[tilespmem:s31+$0xFFFFFCE0] =	vst v23;
	v23 =	vadd.s32 v6, v26;
	v26 =	vadd.s32 s22, v9  }
0x1f7: {  	v29 =	vadd.s32 s24, v9;
	v28 =	vld.idx.msk [tilespmem:v28+s23+$0x0], $0xffff;
	v26 =	vadd.s32 v6, v26;
	[tilespmem:s31+$0xFFFFFFF0] =	vst v21  }
0x1f8: {  	v29 =	vadd.s32 v6, v29;
	v21 =	vadd.s32 s29, v9;
	[tilespmem:s31+$0xFFFFFD60] =	vst v27;
	v30 =	vld.idx.msk [tilespmem:v20+s23+$0x0], $0xffff  }
0x1f9: {  	v20 =	vadd.s32 s0, v15;
	v31 =	vadd.s32 v6, v21;
	v32 =	vld.idx.msk [tilespmem:v24+s23+$0x0], $0xffff;
	[tilespmem:s31+$0xFFFFFDE0] =	vst v22  }
0x1fa: {  	v22 =	vadd.s32 v0, v20;
	v20 =	vadd.s32 s8, v8;
	v21 =	vld.idx.msk [tilespmem:v19+s23+$0x0], $0xffff;
	[tilespmem:s31+$0xFFFFFE60] =	vst v16  }
0x1fb: {  	v33 =	vadd.s32 v7, v20;
	v16 =	vadd.s32 s16, v8;
	v20 =	vld.idx.msk [tilespmem:v23+s23+$0x0], $0xffff;
	[tilespmem:s31+$0xFFFFFEE0] =	vst v18  }
.Ltmp2:
0x1fc: {  	v27 =	vadd.s32 v7, v16;
	v16 =	vadd.s32 s6, v8;
	v18 =	vld.idx.msk [tilespmem:v26+s23+$0x0], $0xffff;
	[tilespmem:s31+$0xFFFFFF60] =	vst v25;
	(pc) =	sbr.rel @p0 .LBB2_7-.Ltmp2, $4  }
0x1fd: {  	v26 =	vadd.s32 v7, v16;
	v16 =	vadd.s32 s19, v8;
	[tilespmem:s31+$0xFFFFFC60] =	vst v17;
	v19 =	vld.idx.msk [tilespmem:v29+s23+$0x0], $0xffff  }
0x1fe: {  	v24 =	vadd.s32 s22, v8;
	v23 =	vadd.s32 v7, v16;
	v17 =	vld.idx.msk [tilespmem:v31+s23+$0x0], $0xffff;
	[tilespmem:s31+$0x0] =	vst v30  }
0x1ff: {  	v24 =	vadd.s32 v7, v24;
	v25 =	vadd.s32 s24, v8;
	v16 =	vld.idx.msk [tilespmem:v22+s23+$0x0], $0xffff;
	[tilespmem:s31+$0xFFFFFCF0] =	vst v28  }
0x200: {  	s3 =	sadd.s32 $0x7, s0;
	v25 =	vadd.s32 v7, v25;
	v28 =	vadd.s32 s29, v8;
	s29 =	smov.u32 s0;
	s0 =	sadd.s32 $0x8, s0;
	v22 =	vld.idx.msk [tilespmem:v33+s23+$0x0], $0xffff;
	[tilespmem:s31+$0xFFFFFD70] =	vst v32  }
0x201: {  	_ =	sdelay $0x1  }
0x202: {  	[tilespmem:s31+$0xFFFFFDF0] =	vst v21  }
0x203: {  	[tilespmem:s31+$0xFFFFFE70] =	vst v20  }
0x204: {  	s0 =	sadd.s32 $0x1, s29;
	v48 =	vadd.s32 s3, v15;
	v28 =	vadd.s32 v7, v28;
	v27 =	vld.idx.msk [tilespmem:v27+s23+$0x0], $0xffff;
	[tilespmem:s31+$0xFFFFFEF0] =	vst v18  }
0x205: {  	s6 =	sadd.s32 $0x2, s29;
	v49 =	vadd.s32 s0, v15;
	v21 =	vadd.s32 v0, v48;
	v26 =	vld.idx.msk [tilespmem:v26+s23+$0x0], $0xffff;
	[tilespmem:s31+$0xFFFFFF70] =	vst v19  }
0x206: {  	s16 =	sadd.s32 $0x3, s29;
	s8 =	sadd.s32 $0x400, s31;
	v51 =	vadd.s32 s6, v15;
	v23 =	vld.idx.msk [tilespmem:v23+s23+$0x0], $0xffff;
	v50 =	vadd.s32 v0, v49;
	[tilespmem:s31+$0xFFFFFC70] =	vst v17  }
0x207: {  	s19 =	sadd.s32 $0x4, s29;
	v53 =	vadd.s32 s16, v15;
	v24 =	vld.idx.msk [tilespmem:v24+s23+$0x0], $0xffff;
	v52 =	vadd.s32 v0, v51;
	[tilespmem:s8+$0xFFFFFC10] =	vst v16  }
0x208: {  	s22 =	sadd.s32 $0x5, s29;
	v55 =	vadd.s32 s19, v15;
	v54 =	vadd.s32 v0, v53;
	v25 =	vld.idx.msk [tilespmem:v25+s23+$0x0], $0xffff;
	[tilespmem:s31+$0xFFFFFD00] =	vst v22  }
0x209: {  	s24 =	sadd.s32 $0x6, s29;
	v56 =	vadd.s32 s22, v15;
	v20 =	vadd.s32 v0, v55;
	v28 =	vld.idx.msk [tilespmem:v28+s23+$0x0], $0xffff;
	[tilespmem:s31+$0xFFFFFD80] =	vst v27  }
0x20a: {  	v57 =	vadd.s32 s24, v15;
	v22 =	vadd.s32 v0, v56;
	v21 =	vld.idx.msk [tilespmem:v21+s23+$0x0], $0xffff;
	[tilespmem:s31+$0xFFFFFE00] =	vst v26  }
0x20b: {  	v58 =	vadd.s32 s3, v14;
	v15 =	vadd.s32 v0, v57;
	[tilespmem:s31+$0xFFFFFE80] =	vst v23;
	v18 =	vld.idx.msk [tilespmem:v50+s23+$0x0], $0xffff  }
0x20c: {  	v59 =	vadd.s32 v1, v58;
	v60 =	vadd.s32 s0, v14;
	[tilespmem:s31+$0xFFFFFF00] =	vst v24;
	v19 =	vld.idx.msk [tilespmem:v52+s23+$0x0], $0xffff  }
0x20d: {  	v61 =	vadd.s32 s6, v14;
	v24 =	vadd.s32 v1, v60;
	v17 =	vld.idx.msk [tilespmem:v54+s23+$0x0], $0xffff;
	[tilespmem:s31+$0xFFFFFF80] =	vst v25  }
0x20e: {  	v62 =	vadd.s32 s16, v14;
	v20 =	vld.idx.msk [tilespmem:v20+s23+$0x0], $0xffff;
	v25 =	vadd.s32 v1, v61;
	[tilespmem:s31+$0xFFFFFC80] =	vst v28  }
0x20f: {  	v30 =	vadd.s32 s22, v14;
	v63 =	vadd.s32 v1, v62;
	v22 =	vld.idx.msk [tilespmem:v22+s23+$0x0], $0xffff;
	[tilespmem:s8+$0xFFFFFF90] =	vst v21  }
0x210: {  	v34 =	vadd.s32 s29, v14;
	v31 =	vadd.s32 v1, v30;
	v15 =	vld.idx.msk [tilespmem:v15+s23+$0x0], $0xffff;
	[tilespmem:s8+$0xFFFFFC90] =	vst v18  }
0x211: {  	v33 =	vadd.s32 s24, v14;
	v28 =	vadd.s32 s19, v14;
	v14 =	vadd.s32 v1, v34;
	v23 =	vld.idx.msk [tilespmem:v59+s23+$0x0], $0xffff;
	[tilespmem:s8+$0xFFFFFD10] =	vst v19  }
0x212: {  	v29 =	vadd.s32 v1, v28;
	[tilespmem:s8+$0xFFFFFD90] =	vst v17;
	v24 =	vld.idx.msk [tilespmem:v24+s23+$0x0], $0xffff  }
0x213: {  	v32 =	vadd.s32 s3, v13;
	[tilespmem:s8+$0xFFFFFE10] =	vst v20;
	v17 =	vadd.s32 v1, v33;
	v35 =	vld.idx.msk [tilespmem:v25+s23+$0x0], $0xffff  }
0x214: {  	v36 =	vadd.s32 s0, v13;
	v26 =	vadd.s32 v2, v32;
	v21 =	vld.idx.msk [tilespmem:v63+s23+$0x0], $0xffff;
	[tilespmem:s8+$0xFFFFFE90] =	vst v22  }
0x215: {  	v38 =	vadd.s32 s6, v13;
	v37 =	vadd.s32 v2, v36;
	[tilespmem:s8+$0xFFFFFF10] =	vst v15;
	v19 =	vld.idx.msk [tilespmem:v31+s23+$0x0], $0xffff  }
0x216: {  	v39 =	vadd.s32 s16, v13;
	v22 =	vadd.s32 v2, v38;
	v14 =	vld.idx.msk [tilespmem:v14+s23+$0x0], $0xffff;
	[tilespmem:s8+$0xFFFFFFA0] =	vst v23  }
0x217: {  	v44 =	vadd.s32 s22, v13;
	v40 =	vadd.s32 v2, v39;
	v18 =	vld.idx.msk [tilespmem:v29+s23+$0x0], $0xffff;
	[tilespmem:s8+$0xFFFFFCA0] =	vst v24  }
0x218: {  	v46 =	vadd.s32 s29, v13;
	v20 =	vadd.s32 v2, v44;
	v17 =	vld.idx.msk [tilespmem:v17+s23+$0x0], $0xffff;
	[tilespmem:s8+$0xFFFFFD20] =	vst v35  }
0x219: {  	v41 =	vadd.s32 s19, v13;
	v45 =	vadd.s32 s24, v13;
	v13 =	vadd.s32 v2, v46;
	v42 =	vld.idx.msk [tilespmem:v26+s23+$0x0], $0xffff;
	[tilespmem:s8+$0xFFFFFDA0] =	vst v21  }
0x21a: {  	v23 =	vadd.s32 v2, v41;
	v15 =	vld.idx.msk [tilespmem:v37+s23+$0x0], $0xffff;
	[tilespmem:s8+$0xFFFFFEA0] =	vst v19  }
0x21b: {  	v43 =	vadd.s32 s3, v12;
	v21 =	vadd.s32 v2, v45;
	v47 =	vld.idx.msk [tilespmem:v22+s23+$0x0], $0xffff;
	[tilespmem:s8+$0xFFFFFC20] =	vst v14  }
0x21c: {  	v48 =	vadd.s32 s0, v12;
	v24 =	vadd.s32 v3, v43;
	v16 =	vld.idx.msk [tilespmem:v40+s23+$0x0], $0xffff;
	[tilespmem:s8+$0xFFFFFE20] =	vst v18  }
0x21d: {  	v49 =	vadd.s32 s6, v12;
	v19 =	vadd.s32 v3, v48;
	v52 =	vld.idx.msk [tilespmem:v20+s23+$0x0], $0xffff;
	[tilespmem:s8+$0xFFFFFF20] =	vst v17  }
0x21e: {  	v51 =	vadd.s32 s16, v12;
	v50 =	vadd.s32 v3, v49;
	v13 =	vld.idx.msk [tilespmem:v13+s23+$0x0], $0xffff;
	[tilespmem:s8+$0xFFFFFFB0] =	vst v42  }
0x21f: {  	v53 =	vadd.s32 v3, v51;
	v56 =	vadd.s32 s22, v12;
	v23 =	vld.idx.msk [tilespmem:v23+s23+$0x0], $0xffff;
	[tilespmem:s8+$0xFFFFFCB0] =	vst v15  }
0x220: {  	v59 =	vadd.s32 s29, v12;
	v18 =	vadd.s32 v3, v56;
	v21 =	vld.idx.msk [tilespmem:v21+s23+$0x0], $0xffff;
	[tilespmem:s8+$0xFFFFFD30] =	vst v47  }
0x221: {  	v58 =	vadd.s32 s24, v12;
	v55 =	vadd.s32 s19, v12;
	v12 =	vadd.s32 v3, v59;
	v24 =	vld.idx.msk [tilespmem:v24+s23+$0x0], $0xffff;
	[tilespmem:s8+$0xFFFFFDB0] =	vst v16  }
0x222: {  	v54 =	vadd.s32 s3, v11;
	v15 =	vadd.s32 v3, v55;
	v57 =	vld.idx.msk [tilespmem:v19+s23+$0x0], $0xffff;
	[tilespmem:s8+$0xFFFFFEB0] =	vst v52  }
0x223: {  	v22 =	vadd.s32 v4, v54;
	v17 =	vld.idx.msk [tilespmem:v50+s23+$0x0], $0xffff;
	[tilespmem:s8+$0xFFFFFC30] =	vst v13  }
0x224: {  	v60 =	vadd.s32 s0, v11;
	v19 =	vadd.s32 v3, v58;
	v20 =	vld.idx.msk [tilespmem:v53+s23+$0x0], $0xffff;
	[tilespmem:s8+$0xFFFFFE30] =	vst v23  }
0x225: {  	v62 =	vadd.s32 s6, v11;
	v61 =	vadd.s32 v4, v60;
	v18 =	vld.idx.msk [tilespmem:v18+s23+$0x0], $0xffff;
	[tilespmem:s8+$0xFFFFFF30] =	vst v21  }
0x226: {  	v63 =	vadd.s32 v4, v62;
	v25 =	vadd.s32 s16, v11;
	v12 =	vld.idx.msk [tilespmem:v12+s23+$0x0], $0xffff;
	[tilespmem:s8+$0xFFFFFFC0] =	vst v24  }
0x227: {  	v27 =	vadd.s32 s22, v11;
	v29 =	vadd.s32 s29, v11;
	v13 =	vadd.s32 v4, v25;
	v15 =	vld.idx.msk [tilespmem:v15+s23+$0x0], $0xffff;
	[tilespmem:s8+$0xFFFFFCC0] =	vst v57  }
0x228: {  	v28 =	vadd.s32 s24, v11;
	v26 =	vadd.s32 s19, v11;
	v11 =	vadd.s32 v4, v29;
	v22 =	vld.idx.msk [tilespmem:v22+s23+$0x0], $0xffff;
	[tilespmem:s8+$0xFFFFFD40] =	vst v17  }
0x229: {  	v16 =	vadd.s32 v4, v26;
	v19 =	vld.idx.msk [tilespmem:v19+s23+$0x0], $0xffff;
	[tilespmem:s8+$0xFFFFFDC0] =	vst v20  }
0x22a: {  	v24 =	vadd.s32 s3, v10;
	v17 =	vadd.s32 v4, v27;
	v14 =	vld.idx.msk [tilespmem:v61+s23+$0x0], $0xffff;
	[tilespmem:s8+$0xFFFFFEC0] =	vst v18  }
0x22b: {  	v23 =	vadd.s32 v5, v24;
	v21 =	vld.idx.msk [tilespmem:v63+s23+$0x0], $0xffff;
	[tilespmem:s8+$0xFFFFFC40] =	vst v12  }
0x22c: {  	v32 =	vadd.s32 s6, v10;
	v20 =	vadd.s32 v4, v28;
	v13 =	vld.idx.msk [tilespmem:v13+s23+$0x0], $0xffff;
	[tilespmem:s8+$0xFFFFFE40] =	vst v15  }
0x22d: {  	v34 =	vadd.s32 s16, v10;
	v33 =	vadd.s32 v5, v32;
	v11 =	vld.idx.msk [tilespmem:v11+s23+$0x0], $0xffff;
	[tilespmem:s8+$0xFFFFFFD0] =	vst v22  }
0x22e: {  	v30 =	vadd.s32 s0, v10;
	v35 =	vadd.s32 v5, v34;
	[tilespmem:s8+$0xFFFFFF40] =	vst v19;
	v16 =	vld.idx.msk [tilespmem:v16+s23+$0x0], $0xffff  }
0x22f: {  	v36 =	vadd.s32 s19, v10;
	v39 =	vadd.s32 s29, v10;
	v15 =	vadd.s32 v5, v30;
	v17 =	vld.idx.msk [tilespmem:v17+s23+$0x0], $0xffff;
	[tilespmem:s8+$0xFFFFFCD0] =	vst v14  }
0x230: {  	v38 =	vadd.s32 s24, v10;
	v37 =	vadd.s32 s22, v10;
	v10 =	vadd.s32 v5, v39;
	v22 =	vld.idx.msk [tilespmem:v23+s23+$0x0], $0xffff;
	[tilespmem:s8+$0xFFFFFD50] =	vst v21  }
0x231: {  	v19 =	vadd.s32 v5, v36;
	v20 =	vld.idx.msk [tilespmem:v20+s23+$0x0], $0xffff;
	[tilespmem:s8+$0xFFFFFDD0] =	vst v13  }
0x232: {  	v31 =	vadd.s32 s3, v9;
	v21 =	vadd.s32 v5, v37;
	v12 =	vld.idx.msk [tilespmem:v33+s23+$0x0], $0xffff;
	[tilespmem:s8+$0xFFFFFC50] =	vst v11  }
0x233: {  	v18 =	vadd.s32 v6, v31;
	v14 =	vld.idx.msk [tilespmem:v35+s23+$0x0], $0xffff;
	[tilespmem:s8+$0xFFFFFE50] =	vst v16  }
0x234: {  	v43 =	vadd.s32 s6, v9;
	v40 =	vadd.s32 v5, v38;
	v15 =	vld.idx.msk [tilespmem:v15+s23+$0x0], $0xffff;
	[tilespmem:s8+$0xFFFFFED0] =	vst v17  }
0x235: {  	v45 =	vadd.s32 s16, v9;
	v44 =	vadd.s32 v6, v43;
	v10 =	vld.idx.msk [tilespmem:v10+s23+$0x0], $0xffff;
	[tilespmem:s8+$0xFFFFFFE0] =	vst v22  }
0x236: {  	v51 =	vadd.s32 s24, v9;
	v46 =	vadd.s32 v6, v45;
	v42 =	vadd.s32 s0, v9;
	[tilespmem:s8+$0xFFFFFF50] =	vst v20;
	v19 =	vld.idx.msk [tilespmem:v19+s23+$0x0], $0xffff  }
0x237: {  	v49 =	vadd.s32 s22, v9;
	v53 =	vadd.s32 s29, v9;
	v17 =	vadd.s32 v6, v42;
	v21 =	vld.idx.msk [tilespmem:v21+s23+$0x0], $0xffff;
	[tilespmem:s8+$0xFFFFFD60] =	vst v12  }
0x238: {  	v41 =	vadd.s32 s3, v8;
	v47 =	vadd.s32 s19, v9;
	v9 =	vadd.s32 v6, v53;
	v18 =	vld.idx.msk [tilespmem:v18+s23+$0x0], $0xffff;
	[tilespmem:s8+$0xFFFFFDE0] =	vst v14  }
0x239: {  	v16 =	vadd.s32 v7, v41;
	v13 =	vld.idx.msk [tilespmem:v40+s23+$0x0], $0xffff;
	[tilespmem:s8+$0xFFFFFCE0] =	vst v15  }
0x23a: {  	v48 =	vadd.s32 v6, v47;
	v11 =	vld.idx.msk [tilespmem:v44+s23+$0x0], $0xffff;
	[tilespmem:s8+$0xFFFFFC60] =	vst v10  }
0x23b: {  	v60 =	vadd.s32 s24, v8;
	v50 =	vadd.s32 v6, v49;
	v15 =	vld.idx.msk [tilespmem:v46+s23+$0x0], $0xffff;
	[tilespmem:s8+$0xFFFFFE60] =	vst v19  }
0x23c: {  	v59 =	vadd.s32 s22, v8;
	v54 =	vadd.s32 v6, v51;
	v56 =	vadd.s32 s6, v8;
	v52 =	vld.idx.msk [tilespmem:v17+s23+$0x0], $0xffff;
	[tilespmem:s8+$0xFFFFFEE0] =	vst v21  }
0x23d: {  	v55 =	vadd.s32 s0, v8;
	v58 =	vadd.s32 s19, v8;
	v20 =	vadd.s32 v7, v56;
	v9 =	vld.idx.msk [tilespmem:v9+s23+$0x0], $0xffff;
	[tilespmem:s8+$0xFFFFFFF0] =	vst v18  }
0x23e: {  	v57 =	vadd.s32 s16, v8;
	v8 =	vadd.s32 s29, v8;
	v19 =	vadd.s32 v7, v55;
	[tilespmem:s8+$0xFFFFFF60] =	vst v13;
	v16 =	vld.idx.msk [tilespmem:v16+s23+$0x0], $0xffff  }
0x23f: {  	v8 =	vadd.s32 v7, v8;
	v18 =	vld.idx.msk [tilespmem:v48+s23+$0x0], $0xffff;
	[tilespmem:s8+$0xFFFFFD70] =	vst v11  }
0x240: {  	v12 =	vld.idx.msk [tilespmem:v50+s23+$0x0], $0xffff;
	v13 =	vadd.s32 v7, v57;
	[tilespmem:s8+$0xFFFFFDF0] =	vst v15  }
0x241: {  	v10 =	vadd.s32 v7, v58;
	v17 =	vld.idx.msk [tilespmem:v54+s23+$0x0], $0xffff;
	[tilespmem:s8+$0xFFFFFCF0] =	vst v52  }
0x242: {  	v14 =	vadd.s32 v7, v60;
	v62 =	vld.idx.msk [tilespmem:v20+s23+$0x0], $0xffff;
	[tilespmem:s8+$0xFFFFFC70] =	vst v9  }
0x243: {  	v61 =	vld.idx.msk [tilespmem:v19+s23+$0x0], $0xffff;
	[tilespmem:s8+$0x0] =	vst v16;
	v16 =	vadd.s32 v7, v59  }
0x244: {  	v8 =	vld.idx.msk [tilespmem:v8+s23+$0x0], $0xffff;
	[tilespmem:s8+$0xFFFFFE70] =	vst v18  }
0x245: {  	v13 =	vld.idx.msk [tilespmem:v13+s23+$0x0], $0xffff;
	[tilespmem:s8+$0xFFFFFEF0] =	vst v12  }
0x246: {  	v10 =	vld.idx.msk [tilespmem:v10+s23+$0x0], $0xffff;
	[tilespmem:s8+$0xFFFFFF70] =	vst v17  }
0x247: {  	v63 =	vld.idx.msk [tilespmem:v14+s23+$0x0], $0xffff;
	[tilespmem:s8+$0xFFFFFD80] =	vst v62  }
0x248: {  	[tilespmem:s8+$0xFFFFFD00] =	vst v61;
	v12 =	vld.idx.msk [tilespmem:v16+s23+$0x0], $0xffff  }
0x249: {  	[tilespmem:s8+$0xFFFFFC80] =	vst v8  }
0x24a: {  	[tilespmem:s8+$0xFFFFFE00] =	vst v13  }
0x24b: {  	[tilespmem:s8+$0xFFFFFE80] =	vst v10  }
0x24c: {  	s0 =	sor.u32 $0x80, s30;
	[tilespmem:s8+$0xFFFFFF80] =	vst v63  }
0x24d: {  	s22 =	simm.s32 $0xA200;
	s19 =	sadd.s32 s4, s0;
	[tilespmem:s8+$0xFFFFFF00] =	vst v12  }
0x24e: {  	[hbm4b:s19+s5] =	stream.linear.scatter [tilespmem:s22], [sflag:$0x2], $0x400, $0x38;
	[tilespmem:$0xC300] =	vst v63  }
0x24f: {  	s24 =	sadd.s32 s0, s9;
	s29 =	simm.s32 $0xA600  }
0x250: {  	[hbm4b:s24+s5] =	stream.linear.scatter [tilespmem:s29], [sflag:$0x2], $0x400, $0x38;
	[tilespmem:$0xC300] =	vst v63  }
0x251: {  	s31 =	simm.s32 $0xAA00;
	s30 =	sadd.s32 s0, s10  }
0x252: {  	[hbm4b:s30+s5] =	stream.linear.scatter [tilespmem:s31], [sflag:$0x2], $0x400, $0x38;
	[tilespmem:$0xC300] =	vst v63  }
0x253: {  	s16 =	simm.s32 $0xAE00;
	s8 =	sadd.s32 s0, s11  }
0x254: {  	[hbm4b:s8+s5] =	stream.linear.scatter [tilespmem:s16], [sflag:$0x2], $0x400, $0x38;
	[tilespmem:$0xC300] =	vst v63  }
0x255: {  	s28 =	sadd.s32 $0x1, s28;
	s19 =	sadd.s32 s0, s12;
	s22 =	simm.s32 $0xB200  }
0x256: {  	[hbm4b:s19+s5] =	stream.linear.scatter [tilespmem:s22], [sflag:$0x2], $0x400, $0x38;
	[tilespmem:$0xC300] =	vst v63  }
0x257: {  	p0 =	sne.s32 s28, $0x64;
	s24 =	sadd.s32 s0, s13;
	s29 =	simm.s32 $0xB600  }
0x258: {  	[hbm4b:s24+s5] =	stream.linear.scatter [tilespmem:s29], [sflag:$0x2], $0x400, $0x38;
	[tilespmem:$0xC300] =	vst v63  }
.Ltmp3:
0x259: {  	_ = 	snop;
	(pc) =	sbr.rel @p0 .LBB2_2-.Ltmp3, $4  }
0x25a: {  	s30 =	sadd.s32 s0, s14;
	s31 =	simm.s32 $0xBA00  }
0x25b: {  	[hbm4b:s30+s5] =	stream.linear.scatter [tilespmem:s31], [sflag:$0x2], $0x400, $0x38;
	[tilespmem:$0xC300] =	vst v63  }
0x25c: {  	s0 =	sadd.s32 s0, s15  }
0x25d: {  	[hbm4b:s0+s5] =	stream.linear.scatter [tilespmem:s25], [sflag:$0x2], $0x400, $0x38;
	[tilespmem:$0xC300] =	vst v63  }
0x25e: {  	_ =	swait.ge [sflag:s26], $0x400  }
0x25f: {  	[sflag:s26] =	ssyncset.done $0x0  }
0x260: {  	[sflag:s26] =	ssyncadd.s32 $0xFFFFFC00  }
0x261: {  	_ =	swait.ge [sflag:s26], $0x400  }
0x262: {  	[sflag:s26] =	ssyncset.done $0x0  }
0x263: {  	[sflag:s26] =	ssyncadd.s32 $0xFFFFFC00  }
0x264: {  	_ =	swait.ge [sflag:s26], $0x400  }
0x265: {  	[sflag:s26] =	ssyncset.done $0x0  }
0x266: {  	[sflag:s26] =	ssyncadd.s32 $0xFFFFFC00  }
0x267: {  	_ =	swait.ge [sflag:s26], $0x400  }
0x268: {  	[sflag:s26] =	ssyncset.done $0x0  }
0x269: {  	[sflag:s26] =	ssyncadd.s32 $0xFFFFFC00  }
0x26a: {  	_ =	swait.ge [sflag:s26], $0x400  }
0x26b: {  	[sflag:s26] =	ssyncset.done $0x0  }
0x26c: {  	[sflag:s26] =	ssyncadd.s32 $0xFFFFFC00  }
0x26d: {  	_ =	swait.ge [sflag:s26], $0x400  }
0x26e: {  	[sflag:s26] =	ssyncset.done $0x0  }
0x26f: {  	[sflag:s26] =	ssyncadd.s32 $0xFFFFFC00  }
0x270: {  	_ =	swait.ge [sflag:s26], $0x400  }
0x271: {  	[sflag:s26] =	ssyncset.done $0x0  }
0x272: {  	[sflag:s26] =	ssyncadd.s32 $0xFFFFFC00  }
0x273: {  	_ =	swait.ge [sflag:s26], $0x400  }
0x274: {  	[sflag:s26] =	ssyncset.done $0x0  }
0x275: {  	[sflag:s26] =	ssyncadd.s32 $0xFFFFFC00  }
0x276: {  	_ =	swait.ge [sflag:s26], $0x400  }
0x277: {  	[sflag:s26] =	ssyncset.done $0x0  }
0x278: {  	[sflag:s26] =	ssyncadd.s32 $0xFFFFFC00  }
0x279: {  	_ =	swait.ge [sflag:s26], $0x400  }
0x27a: {  	[sflag:s26] =	ssyncset.done $0x0  }
0x27b: {  	[sflag:s26] =	ssyncadd.s32 $0xFFFFFC00  }
0x27c: {  	_ =	swait.ge [sflag:s26], $0x400  }
0x27d: {  	[sflag:s26] =	ssyncset.done $0x0  }
0x27e: {  	[sflag:s26] =	ssyncadd.s32 $0xFFFFFC00  }
0x27f: {  	_ =	swait.ge [sflag:s26], $0x400  }
0x280: {  	[sflag:s26] =	ssyncset.done $0x0  }
0x281: {  	[sflag:s26] =	ssyncadd.s32 $0xFFFFFC00  }
0x282: {  	_ =	swait.ge [sflag:s26], $0x400  }
0x283: {  	[sflag:s26] =	ssyncset.done $0x0  }
0x284: {  	[sflag:s26] =	ssyncadd.s32 $0xFFFFFC00  }
0x285: {  	_ =	swait.ge [sflag:s26], $0x400  }
0x286: {  	[sflag:s26] =	ssyncset.done $0x0  }
0x287: {  	[sflag:s26] =	ssyncadd.s32 $0xFFFFFC00  }
0x288: {  	_ =	swait.ge [sflag:s26], $0x400  }
0x289: {  	[sflag:s26] =	ssyncset.done $0x0  }
0x28a: {  	[sflag:s26] =	ssyncadd.s32 $0xFFFFFC00  }
0x28b: {  	_ =	swait.ge [sflag:s26], $0x400  }
0x28c: {  	s3 =	rddreg [dreg:$0x7]  }
0x28d: {  	s0 =	rddreg [dreg:$0x6];
	s3 =	sadd.s32 $0x1, s3  }
0x28e: {  	p0 =	sne.s32 s3, s0  }
.Ltmp4:
0x28f: {  	_ = 	snop;
	(pc) =	sbr.rel @p0 .LBB2_1-.Ltmp4, $3  }
0x290: {  	_ =	sdelay $0x1  }
0x291: {  	[sflag:s26] =	ssyncset.done $0x0  }
0x292: {  	[sflag:s26] =	ssyncadd.s32 $0xFFFFFC00  }
0x293: {  	_ =	sfence.sel $0x180000  }
0x294: {  	[bflag:$0x0] =	sbarrier.arrive $0xFFFF  }
0x295: {  	_ =	strace $0x90000047  }
0x296: {  	s0 =	stileid.u32;
	[bflag:$0x2] =	sbarrier.arrive $0xFFFF  }
0x297: {  	p0 =	sne.s32 s0, $0x0;
	s0 =	rddreg [dreg:$0x3]  }
0x298: {  	s0 =	sadd.s32 @!p0 $0x100000, s0  }
0x299: {  	[sflag:s0] =	ssyncadd.tile.s32 @!p0 $0x1;
	_ =	shalt  }
.Lfunc_end2:
_tile_overlayer_lowered:
.L_overlay_start_2:
0x29a: {  	(tag) =	ssettag $0x2  }
0x29b: {  	s0 =	rddreg [dreg:$0x0];
	s2 =	stileid.u32  }
0x29c: {  	s1 =	rddreg [dreg:$0x1];
	p0 =	sne.s32 s2, $0x0  }
0x29d: {  	s3 =	rddreg [dreg:$0x2];
	[bflag:$0x3] =	sbarrier.arrive $0xFFFF;
	s2 =	simm.s32 @!p0 $0x1C04  }
0x29e: {  	[timem:s3], [sflag:s2] =	dma.local @!p0 [hbm:s0], s1  }
0x29f: {  	s0 =	simm.s32 @!p0 $0x4  }
0x2a0: {  	_ =	swait.ge @!p0 [sflag:s0], s1  }
0x2a1: {  	s1 =	ssub.s32 @!p0 $0x0, s1;
	[sflag:s0] =	ssyncset.done @!p0 $0x0  }
0x2a2: {  	[sflag:s0] =	ssyncadd.s32 @!p0 s1  }
0x2a3: {  	[bflag:$0x3] =	sbarrier.arrive $0xFFFF  }
0x2a4: {  	_ =	shalt  }

</sc_bundles>
